<compile_context>
chip_gen: v7x
topology: tpu7x:2x2x1
jax: 0.10.2.dev20260603
libtpu: 0.0.44.dev20260713+nightly
codegen_flags: <defaults>
</compile_context>

<pallas_src>
import jax
import jax.numpy as jnp
from jax import lax
from jax.experimental import pallas as pl
from jax.experimental.pallas import tpu as pltpu
from jax.experimental.pallas import tpu_sc as plsc

_B = 16384
_D = 32
_NC, _NS = 2, 16
_RW = 62464
_SW = 1024
_NSUB = _RW // _SW
_TAIL = 16 * _RW
_V = 1000000
_CAP = 2048
_OUTROWS = _B + 64

_EPS = 1e-3


def _gather_body(utT, mtT, uidx_hbm, midx_hbm, uout, mout,
                 idx_v, cidx_v, cpos_v, slab0_v, slab1_v, rowbuf_v, posbuf_v,
                 sem, fsem):
    c = lax.axis_index("c")
    s = lax.axis_index("s")
    lanes = lax.iota(jnp.int32, 16)

    def init_posbuf():
        for q in range(8):
            posbuf_v[pl.ds(q * 16, 16)] = jnp.full((16,), _B, jnp.int32)

    def flush(out_hbm):
        pltpu.async_copy(rowbuf_v, out_hbm.at[posbuf_v], fsem).wait()
        init_posbuf()

    def process(tab, idx_hbm, out_hbm):
        lo = pl.multiple_of(s * _RW, 128)
        hi = lo + _RW

        def slice_at(si):
            return tab.at[:, pl.ds(pl.multiple_of(lo + si * _SW, 128), _SW)]

        pltpu.make_async_copy(slice_at(0), slab0_v, sem).start()
        pltpu.sync_copy(idx_hbm, idx_v)

        def pf(g, off):
            goff = pl.multiple_of(g * 16, 16)
            vec = idx_v[pl.ds(goff, 16)]
            inreg = (vec >= lo) & (vec < hi)
            im = inreg.astype(jnp.int32)
            csum = plsc.cumsum(im) - im
            tgt = off + csum
            plsc.store_scatter(cidx_v, [tgt], vec, mask=inreg)
            plsc.store_scatter(cpos_v, [tgt], goff + lanes, mask=inreg)
            return off + jnp.sum(im)

        cn = lax.fori_loop(0, _B // 16, pf, 0)
        ng = (cn + 15) // 16
        init_posbuf()

        def extract(si, buf, h0):
            c0 = lo + si * _SW

            def kg(k, h):
                koff = pl.multiple_of(k * 16, 16)
                cvec = cidx_v[pl.ds(koff, 16)]
                pvec = cpos_v[pl.ds(koff, 16)]
                local = cvec - c0
                m = (local >= 0) & (local < _SW)
                im = m.astype(jnp.int32)
                cnt = jnp.sum(im)
                lsafe = jnp.where(m, local, 0)

                def do_extract():
                    rt = h + plsc.cumsum(im) - im
                    for d in range(_D):
                        dv = jnp.full((16,), d, jnp.int32)
                        vals = plsc.load_gather(buf, [dv, lsafe], mask=m)
                        plsc.store_scatter(rowbuf_v, [rt, dv], vals, mask=m)
                    plsc.store_scatter(posbuf_v, [rt], pvec, mask=m)

                pl.when(cnt > 0)(do_extract)
                h2 = h + cnt
                pl.when(h2 >= 112)(lambda: flush(out_hbm))
                return jnp.where(h2 >= 112, 0, h2)

            return lax.fori_loop(0, ng, kg, h0)

        def ring(g, h):
            s0 = g * 2
            pltpu.make_async_copy(slice_at(s0), slab0_v, sem).wait()
            pltpu.make_async_copy(slice_at(s0 + 1), slab1_v, sem).start()
            h = extract(s0, slab0_v, h)
            pltpu.make_async_copy(slice_at(s0 + 1), slab1_v, sem).wait()
            pltpu.make_async_copy(slice_at(s0 + 2), slab0_v, sem).start()
            return extract(s0 + 1, slab1_v, h)

        h = lax.fori_loop(0, (_NSUB - 1) // 2, ring, 0)
        last = _NSUB - 1
        pltpu.make_async_copy(slice_at(last), slab0_v, sem).wait()
        h = extract(last, slab0_v, h)
        pl.when(h > 0)(lambda: flush(out_hbm))

    pl.when(c == 0)(lambda: process(utT, uidx_hbm, uout))
    pl.when(c == 1)(lambda: process(mtT, midx_hbm, mout))


def _bn(x, g, b):
    mu = jnp.mean(x, axis=0, keepdims=True)
    var = jnp.mean(jnp.square(x - mu), axis=0, keepdims=True)
    return g * (x - mu) * lax.rsqrt(var + _EPS) + b


def _mlp_body(u_ref, m_ref,
              W1r, b1r, g1r, be1r,
              W2r, b2r, g2r, be2r,
              W3ur, W3mr, b3r, g3r, be3r,
              W4r, b4r, g4r, be4r,
              W5r, b5r, g5r, be5r,
              Wor, bor, o_ref):
    f32 = jnp.float32
    u = jnp.maximum(jnp.dot(u_ref[:], W1r[:], preferred_element_type=f32) + b1r[:], 0.0)
    u = _bn(u, g1r[:], be1r[:])
    m = jnp.maximum(jnp.dot(m_ref[:], W2r[:], preferred_element_type=f32) + b2r[:], 0.0)
    m = _bn(m, g2r[:], be2r[:])
    x = (jnp.dot(u, W3ur[:], preferred_element_type=f32)
         + jnp.dot(m, W3mr[:], preferred_element_type=f32) + b3r[:])
    x = _bn(jnp.maximum(x, 0.0), g3r[:], be3r[:])
    x = jnp.maximum(jnp.dot(x, W4r[:], preferred_element_type=f32) + b4r[:], 0.0)
    x = _bn(x, g4r[:], be4r[:])
    x = jnp.maximum(jnp.dot(x, W5r[:], preferred_element_type=f32) + b5r[:], 0.0)
    x = _bn(x, g5r[:], be5r[:])
    o_ref[:] = jax.nn.sigmoid(jnp.dot(x, Wor[:], preferred_element_type=f32) + bor[:])


def _tail_patch(idx, tT, scanned):
    toff = idx - _TAIL
    intail = toff >= 0
    tailtab = tT[:, _TAIL:].T
    oh = (jnp.where(intail, toff, 0)[:, None]
          == jnp.arange(_V - _TAIL, dtype=jnp.int32)[None, :]).astype(jnp.float32)
    tail_rows = jnp.dot(oh, tailtab, preferred_element_type=jnp.float32)
    return jnp.where(intail[:, None], tail_rows, scanned)


def kernel(inputs, user_table, movie_table,
           W1, b1, g1, be1,
           W2, b2, g2, be2,
           W3, b3, g3, be3,
           W4, b4, g4, be4,
           W5, b5, g5, be5,
           Wo, bo):
    utT = user_table.T
    mtT = movie_table.T
    uidx = inputs[:, 0]
    midx = inputs[:, 1]

    mesh = plsc.VectorSubcoreMesh(core_axis_name="c", subcore_axis_name="s")
    out_u, out_m = pl.kernel(
        _gather_body,
        out_type=[jax.ShapeDtypeStruct((_OUTROWS, 128), jnp.float32),
                  jax.ShapeDtypeStruct((_OUTROWS, 128), jnp.float32)],
        mesh=mesh,
        scratch_types=[
            pltpu.VMEM((_B,), jnp.int32),
            pltpu.VMEM((_CAP,), jnp.int32),
            pltpu.VMEM((_CAP,), jnp.int32),
            pltpu.VMEM((_D, _SW), jnp.float32),
            pltpu.VMEM((_D, _SW), jnp.float32),
            pltpu.VMEM((128, 128), jnp.float32),
            pltpu.VMEM((128,), jnp.int32),
            pltpu.SemaphoreType.DMA,
            pltpu.SemaphoreType.DMA,
        ],
        compiler_params=pltpu.CompilerParams(use_tc_tiling_on_sc=True,
                                             needs_layout_passes=False),
    )(utT, mtT, uidx, midx)

    u_emb = _tail_patch(uidx, utT, out_u[:_B, :_D])
    m_emb = _tail_patch(midx, mtT, out_m[:_B, :_D])

    H2 = W1.shape[1]
    out = pl.pallas_call(
        _mlp_body,
        out_shape=jax.ShapeDtypeStruct((_B, 1), jnp.float32),
    )(u_emb, m_emb,
      W1, b1.reshape(1, -1), g1.reshape(1, -1), be1.reshape(1, -1),
      W2, b2.reshape(1, -1), g2.reshape(1, -1), be2.reshape(1, -1),
      W3[:H2], W3[H2:], b3.reshape(1, -1), g3.reshape(1, -1), be3.reshape(1, -1),
      W4, b4.reshape(1, -1), g4.reshape(1, -1), be4.reshape(1, -1),
      W5, b5.reshape(1, -1), g5.reshape(1, -1), be5.reshape(1, -1),
      Wo, bo.reshape(1, -1))
    return out

# --- scband reference (transcript-rebuilt; emitter-appended) ---
"""Pipeline reference for scband-recommender-36919538876540 (READ-ONLY COPY).

The authoritative reference and input builder live on the scoring server;
editing this copy changes nothing except your own understanding.
"""

import jax, jax.numpy as jnp
import numpy as np

B = 16384
V_USERS = 1000000
V_MOVIES = 1000000
D = 32
H = 256


def setup_inputs(seed: int = 0) -> dict:
    key = jax.random.key(seed)
    ks = jax.random.split(key, 24)
    inp = {}
    inp['inputs'] = jax.random.randint(ks[0], (B, 2), 0, V_USERS, dtype=jnp.int32)
    inp['user_table'] = jax.random.normal(ks[1], (V_USERS, D), dtype=jnp.float32) * 0.05
    inp['movie_table'] = jax.random.normal(ks[2], (V_MOVIES, D), dtype=jnp.float32) * 0.05
    # dense1: D -> H/2 (user tower)
    inp['W1'] = jax.random.normal(ks[3], (D, H // 2), dtype=jnp.float32) * 0.05
    inp['b1'] = jnp.zeros((H // 2,), jnp.float32)
    inp['g1'] = jnp.ones((H // 2,), jnp.float32)
    inp['be1'] = jnp.zeros((H // 2,), jnp.float32)
    # dense2: D -> H/2 (movie tower)
    inp['W2'] = jax.random.normal(ks[4], (D, H // 2), dtype=jnp.float32) * 0.05
    inp['b2'] = jnp.zeros((H // 2,), jnp.float32)
    inp['g2'] = jnp.ones((H // 2,), jnp.float32)
    inp['be2'] = jnp.zeros((H // 2,), jnp.float32)
    # dense3: H -> H
    inp['W3'] = jax.random.normal(ks[5], (H, H), dtype=jnp.float32) * 0.05
    inp['b3'] = jnp.zeros((H,), jnp.float32)
    inp['g3'] = jnp.ones((H,), jnp.float32)
    inp['be3'] = jnp.zeros((H,), jnp.float32)
    # dense4: H -> H/2
    inp['W4'] = jax.random.normal(ks[6], (H, H // 2), dtype=jnp.float32) * 0.05
    inp['b4'] = jnp.zeros((H // 2,), jnp.float32)
    inp['g4'] = jnp.ones((H // 2,), jnp.float32)
    inp['be4'] = jnp.zeros((H // 2,), jnp.float32)
    # dense5: H/2 -> H/4
    inp['W5'] = jax.random.normal(ks[7], (H // 2, H // 4), dtype=jnp.float32) * 0.05
    inp['b5'] = jnp.zeros((H // 4,), jnp.float32)
    inp['g5'] = jnp.ones((H // 4,), jnp.float32)
    inp['be5'] = jnp.zeros((H // 4,), jnp.float32)
    # output: H/4 -> 1
    inp['Wo'] = jax.random.normal(ks[8], (H // 4, 1), dtype=jnp.float32) * 0.05
    inp['bo'] = jnp.zeros((1,), jnp.float32)
    return inp


def _batch_norm(x, gamma, beta, eps=1e-3):
    # Keras BatchNormalization in training mode: batch statistics over axis 0
    mu = jnp.mean(x, axis=0, keepdims=True)
    var = jnp.var(x, axis=0, keepdims=True)
    return gamma * (x - mu) / jnp.sqrt(var + eps) + beta


def reference(inputs, user_table, movie_table,
              W1, b1, g1, be1,
              W2, b2, g2, be2,
              W3, b3, g3, be3,
              W4, b4, g4, be4,
              W5, b5, g5, be5,
              Wo, bo):
    # user tower: embedding lookup (gather) -> dense -> (dropout as identity) -> BN
    u = jnp.take(user_table, inputs[:, 0], axis=0)
    u = jax.nn.relu(u @ W1 + b1)
    u = _batch_norm(u, g1, be1)
    # movie tower
    m = jnp.take(movie_table, inputs[:, 1], axis=0)
    m = jax.nn.relu(m @ W2 + b2)
    m = _batch_norm(m, g2, be2)
    # merged MLP
    x = jnp.concatenate([u, m], axis=1)
    x = jax.nn.relu(x @ W3 + b3)
    x = _batch_norm(x, g3, be3)
    x = jax.nn.relu(x @ W4 + b4)
    x = _batch_norm(x, g4, be4)
    x = jax.nn.relu(x @ W5 + b5)
    x = _batch_norm(x, g5, be5)
    out = jax.nn.sigmoid(x @ Wo + bo)
    return out

if __name__ == "__main__":
    import jax
    _d = setup_inputs()
    print(jax.jit(kernel)(*tuple(_d.values())))

</pallas_src>

<mosaic_0001>
#map = affine_map<(d0, d1) -> (0, 0)>
#map1 = affine_map<(d0, d1) -> (0)>
module attributes {stable_mosaic.version = 14 : i64} {
  func.func @_gather_body(%arg0: i32, %arg1: i32, %arg2: memref<32x1000000xf32, #tpu.memory_space<hbm>>, %arg3: memref<32x1000000xf32, #tpu.memory_space<hbm>>, %arg4: memref<16384xi32, #tpu.memory_space<hbm>>, %arg5: memref<16384xi32, #tpu.memory_space<hbm>>, %arg6: memref<16448x128xf32, #tpu.memory_space<hbm>>, %arg7: memref<16448x128xf32, #tpu.memory_space<hbm>>, %arg8: memref<16384xi32, #tpu.memory_space<vmem>>, %arg9: memref<2048xi32, #tpu.memory_space<vmem>>, %arg10: memref<2048xi32, #tpu.memory_space<vmem>>, %arg11: memref<32x1024xf32, #tpu.memory_space<vmem>>, %arg12: memref<32x1024xf32, #tpu.memory_space<vmem>>, %arg13: memref<128x128xf32, #tpu.memory_space<vmem>>, %arg14: memref<128xi32, #tpu.memory_space<vmem>>, %arg15: memref<!tpu.dma_semaphore, #tpu.memory_space<semaphore_mem>>, %arg16: memref<!tpu.dma_semaphore, #tpu.memory_space<semaphore_mem>>) attributes {dimension_semantics = [#tpu.dimension_semantics<core_parallel>, #tpu.dimension_semantics<subcore_parallel>], iteration_bounds = array<i64: 2, 16>, scalar_prefetch = 0 : i64, scratch_operands = 9 : i64, tpu.core_type = #tpu.core_type<sc_vector_subcore>, window_params = [{transform_indices = #map}, {transform_indices = #map}, {transform_indices = #map1}, {transform_indices = #map1}, {transform_indices = #map}, {transform_indices = #map}]} {
    %iota3A = tpu.iota {dimensions = array<i32: 0>} : vector<16xi32>
    %eq3A = arith.constant 0 : i32
    %eq3A_0 = arith.cmpi eq, %arg0, %eq3A : i32
    %convert_element_type3A = arith.extui %eq3A_0 : i1 to i32
    %cond3A = arith.constant 0 : i32
    %cond3A_1 = arith.cmpi ne, %convert_element_type3A, %cond3A : i32
    scf.if %cond3A_1 {
      %mul3A = arith.constant 62464 : i32
      %mul3A_7 = arith.muli %arg1, %mul3A : i32
      %multiple_of3A = tpu.assume_multiple %mul3A_7, 128 : i32
      %add3A = arith.constant 62464 : i32
      %add3A_8 = arith.addi %multiple_of3A, %add3A : i32
      %add3A_9 = arith.constant 0 : i32
      %add3A_10 = arith.addi %multiple_of3A, %add3A_9 : i32
      %multiple_of3A_11 = tpu.assume_multiple %add3A_10, 128 : i32
      %dma_start3A = arith.constant 0 : i32
      %dma_start3A_12 = tpu.memref_slice %arg2[%dma_start3A, %multiple_of3A_11] : memref<32x1000000xf32, #tpu.memory_space<hbm>> -> memref<32x1024xf32, #tpu.memory_space<hbm>>
      %dma_start3A_13 = arith.constant 0 : i32
      %dma_start3A_14 = tpu.memref_slice %arg2[%dma_start3A_13, %multiple_of3A_11] : memref<32x1000000xf32, #tpu.memory_space<hbm>> -> memref<32x1024xf32, #tpu.memory_space<hbm>>
      tpu.enqueue_dma source(%dma_start3A_14 : memref<32x1024xf32, #tpu.memory_space<hbm>>) target(%arg11 : memref<32x1024xf32, #tpu.memory_space<vmem>>) target_semaphore(%arg15 : memref<!tpu.dma_semaphore, #tpu.memory_space<semaphore_mem>>)
      "tpu.region"() ({
        %run_scoped3A = tpu.sem_alloc : memref<!tpu.dma_semaphore, #tpu.memory_space<semaphore_mem>>
        tpu.enqueue_dma source(%arg4 : memref<16384xi32, #tpu.memory_space<hbm>>) target(%arg8 : memref<16384xi32, #tpu.memory_space<vmem>>) target_semaphore(%run_scoped3A : memref<!tpu.dma_semaphore, #tpu.memory_space<semaphore_mem>>)
        tpu.wait_dma2 semaphore(%run_scoped3A : memref<!tpu.dma_semaphore, #tpu.memory_space<semaphore_mem>>) src(%arg4 : memref<16384xi32, #tpu.memory_space<hbm>>) dst(%arg8 : memref<16384xi32, #tpu.memory_space<vmem>>)
        tpu.yield
      }) : () -> ()
      %scan3A = arith.constant 0 : i32
      %scan3A_15 = arith.constant 0 : i32
      %scan3A_16 = arith.constant 1024 : i32
      %scan3A_17 = arith.addi %scan3A_15, %scan3A_16 : i32
      %scan3A_18 = arith.constant 1 : i32
      %scan3A_19 = scf.for %scan3A_98 = %scan3A_15 to %scan3A_17 step %scan3A_18 iter_args(%scan3A_99 = %scan3A) -> (i32)  : i32 {
        %mul3A_100 = arith.constant 16 : i32
        %mul3A_101 = arith.muli %scan3A_98, %mul3A_100 : i32
        %multiple_of3A_102 = tpu.assume_multiple %mul3A_101, 16 : i32
        %get3A = arith.index_cast %multiple_of3A_102 : i32 to index
        %get3A_103 = tpu.vector_load %arg8[%get3A] {strides = array<i32>} : memref<16384xi32, #tpu.memory_space<vmem>>, vector<16xi32>,
        %ge3A = vector.broadcast %multiple_of3A : i32 to vector<16xi32>
        %ge3A_104 = arith.cmpi sge, %get3A_103, %ge3A : vector<16xi32>
        %lt3A = vector.broadcast %add3A_8 : i32 to vector<16xi32>
        %lt3A_105 = arith.cmpi slt, %get3A_103, %lt3A : vector<16xi32>
        %and3A_106 = arith.andi %ge3A_104, %lt3A_105 : vector<16xi1>
        %convert_element_type3A_107 = arith.extui %and3A_106 : vector<16xi1> to vector<16xi32>
        %broadcast_in_dim3A_108 = arith.constant true
        %broadcast_in_dim3A_109 = vector.broadcast %broadcast_in_dim3A_108 : i1 to vector<16xi1>
        %masked_cumsum3A = tpu.scan <sum>, %convert_element_type3A_107 masked %broadcast_in_dim3A_109 : vector<16xi32>, vector<16xi1> -> vector<16xi32>
        %sub3A_110 = arith.subi %masked_cumsum3A, %convert_element_type3A_107 : vector<16xi32>
        %add3A_111 = vector.broadcast %scan3A_99 : i32 to vector<16xi32>
        %add3A_112 = arith.addi %add3A_111, %sub3A_110 : vector<16xi32>
        tpu.vector_store_idx %arg9[%add3A_112], %get3A_103 masked %and3A_106 : memref<2048xi32, #tpu.memory_space<vmem>>[vector<16xi32>], vector<16xi32>, vector<16xi1>
        %add3A_113 = vector.broadcast %multiple_of3A_102 : i32 to vector<16xi32>
        %add3A_114 = arith.addi %add3A_113, %iota3A : vector<16xi32>
        tpu.vector_store_idx %arg10[%add3A_112], %add3A_114 masked %and3A_106 : memref<2048xi32, #tpu.memory_space<vmem>>[vector<16xi32>], vector<16xi32>, vector<16xi1>
        %reduce_sum3A = arith.constant true
        %reduce_sum3A_115 = vector.broadcast %reduce_sum3A : i1 to vector<16xi1>
        %reduce_sum3A_116 = tpu.scan <sum>, %convert_element_type3A_107 masked %reduce_sum3A_115 : vector<16xi32>, vector<16xi1> -> vector<16xi32>
        %reduce_sum3A_117 = vector.extract %reduce_sum3A_116[15] : i32 from vector<16xi32>
        %add3A_118 = arith.addi %scan3A_99, %reduce_sum3A_117 : i32
        scf.yield %add3A_118 : i32
      }
      %scan3A_20 = arith.constant 1024 : i32
      %add3A_21 = arith.constant 15 : i32
      %add3A_22 = arith.addi %scan3A_19, %add3A_21 : i32
      %jit3A = arith.constant 16 : i32
      %div3A = arith.divsi %add3A_22, %jit3A : i32
      %sign3A = arith.constant 0 : i32
      %sign3A_23 = arith.cmpi sgt, %add3A_22, %sign3A : i32
      %sign3A_24 = arith.extui %sign3A_23 : i1 to i32
      %sign3A_25 = arith.constant 0 : i32
      %sign3A_26 = arith.cmpi slt, %add3A_22, %sign3A_25 : i32
      %sign3A_27 = arith.extui %sign3A_26 : i1 to i32
      %sign3A_28 = arith.subi %sign3A_24, %sign3A_27 : i32
      %sign3A_29 = arith.constant 0 : i32
      %sign3A_30 = arith.cmpi sgt, %jit3A, %sign3A_29 : i32
      %sign3A_31 = arith.extui %sign3A_30 : i1 to i32
      %sign3A_32 = arith.constant 0 : i32
      %sign3A_33 = arith.cmpi slt, %jit3A, %sign3A_32 : i32
      %sign3A_34 = arith.extui %sign3A_33 : i1 to i32
      %sign3A_35 = arith.subi %sign3A_31, %sign3A_34 : i32
      %ne3A = arith.cmpi ne, %sign3A_28, %sign3A_35 : i32
      %rem3A = arith.remsi %add3A_22, %jit3A : i32
      %ne3A_36 = arith.constant 0 : i32
      %ne3A_37 = arith.cmpi ne, %rem3A, %ne3A_36 : i32
      %and3A = arith.andi %ne3A, %ne3A_37 : i1
      %sub3A = arith.constant 1 : i32
      %sub3A_38 = arith.subi %div3A, %sub3A : i32
      %select_n3A = arith.select %and3A, %sub3A_38, %div3A : i32
      %broadcast_in_dim3A = arith.constant 16384 : i32
      %broadcast_in_dim3A_39 = vector.broadcast %broadcast_in_dim3A : i32 to vector<16xi32>
      %swap3A = arith.constant 0 : index
      %swap3A_40 = tpu.vector_load %arg14[%swap3A] {strides = array<i32>} : memref<128xi32, #tpu.memory_space<vmem>>, vector<16xi32>,
      tpu.vector_store %arg14[%swap3A], %broadcast_in_dim3A_39 {strides = array<i32>} : memref<128xi32, #tpu.memory_space<vmem>>, vector<16xi32>,
      %broadcast_in_dim3A_41 = arith.constant 16384 : i32
      %broadcast_in_dim3A_42 = vector.broadcast %broadcast_in_dim3A_41 : i32 to vector<16xi32>
      %swap3A_43 = arith.constant 16 : index
      %swap3A_44 = tpu.vector_load %arg14[%swap3A_43] {strides = array<i32>} : memref<128xi32, #tpu.memory_space<vmem>>, vector<16xi32>,
      tpu.vector_store %arg14[%swap3A_43], %broadcast_in_dim3A_42 {strides = array<i32>} : memref<128xi32, #tpu.memory_space<vmem>>, vector<16xi32>,
      %broadcast_in_dim3A_45 = arith.constant 16384 : i32
      %broadcast_in_dim3A_46 = vector.broadcast %broadcast_in_dim3A_45 : i32 to vector<16xi32>
      %swap3A_47 = arith.constant 32 : index
      %swap3A_48 = tpu.vector_load %arg14[%swap3A_47] {strides = array<i32>} : memref<128xi32, #tpu.memory_space<vmem>>, vector<16xi32>,
      tpu.vector_store %arg14[%swap3A_47], %broadcast_in_dim3A_46 {strides = array<i32>} : memref<128xi32, #tpu.memory_space<vmem>>, vector<16xi32>,
      %broadcast_in_dim3A_49 = arith.constant 16384 : i32
      %broadcast_in_dim3A_50 = vector.broadcast %broadcast_in_dim3A_49 : i32 to vector<16xi32>
      %swap3A_51 = arith.constant 48 : index
      %swap3A_52 = tpu.vector_load %arg14[%swap3A_51] {strides = array<i32>} : memref<128xi32, #tpu.memory_space<vmem>>, vector<16xi32>,
      tpu.vector_store %arg14[%swap3A_51], %broadcast_in_dim3A_50 {strides = array<i32>} : memref<128xi32, #tpu.memory_space<vmem>>, vector<16xi32>,
      %broadcast_in_dim3A_53 = arith.constant 16384 : i32
      %broadcast_in_dim3A_54 = vector.broadcast %broadcast_in_dim3A_53 : i32 to vector<16xi32>
      %swap3A_55 = arith.constant 64 : index
      %swap3A_56 = tpu.vector_load %arg14[%swap3A_55] {strides = array<i32>} : memref<128xi32, #tpu.memory_space<vmem>>, vector<16xi32>,
      tpu.vector_store %arg14[%swap3A_55], %broadcast_in_dim3A_54 {strides = array<i32>} : memref<128xi32, #tpu.memory_space<vmem>>, vector<16xi32>,
      %broadcast_in_dim3A_57 = arith.constant 16384 : i32
      %broadcast_in_dim3A_58 = vector.broadcast %broadcast_in_dim3A_57 : i32 to vector<16xi32>
      %swap3A_59 = arith.constant 80 : index
      %swap3A_60 = tpu.vector_load %arg14[%swap3A_59] {strides = array<i32>} : memref<128xi32, #tpu.memory_space<vmem>>, vector<16xi32>,
      tpu.vector_store %arg14[%swap3A_59], %broadcast_in_dim3A_58 {strides = array<i32>} : memref<128xi32, #tpu.memory_space<vmem>>, vector<16xi32>,
      %broadcast_in_dim3A_61 = arith.constant 16384 : i32
      %broadcast_in_dim3A_62 = vector.broadcast %broadcast_in_dim3A_61 : i32 to vector<16xi32>
      %swap3A_63 = arith.constant 96 : index
      %swap3A_64 = tpu.vector_load %arg14[%swap3A_63] {strides = array<i32>} : memref<128xi32, #tpu.memory_space<vmem>>, vector<16xi32>,
      tpu.vector_store %arg14[%swap3A_63], %broadcast_in_dim3A_62 {strides = array<i32>} : memref<128xi32, #tpu.memory_space<vmem>>, vector<16xi32>,
      %broadcast_in_dim3A_65 = arith.constant 16384 : i32
      %broadcast_in_dim3A_66 = vector.broadcast %broadcast_in_dim3A_65 : i32 to vector<16xi32>
      %swap3A_67 = arith.constant 112 : index
      %swap3A_68 = tpu.vector_load %arg14[%swap3A_67] {strides = array<i32>} : memref<128xi32, #tpu.memory_space<vmem>>, vector<16xi32>,
      tpu.vector_store %arg14[%swap3A_67], %broadcast_in_dim3A_66 {strides = array<i32>} : memref<128xi32, #tpu.memory_space<vmem>>, vector<16xi32>,
      %scan3A_69 = arith.constant 0 : i32
      %scan3A_70 = arith.constant 0 : i32
      %scan3A_71 = arith.constant 30 : i32
      %scan3A_72 = arith.addi %scan3A_70, %scan3A_71 : i32
      %scan3A_73 = arith.constant 1 : i32
      %scan3A_74 = scf.for %scan3A_98 = %scan3A_70 to %scan3A_72 step %scan3A_73 iter_args(%scan3A_99 = %scan3A_69) -> (i32)  : i32 {
        %mul3A_100 = arith.constant 2 : i32
        %mul3A_101 = arith.muli %scan3A_98, %mul3A_100 : i32
        %mul3A_102 = arith.constant 1024 : i32
        %mul3A_103 = arith.muli %mul3A_101, %mul3A_102 : i32
        %add3A_104 = arith.addi %multiple_of3A, %mul3A_103 : i32
        %multiple_of3A_105 = tpu.assume_multiple %add3A_104, 128 : i32
        %dma_wait3A_106 = arith.constant 0 : i32
        %dma_wait3A_107 = tpu.memref_slice %arg2[%dma_wait3A_106, %multiple_of3A_105] : memref<32x1000000xf32, #tpu.memory_space<hbm>> -> memref<32x1024xf32, #tpu.memory_space<hbm>>
        %dma_wait3A_108 = arith.constant 0 : i32
        %dma_wait3A_109 = tpu.memref_slice %arg2[%dma_wait3A_108, %multiple_of3A_105] : memref<32x1000000xf32, #tpu.memory_space<hbm>> -> memref<32x1024xf32, #tpu.memory_space<hbm>>
        tpu.wait_dma2 semaphore(%arg15 : memref<!tpu.dma_semaphore, #tpu.memory_space<semaphore_mem>>) src(%dma_wait3A_109 : memref<32x1024xf32, #tpu.memory_space<hbm>>) dst(%arg11 : memref<32x1024xf32, #tpu.memory_space<vmem>>)
        %add3A_110 = arith.constant 1 : i32
        %add3A_111 = arith.addi %mul3A_101, %add3A_110 : i32
        %mul3A_112 = arith.constant 1024 : i32
        %mul3A_113 = arith.muli %add3A_111, %mul3A_112 : i32
        %add3A_114 = arith.addi %multiple_of3A, %mul3A_113 : i32
        %multiple_of3A_115 = tpu.assume_multiple %add3A_114, 128 : i32
        %dma_start3A_116 = arith.constant 0 : i32
        %dma_start3A_117 = tpu.memref_slice %arg2[%dma_start3A_116, %multiple_of3A_115] : memref<32x1000000xf32, #tpu.memory_space<hbm>> -> memref<32x1024xf32, #tpu.memory_space<hbm>>
        %dma_start3A_118 = arith.constant 0 : i32
        %dma_start3A_119 = tpu.memref_slice %arg2[%dma_start3A_118, %multiple_of3A_115] : memref<32x1000000xf32, #tpu.memory_space<hbm>> -> memref<32x1024xf32, #tpu.memory_space<hbm>>
        tpu.enqueue_dma source(%dma_start3A_119 : memref<32x1024xf32, #tpu.memory_space<hbm>>) target(%arg12 : memref<32x1024xf32, #tpu.memory_space<vmem>>) target_semaphore(%arg15 : memref<!tpu.dma_semaphore, #tpu.memory_space<semaphore_mem>>)
        %mul3A_120 = arith.constant 1024 : i32
        %mul3A_121 = arith.muli %mul3A_101, %mul3A_120 : i32
        %add3A_122 = arith.addi %multiple_of3A, %mul3A_121 : i32
        %while3A_123 = arith.constant 0 : i32
        %while3A_124 = arith.subi %select_n3A, %while3A_123 : i32
        %while3A_125 = arith.addi %while3A_123, %while3A_124 : i32
        %while3A_126 = arith.constant 1 : i32
        %while3A_127 = arith.divsi %while3A_124, %while3A_126 : i32
        %while3A_128 = arith.muli %while3A_127, %while3A_126 : i32
        %while3A_129 = arith.addi %while3A_123, %while3A_128 : i32
        %while3A_130 = arith.constant 1 : i32
        %while3A_131 = scf.for %while3A_170 = %while3A_123 to %while3A_129 step %while3A_130 iter_args(%while3A_171 = %scan3A_99) -> (i32)  : i32 {
          %mul3A_172 = arith.constant 16 : i32
          %mul3A_173 = arith.muli %while3A_170, %mul3A_172 : i32
          %multiple_of3A_174 = tpu.assume_multiple %mul3A_173, 16 : i32
          %get3A = arith.index_cast %multiple_of3A_174 : i32 to index
          %get3A_175 = tpu.vector_load %arg9[%get3A] {strides = array<i32>} : memref<2048xi32, #tpu.memory_space<vmem>>, vector<16xi32>,
          %get3A_176 = arith.index_cast %multiple_of3A_174 : i32 to index
          %get3A_177 = tpu.vector_load %arg10[%get3A_176] {strides = array<i32>} : memref<2048xi32, #tpu.memory_space<vmem>>, vector<16xi32>,
          %sub3A_178 = vector.broadcast %add3A_122 : i32 to vector<16xi32>
          %sub3A_179 = arith.subi %get3A_175, %sub3A_178 : vector<16xi32>
          %ge3A = arith.constant 0 : i32
          %ge3A_180 = vector.broadcast %ge3A : i32 to vector<16xi32>
          %ge3A_181 = arith.cmpi sge, %sub3A_179, %ge3A_180 : vector<16xi32>
          %lt3A = arith.constant 1024 : i32
          %lt3A_182 = vector.broadcast %lt3A : i32 to vector<16xi32>
          %lt3A_183 = arith.cmpi slt, %sub3A_179, %lt3A_182 : vector<16xi32>
          %and3A_184 = arith.andi %ge3A_181, %lt3A_183 : vector<16xi1>
          %convert_element_type3A_185 = arith.extui %and3A_184 : vector<16xi1> to vector<16xi32>
          %reduce_sum3A = arith.constant true
          %reduce_sum3A_186 = vector.broadcast %reduce_sum3A : i1 to vector<16xi1>
          %reduce_sum3A_187 = tpu.scan <sum>, %convert_element_type3A_185 masked %reduce_sum3A_186 : vector<16xi32>, vector<16xi1> -> vector<16xi32>
          %reduce_sum3A_188 = vector.extract %reduce_sum3A_187[15] : i32 from vector<16xi32>
          %jit3A_189 = arith.constant 0 : i32
          %broadcast_in_dim3A_190 = vector.broadcast %jit3A_189 : i32 to vector<16xi32>
          %select_n3A_191 = arith.select %and3A_184, %sub3A_179, %broadcast_in_dim3A_190 : vector<16xi1>, vector<16xi32>
          %gt3A_192 = arith.constant 0 : i32
          %gt3A_193 = arith.cmpi sgt, %reduce_sum3A_188, %gt3A_192 : i32
          %convert_element_type3A_194 = arith.extui %gt3A_193 : i1 to i32
          %cond3A_195 = arith.constant 0 : i32
          %cond3A_196 = arith.cmpi ne, %convert_element_type3A_194, %cond3A_195 : i32
          scf.if %cond3A_196 {
            %broadcast_in_dim3A_207 = arith.constant true
            %broadcast_in_dim3A_208 = vector.broadcast %broadcast_in_dim3A_207 : i1 to vector<16xi1>
            %masked_cumsum3A = tpu.scan <sum>, %convert_element_type3A_185 masked %broadcast_in_dim3A_208 : vector<16xi32>, vector<16xi1> -> vector<16xi32>
            %add3A_209 = vector.broadcast %while3A_171 : i32 to vector<16xi32>
            %add3A_210 = arith.addi %add3A_209, %masked_cumsum3A : vector<16xi32>
            %sub3A_211 = arith.subi %add3A_210, %convert_element_type3A_185 : vector<16xi32>
            %broadcast_in_dim3A_212 = arith.constant 0 : i32
            %broadcast_in_dim3A_213 = vector.broadcast %broadcast_in_dim3A_212 : i32 to vector<16xi32>
            %gather3A = tpu.vector_load_idx %arg11[%broadcast_in_dim3A_213, %select_n3A_191] masked %and3A_184 : memref<32x1024xf32, #tpu.memory_space<vmem>>[vector<16xi32>, vector<16xi32>], vector<16xf32>, vector<16xi1>
            tpu.vector_store_idx %arg13[%sub3A_211, %broadcast_in_dim3A_213], %gather3A masked %and3A_184 : memref<128x128xf32, #tpu.memory_space<vmem>>[vector<16xi32>, vector<16xi32>], vector<16xf32>, vector<16xi1>
            %broadcast_in_dim3A_214 = arith.constant 1 : i32
            %broadcast_in_dim3A_215 = vector.broadcast %broadcast_in_dim3A_214 : i32 to vector<16xi32>
            %gather3A_216 = tpu.vector_load_idx %arg11[%broadcast_in_dim3A_215, %select_n3A_191] masked %and3A_184 : memref<32x1024xf32, #tpu.memory_space<vmem>>[vector<16xi32>, vector<16xi32>], vector<16xf32>, vector<16xi1>
            tpu.vector_store_idx %arg13[%sub3A_211, %broadcast_in_dim3A_215], %gather3A_216 masked %and3A_184 : memref<128x128xf32, #tpu.memory_space<vmem>>[vector<16xi32>, vector<16xi32>], vector<16xf32>, vector<16xi1>
            %broadcast_in_dim3A_217 = arith.constant 2 : i32
            %broadcast_in_dim3A_218 = vector.broadcast %broadcast_in_dim3A_217 : i32 to vector<16xi32>
            %gather3A_219 = tpu.vector_load_idx %arg11[%broadcast_in_dim3A_218, %select_n3A_191] masked %and3A_184 : memref<32x1024xf32, #tpu.memory_space<vmem>>[vector<16xi32>, vector<16xi32>], vector<16xf32>, vector<16xi1>
            tpu.vector_store_idx %arg13[%sub3A_211, %broadcast_in_dim3A_218], %gather3A_219 masked %and3A_184 : memref<128x128xf32, #tpu.memory_space<vmem>>[vector<16xi32>, vector<16xi32>], vector<16xf32>, vector<16xi1>
            %broadcast_in_dim3A_220 = arith.constant 3 : i32
            %broadcast_in_dim3A_221 = vector.broadcast %broadcast_in_dim3A_220 : i32 to vector<16xi32>
            %gather3A_222 = tpu.vector_load_idx %arg11[%broadcast_in_dim3A_221, %select_n3A_191] masked %and3A_184 : memref<32x1024xf32, #tpu.memory_space<vmem>>[vector<16xi32>, vector<16xi32>], vector<16xf32>, vector<16xi1>
            tpu.vector_store_idx %arg13[%sub3A_211, %broadcast_in_dim3A_221], %gather3A_222 masked %and3A_184 : memref<128x128xf32, #tpu.memory_space<vmem>>[vector<16xi32>, vector<16xi32>], vector<16xf32>, vector<16xi1>
            %broadcast_in_dim3A_223 = arith.constant 4 : i32
            %broadcast_in_dim3A_224 = vector.broadcast %broadcast_in_dim3A_223 : i32 to vector<16xi32>
            %gather3A_225 = tpu.vector_load_idx %arg11[%broadcast_in_dim3A_224, %select_n3A_191] masked %and3A_184 : memref<32x1024xf32, #tpu.memory_space<vmem>>[vector<16xi32>, vector<16xi32>], vector<16xf32>, vector<16xi1>
            tpu.vector_store_idx %arg13[%sub3A_211, %broadcast_in_dim3A_224], %gather3A_225 masked %and3A_184 : memref<128x128xf32, #tpu.memory_space<vmem>>[vector<16xi32>, vector<16xi32>], vector<16xf32>, vector<16xi1>
            %broadcast_in_dim3A_226 = arith.constant 5 : i32
            %broadcast_in_dim3A_227 = vector.broadcast %broadcast_in_dim3A_226 : i32 to vector<16xi32>
            %gather3A_228 = tpu.vector_load_idx %arg11[%broadcast_in_dim3A_227, %select_n3A_191] masked %and3A_184 : memref<32x1024xf32, #tpu.memory_space<vmem>>[vector<16xi32>, vector<16xi32>], vector<16xf32>, vector<16xi1>
            tpu.vector_store_idx %arg13[%sub3A_211, %broadcast_in_dim3A_227], %gather3A_228 masked %and3A_184 : memref<128x128xf32, #tpu.memory_space<vmem>>[vector<16xi32>, vector<16xi32>], vector<16xf32>, vector<16xi1>
            %broadcast_in_dim3A_229 = arith.constant 6 : i32
            %broadcast_in_dim3A_230 = vector.broadcast %broadcast_in_dim3A_229 : i32 to vector<16xi32>
            %gather3A_231 = tpu.vector_load_idx %arg11[%broadcast_in_dim3A_230, %select_n3A_191] masked %and3A_184 : memref<32x1024xf32, #tpu.memory_space<vmem>>[vector<16xi32>, vector<16xi32>], vector<16xf32>, vector<16xi1>
            tpu.vector_store_idx %arg13[%sub3A_211, %broadcast_in_dim3A_230], %gather3A_231 masked %and3A_184 : memref<128x128xf32, #tpu.memory_space<vmem>>[vector<16xi32>, vector<16xi32>], vector<16xf32>, vector<16xi1>
            %broadcast_in_dim3A_232 = arith.constant 7 : i32
            %broadcast_in_dim3A_233 = vector.broadcast %broadcast_in_dim3A_232 : i32 to vector<16xi32>
            %gather3A_234 = tpu.vector_load_idx %arg11[%broadcast_in_dim3A_233, %select_n3A_191] masked %and3A_184 : memref<32x1024xf32, #tpu.memory_space<vmem>>[vector<16xi32>, vector<16xi32>], vector<16xf32>, vector<16xi1>
            tpu.vector_store_idx %arg13[%sub3A_211, %broadcast_in_dim3A_233], %gather3A_234 masked %and3A_184 : memref<128x128xf32, #tpu.memory_space<vmem>>[vector<16xi32>, vector<16xi32>], vector<16xf32>, vector<16xi1>
            %broadcast_in_dim3A_235 = arith.constant 8 : i32
            %broadcast_in_dim3A_236 = vector.broadcast %broadcast_in_dim3A_235 : i32 to vector<16xi32>
            %gather3A_237 = tpu.vector_load_idx %arg11[%broadcast_in_dim3A_236, %select_n3A_191] masked %and3A_184 : memref<32x1024xf32, #tpu.memory_space<vmem>>[vector<16xi32>, vector<16xi32>], vector<16xf32>, vector<16xi1>
            tpu.vector_store_idx %arg13[%sub3A_211, %broadcast_in_dim3A_236], %gather3A_237 masked %and3A_184 : memref<128x128xf32, #tpu.memory_space<vmem>>[vector<16xi32>, vector<16xi32>], vector<16xf32>, vector<16xi1>
            %broadcast_in_dim3A_238 = arith.constant 9 : i32
            %broadcast_in_dim3A_239 = vector.broadcast %broadcast_in_dim3A_238 : i32 to vector<16xi32>
            %gather3A_240 = tpu.vector_load_idx %arg11[%broadcast_in_dim3A_239, %select_n3A_191] masked %and3A_184 : memref<32x1024xf32, #tpu.memory_space<vmem>>[vector<16xi32>, vector<16xi32>], vector<16xf32>, vector<16xi1>
            tpu.vector_store_idx %arg13[%sub3A_211, %broadcast_in_dim3A_239], %gather3A_240 masked %and3A_184 : memref<128x128xf32, #tpu.memory_space<vmem>>[vector<16xi32>, vector<16xi32>], vector<16xf32>, vector<16xi1>
            %broadcast_in_dim3A_241 = arith.constant 10 : i32
            %broadcast_in_dim3A_242 = vector.broadcast %broadcast_in_dim3A_241 : i32 to vector<16xi32>
            %gather3A_243 = tpu.vector_load_idx %arg11[%broadcast_in_dim3A_242, %select_n3A_191] masked %and3A_184 : memref<32x1024xf32, #tpu.memory_space<vmem>>[vector<16xi32>, vector<16xi32>], vector<16xf32>, vector<16xi1>
            tpu.vector_store_idx %arg13[%sub3A_211, %broadcast_in_dim3A_242], %gather3A_243 masked %and3A_184 : memref<128x128xf32, #tpu.memory_space<vmem>>[vector<16xi32>, vector<16xi32>], vector<16xf32>, vector<16xi1>
            %broadcast_in_dim3A_244 = arith.constant 11 : i32
            %broadcast_in_dim3A_245 = vector.broadcast %broadcast_in_dim3A_244 : i32 to vector<16xi32>
            %gather3A_246 = tpu.vector_load_idx %arg11[%broadcast_in_dim3A_245, %select_n3A_191] masked %and3A_184 : memref<32x1024xf32, #tpu.memory_space<vmem>>[vector<16xi32>, vector<16xi32>], vector<16xf32>, vector<16xi1>
            tpu.vector_store_idx %arg13[%sub3A_211, %broadcast_in_dim3A_245], %gather3A_246 masked %and3A_184 : memref<128x128xf32, #tpu.memory_space<vmem>>[vector<16xi32>, vector<16xi32>], vector<16xf32>, vector<16xi1>
            %broadcast_in_dim3A_247 = arith.constant 12 : i32
            %broadcast_in_dim3A_248 = vector.broadcast %broadcast_in_dim3A_247 : i32 to vector<16xi32>
            %gather3A_249 = tpu.vector_load_idx %arg11[%broadcast_in_dim3A_248, %select_n3A_191] masked %and3A_184 : memref<32x1024xf32, #tpu.memory_space<vmem>>[vector<16xi32>, vector<16xi32>], vector<16xf32>, vector<16xi1>
            tpu.vector_store_idx %arg13[%sub3A_211, %broadcast_in_dim3A_248], %gather3A_249 masked %and3A_184 : memref<128x128xf32, #tpu.memory_space<vmem>>[vector<16xi32>, vector<16xi32>], vector<16xf32>, vector<16xi1>
            %broadcast_in_dim3A_250 = arith.constant 13 : i32
            %broadcast_in_dim3A_251 = vector.broadcast %broadcast_in_dim3A_250 : i32 to vector<16xi32>
            %gather3A_252 = tpu.vector_load_idx %arg11[%broadcast_in_dim3A_251, %select_n3A_191] masked %and3A_184 : memref<32x1024xf32, #tpu.memory_space<vmem>>[vector<16xi32>, vector<16xi32>], vector<16xf32>, vector<16xi1>
            tpu.vector_store_idx %arg13[%sub3A_211, %broadcast_in_dim3A_251], %gather3A_252 masked %and3A_184 : memref<128x128xf32, #tpu.memory_space<vmem>>[vector<16xi32>, vector<16xi32>], vector<16xf32>, vector<16xi1>
            %broadcast_in_dim3A_253 = arith.constant 14 : i32
            %broadcast_in_dim3A_254 = vector.broadcast %broadcast_in_dim3A_253 : i32 to vector<16xi32>
            %gather3A_255 = tpu.vector_load_idx %arg11[%broadcast_in_dim3A_254, %select_n3A_191] masked %and3A_184 : memref<32x1024xf32, #tpu.memory_space<vmem>>[vector<16xi32>, vector<16xi32>], vector<16xf32>, vector<16xi1>
            tpu.vector_store_idx %arg13[%sub3A_211, %broadcast_in_dim3A_254], %gather3A_255 masked %and3A_184 : memref<128x128xf32, #tpu.memory_space<vmem>>[vector<16xi32>, vector<16xi32>], vector<16xf32>, vector<16xi1>
            %broadcast_in_dim3A_256 = arith.constant 15 : i32
            %broadcast_in_dim3A_257 = vector.broadcast %broadcast_in_dim3A_256 : i32 to vector<16xi32>
            %gather3A_258 = tpu.vector_load_idx %arg11[%broadcast_in_dim3A_257, %select_n3A_191] masked %and3A_184 : memref<32x1024xf32, #tpu.memory_space<vmem>>[vector<16xi32>, vector<16xi32>], vector<16xf32>, vector<16xi1>
            tpu.vector_store_idx %arg13[%sub3A_211, %broadcast_in_dim3A_257], %gather3A_258 masked %and3A_184 : memref<128x128xf32, #tpu.memory_space<vmem>>[vector<16xi32>, vector<16xi32>], vector<16xf32>, vector<16xi1>
            %broadcast_in_dim3A_259 = arith.constant 16 : i32
            %broadcast_in_dim3A_260 = vector.broadcast %broadcast_in_dim3A_259 : i32 to vector<16xi32>
            %gather3A_261 = tpu.vector_load_idx %arg11[%broadcast_in_dim3A_260, %select_n3A_191] masked %and3A_184 : memref<32x1024xf32, #tpu.memory_space<vmem>>[vector<16xi32>, vector<16xi32>], vector<16xf32>, vector<16xi1>
            tpu.vector_store_idx %arg13[%sub3A_211, %broadcast_in_dim3A_260], %gather3A_261 masked %and3A_184 : memref<128x128xf32, #tpu.memory_space<vmem>>[vector<16xi32>, vector<16xi32>], vector<16xf32>, vector<16xi1>
            %broadcast_in_dim3A_262 = arith.constant 17 : i32
            %broadcast_in_dim3A_263 = vector.broadcast %broadcast_in_dim3A_262 : i32 to vector<16xi32>
            %gather3A_264 = tpu.vector_load_idx %arg11[%broadcast_in_dim3A_263, %select_n3A_191] masked %and3A_184 : memref<32x1024xf32, #tpu.memory_space<vmem>>[vector<16xi32>, vector<16xi32>], vector<16xf32>, vector<16xi1>
            tpu.vector_store_idx %arg13[%sub3A_211, %broadcast_in_dim3A_263], %gather3A_264 masked %and3A_184 : memref<128x128xf32, #tpu.memory_space<vmem>>[vector<16xi32>, vector<16xi32>], vector<16xf32>, vector<16xi1>
            %broadcast_in_dim3A_265 = arith.constant 18 : i32
            %broadcast_in_dim3A_266 = vector.broadcast %broadcast_in_dim3A_265 : i32 to vector<16xi32>
            %gather3A_267 = tpu.vector_load_idx %arg11[%broadcast_in_dim3A_266, %select_n3A_191] masked %and3A_184 : memref<32x1024xf32, #tpu.memory_space<vmem>>[vector<16xi32>, vector<16xi32>], vector<16xf32>, vector<16xi1>
            tpu.vector_store_idx %arg13[%sub3A_211, %broadcast_in_dim3A_266], %gather3A_267 masked %and3A_184 : memref<128x128xf32, #tpu.memory_space<vmem>>[vector<16xi32>, vector<16xi32>], vector<16xf32>, vector<16xi1>
            %broadcast_in_dim3A_268 = arith.constant 19 : i32
            %broadcast_in_dim3A_269 = vector.broadcast %broadcast_in_dim3A_268 : i32 to vector<16xi32>
            %gather3A_270 = tpu.vector_load_idx %arg11[%broadcast_in_dim3A_269, %select_n3A_191] masked %and3A_184 : memref<32x1024xf32, #tpu.memory_space<vmem>>[vector<16xi32>, vector<16xi32>], vector<16xf32>, vector<16xi1>
            tpu.vector_store_idx %arg13[%sub3A_211, %broadcast_in_dim3A_269], %gather3A_270 masked %and3A_184 : memref<128x128xf32, #tpu.memory_space<vmem>>[vector<16xi32>, vector<16xi32>], vector<16xf32>, vector<16xi1>
            %broadcast_in_dim3A_271 = arith.constant 20 : i32
            %broadcast_in_dim3A_272 = vector.broadcast %broadcast_in_dim3A_271 : i32 to vector<16xi32>
            %gather3A_273 = tpu.vector_load_idx %arg11[%broadcast_in_dim3A_272, %select_n3A_191] masked %and3A_184 : memref<32x1024xf32, #tpu.memory_space<vmem>>[vector<16xi32>, vector<16xi32>], vector<16xf32>, vector<16xi1>
            tpu.vector_store_idx %arg13[%sub3A_211, %broadcast_in_dim3A_272], %gather3A_273 masked %and3A_184 : memref<128x128xf32, #tpu.memory_space<vmem>>[vector<16xi32>, vector<16xi32>], vector<16xf32>, vector<16xi1>
            %broadcast_in_dim3A_274 = arith.constant 21 : i32
            %broadcast_in_dim3A_275 = vector.broadcast %broadcast_in_dim3A_274 : i32 to vector<16xi32>
            %gather3A_276 = tpu.vector_load_idx %arg11[%broadcast_in_dim3A_275, %select_n3A_191] masked %and3A_184 : memref<32x1024xf32, #tpu.memory_space<vmem>>[vector<16xi32>, vector<16xi32>], vector<16xf32>, vector<16xi1>
            tpu.vector_store_idx %arg13[%sub3A_211, %broadcast_in_dim3A_275], %gather3A_276 masked %and3A_184 : memref<128x128xf32, #tpu.memory_space<vmem>>[vector<16xi32>, vector<16xi32>], vector<16xf32>, vector<16xi1>
            %broadcast_in_dim3A_277 = arith.constant 22 : i32
            %broadcast_in_dim3A_278 = vector.broadcast %broadcast_in_dim3A_277 : i32 to vector<16xi32>
            %gather3A_279 = tpu.vector_load_idx %arg11[%broadcast_in_dim3A_278, %select_n3A_191] masked %and3A_184 : memref<32x1024xf32, #tpu.memory_space<vmem>>[vector<16xi32>, vector<16xi32>], vector<16xf32>, vector<16xi1>
            tpu.vector_store_idx %arg13[%sub3A_211, %broadcast_in_dim3A_278], %gather3A_279 masked %and3A_184 : memref<128x128xf32, #tpu.memory_space<vmem>>[vector<16xi32>, vector<16xi32>], vector<16xf32>, vector<16xi1>
            %broadcast_in_dim3A_280 = arith.constant 23 : i32
            %broadcast_in_dim3A_281 = vector.broadcast %broadcast_in_dim3A_280 : i32 to vector<16xi32>
            %gather3A_282 = tpu.vector_load_idx %arg11[%broadcast_in_dim3A_281, %select_n3A_191] masked %and3A_184 : memref<32x1024xf32, #tpu.memory_space<vmem>>[vector<16xi32>, vector<16xi32>], vector<16xf32>, vector<16xi1>
            tpu.vector_store_idx %arg13[%sub3A_211, %broadcast_in_dim3A_281], %gather3A_282 masked %and3A_184 : memref<128x128xf32, #tpu.memory_space<vmem>>[vector<16xi32>, vector<16xi32>], vector<16xf32>, vector<16xi1>
            %broadcast_in_dim3A_283 = arith.constant 24 : i32
            %broadcast_in_dim3A_284 = vector.broadcast %broadcast_in_dim3A_283 : i32 to vector<16xi32>
            %gather3A_285 = tpu.vector_load_idx %arg11[%broadcast_in_dim3A_284, %select_n3A_191] masked %and3A_184 : memref<32x1024xf32, #tpu.memory_space<vmem>>[vector<16xi32>, vector<16xi32>], vector<16xf32>, vector<16xi1>
            tpu.vector_store_idx %arg13[%sub3A_211, %broadcast_in_dim3A_284], %gather3A_285 masked %and3A_184 : memref<128x128xf32, #tpu.memory_space<vmem>>[vector<16xi32>, vector<16xi32>], vector<16xf32>, vector<16xi1>
            %broadcast_in_dim3A_286 = arith.constant 25 : i32
            %broadcast_in_dim3A_287 = vector.broadcast %broadcast_in_dim3A_286 : i32 to vector<16xi32>
            %gather3A_288 = tpu.vector_load_idx %arg11[%broadcast_in_dim3A_287, %select_n3A_191] masked %and3A_184 : memref<32x1024xf32, #tpu.memory_space<vmem>>[vector<16xi32>, vector<16xi32>], vector<16xf32>, vector<16xi1>
            tpu.vector_store_idx %arg13[%sub3A_211, %broadcast_in_dim3A_287], %gather3A_288 masked %and3A_184 : memref<128x128xf32, #tpu.memory_space<vmem>>[vector<16xi32>, vector<16xi32>], vector<16xf32>, vector<16xi1>
            %broadcast_in_dim3A_289 = arith.constant 26 : i32
            %broadcast_in_dim3A_290 = vector.broadcast %broadcast_in_dim3A_289 : i32 to vector<16xi32>
            %gather3A_291 = tpu.vector_load_idx %arg11[%broadcast_in_dim3A_290, %select_n3A_191] masked %and3A_184 : memref<32x1024xf32, #tpu.memory_space<vmem>>[vector<16xi32>, vector<16xi32>], vector<16xf32>, vector<16xi1>
            tpu.vector_store_idx %arg13[%sub3A_211, %broadcast_in_dim3A_290], %gather3A_291 masked %and3A_184 : memref<128x128xf32, #tpu.memory_space<vmem>>[vector<16xi32>, vector<16xi32>], vector<16xf32>, vector<16xi1>
            %broadcast_in_dim3A_292 = arith.constant 27 : i32
            %broadcast_in_dim3A_293 = vector.broadcast %broadcast_in_dim3A_292 : i32 to vector<16xi32>
            %gather3A_294 = tpu.vector_load_idx %arg11[%broadcast_in_dim3A_293, %select_n3A_191] masked %and3A_184 : memref<32x1024xf32, #tpu.memory_space<vmem>>[vector<16xi32>, vector<16xi32>], vector<16xf32>, vector<16xi1>
            tpu.vector_store_idx %arg13[%sub3A_211, %broadcast_in_dim3A_293], %gather3A_294 masked %and3A_184 : memref<128x128xf32, #tpu.memory_space<vmem>>[vector<16xi32>, vector<16xi32>], vector<16xf32>, vector<16xi1>
            %broadcast_in_dim3A_295 = arith.constant 28 : i32
            %broadcast_in_dim3A_296 = vector.broadcast %broadcast_in_dim3A_295 : i32 to vector<16xi32>
            %gather3A_297 = tpu.vector_load_idx %arg11[%broadcast_in_dim3A_296, %select_n3A_191] masked %and3A_184 : memref<32x1024xf32, #tpu.memory_space<vmem>>[vector<16xi32>, vector<16xi32>], vector<16xf32>, vector<16xi1>
            tpu.vector_store_idx %arg13[%sub3A_211, %broadcast_in_dim3A_296], %gather3A_297 masked %and3A_184 : memref<128x128xf32, #tpu.memory_space<vmem>>[vector<16xi32>, vector<16xi32>], vector<16xf32>, vector<16xi1>
            %broadcast_in_dim3A_298 = arith.constant 29 : i32
            %broadcast_in_dim3A_299 = vector.broadcast %broadcast_in_dim3A_298 : i32 to vector<16xi32>
            %gather3A_300 = tpu.vector_load_idx %arg11[%broadcast_in_dim3A_299, %select_n3A_191] masked %and3A_184 : memref<32x1024xf32, #tpu.memory_space<vmem>>[vector<16xi32>, vector<16xi32>], vector<16xf32>, vector<16xi1>
            tpu.vector_store_idx %arg13[%sub3A_211, %broadcast_in_dim3A_299], %gather3A_300 masked %and3A_184 : memref<128x128xf32, #tpu.memory_space<vmem>>[vector<16xi32>, vector<16xi32>], vector<16xf32>, vector<16xi1>
            %broadcast_in_dim3A_301 = arith.constant 30 : i32
            %broadcast_in_dim3A_302 = vector.broadcast %broadcast_in_dim3A_301 : i32 to vector<16xi32>
            %gather3A_303 = tpu.vector_load_idx %arg11[%broadcast_in_dim3A_302, %select_n3A_191] masked %and3A_184 : memref<32x1024xf32, #tpu.memory_space<vmem>>[vector<16xi32>, vector<16xi32>], vector<16xf32>, vector<16xi1>
            tpu.vector_store_idx %arg13[%sub3A_211, %broadcast_in_dim3A_302], %gather3A_303 masked %and3A_184 : memref<128x128xf32, #tpu.memory_space<vmem>>[vector<16xi32>, vector<16xi32>], vector<16xf32>, vector<16xi1>
            %broadcast_in_dim3A_304 = arith.constant 31 : i32
            %broadcast_in_dim3A_305 = vector.broadcast %broadcast_in_dim3A_304 : i32 to vector<16xi32>
            %gather3A_306 = tpu.vector_load_idx %arg11[%broadcast_in_dim3A_305, %select_n3A_191] masked %and3A_184 : memref<32x1024xf32, #tpu.memory_space<vmem>>[vector<16xi32>, vector<16xi32>], vector<16xf32>, vector<16xi1>
            tpu.vector_store_idx %arg13[%sub3A_211, %broadcast_in_dim3A_305], %gather3A_306 masked %and3A_184 : memref<128x128xf32, #tpu.memory_space<vmem>>[vector<16xi32>, vector<16xi32>], vector<16xf32>, vector<16xi1>
            tpu.vector_store_idx %arg14[%sub3A_211], %get3A_177 masked %and3A_184 : memref<128xi32, #tpu.memory_space<vmem>>[vector<16xi32>], vector<16xi32>, vector<16xi1>
          } else {
          }
          %add3A_197 = arith.addi %while3A_171, %reduce_sum3A_188 : i32
          %ge3A_198 = arith.constant 112 : i32
          %ge3A_199 = arith.cmpi sge, %add3A_197, %ge3A_198 : i32
          %convert_element_type3A_200 = arith.extui %ge3A_199 : i1 to i32
          %cond3A_201 = arith.constant 0 : i32
          %cond3A_202 = arith.cmpi ne, %convert_element_type3A_200, %cond3A_201 : i32
          scf.if %cond3A_202 {
            %dma_start3A_207 = arith.constant 0 : i32
            %dma_start3A_208 = arith.constant 0 : i32
            %dma_start3A_209 = tpu.memref_slice %arg6[%dma_start3A_207, %dma_start3A_208] : memref<16448x128xf32, #tpu.memory_space<hbm>> -> memref<16448x128xf32, #tpu.memory_space<hbm>>
            tpu.enqueue_indirect_dma source(%arg13 : memref<128x128xf32, #tpu.memory_space<vmem>>) target(%dma_start3A_209 : memref<16448x128xf32, #tpu.memory_space<hbm>>) offsets(%arg14 : memref<128xi32, #tpu.memory_space<vmem>>) semaphore(%arg16 : memref<!tpu.dma_semaphore, #tpu.memory_space<semaphore_mem>>)
            %dma_wait3A_210 = arith.constant 0 : i32
            %dma_wait3A_211 = arith.constant 0 : i32
            %dma_wait3A_212 = tpu.memref_slice %arg6[%dma_wait3A_210, %dma_wait3A_211] : memref<16448x128xf32, #tpu.memory_space<hbm>> -> memref<16448x128xf32, #tpu.memory_space<hbm>>
            tpu.wait_indirect_dma semaphore(%arg16 : memref<!tpu.dma_semaphore, #tpu.memory_space<semaphore_mem>>) src(%arg13 : memref<128x128xf32, #tpu.memory_space<vmem>>) dst(%dma_wait3A_212 : memref<16448x128xf32, #tpu.memory_space<hbm>>)
            %broadcast_in_dim3A_213 = arith.constant 16384 : i32
            %broadcast_in_dim3A_214 = vector.broadcast %broadcast_in_dim3A_213 : i32 to vector<16xi32>
            %swap3A_215 = arith.constant 0 : index
            %swap3A_216 = tpu.vector_load %arg14[%swap3A_215] {strides = array<i32>} : memref<128xi32, #tpu.memory_space<vmem>>, vector<16xi32>,
            tpu.vector_store %arg14[%swap3A_215], %broadcast_in_dim3A_214 {strides = array<i32>} : memref<128xi32, #tpu.memory_space<vmem>>, vector<16xi32>,
            %broadcast_in_dim3A_217 = arith.constant 16384 : i32
            %broadcast_in_dim3A_218 = vector.broadcast %broadcast_in_dim3A_217 : i32 to vector<16xi32>
            %swap3A_219 = arith.constant 16 : index
            %swap3A_220 = tpu.vector_load %arg14[%swap3A_219] {strides = array<i32>} : memref<128xi32, #tpu.memory_space<vmem>>, vector<16xi32>,
            tpu.vector_store %arg14[%swap3A_219], %broadcast_in_dim3A_218 {strides = array<i32>} : memref<128xi32, #tpu.memory_space<vmem>>, vector<16xi32>,
            %broadcast_in_dim3A_221 = arith.constant 16384 : i32
            %broadcast_in_dim3A_222 = vector.broadcast %broadcast_in_dim3A_221 : i32 to vector<16xi32>
            %swap3A_223 = arith.constant 32 : index
            %swap3A_224 = tpu.vector_load %arg14[%swap3A_223] {strides = array<i32>} : memref<128xi32, #tpu.memory_space<vmem>>, vector<16xi32>,
            tpu.vector_store %arg14[%swap3A_223], %broadcast_in_dim3A_222 {strides = array<i32>} : memref<128xi32, #tpu.memory_space<vmem>>, vector<16xi32>,
            %broadcast_in_dim3A_225 = arith.constant 16384 : i32
            %broadcast_in_dim3A_226 = vector.broadcast %broadcast_in_dim3A_225 : i32 to vector<16xi32>
            %swap3A_227 = arith.constant 48 : index
            %swap3A_228 = tpu.vector_load %arg14[%swap3A_227] {strides = array<i32>} : memref<128xi32, #tpu.memory_space<vmem>>, vector<16xi32>,
            tpu.vector_store %arg14[%swap3A_227], %broadcast_in_dim3A_226 {strides = array<i32>} : memref<128xi32, #tpu.memory_space<vmem>>, vector<16xi32>,
            %broadcast_in_dim3A_229 = arith.constant 16384 : i32
            %broadcast_in_dim3A_230 = vector.broadcast %broadcast_in_dim3A_229 : i32 to vector<16xi32>
            %swap3A_231 = arith.constant 64 : index
            %swap3A_232 = tpu.vector_load %arg14[%swap3A_231] {strides = array<i32>} : memref<128xi32, #tpu.memory_space<vmem>>, vector<16xi32>,
            tpu.vector_store %arg14[%swap3A_231], %broadcast_in_dim3A_230 {strides = array<i32>} : memref<128xi32, #tpu.memory_space<vmem>>, vector<16xi32>,
            %broadcast_in_dim3A_233 = arith.constant 16384 : i32
            %broadcast_in_dim3A_234 = vector.broadcast %broadcast_in_dim3A_233 : i32 to vector<16xi32>
            %swap3A_235 = arith.constant 80 : index
            %swap3A_236 = tpu.vector_load %arg14[%swap3A_235] {strides = array<i32>} : memref<128xi32, #tpu.memory_space<vmem>>, vector<16xi32>,
            tpu.vector_store %arg14[%swap3A_235], %broadcast_in_dim3A_234 {strides = array<i32>} : memref<128xi32, #tpu.memory_space<vmem>>, vector<16xi32>,
            %broadcast_in_dim3A_237 = arith.constant 16384 : i32
            %broadcast_in_dim3A_238 = vector.broadcast %broadcast_in_dim3A_237 : i32 to vector<16xi32>
            %swap3A_239 = arith.constant 96 : index
            %swap3A_240 = tpu.vector_load %arg14[%swap3A_239] {strides = array<i32>} : memref<128xi32, #tpu.memory_space<vmem>>, vector<16xi32>,
            tpu.vector_store %arg14[%swap3A_239], %broadcast_in_dim3A_238 {strides = array<i32>} : memref<128xi32, #tpu.memory_space<vmem>>, vector<16xi32>,
            %broadcast_in_dim3A_241 = arith.constant 16384 : i32
            %broadcast_in_dim3A_242 = vector.broadcast %broadcast_in_dim3A_241 : i32 to vector<16xi32>
            %swap3A_243 = arith.constant 112 : index
            %swap3A_244 = tpu.vector_load %arg14[%swap3A_243] {strides = array<i32>} : memref<128xi32, #tpu.memory_space<vmem>>, vector<16xi32>,
            tpu.vector_store %arg14[%swap3A_243], %broadcast_in_dim3A_242 {strides = array<i32>} : memref<128xi32, #tpu.memory_space<vmem>>, vector<16xi32>,
          } else {
          }
          %ge3A_203 = arith.constant 112 : i32
          %ge3A_204 = arith.cmpi sge, %add3A_197, %ge3A_203 : i32
          %jit3A_205 = arith.constant 0 : i32
          %select_n3A_206 = arith.select %ge3A_204, %jit3A_205, %add3A_197 : i32
          scf.yield %select_n3A_206 : i32
        }
        %while3A_132 = arith.constant 1 : i32
        %while3A_133 = scf.for %while3A_170 = %while3A_129 to %while3A_125 step %while3A_132 iter_args(%while3A_171 = %while3A_131) -> (i32)  : i32 {
          %mul3A_172 = arith.constant 16 : i32
          %mul3A_173 = arith.muli %while3A_170, %mul3A_172 : i32
          %multiple_of3A_174 = tpu.assume_multiple %mul3A_173, 16 : i32
          %get3A = arith.index_cast %multiple_of3A_174 : i32 to index
          %get3A_175 = tpu.vector_load %arg9[%get3A] {strides = array<i32>} : memref<2048xi32, #tpu.memory_space<vmem>>, vector<16xi32>,
          %get3A_176 = arith.index_cast %multiple_of3A_174 : i32 to index
          %get3A_177 = tpu.vector_load %arg10[%get3A_176] {strides = array<i32>} : memref<2048xi32, #tpu.memory_space<vmem>>, vector<16xi32>,
          %sub3A_178 = vector.broadcast %add3A_122 : i32 to vector<16xi32>
          %sub3A_179 = arith.subi %get3A_175, %sub3A_178 : vector<16xi32>
          %ge3A = arith.constant 0 : i32
          %ge3A_180 = vector.broadcast %ge3A : i32 to vector<16xi32>
          %ge3A_181 = arith.cmpi sge, %sub3A_179, %ge3A_180 : vector<16xi32>
          %lt3A = arith.constant 1024 : i32
          %lt3A_182 = vector.broadcast %lt3A : i32 to vector<16xi32>
          %lt3A_183 = arith.cmpi slt, %sub3A_179, %lt3A_182 : vector<16xi32>
          %and3A_184 = arith.andi %ge3A_181, %lt3A_183 : vector<16xi1>
          %convert_element_type3A_185 = arith.extui %and3A_184 : vector<16xi1> to vector<16xi32>
          %reduce_sum3A = arith.constant true
          %reduce_sum3A_186 = vector.broadcast %reduce_sum3A : i1 to vector<16xi1>
          %reduce_sum3A_187 = tpu.scan <sum>, %convert_element_type3A_185 masked %reduce_sum3A_186 : vector<16xi32>, vector<16xi1> -> vector<16xi32>
          %reduce_sum3A_188 = vector.extract %reduce_sum3A_187[15] : i32 from vector<16xi32>
          %jit3A_189 = arith.constant 0 : i32
          %broadcast_in_dim3A_190 = vector.broadcast %jit3A_189 : i32 to vector<16xi32>
          %select_n3A_191 = arith.select %and3A_184, %sub3A_179, %broadcast_in_dim3A_190 : vector<16xi1>, vector<16xi32>
          %gt3A_192 = arith.constant 0 : i32
          %gt3A_193 = arith.cmpi sgt, %reduce_sum3A_188, %gt3A_192 : i32
          %convert_element_type3A_194 = arith.extui %gt3A_193 : i1 to i32
          %cond3A_195 = arith.constant 0 : i32
          %cond3A_196 = arith.cmpi ne, %convert_element_type3A_194, %cond3A_195 : i32
          scf.if %cond3A_196 {
            %broadcast_in_dim3A_207 = arith.constant true
            %broadcast_in_dim3A_208 = vector.broadcast %broadcast_in_dim3A_207 : i1 to vector<16xi1>
            %masked_cumsum3A = tpu.scan <sum>, %convert_element_type3A_185 masked %broadcast_in_dim3A_208 : vector<16xi32>, vector<16xi1> -> vector<16xi32>
            %add3A_209 = vector.broadcast %while3A_171 : i32 to vector<16xi32>
            %add3A_210 = arith.addi %add3A_209, %masked_cumsum3A : vector<16xi32>
            %sub3A_211 = arith.subi %add3A_210, %convert_element_type3A_185 : vector<16xi32>
            %broadcast_in_dim3A_212 = arith.constant 0 : i32
            %broadcast_in_dim3A_213 = vector.broadcast %broadcast_in_dim3A_212 : i32 to vector<16xi32>
            %gather3A = tpu.vector_load_idx %arg11[%broadcast_in_dim3A_213, %select_n3A_191] masked %and3A_184 : memref<32x1024xf32, #tpu.memory_space<vmem>>[vector<16xi32>, vector<16xi32>], vector<16xf32>, vector<16xi1>
            tpu.vector_store_idx %arg13[%sub3A_211, %broadcast_in_dim3A_213], %gather3A masked %and3A_184 : memref<128x128xf32, #tpu.memory_space<vmem>>[vector<16xi32>, vector<16xi32>], vector<16xf32>, vector<16xi1>
            %broadcast_in_dim3A_214 = arith.constant 1 : i32
            %broadcast_in_dim3A_215 = vector.broadcast %broadcast_in_dim3A_214 : i32 to vector<16xi32>
            %gather3A_216 = tpu.vector_load_idx %arg11[%broadcast_in_dim3A_215, %select_n3A_191] masked %and3A_184 : memref<32x1024xf32, #tpu.memory_space<vmem>>[vector<16xi32>, vector<16xi32>], vector<16xf32>, vector<16xi1>
            tpu.vector_store_idx %arg13[%sub3A_211, %broadcast_in_dim3A_215], %gather3A_216 masked %and3A_184 : memref<128x128xf32, #tpu.memory_space<vmem>>[vector<16xi32>, vector<16xi32>], vector<16xf32>, vector<16xi1>
            %broadcast_in_dim3A_217 = arith.constant 2 : i32
            %broadcast_in_dim3A_218 = vector.broadcast %broadcast_in_dim3A_217 : i32 to vector<16xi32>
            %gather3A_219 = tpu.vector_load_idx %arg11[%broadcast_in_dim3A_218, %select_n3A_191] masked %and3A_184 : memref<32x1024xf32, #tpu.memory_space<vmem>>[vector<16xi32>, vector<16xi32>], vector<16xf32>, vector<16xi1>
            tpu.vector_store_idx %arg13[%sub3A_211, %broadcast_in_dim3A_218], %gather3A_219 masked %and3A_184 : memref<128x128xf32, #tpu.memory_space<vmem>>[vector<16xi32>, vector<16xi32>], vector<16xf32>, vector<16xi1>
            %broadcast_in_dim3A_220 = arith.constant 3 : i32
            %broadcast_in_dim3A_221 = vector.broadcast %broadcast_in_dim3A_220 : i32 to vector<16xi32>
            %gather3A_222 = tpu.vector_load_idx %arg11[%broadcast_in_dim3A_221, %select_n3A_191] masked %and3A_184 : memref<32x1024xf32, #tpu.memory_space<vmem>>[vector<16xi32>, vector<16xi32>], vector<16xf32>, vector<16xi1>
            tpu.vector_store_idx %arg13[%sub3A_211, %broadcast_in_dim3A_221], %gather3A_222 masked %and3A_184 : memref<128x128xf32, #tpu.memory_space<vmem>>[vector<16xi32>, vector<16xi32>], vector<16xf32>, vector<16xi1>
            %broadcast_in_dim3A_223 = arith.constant 4 : i32
            %broadcast_in_dim3A_224 = vector.broadcast %broadcast_in_dim3A_223 : i32 to vector<16xi32>
            %gather3A_225 = tpu.vector_load_idx %arg11[%broadcast_in_dim3A_224, %select_n3A_191] masked %and3A_184 : memref<32x1024xf32, #tpu.memory_space<vmem>>[vector<16xi32>, vector<16xi32>], vector<16xf32>, vector<16xi1>
            tpu.vector_store_idx %arg13[%sub3A_211, %broadcast_in_dim3A_224], %gather3A_225 masked %and3A_184 : memref<128x128xf32, #tpu.memory_space<vmem>>[vector<16xi32>, vector<16xi32>], vector<16xf32>, vector<16xi1>
            %broadcast_in_dim3A_226 = arith.constant 5 : i32
            %broadcast_in_dim3A_227 = vector.broadcast %broadcast_in_dim3A_226 : i32 to vector<16xi32>
            %gather3A_228 = tpu.vector_load_idx %arg11[%broadcast_in_dim3A_227, %select_n3A_191] masked %and3A_184 : memref<32x1024xf32, #tpu.memory_space<vmem>>[vector<16xi32>, vector<16xi32>], vector<16xf32>, vector<16xi1>
            tpu.vector_store_idx %arg13[%sub3A_211, %broadcast_in_dim3A_227], %gather3A_228 masked %and3A_184 : memref<128x128xf32, #tpu.memory_space<vmem>>[vector<16xi32>, vector<16xi32>], vector<16xf32>, vector<16xi1>
            %broadcast_in_dim3A_229 = arith.constant 6 : i32
            %broadcast_in_dim3A_230 = vector.broadcast %broadcast_in_dim3A_229 : i32 to vector<16xi32>
            %gather3A_231 = tpu.vector_load_idx %arg11[%broadcast_in_dim3A_230, %select_n3A_191] masked %and3A_184 : memref<32x1024xf32, #tpu.memory_space<vmem>>[vector<16xi32>, vector<16xi32>], vector<16xf32>, vector<16xi1>
            tpu.vector_store_idx %arg13[%sub3A_211, %broadcast_in_dim3A_230], %gather3A_231 masked %and3A_184 : memref<128x128xf32, #tpu.memory_space<vmem>>[vector<16xi32>, vector<16xi32>], vector<16xf32>, vector<16xi1>
            %broadcast_in_dim3A_232 = arith.constant 7 : i32
            %broadcast_in_dim3A_233 = vector.broadcast %broadcast_in_dim3A_232 : i32 to vector<16xi32>
            %gather3A_234 = tpu.vector_load_idx %arg11[%broadcast_in_dim3A_233, %select_n3A_191] masked %and3A_184 : memref<32x1024xf32, #tpu.memory_space<vmem>>[vector<16xi32>, vector<16xi32>], vector<16xf32>, vector<16xi1>
            tpu.vector_store_idx %arg13[%sub3A_211, %broadcast_in_dim3A_233], %gather3A_234 masked %and3A_184 : memref<128x128xf32, #tpu.memory_space<vmem>>[vector<16xi32>, vector<16xi32>], vector<16xf32>, vector<16xi1>
            %broadcast_in_dim3A_235 = arith.constant 8 : i32
            %broadcast_in_dim3A_236 = vector.broadcast %broadcast_in_dim3A_235 : i32 to vector<16xi32>
            %gather3A_237 = tpu.vector_load_idx %arg11[%broadcast_in_dim3A_236, %select_n3A_191] masked %and3A_184 : memref<32x1024xf32, #tpu.memory_space<vmem>>[vector<16xi32>, vector<16xi32>], vector<16xf32>, vector<16xi1>
            tpu.vector_store_idx %arg13[%sub3A_211, %broadcast_in_dim3A_236], %gather3A_237 masked %and3A_184 : memref<128x128xf32, #tpu.memory_space<vmem>>[vector<16xi32>, vector<16xi32>], vector<16xf32>, vector<16xi1>
            %broadcast_in_dim3A_238 = arith.constant 9 : i32
            %broadcast_in_dim3A_239 = vector.broadcast %broadcast_in_dim3A_238 : i32 to vector<16xi32>
            %gather3A_240 = tpu.vector_load_idx %arg11[%broadcast_in_dim3A_239, %select_n3A_191] masked %and3A_184 : memref<32x1024xf32, #tpu.memory_space<vmem>>[vector<16xi32>, vector<16xi32>], vector<16xf32>, vector<16xi1>
            tpu.vector_store_idx %arg13[%sub3A_211, %broadcast_in_dim3A_239], %gather3A_240 masked %and3A_184 : memref<128x128xf32, #tpu.memory_space<vmem>>[vector<16xi32>, vector<16xi32>], vector<16xf32>, vector<16xi1>
            %broadcast_in_dim3A_241 = arith.constant 10 : i32
            %broadcast_in_dim3A_242 = vector.broadcast %broadcast_in_dim3A_241 : i32 to vector<16xi32>
            %gather3A_243 = tpu.vector_load_idx %arg11[%broadcast_in_dim3A_242, %select_n3A_191] masked %and3A_184 : memref<32x1024xf32, #tpu.memory_space<vmem>>[vector<16xi32>, vector<16xi32>], vector<16xf32>, vector<16xi1>
            tpu.vector_store_idx %arg13[%sub3A_211, %broadcast_in_dim3A_242], %gather3A_243 masked %and3A_184 : memref<128x128xf32, #tpu.memory_space<vmem>>[vector<16xi32>, vector<16xi32>], vector<16xf32>, vector<16xi1>
            %broadcast_in_dim3A_244 = arith.constant 11 : i32
            %broadcast_in_dim3A_245 = vector.broadcast %broadcast_in_dim3A_244 : i32 to vector<16xi32>
            %gather3A_246 = tpu.vector_load_idx %arg11[%broadcast_in_dim3A_245, %select_n3A_191] masked %and3A_184 : memref<32x1024xf32, #tpu.memory_space<vmem>>[vector<16xi32>, vector<16xi32>], vector<16xf32>, vector<16xi1>
            tpu.vector_store_idx %arg13[%sub3A_211, %broadcast_in_dim3A_245], %gather3A_246 masked %and3A_184 : memref<128x128xf32, #tpu.memory_space<vmem>>[vector<16xi32>, vector<16xi32>], vector<16xf32>, vector<16xi1>
            %broadcast_in_dim3A_247 = arith.constant 12 : i32
            %broadcast_in_dim3A_248 = vector.broadcast %broadcast_in_dim3A_247 : i32 to vector<16xi32>
            %gather3A_249 = tpu.vector_load_idx %arg11[%broadcast_in_dim3A_248, %select_n3A_191] masked %and3A_184 : memref<32x1024xf32, #tpu.memory_space<vmem>>[vector<16xi32>, vector<16xi32>], vector<16xf32>, vector<16xi1>
            tpu.vector_store_idx %arg13[%sub3A_211, %broadcast_in_dim3A_248], %gather3A_249 masked %and3A_184 : memref<128x128xf32, #tpu.memory_space<vmem>>[vector<16xi32>, vector<16xi32>], vector<16xf32>, vector<16xi1>
            %broadcast_in_dim3A_250 = arith.constant 13 : i32
            %broadcast_in_dim3A_251 = vector.broadcast %broadcast_in_dim3A_250 : i32 to vector<16xi32>
            %gather3A_252 = tpu.vector_load_idx %arg11[%broadcast_in_dim3A_251, %select_n3A_191] masked %and3A_184 : memref<32x1024xf32, #tpu.memory_space<vmem>>[vector<16xi32>, vector<16xi32>], vector<16xf32>, vector<16xi1>
            tpu.vector_store_idx %arg13[%sub3A_211, %broadcast_in_dim3A_251], %gather3A_252 masked %and3A_184 : memref<128x128xf32, #tpu.memory_space<vmem>>[vector<16xi32>, vector<16xi32>], vector<16xf32>, vector<16xi1>
            %broadcast_in_dim3A_253 = arith.constant 14 : i32
            %broadcast_in_dim3A_254 = vector.broadcast %broadcast_in_dim3A_253 : i32 to vector<16xi32>
            %gather3A_255 = tpu.vector_load_idx %arg11[%broadcast_in_dim3A_254, %select_n3A_191] masked %and3A_184 : memref<32x1024xf32, #tpu.memory_space<vmem>>[vector<16xi32>, vector<16xi32>], vector<16xf32>, vector<16xi1>
            tpu.vector_store_idx %arg13[%sub3A_211, %broadcast_in_dim3A_254], %gather3A_255 masked %and3A_184 : memref<128x128xf32, #tpu.memory_space<vmem>>[vector<16xi32>, vector<16xi32>], vector<16xf32>, vector<16xi1>
            %broadcast_in_dim3A_256 = arith.constant 15 : i32
            %broadcast_in_dim3A_257 = vector.broadcast %broadcast_in_dim3A_256 : i32 to vector<16xi32>
            %gather3A_258 = tpu.vector_load_idx %arg11[%broadcast_in_dim3A_257, %select_n3A_191] masked %and3A_184 : memref<32x1024xf32, #tpu.memory_space<vmem>>[vector<16xi32>, vector<16xi32>], vector<16xf32>, vector<16xi1>
            tpu.vector_store_idx %arg13[%sub3A_211, %broadcast_in_dim3A_257], %gather3A_258 masked %and3A_184 : memref<128x128xf32, #tpu.memory_space<vmem>>[vector<16xi32>, vector<16xi32>], vector<16xf32>, vector<16xi1>
            %broadcast_in_dim3A_259 = arith.constant 16 : i32
            %broadcast_in_dim3A_260 = vector.broadcast %broadcast_in_dim3A_259 : i32 to vector<16xi32>
            %gather3A_261 = tpu.vector_load_idx %arg11[%broadcast_in_dim3A_260, %select_n3A_191] masked %and3A_184 : memref<32x1024xf32, #tpu.memory_space<vmem>>[vector<16xi32>, vector<16xi32>], vector<16xf32>, vector<16xi1>
            tpu.vector_store_idx %arg13[%sub3A_211, %broadcast_in_dim3A_260], %gather3A_261 masked %and3A_184 : memref<128x128xf32, #tpu.memory_space<vmem>>[vector<16xi32>, vector<16xi32>], vector<16xf32>, vector<16xi1>
            %broadcast_in_dim3A_262 = arith.constant 17 : i32
            %broadcast_in_dim3A_263 = vector.broadcast %broadcast_in_dim3A_262 : i32 to vector<16xi32>
            %gather3A_264 = tpu.vector_load_idx %arg11[%broadcast_in_dim3A_263, %select_n3A_191] masked %and3A_184 : memref<32x1024xf32, #tpu.memory_space<vmem>>[vector<16xi32>, vector<16xi32>], vector<16xf32>, vector<16xi1>
            tpu.vector_store_idx %arg13[%sub3A_211, %broadcast_in_dim3A_263], %gather3A_264 masked %and3A_184 : memref<128x128xf32, #tpu.memory_space<vmem>>[vector<16xi32>, vector<16xi32>], vector<16xf32>, vector<16xi1>
            %broadcast_in_dim3A_265 = arith.constant 18 : i32
            %broadcast_in_dim3A_266 = vector.broadcast %broadcast_in_dim3A_265 : i32 to vector<16xi32>
            %gather3A_267 = tpu.vector_load_idx %arg11[%broadcast_in_dim3A_266, %select_n3A_191] masked %and3A_184 : memref<32x1024xf32, #tpu.memory_space<vmem>>[vector<16xi32>, vector<16xi32>], vector<16xf32>, vector<16xi1>
            tpu.vector_store_idx %arg13[%sub3A_211, %broadcast_in_dim3A_266], %gather3A_267 masked %and3A_184 : memref<128x128xf32, #tpu.memory_space<vmem>>[vector<16xi32>, vector<16xi32>], vector<16xf32>, vector<16xi1>
            %broadcast_in_dim3A_268 = arith.constant 19 : i32
            %broadcast_in_dim3A_269 = vector.broadcast %broadcast_in_dim3A_268 : i32 to vector<16xi32>
            %gather3A_270 = tpu.vector_load_idx %arg11[%broadcast_in_dim3A_269, %select_n3A_191] masked %and3A_184 : memref<32x1024xf32, #tpu.memory_space<vmem>>[vector<16xi32>, vector<16xi32>], vector<16xf32>, vector<16xi1>
            tpu.vector_store_idx %arg13[%sub3A_211, %broadcast_in_dim3A_269], %gather3A_270 masked %and3A_184 : memref<128x128xf32, #tpu.memory_space<vmem>>[vector<16xi32>, vector<16xi32>], vector<16xf32>, vector<16xi1>
            %broadcast_in_dim3A_271 = arith.constant 20 : i32
            %broadcast_in_dim3A_272 = vector.broadcast %broadcast_in_dim3A_271 : i32 to vector<16xi32>
            %gather3A_273 = tpu.vector_load_idx %arg11[%broadcast_in_dim3A_272, %select_n3A_191] masked %and3A_184 : memref<32x1024xf32, #tpu.memory_space<vmem>>[vector<16xi32>, vector<16xi32>], vector<16xf32>, vector<16xi1>
            tpu.vector_store_idx %arg13[%sub3A_211, %broadcast_in_dim3A_272], %gather3A_273 masked %and3A_184 : memref<128x128xf32, #tpu.memory_space<vmem>>[vector<16xi32>, vector<16xi32>], vector<16xf32>, vector<16xi1>
            %broadcast_in_dim3A_274 = arith.constant 21 : i32
            %broadcast_in_dim3A_275 = vector.broadcast %broadcast_in_dim3A_274 : i32 to vector<16xi32>
            %gather3A_276 = tpu.vector_load_idx %arg11[%broadcast_in_dim3A_275, %select_n3A_191] masked %and3A_184 : memref<32x1024xf32, #tpu.memory_space<vmem>>[vector<16xi32>, vector<16xi32>], vector<16xf32>, vector<16xi1>
            tpu.vector_store_idx %arg13[%sub3A_211, %broadcast_in_dim3A_275], %gather3A_276 masked %and3A_184 : memref<128x128xf32, #tpu.memory_space<vmem>>[vector<16xi32>, vector<16xi32>], vector<16xf32>, vector<16xi1>
            %broadcast_in_dim3A_277 = arith.constant 22 : i32
            %broadcast_in_dim3A_278 = vector.broadcast %broadcast_in_dim3A_277 : i32 to vector<16xi32>
            %gather3A_279 = tpu.vector_load_idx %arg11[%broadcast_in_dim3A_278, %select_n3A_191] masked %and3A_184 : memref<32x1024xf32, #tpu.memory_space<vmem>>[vector<16xi32>, vector<16xi32>], vector<16xf32>, vector<16xi1>
            tpu.vector_store_idx %arg13[%sub3A_211, %broadcast_in_dim3A_278], %gather3A_279 masked %and3A_184 : memref<128x128xf32, #tpu.memory_space<vmem>>[vector<16xi32>, vector<16xi32>], vector<16xf32>, vector<16xi1>
            %broadcast_in_dim3A_280 = arith.constant 23 : i32
            %broadcast_in_dim3A_281 = vector.broadcast %broadcast_in_dim3A_280 : i32 to vector<16xi32>
            %gather3A_282 = tpu.vector_load_idx %arg11[%broadcast_in_dim3A_281, %select_n3A_191] masked %and3A_184 : memref<32x1024xf32, #tpu.memory_space<vmem>>[vector<16xi32>, vector<16xi32>], vector<16xf32>, vector<16xi1>
            tpu.vector_store_idx %arg13[%sub3A_211, %broadcast_in_dim3A_281], %gather3A_282 masked %and3A_184 : memref<128x128xf32, #tpu.memory_space<vmem>>[vector<16xi32>, vector<16xi32>], vector<16xf32>, vector<16xi1>
            %broadcast_in_dim3A_283 = arith.constant 24 : i32
            %broadcast_in_dim3A_284 = vector.broadcast %broadcast_in_dim3A_283 : i32 to vector<16xi32>
            %gather3A_285 = tpu.vector_load_idx %arg11[%broadcast_in_dim3A_284, %select_n3A_191] masked %and3A_184 : memref<32x1024xf32, #tpu.memory_space<vmem>>[vector<16xi32>, vector<16xi32>], vector<16xf32>, vector<16xi1>
            tpu.vector_store_idx %arg13[%sub3A_211, %broadcast_in_dim3A_284], %gather3A_285 masked %and3A_184 : memref<128x128xf32, #tpu.memory_space<vmem>>[vector<16xi32>, vector<16xi32>], vector<16xf32>, vector<16xi1>
            %broadcast_in_dim3A_286 = arith.constant 25 : i32
            %broadcast_in_dim3A_287 = vector.broadcast %broadcast_in_dim3A_286 : i32 to vector<16xi32>
            %gather3A_288 = tpu.vector_load_idx %arg11[%broadcast_in_dim3A_287, %select_n3A_191] masked %and3A_184 : memref<32x1024xf32, #tpu.memory_space<vmem>>[vector<16xi32>, vector<16xi32>], vector<16xf32>, vector<16xi1>
            tpu.vector_store_idx %arg13[%sub3A_211, %broadcast_in_dim3A_287], %gather3A_288 masked %and3A_184 : memref<128x128xf32, #tpu.memory_space<vmem>>[vector<16xi32>, vector<16xi32>], vector<16xf32>, vector<16xi1>
            %broadcast_in_dim3A_289 = arith.constant 26 : i32
            %broadcast_in_dim3A_290 = vector.broadcast %broadcast_in_dim3A_289 : i32 to vector<16xi32>
            %gather3A_291 = tpu.vector_load_idx %arg11[%broadcast_in_dim3A_290, %select_n3A_191] masked %and3A_184 : memref<32x1024xf32, #tpu.memory_space<vmem>>[vector<16xi32>, vector<16xi32>], vector<16xf32>, vector<16xi1>
            tpu.vector_store_idx %arg13[%sub3A_211, %broadcast_in_dim3A_290], %gather3A_291 masked %and3A_184 : memref<128x128xf32, #tpu.memory_space<vmem>>[vector<16xi32>, vector<16xi32>], vector<16xf32>, vector<16xi1>
            %broadcast_in_dim3A_292 = arith.constant 27 : i32
            %broadcast_in_dim3A_293 = vector.broadcast %broadcast_in_dim3A_292 : i32 to vector<16xi32>
            %gather3A_294 = tpu.vector_load_idx %arg11[%broadcast_in_dim3A_293, %select_n3A_191] masked %and3A_184 : memref<32x1024xf32, #tpu.memory_space<vmem>>[vector<16xi32>, vector<16xi32>], vector<16xf32>, vector<16xi1>
            tpu.vector_store_idx %arg13[%sub3A_211, %broadcast_in_dim3A_293], %gather3A_294 masked %and3A_184 : memref<128x128xf32, #tpu.memory_space<vmem>>[vector<16xi32>, vector<16xi32>], vector<16xf32>, vector<16xi1>
            %broadcast_in_dim3A_295 = arith.constant 28 : i32
            %broadcast_in_dim3A_296 = vector.broadcast %broadcast_in_dim3A_295 : i32 to vector<16xi32>
            %gather3A_297 = tpu.vector_load_idx %arg11[%broadcast_in_dim3A_296, %select_n3A_191] masked %and3A_184 : memref<32x1024xf32, #tpu.memory_space<vmem>>[vector<16xi32>, vector<16xi32>], vector<16xf32>, vector<16xi1>
            tpu.vector_store_idx %arg13[%sub3A_211, %broadcast_in_dim3A_296], %gather3A_297 masked %and3A_184 : memref<128x128xf32, #tpu.memory_space<vmem>>[vector<16xi32>, vector<16xi32>], vector<16xf32>, vector<16xi1>
            %broadcast_in_dim3A_298 = arith.constant 29 : i32
            %broadcast_in_dim3A_299 = vector.broadcast %broadcast_in_dim3A_298 : i32 to vector<16xi32>
            %gather3A_300 = tpu.vector_load_idx %arg11[%broadcast_in_dim3A_299, %select_n3A_191] masked %and3A_184 : memref<32x1024xf32, #tpu.memory_space<vmem>>[vector<16xi32>, vector<16xi32>], vector<16xf32>, vector<16xi1>
            tpu.vector_store_idx %arg13[%sub3A_211, %broadcast_in_dim3A_299], %gather3A_300 masked %and3A_184 : memref<128x128xf32, #tpu.memory_space<vmem>>[vector<16xi32>, vector<16xi32>], vector<16xf32>, vector<16xi1>
            %broadcast_in_dim3A_301 = arith.constant 30 : i32
            %broadcast_in_dim3A_302 = vector.broadcast %broadcast_in_dim3A_301 : i32 to vector<16xi32>
            %gather3A_303 = tpu.vector_load_idx %arg11[%broadcast_in_dim3A_302, %select_n3A_191] masked %and3A_184 : memref<32x1024xf32, #tpu.memory_space<vmem>>[vector<16xi32>, vector<16xi32>], vector<16xf32>, vector<16xi1>
            tpu.vector_store_idx %arg13[%sub3A_211, %broadcast_in_dim3A_302], %gather3A_303 masked %and3A_184 : memref<128x128xf32, #tpu.memory_space<vmem>>[vector<16xi32>, vector<16xi32>], vector<16xf32>, vector<16xi1>
            %broadcast_in_dim3A_304 = arith.constant 31 : i32
            %broadcast_in_dim3A_305 = vector.broadcast %broadcast_in_dim3A_304 : i32 to vector<16xi32>
            %gather3A_306 = tpu.vector_load_idx %arg11[%broadcast_in_dim3A_305, %select_n3A_191] masked %and3A_184 : memref<32x1024xf32, #tpu.memory_space<vmem>>[vector<16xi32>, vector<16xi32>], vector<16xf32>, vector<16xi1>
            tpu.vector_store_idx %arg13[%sub3A_211, %broadcast_in_dim3A_305], %gather3A_306 masked %and3A_184 : memref<128x128xf32, #tpu.memory_space<vmem>>[vector<16xi32>, vector<16xi32>], vector<16xf32>, vector<16xi1>
            tpu.vector_store_idx %arg14[%sub3A_211], %get3A_177 masked %and3A_184 : memref<128xi32, #tpu.memory_space<vmem>>[vector<16xi32>], vector<16xi32>, vector<16xi1>
          } else {
          }
          %add3A_197 = arith.addi %while3A_171, %reduce_sum3A_188 : i32
          %ge3A_198 = arith.constant 112 : i32
          %ge3A_199 = arith.cmpi sge, %add3A_197, %ge3A_198 : i32
          %convert_element_type3A_200 = arith.extui %ge3A_199 : i1 to i32
          %cond3A_201 = arith.constant 0 : i32
          %cond3A_202 = arith.cmpi ne, %convert_element_type3A_200, %cond3A_201 : i32
          scf.if %cond3A_202 {
            %dma_start3A_207 = arith.constant 0 : i32
            %dma_start3A_208 = arith.constant 0 : i32
            %dma_start3A_209 = tpu.memref_slice %arg6[%dma_start3A_207, %dma_start3A_208] : memref<16448x128xf32, #tpu.memory_space<hbm>> -> memref<16448x128xf32, #tpu.memory_space<hbm>>
            tpu.enqueue_indirect_dma source(%arg13 : memref<128x128xf32, #tpu.memory_space<vmem>>) target(%dma_start3A_209 : memref<16448x128xf32, #tpu.memory_space<hbm>>) offsets(%arg14 : memref<128xi32, #tpu.memory_space<vmem>>) semaphore(%arg16 : memref<!tpu.dma_semaphore, #tpu.memory_space<semaphore_mem>>)
            %dma_wait3A_210 = arith.constant 0 : i32
            %dma_wait3A_211 = arith.constant 0 : i32
            %dma_wait3A_212 = tpu.memref_slice %arg6[%dma_wait3A_210, %dma_wait3A_211] : memref<16448x128xf32, #tpu.memory_space<hbm>> -> memref<16448x128xf32, #tpu.memory_space<hbm>>
            tpu.wait_indirect_dma semaphore(%arg16 : memref<!tpu.dma_semaphore, #tpu.memory_space<semaphore_mem>>) src(%arg13 : memref<128x128xf32, #tpu.memory_space<vmem>>) dst(%dma_wait3A_212 : memref<16448x128xf32, #tpu.memory_space<hbm>>)
            %broadcast_in_dim3A_213 = arith.constant 16384 : i32
            %broadcast_in_dim3A_214 = vector.broadcast %broadcast_in_dim3A_213 : i32 to vector<16xi32>
            %swap3A_215 = arith.constant 0 : index
            %swap3A_216 = tpu.vector_load %arg14[%swap3A_215] {strides = array<i32>} : memref<128xi32, #tpu.memory_space<vmem>>, vector<16xi32>,
            tpu.vector_store %arg14[%swap3A_215], %broadcast_in_dim3A_214 {strides = array<i32>} : memref<128xi32, #tpu.memory_space<vmem>>, vector<16xi32>,
            %broadcast_in_dim3A_217 = arith.constant 16384 : i32
            %broadcast_in_dim3A_218 = vector.broadcast %broadcast_in_dim3A_217 : i32 to vector<16xi32>
            %swap3A_219 = arith.constant 16 : index
            %swap3A_220 = tpu.vector_load %arg14[%swap3A_219] {strides = array<i32>} : memref<128xi32, #tpu.memory_space<vmem>>, vector<16xi32>,
            tpu.vector_store %arg14[%swap3A_219], %broadcast_in_dim3A_218 {strides = array<i32>} : memref<128xi32, #tpu.memory_space<vmem>>, vector<16xi32>,
            %broadcast_in_dim3A_221 = arith.constant 16384 : i32
            %broadcast_in_dim3A_222 = vector.broadcast %broadcast_in_dim3A_221 : i32 to vector<16xi32>
            %swap3A_223 = arith.constant 32 : index
            %swap3A_224 = tpu.vector_load %arg14[%swap3A_223] {strides = array<i32>} : memref<128xi32, #tpu.memory_space<vmem>>, vector<16xi32>,
            tpu.vector_store %arg14[%swap3A_223], %broadcast_in_dim3A_222 {strides = array<i32>} : memref<128xi32, #tpu.memory_space<vmem>>, vector<16xi32>,
            %broadcast_in_dim3A_225 = arith.constant 16384 : i32
            %broadcast_in_dim3A_226 = vector.broadcast %broadcast_in_dim3A_225 : i32 to vector<16xi32>
            %swap3A_227 = arith.constant 48 : index
            %swap3A_228 = tpu.vector_load %arg14[%swap3A_227] {strides = array<i32>} : memref<128xi32, #tpu.memory_space<vmem>>, vector<16xi32>,
            tpu.vector_store %arg14[%swap3A_227], %broadcast_in_dim3A_226 {strides = array<i32>} : memref<128xi32, #tpu.memory_space<vmem>>, vector<16xi32>,
            %broadcast_in_dim3A_229 = arith.constant 16384 : i32
            %broadcast_in_dim3A_230 = vector.broadcast %broadcast_in_dim3A_229 : i32 to vector<16xi32>
            %swap3A_231 = arith.constant 64 : index
            %swap3A_232 = tpu.vector_load %arg14[%swap3A_231] {strides = array<i32>} : memref<128xi32, #tpu.memory_space<vmem>>, vector<16xi32>,
            tpu.vector_store %arg14[%swap3A_231], %broadcast_in_dim3A_230 {strides = array<i32>} : memref<128xi32, #tpu.memory_space<vmem>>, vector<16xi32>,
            %broadcast_in_dim3A_233 = arith.constant 16384 : i32
            %broadcast_in_dim3A_234 = vector.broadcast %broadcast_in_dim3A_233 : i32 to vector<16xi32>
            %swap3A_235 = arith.constant 80 : index
            %swap3A_236 = tpu.vector_load %arg14[%swap3A_235] {strides = array<i32>} : memref<128xi32, #tpu.memory_space<vmem>>, vector<16xi32>,
            tpu.vector_store %arg14[%swap3A_235], %broadcast_in_dim3A_234 {strides = array<i32>} : memref<128xi32, #tpu.memory_space<vmem>>, vector<16xi32>,
            %broadcast_in_dim3A_237 = arith.constant 16384 : i32
            %broadcast_in_dim3A_238 = vector.broadcast %broadcast_in_dim3A_237 : i32 to vector<16xi32>
            %swap3A_239 = arith.constant 96 : index
            %swap3A_240 = tpu.vector_load %arg14[%swap3A_239] {strides = array<i32>} : memref<128xi32, #tpu.memory_space<vmem>>, vector<16xi32>,
            tpu.vector_store %arg14[%swap3A_239], %broadcast_in_dim3A_238 {strides = array<i32>} : memref<128xi32, #tpu.memory_space<vmem>>, vector<16xi32>,
            %broadcast_in_dim3A_241 = arith.constant 16384 : i32
            %broadcast_in_dim3A_242 = vector.broadcast %broadcast_in_dim3A_241 : i32 to vector<16xi32>
            %swap3A_243 = arith.constant 112 : index
            %swap3A_244 = tpu.vector_load %arg14[%swap3A_243] {strides = array<i32>} : memref<128xi32, #tpu.memory_space<vmem>>, vector<16xi32>,
            tpu.vector_store %arg14[%swap3A_243], %broadcast_in_dim3A_242 {strides = array<i32>} : memref<128xi32, #tpu.memory_space<vmem>>, vector<16xi32>,
          } else {
          }
          %ge3A_203 = arith.constant 112 : i32
          %ge3A_204 = arith.cmpi sge, %add3A_197, %ge3A_203 : i32
          %jit3A_205 = arith.constant 0 : i32
          %select_n3A_206 = arith.select %ge3A_204, %jit3A_205, %add3A_197 : i32
          scf.yield %select_n3A_206 : i32
        }
        %add3A_134 = arith.constant 1 : i32
        %add3A_135 = arith.addi %mul3A_101, %add3A_134 : i32
        %mul3A_136 = arith.constant 1024 : i32
        %mul3A_137 = arith.muli %add3A_135, %mul3A_136 : i32
        %add3A_138 = arith.addi %multiple_of3A, %mul3A_137 : i32
        %multiple_of3A_139 = tpu.assume_multiple %add3A_138, 128 : i32
        %dma_wait3A_140 = arith.constant 0 : i32
        %dma_wait3A_141 = tpu.memref_slice %arg2[%dma_wait3A_140, %multiple_of3A_139] : memref<32x1000000xf32, #tpu.memory_space<hbm>> -> memref<32x1024xf32, #tpu.memory_space<hbm>>
        %dma_wait3A_142 = arith.constant 0 : i32
        %dma_wait3A_143 = tpu.memref_slice %arg2[%dma_wait3A_142, %multiple_of3A_139] : memref<32x1000000xf32, #tpu.memory_space<hbm>> -> memref<32x1024xf32, #tpu.memory_space<hbm>>
        tpu.wait_dma2 semaphore(%arg15 : memref<!tpu.dma_semaphore, #tpu.memory_space<semaphore_mem>>) src(%dma_wait3A_143 : memref<32x1024xf32, #tpu.memory_space<hbm>>) dst(%arg12 : memref<32x1024xf32, #tpu.memory_space<vmem>>)
        %add3A_144 = arith.constant 2 : i32
        %add3A_145 = arith.addi %mul3A_101, %add3A_144 : i32
        %mul3A_146 = arith.constant 1024 : i32
        %mul3A_147 = arith.muli %add3A_145, %mul3A_146 : i32
        %add3A_148 = arith.addi %multiple_of3A, %mul3A_147 : i32
        %multiple_of3A_149 = tpu.assume_multiple %add3A_148, 128 : i32
        %dma_start3A_150 = arith.constant 0 : i32
        %dma_start3A_151 = tpu.memref_slice %arg2[%dma_start3A_150, %multiple_of3A_149] : memref<32x1000000xf32, #tpu.memory_space<hbm>> -> memref<32x1024xf32, #tpu.memory_space<hbm>>
        %dma_start3A_152 = arith.constant 0 : i32
        %dma_start3A_153 = tpu.memref_slice %arg2[%dma_start3A_152, %multiple_of3A_149] : memref<32x1000000xf32, #tpu.memory_space<hbm>> -> memref<32x1024xf32, #tpu.memory_space<hbm>>
        tpu.enqueue_dma source(%dma_start3A_153 : memref<32x1024xf32, #tpu.memory_space<hbm>>) target(%arg11 : memref<32x1024xf32, #tpu.memory_space<vmem>>) target_semaphore(%arg15 : memref<!tpu.dma_semaphore, #tpu.memory_space<semaphore_mem>>)
        %add3A_154 = arith.constant 1 : i32
        %add3A_155 = arith.addi %mul3A_101, %add3A_154 : i32
        %mul3A_156 = arith.constant 1024 : i32
        %mul3A_157 = arith.muli %add3A_155, %mul3A_156 : i32
        %add3A_158 = arith.addi %multiple_of3A, %mul3A_157 : i32
        %while3A_159 = arith.constant 0 : i32
        %while3A_160 = arith.subi %select_n3A, %while3A_159 : i32
        %while3A_161 = arith.addi %while3A_159, %while3A_160 : i32
        %while3A_162 = arith.constant 1 : i32
        %while3A_163 = arith.divsi %while3A_160, %while3A_162 : i32
        %while3A_164 = arith.muli %while3A_163, %while3A_162 : i32
        %while3A_165 = arith.addi %while3A_159, %while3A_164 : i32
        %while3A_166 = arith.constant 1 : i32
        %while3A_167 = scf.for %while3A_170 = %while3A_159 to %while3A_165 step %while3A_166 iter_args(%while3A_171 = %while3A_133) -> (i32)  : i32 {
          %mul3A_172 = arith.constant 16 : i32
          %mul3A_173 = arith.muli %while3A_170, %mul3A_172 : i32
          %multiple_of3A_174 = tpu.assume_multiple %mul3A_173, 16 : i32
          %get3A = arith.index_cast %multiple_of3A_174 : i32 to index
          %get3A_175 = tpu.vector_load %arg9[%get3A] {strides = array<i32>} : memref<2048xi32, #tpu.memory_space<vmem>>, vector<16xi32>,
          %get3A_176 = arith.index_cast %multiple_of3A_174 : i32 to index
          %get3A_177 = tpu.vector_load %arg10[%get3A_176] {strides = array<i32>} : memref<2048xi32, #tpu.memory_space<vmem>>, vector<16xi32>,
          %sub3A_178 = vector.broadcast %add3A_158 : i32 to vector<16xi32>
          %sub3A_179 = arith.subi %get3A_175, %sub3A_178 : vector<16xi32>
          %ge3A = arith.constant 0 : i32
          %ge3A_180 = vector.broadcast %ge3A : i32 to vector<16xi32>
          %ge3A_181 = arith.cmpi sge, %sub3A_179, %ge3A_180 : vector<16xi32>
          %lt3A = arith.constant 1024 : i32
          %lt3A_182 = vector.broadcast %lt3A : i32 to vector<16xi32>
          %lt3A_183 = arith.cmpi slt, %sub3A_179, %lt3A_182 : vector<16xi32>
          %and3A_184 = arith.andi %ge3A_181, %lt3A_183 : vector<16xi1>
          %convert_element_type3A_185 = arith.extui %and3A_184 : vector<16xi1> to vector<16xi32>
          %reduce_sum3A = arith.constant true
          %reduce_sum3A_186 = vector.broadcast %reduce_sum3A : i1 to vector<16xi1>
          %reduce_sum3A_187 = tpu.scan <sum>, %convert_element_type3A_185 masked %reduce_sum3A_186 : vector<16xi32>, vector<16xi1> -> vector<16xi32>
          %reduce_sum3A_188 = vector.extract %reduce_sum3A_187[15] : i32 from vector<16xi32>
          %jit3A_189 = arith.constant 0 : i32
          %broadcast_in_dim3A_190 = vector.broadcast %jit3A_189 : i32 to vector<16xi32>
          %select_n3A_191 = arith.select %and3A_184, %sub3A_179, %broadcast_in_dim3A_190 : vector<16xi1>, vector<16xi32>
          %gt3A_192 = arith.constant 0 : i32
          %gt3A_193 = arith.cmpi sgt, %reduce_sum3A_188, %gt3A_192 : i32
          %convert_element_type3A_194 = arith.extui %gt3A_193 : i1 to i32
          %cond3A_195 = arith.constant 0 : i32
          %cond3A_196 = arith.cmpi ne, %convert_element_type3A_194, %cond3A_195 : i32
          scf.if %cond3A_196 {
            %broadcast_in_dim3A_207 = arith.constant true
            %broadcast_in_dim3A_208 = vector.broadcast %broadcast_in_dim3A_207 : i1 to vector<16xi1>
            %masked_cumsum3A = tpu.scan <sum>, %convert_element_type3A_185 masked %broadcast_in_dim3A_208 : vector<16xi32>, vector<16xi1> -> vector<16xi32>
            %add3A_209 = vector.broadcast %while3A_171 : i32 to vector<16xi32>
            %add3A_210 = arith.addi %add3A_209, %masked_cumsum3A : vector<16xi32>
            %sub3A_211 = arith.subi %add3A_210, %convert_element_type3A_185 : vector<16xi32>
            %broadcast_in_dim3A_212 = arith.constant 0 : i32
            %broadcast_in_dim3A_213 = vector.broadcast %broadcast_in_dim3A_212 : i32 to vector<16xi32>
            %gather3A = tpu.vector_load_idx %arg12[%broadcast_in_dim3A_213, %select_n3A_191] masked %and3A_184 : memref<32x1024xf32, #tpu.memory_space<vmem>>[vector<16xi32>, vector<16xi32>], vector<16xf32>, vector<16xi1>
            tpu.vector_store_idx %arg13[%sub3A_211, %broadcast_in_dim3A_213], %gather3A masked %and3A_184 : memref<128x128xf32, #tpu.memory_space<vmem>>[vector<16xi32>, vector<16xi32>], vector<16xf32>, vector<16xi1>
            %broadcast_in_dim3A_214 = arith.constant 1 : i32
            %broadcast_in_dim3A_215 = vector.broadcast %broadcast_in_dim3A_214 : i32 to vector<16xi32>
            %gather3A_216 = tpu.vector_load_idx %arg12[%broadcast_in_dim3A_215, %select_n3A_191] masked %and3A_184 : memref<32x1024xf32, #tpu.memory_space<vmem>>[vector<16xi32>, vector<16xi32>], vector<16xf32>, vector<16xi1>
            tpu.vector_store_idx %arg13[%sub3A_211, %broadcast_in_dim3A_215], %gather3A_216 masked %and3A_184 : memref<128x128xf32, #tpu.memory_space<vmem>>[vector<16xi32>, vector<16xi32>], vector<16xf32>, vector<16xi1>
            %broadcast_in_dim3A_217 = arith.constant 2 : i32
            %broadcast_in_dim3A_218 = vector.broadcast %broadcast_in_dim3A_217 : i32 to vector<16xi32>
            %gather3A_219 = tpu.vector_load_idx %arg12[%broadcast_in_dim3A_218, %select_n3A_191] masked %and3A_184 : memref<32x1024xf32, #tpu.memory_space<vmem>>[vector<16xi32>, vector<16xi32>], vector<16xf32>, vector<16xi1>
            tpu.vector_store_idx %arg13[%sub3A_211, %broadcast_in_dim3A_218], %gather3A_219 masked %and3A_184 : memref<128x128xf32, #tpu.memory_space<vmem>>[vector<16xi32>, vector<16xi32>], vector<16xf32>, vector<16xi1>
            %broadcast_in_dim3A_220 = arith.constant 3 : i32
            %broadcast_in_dim3A_221 = vector.broadcast %broadcast_in_dim3A_220 : i32 to vector<16xi32>
            %gather3A_222 = tpu.vector_load_idx %arg12[%broadcast_in_dim3A_221, %select_n3A_191] masked %and3A_184 : memref<32x1024xf32, #tpu.memory_space<vmem>>[vector<16xi32>, vector<16xi32>], vector<16xf32>, vector<16xi1>
            tpu.vector_store_idx %arg13[%sub3A_211, %broadcast_in_dim3A_221], %gather3A_222 masked %and3A_184 : memref<128x128xf32, #tpu.memory_space<vmem>>[vector<16xi32>, vector<16xi32>], vector<16xf32>, vector<16xi1>
            %broadcast_in_dim3A_223 = arith.constant 4 : i32
            %broadcast_in_dim3A_224 = vector.broadcast %broadcast_in_dim3A_223 : i32 to vector<16xi32>
            %gather3A_225 = tpu.vector_load_idx %arg12[%broadcast_in_dim3A_224, %select_n3A_191] masked %and3A_184 : memref<32x1024xf32, #tpu.memory_space<vmem>>[vector<16xi32>, vector<16xi32>], vector<16xf32>, vector<16xi1>
            tpu.vector_store_idx %arg13[%sub3A_211, %broadcast_in_dim3A_224], %gather3A_225 masked %and3A_184 : memref<128x128xf32, #tpu.memory_space<vmem>>[vector<16xi32>, vector<16xi32>], vector<16xf32>, vector<16xi1>
            %broadcast_in_dim3A_226 = arith.constant 5 : i32
            %broadcast_in_dim3A_227 = vector.broadcast %broadcast_in_dim3A_226 : i32 to vector<16xi32>
            %gather3A_228 = tpu.vector_load_idx %arg12[%broadcast_in_dim3A_227, %select_n3A_191] masked %and3A_184 : memref<32x1024xf32, #tpu.memory_space<vmem>>[vector<16xi32>, vector<16xi32>], vector<16xf32>, vector<16xi1>
            tpu.vector_store_idx %arg13[%sub3A_211, %broadcast_in_dim3A_227], %gather3A_228 masked %and3A_184 : memref<128x128xf32, #tpu.memory_space<vmem>>[vector<16xi32>, vector<16xi32>], vector<16xf32>, vector<16xi1>
            %broadcast_in_dim3A_229 = arith.constant 6 : i32
            %broadcast_in_dim3A_230 = vector.broadcast %broadcast_in_dim3A_229 : i32 to vector<16xi32>
            %gather3A_231 = tpu.vector_load_idx %arg12[%broadcast_in_dim3A_230, %select_n3A_191] masked %and3A_184 : memref<32x1024xf32, #tpu.memory_space<vmem>>[vector<16xi32>, vector<16xi32>], vector<16xf32>, vector<16xi1>
            tpu.vector_store_idx %arg13[%sub3A_211, %broadcast_in_dim3A_230], %gather3A_231 masked %and3A_184 : memref<128x128xf32, #tpu.memory_space<vmem>>[vector<16xi32>, vector<16xi32>], vector<16xf32>, vector<16xi1>
            %broadcast_in_dim3A_232 = arith.constant 7 : i32
            %broadcast_in_dim3A_233 = vector.broadcast %broadcast_in_dim3A_232 : i32 to vector<16xi32>
            %gather3A_234 = tpu.vector_load_idx %arg12[%broadcast_in_dim3A_233, %select_n3A_191] masked %and3A_184 : memref<32x1024xf32, #tpu.memory_space<vmem>>[vector<16xi32>, vector<16xi32>], vector<16xf32>, vector<16xi1>
            tpu.vector_store_idx %arg13[%sub3A_211, %broadcast_in_dim3A_233], %gather3A_234 masked %and3A_184 : memref<128x128xf32, #tpu.memory_space<vmem>>[vector<16xi32>, vector<16xi32>], vector<16xf32>, vector<16xi1>
            %broadcast_in_dim3A_235 = arith.constant 8 : i32
            %broadcast_in_dim3A_236 = vector.broadcast %broadcast_in_dim3A_235 : i32 to vector<16xi32>
            %gather3A_237 = tpu.vector_load_idx %arg12[%broadcast_in_dim3A_236, %select_n3A_191] masked %and3A_184 : memref<32x1024xf32, #tpu.memory_space<vmem>>[vector<16xi32>, vector<16xi32>], vector<16xf32>, vector<16xi1>
            tpu.vector_store_idx %arg13[%sub3A_211, %broadcast_in_dim3A_236], %gather3A_237 masked %and3A_184 : memref<128x128xf32, #tpu.memory_space<vmem>>[vector<16xi32>, vector<16xi32>], vector<16xf32>, vector<16xi1>
            %broadcast_in_dim3A_238 = arith.constant 9 : i32
            %broadcast_in_dim3A_239 = vector.broadcast %broadcast_in_dim3A_238 : i32 to vector<16xi32>
            %gather3A_240 = tpu.vector_load_idx %arg12[%broadcast_in_dim3A_239, %select_n3A_191] masked %and3A_184 : memref<32x1024xf32, #tpu.memory_space<vmem>>[vector<16xi32>, vector<16xi32>], vector<16xf32>, vector<16xi1>
            tpu.vector_store_idx %arg13[%sub3A_211, %broadcast_in_dim3A_239], %gather3A_240 masked %and3A_184 : memref<128x128xf32, #tpu.memory_space<vmem>>[vector<16xi32>, vector<16xi32>], vector<16xf32>, vector<16xi1>
            %broadcast_in_dim3A_241 = arith.constant 10 : i32
            %broadcast_in_dim3A_242 = vector.broadcast %broadcast_in_dim3A_241 : i32 to vector<16xi32>
            %gather3A_243 = tpu.vector_load_idx %arg12[%broadcast_in_dim3A_242, %select_n3A_191] masked %and3A_184 : memref<32x1024xf32, #tpu.memory_space<vmem>>[vector<16xi32>, vector<16xi32>], vector<16xf32>, vector<16xi1>
            tpu.vector_store_idx %arg13[%sub3A_211, %broadcast_in_dim3A_242], %gather3A_243 masked %and3A_184 : memref<128x128xf32, #tpu.memory_space<vmem>>[vector<16xi32>, vector<16xi32>], vector<16xf32>, vector<16xi1>
            %broadcast_in_dim3A_244 = arith.constant 11 : i32
            %broadcast_in_dim3A_245 = vector.broadcast %broadcast_in_dim3A_244 : i32 to vector<16xi32>
            %gather3A_246 = tpu.vector_load_idx %arg12[%broadcast_in_dim3A_245, %select_n3A_191] masked %and3A_184 : memref<32x1024xf32, #tpu.memory_space<vmem>>[vector<16xi32>, vector<16xi32>], vector<16xf32>, vector<16xi1>
            tpu.vector_store_idx %arg13[%sub3A_211, %broadcast_in_dim3A_245], %gather3A_246 masked %and3A_184 : memref<128x128xf32, #tpu.memory_space<vmem>>[vector<16xi32>, vector<16xi32>], vector<16xf32>, vector<16xi1>
            %broadcast_in_dim3A_247 = arith.constant 12 : i32
            %broadcast_in_dim3A_248 = vector.broadcast %broadcast_in_dim3A_247 : i32 to vector<16xi32>
            %gather3A_249 = tpu.vector_load_idx %arg12[%broadcast_in_dim3A_248, %select_n3A_191] masked %and3A_184 : memref<32x1024xf32, #tpu.memory_space<vmem>>[vector<16xi32>, vector<16xi32>], vector<16xf32>, vector<16xi1>
            tpu.vector_store_idx %arg13[%sub3A_211, %broadcast_in_dim3A_248], %gather3A_249 masked %and3A_184 : memref<128x128xf32, #tpu.memory_space<vmem>>[vector<16xi32>, vector<16xi32>], vector<16xf32>, vector<16xi1>
            %broadcast_in_dim3A_250 = arith.constant 13 : i32
            %broadcast_in_dim3A_251 = vector.broadcast %broadcast_in_dim3A_250 : i32 to vector<16xi32>
            %gather3A_252 = tpu.vector_load_idx %arg12[%broadcast_in_dim3A_251, %select_n3A_191] masked %and3A_184 : memref<32x1024xf32, #tpu.memory_space<vmem>>[vector<16xi32>, vector<16xi32>], vector<16xf32>, vector<16xi1>
            tpu.vector_store_idx %arg13[%sub3A_211, %broadcast_in_dim3A_251], %gather3A_252 masked %and3A_184 : memref<128x128xf32, #tpu.memory_space<vmem>>[vector<16xi32>, vector<16xi32>], vector<16xf32>, vector<16xi1>
            %broadcast_in_dim3A_253 = arith.constant 14 : i32
            %broadcast_in_dim3A_254 = vector.broadcast %broadcast_in_dim3A_253 : i32 to vector<16xi32>
            %gather3A_255 = tpu.vector_load_idx %arg12[%broadcast_in_dim3A_254, %select_n3A_191] masked %and3A_184 : memref<32x1024xf32, #tpu.memory_space<vmem>>[vector<16xi32>, vector<16xi32>], vector<16xf32>, vector<16xi1>
            tpu.vector_store_idx %arg13[%sub3A_211, %broadcast_in_dim3A_254], %gather3A_255 masked %and3A_184 : memref<128x128xf32, #tpu.memory_space<vmem>>[vector<16xi32>, vector<16xi32>], vector<16xf32>, vector<16xi1>
            %broadcast_in_dim3A_256 = arith.constant 15 : i32
            %broadcast_in_dim3A_257 = vector.broadcast %broadcast_in_dim3A_256 : i32 to vector<16xi32>
            %gather3A_258 = tpu.vector_load_idx %arg12[%broadcast_in_dim3A_257, %select_n3A_191] masked %and3A_184 : memref<32x1024xf32, #tpu.memory_space<vmem>>[vector<16xi32>, vector<16xi32>], vector<16xf32>, vector<16xi1>
            tpu.vector_store_idx %arg13[%sub3A_211, %broadcast_in_dim3A_257], %gather3A_258 masked %and3A_184 : memref<128x128xf32, #tpu.memory_space<vmem>>[vector<16xi32>, vector<16xi32>], vector<16xf32>, vector<16xi1>
            %broadcast_in_dim3A_259 = arith.constant 16 : i32
            %broadcast_in_dim3A_260 = vector.broadcast %broadcast_in_dim3A_259 : i32 to vector<16xi32>
            %gather3A_261 = tpu.vector_load_idx %arg12[%broadcast_in_dim3A_260, %select_n3A_191] masked %and3A_184 : memref<32x1024xf32, #tpu.memory_space<vmem>>[vector<16xi32>, vector<16xi32>], vector<16xf32>, vector<16xi1>
            tpu.vector_store_idx %arg13[%sub3A_211, %broadcast_in_dim3A_260], %gather3A_261 masked %and3A_184 : memref<128x128xf32, #tpu.memory_space<vmem>>[vector<16xi32>, vector<16xi32>], vector<16xf32>, vector<16xi1>
            %broadcast_in_dim3A_262 = arith.constant 17 : i32
            %broadcast_in_dim3A_263 = vector.broadcast %broadcast_in_dim3A_262 : i32 to vector<16xi32>
            %gather3A_264 = tpu.vector_load_idx %arg12[%broadcast_in_dim3A_263, %select_n3A_191] masked %and3A_184 : memref<32x1024xf32, #tpu.memory_space<vmem>>[vector<16xi32>, vector<16xi32>], vector<16xf32>, vector<16xi1>
            tpu.vector_store_idx %arg13[%sub3A_211, %broadcast_in_dim3A_263], %gather3A_264 masked %and3A_184 : memref<128x128xf32, #tpu.memory_space<vmem>>[vector<16xi32>, vector<16xi32>], vector<16xf32>, vector<16xi1>
            %broadcast_in_dim3A_265 = arith.constant 18 : i32
            %broadcast_in_dim3A_266 = vector.broadcast %broadcast_in_dim3A_265 : i32 to vector<16xi32>
            %gather3A_267 = tpu.vector_load_idx %arg12[%broadcast_in_dim3A_266, %select_n3A_191] masked %and3A_184 : memref<32x1024xf32, #tpu.memory_space<vmem>>[vector<16xi32>, vector<16xi32>], vector<16xf32>, vector<16xi1>
            tpu.vector_store_idx %arg13[%sub3A_211, %broadcast_in_dim3A_266], %gather3A_267 masked %and3A_184 : memref<128x128xf32, #tpu.memory_space<vmem>>[vector<16xi32>, vector<16xi32>], vector<16xf32>, vector<16xi1>
            %broadcast_in_dim3A_268 = arith.constant 19 : i32
            %broadcast_in_dim3A_269 = vector.broadcast %broadcast_in_dim3A_268 : i32 to vector<16xi32>
            %gather3A_270 = tpu.vector_load_idx %arg12[%broadcast_in_dim3A_269, %select_n3A_191] masked %and3A_184 : memref<32x1024xf32, #tpu.memory_space<vmem>>[vector<16xi32>, vector<16xi32>], vector<16xf32>, vector<16xi1>
            tpu.vector_store_idx %arg13[%sub3A_211, %broadcast_in_dim3A_269], %gather3A_270 masked %and3A_184 : memref<128x128xf32, #tpu.memory_space<vmem>>[vector<16xi32>, vector<16xi32>], vector<16xf32>, vector<16xi1>
            %broadcast_in_dim3A_271 = arith.constant 20 : i32
            %broadcast_in_dim3A_272 = vector.broadcast %broadcast_in_dim3A_271 : i32 to vector<16xi32>
            %gather3A_273 = tpu.vector_load_idx %arg12[%broadcast_in_dim3A_272, %select_n3A_191] masked %and3A_184 : memref<32x1024xf32, #tpu.memory_space<vmem>>[vector<16xi32>, vector<16xi32>], vector<16xf32>, vector<16xi1>
            tpu.vector_store_idx %arg13[%sub3A_211, %broadcast_in_dim3A_272], %gather3A_273 masked %and3A_184 : memref<128x128xf32, #tpu.memory_space<vmem>>[vector<16xi32>, vector<16xi32>], vector<16xf32>, vector<16xi1>
            %broadcast_in_dim3A_274 = arith.constant 21 : i32
            %broadcast_in_dim3A_275 = vector.broadcast %broadcast_in_dim3A_274 : i32 to vector<16xi32>
            %gather3A_276 = tpu.vector_load_idx %arg12[%broadcast_in_dim3A_275, %select_n3A_191] masked %and3A_184 : memref<32x1024xf32, #tpu.memory_space<vmem>>[vector<16xi32>, vector<16xi32>], vector<16xf32>, vector<16xi1>
            tpu.vector_store_idx %arg13[%sub3A_211, %broadcast_in_dim3A_275], %gather3A_276 masked %and3A_184 : memref<128x128xf32, #tpu.memory_space<vmem>>[vector<16xi32>, vector<16xi32>], vector<16xf32>, vector<16xi1>
            %broadcast_in_dim3A_277 = arith.constant 22 : i32
            %broadcast_in_dim3A_278 = vector.broadcast %broadcast_in_dim3A_277 : i32 to vector<16xi32>
            %gather3A_279 = tpu.vector_load_idx %arg12[%broadcast_in_dim3A_278, %select_n3A_191] masked %and3A_184 : memref<32x1024xf32, #tpu.memory_space<vmem>>[vector<16xi32>, vector<16xi32>], vector<16xf32>, vector<16xi1>
            tpu.vector_store_idx %arg13[%sub3A_211, %broadcast_in_dim3A_278], %gather3A_279 masked %and3A_184 : memref<128x128xf32, #tpu.memory_space<vmem>>[vector<16xi32>, vector<16xi32>], vector<16xf32>, vector<16xi1>
            %broadcast_in_dim3A_280 = arith.constant 23 : i32
            %broadcast_in_dim3A_281 = vector.broadcast %broadcast_in_dim3A_280 : i32 to vector<16xi32>
            %gather3A_282 = tpu.vector_load_idx %arg12[%broadcast_in_dim3A_281, %select_n3A_191] masked %and3A_184 : memref<32x1024xf32, #tpu.memory_space<vmem>>[vector<16xi32>, vector<16xi32>], vector<16xf32>, vector<16xi1>
            tpu.vector_store_idx %arg13[%sub3A_211, %broadcast_in_dim3A_281], %gather3A_282 masked %and3A_184 : memref<128x128xf32, #tpu.memory_space<vmem>>[vector<16xi32>, vector<16xi32>], vector<16xf32>, vector<16xi1>
            %broadcast_in_dim3A_283 = arith.constant 24 : i32
            %broadcast_in_dim3A_284 = vector.broadcast %broadcast_in_dim3A_283 : i32 to vector<16xi32>
            %gather3A_285 = tpu.vector_load_idx %arg12[%broadcast_in_dim3A_284, %select_n3A_191] masked %and3A_184 : memref<32x1024xf32, #tpu.memory_space<vmem>>[vector<16xi32>, vector<16xi32>], vector<16xf32>, vector<16xi1>
            tpu.vector_store_idx %arg13[%sub3A_211, %broadcast_in_dim3A_284], %gather3A_285 masked %and3A_184 : memref<128x128xf32, #tpu.memory_space<vmem>>[vector<16xi32>, vector<16xi32>], vector<16xf32>, vector<16xi1>
            %broadcast_in_dim3A_286 = arith.constant 25 : i32
            %broadcast_in_dim3A_287 = vector.broadcast %broadcast_in_dim3A_286 : i32 to vector<16xi32>
            %gather3A_288 = tpu.vector_load_idx %arg12[%broadcast_in_dim3A_287, %select_n3A_191] masked %and3A_184 : memref<32x1024xf32, #tpu.memory_space<vmem>>[vector<16xi32>, vector<16xi32>], vector<16xf32>, vector<16xi1>
            tpu.vector_store_idx %arg13[%sub3A_211, %broadcast_in_dim3A_287], %gather3A_288 masked %and3A_184 : memref<128x128xf32, #tpu.memory_space<vmem>>[vector<16xi32>, vector<16xi32>], vector<16xf32>, vector<16xi1>
            %broadcast_in_dim3A_289 = arith.constant 26 : i32
            %broadcast_in_dim3A_290 = vector.broadcast %broadcast_in_dim3A_289 : i32 to vector<16xi32>
            %gather3A_291 = tpu.vector_load_idx %arg12[%broadcast_in_dim3A_290, %select_n3A_191] masked %and3A_184 : memref<32x1024xf32, #tpu.memory_space<vmem>>[vector<16xi32>, vector<16xi32>], vector<16xf32>, vector<16xi1>
            tpu.vector_store_idx %arg13[%sub3A_211, %broadcast_in_dim3A_290], %gather3A_291 masked %and3A_184 : memref<128x128xf32, #tpu.memory_space<vmem>>[vector<16xi32>, vector<16xi32>], vector<16xf32>, vector<16xi1>
            %broadcast_in_dim3A_292 = arith.constant 27 : i32
            %broadcast_in_dim3A_293 = vector.broadcast %broadcast_in_dim3A_292 : i32 to vector<16xi32>
            %gather3A_294 = tpu.vector_load_idx %arg12[%broadcast_in_dim3A_293, %select_n3A_191] masked %and3A_184 : memref<32x1024xf32, #tpu.memory_space<vmem>>[vector<16xi32>, vector<16xi32>], vector<16xf32>, vector<16xi1>
            tpu.vector_store_idx %arg13[%sub3A_211, %broadcast_in_dim3A_293], %gather3A_294 masked %and3A_184 : memref<128x128xf32, #tpu.memory_space<vmem>>[vector<16xi32>, vector<16xi32>], vector<16xf32>, vector<16xi1>
            %broadcast_in_dim3A_295 = arith.constant 28 : i32
            %broadcast_in_dim3A_296 = vector.broadcast %broadcast_in_dim3A_295 : i32 to vector<16xi32>
            %gather3A_297 = tpu.vector_load_idx %arg12[%broadcast_in_dim3A_296, %select_n3A_191] masked %and3A_184 : memref<32x1024xf32, #tpu.memory_space<vmem>>[vector<16xi32>, vector<16xi32>], vector<16xf32>, vector<16xi1>
            tpu.vector_store_idx %arg13[%sub3A_211, %broadcast_in_dim3A_296], %gather3A_297 masked %and3A_184 : memref<128x128xf32, #tpu.memory_space<vmem>>[vector<16xi32>, vector<16xi32>], vector<16xf32>, vector<16xi1>
            %broadcast_in_dim3A_298 = arith.constant 29 : i32
            %broadcast_in_dim3A_299 = vector.broadcast %broadcast_in_dim3A_298 : i32 to vector<16xi32>
            %gather3A_300 = tpu.vector_load_idx %arg12[%broadcast_in_dim3A_299, %select_n3A_191] masked %and3A_184 : memref<32x1024xf32, #tpu.memory_space<vmem>>[vector<16xi32>, vector<16xi32>], vector<16xf32>, vector<16xi1>
            tpu.vector_store_idx %arg13[%sub3A_211, %broadcast_in_dim3A_299], %gather3A_300 masked %and3A_184 : memref<128x128xf32, #tpu.memory_space<vmem>>[vector<16xi32>, vector<16xi32>], vector<16xf32>, vector<16xi1>
            %broadcast_in_dim3A_301 = arith.constant 30 : i32
            %broadcast_in_dim3A_302 = vector.broadcast %broadcast_in_dim3A_301 : i32 to vector<16xi32>
            %gather3A_303 = tpu.vector_load_idx %arg12[%broadcast_in_dim3A_302, %select_n3A_191] masked %and3A_184 : memref<32x1024xf32, #tpu.memory_space<vmem>>[vector<16xi32>, vector<16xi32>], vector<16xf32>, vector<16xi1>
            tpu.vector_store_idx %arg13[%sub3A_211, %broadcast_in_dim3A_302], %gather3A_303 masked %and3A_184 : memref<128x128xf32, #tpu.memory_space<vmem>>[vector<16xi32>, vector<16xi32>], vector<16xf32>, vector<16xi1>
            %broadcast_in_dim3A_304 = arith.constant 31 : i32
            %broadcast_in_dim3A_305 = vector.broadcast %broadcast_in_dim3A_304 : i32 to vector<16xi32>
            %gather3A_306 = tpu.vector_load_idx %arg12[%broadcast_in_dim3A_305, %select_n3A_191] masked %and3A_184 : memref<32x1024xf32, #tpu.memory_space<vmem>>[vector<16xi32>, vector<16xi32>], vector<16xf32>, vector<16xi1>
            tpu.vector_store_idx %arg13[%sub3A_211, %broadcast_in_dim3A_305], %gather3A_306 masked %and3A_184 : memref<128x128xf32, #tpu.memory_space<vmem>>[vector<16xi32>, vector<16xi32>], vector<16xf32>, vector<16xi1>
            tpu.vector_store_idx %arg14[%sub3A_211], %get3A_177 masked %and3A_184 : memref<128xi32, #tpu.memory_space<vmem>>[vector<16xi32>], vector<16xi32>, vector<16xi1>
          } else {
          }
          %add3A_197 = arith.addi %while3A_171, %reduce_sum3A_188 : i32
          %ge3A_198 = arith.constant 112 : i32
          %ge3A_199 = arith.cmpi sge, %add3A_197, %ge3A_198 : i32
          %convert_element_type3A_200 = arith.extui %ge3A_199 : i1 to i32
          %cond3A_201 = arith.constant 0 : i32
          %cond3A_202 = arith.cmpi ne, %convert_element_type3A_200, %cond3A_201 : i32
          scf.if %cond3A_202 {
            %dma_start3A_207 = arith.constant 0 : i32
            %dma_start3A_208 = arith.constant 0 : i32
            %dma_start3A_209 = tpu.memref_slice %arg6[%dma_start3A_207, %dma_start3A_208] : memref<16448x128xf32, #tpu.memory_space<hbm>> -> memref<16448x128xf32, #tpu.memory_space<hbm>>
            tpu.enqueue_indirect_dma source(%arg13 : memref<128x128xf32, #tpu.memory_space<vmem>>) target(%dma_start3A_209 : memref<16448x128xf32, #tpu.memory_space<hbm>>) offsets(%arg14 : memref<128xi32, #tpu.memory_space<vmem>>) semaphore(%arg16 : memref<!tpu.dma_semaphore, #tpu.memory_space<semaphore_mem>>)
            %dma_wait3A_210 = arith.constant 0 : i32
            %dma_wait3A_211 = arith.constant 0 : i32
            %dma_wait3A_212 = tpu.memref_slice %arg6[%dma_wait3A_210, %dma_wait3A_211] : memref<16448x128xf32, #tpu.memory_space<hbm>> -> memref<16448x128xf32, #tpu.memory_space<hbm>>
            tpu.wait_indirect_dma semaphore(%arg16 : memref<!tpu.dma_semaphore, #tpu.memory_space<semaphore_mem>>) src(%arg13 : memref<128x128xf32, #tpu.memory_space<vmem>>) dst(%dma_wait3A_212 : memref<16448x128xf32, #tpu.memory_space<hbm>>)
            %broadcast_in_dim3A_213 = arith.constant 16384 : i32
            %broadcast_in_dim3A_214 = vector.broadcast %broadcast_in_dim3A_213 : i32 to vector<16xi32>
            %swap3A_215 = arith.constant 0 : index
            %swap3A_216 = tpu.vector_load %arg14[%swap3A_215] {strides = array<i32>} : memref<128xi32, #tpu.memory_space<vmem>>, vector<16xi32>,
            tpu.vector_store %arg14[%swap3A_215], %broadcast_in_dim3A_214 {strides = array<i32>} : memref<128xi32, #tpu.memory_space<vmem>>, vector<16xi32>,
            %broadcast_in_dim3A_217 = arith.constant 16384 : i32
            %broadcast_in_dim3A_218 = vector.broadcast %broadcast_in_dim3A_217 : i32 to vector<16xi32>
            %swap3A_219 = arith.constant 16 : index
            %swap3A_220 = tpu.vector_load %arg14[%swap3A_219] {strides = array<i32>} : memref<128xi32, #tpu.memory_space<vmem>>, vector<16xi32>,
            tpu.vector_store %arg14[%swap3A_219], %broadcast_in_dim3A_218 {strides = array<i32>} : memref<128xi32, #tpu.memory_space<vmem>>, vector<16xi32>,
            %broadcast_in_dim3A_221 = arith.constant 16384 : i32
            %broadcast_in_dim3A_222 = vector.broadcast %broadcast_in_dim3A_221 : i32 to vector<16xi32>
            %swap3A_223 = arith.constant 32 : index
            %swap3A_224 = tpu.vector_load %arg14[%swap3A_223] {strides = array<i32>} : memref<128xi32, #tpu.memory_space<vmem>>, vector<16xi32>,
            tpu.vector_store %arg14[%swap3A_223], %broadcast_in_dim3A_222 {strides = array<i32>} : memref<128xi32, #tpu.memory_space<vmem>>, vector<16xi32>,
            %broadcast_in_dim3A_225 = arith.constant 16384 : i32
            %broadcast_in_dim3A_226 = vector.broadcast %broadcast_in_dim3A_225 : i32 to vector<16xi32>
            %swap3A_227 = arith.constant 48 : index
            %swap3A_228 = tpu.vector_load %arg14[%swap3A_227] {strides = array<i32>} : memref<128xi32, #tpu.memory_space<vmem>>, vector<16xi32>,
            tpu.vector_store %arg14[%swap3A_227], %broadcast_in_dim3A_226 {strides = array<i32>} : memref<128xi32, #tpu.memory_space<vmem>>, vector<16xi32>,
            %broadcast_in_dim3A_229 = arith.constant 16384 : i32
            %broadcast_in_dim3A_230 = vector.broadcast %broadcast_in_dim3A_229 : i32 to vector<16xi32>
            %swap3A_231 = arith.constant 64 : index
            %swap3A_232 = tpu.vector_load %arg14[%swap3A_231] {strides = array<i32>} : memref<128xi32, #tpu.memory_space<vmem>>, vector<16xi32>,
            tpu.vector_store %arg14[%swap3A_231], %broadcast_in_dim3A_230 {strides = array<i32>} : memref<128xi32, #tpu.memory_space<vmem>>, vector<16xi32>,
            %broadcast_in_dim3A_233 = arith.constant 16384 : i32
            %broadcast_in_dim3A_234 = vector.broadcast %broadcast_in_dim3A_233 : i32 to vector<16xi32>
            %swap3A_235 = arith.constant 80 : index
            %swap3A_236 = tpu.vector_load %arg14[%swap3A_235] {strides = array<i32>} : memref<128xi32, #tpu.memory_space<vmem>>, vector<16xi32>,
            tpu.vector_store %arg14[%swap3A_235], %broadcast_in_dim3A_234 {strides = array<i32>} : memref<128xi32, #tpu.memory_space<vmem>>, vector<16xi32>,
            %broadcast_in_dim3A_237 = arith.constant 16384 : i32
            %broadcast_in_dim3A_238 = vector.broadcast %broadcast_in_dim3A_237 : i32 to vector<16xi32>
            %swap3A_239 = arith.constant 96 : index
            %swap3A_240 = tpu.vector_load %arg14[%swap3A_239] {strides = array<i32>} : memref<128xi32, #tpu.memory_space<vmem>>, vector<16xi32>,
            tpu.vector_store %arg14[%swap3A_239], %broadcast_in_dim3A_238 {strides = array<i32>} : memref<128xi32, #tpu.memory_space<vmem>>, vector<16xi32>,
            %broadcast_in_dim3A_241 = arith.constant 16384 : i32
            %broadcast_in_dim3A_242 = vector.broadcast %broadcast_in_dim3A_241 : i32 to vector<16xi32>
            %swap3A_243 = arith.constant 112 : index
            %swap3A_244 = tpu.vector_load %arg14[%swap3A_243] {strides = array<i32>} : memref<128xi32, #tpu.memory_space<vmem>>, vector<16xi32>,
            tpu.vector_store %arg14[%swap3A_243], %broadcast_in_dim3A_242 {strides = array<i32>} : memref<128xi32, #tpu.memory_space<vmem>>, vector<16xi32>,
          } else {
          }
          %ge3A_203 = arith.constant 112 : i32
          %ge3A_204 = arith.cmpi sge, %add3A_197, %ge3A_203 : i32
          %jit3A_205 = arith.constant 0 : i32
          %select_n3A_206 = arith.select %ge3A_204, %jit3A_205, %add3A_197 : i32
          scf.yield %select_n3A_206 : i32
        }
        %while3A_168 = arith.constant 1 : i32
        %while3A_169 = scf.for %while3A_170 = %while3A_165 to %while3A_161 step %while3A_168 iter_args(%while3A_171 = %while3A_167) -> (i32)  : i32 {
          %mul3A_172 = arith.constant 16 : i32
          %mul3A_173 = arith.muli %while3A_170, %mul3A_172 : i32
          %multiple_of3A_174 = tpu.assume_multiple %mul3A_173, 16 : i32
          %get3A = arith.index_cast %multiple_of3A_174 : i32 to index
          %get3A_175 = tpu.vector_load %arg9[%get3A] {strides = array<i32>} : memref<2048xi32, #tpu.memory_space<vmem>>, vector<16xi32>,
          %get3A_176 = arith.index_cast %multiple_of3A_174 : i32 to index
          %get3A_177 = tpu.vector_load %arg10[%get3A_176] {strides = array<i32>} : memref<2048xi32, #tpu.memory_space<vmem>>, vector<16xi32>,
          %sub3A_178 = vector.broadcast %add3A_158 : i32 to vector<16xi32>
          %sub3A_179 = arith.subi %get3A_175, %sub3A_178 : vector<16xi32>
          %ge3A = arith.constant 0 : i32
          %ge3A_180 = vector.broadcast %ge3A : i32 to vector<16xi32>
          %ge3A_181 = arith.cmpi sge, %sub3A_179, %ge3A_180 : vector<16xi32>
          %lt3A = arith.constant 1024 : i32
          %lt3A_182 = vector.broadcast %lt3A : i32 to vector<16xi32>
          %lt3A_183 = arith.cmpi slt, %sub3A_179, %lt3A_182 : vector<16xi32>
          %and3A_184 = arith.andi %ge3A_181, %lt3A_183 : vector<16xi1>
          %convert_element_type3A_185 = arith.extui %and3A_184 : vector<16xi1> to vector<16xi32>
          %reduce_sum3A = arith.constant true
          %reduce_sum3A_186 = vector.broadcast %reduce_sum3A : i1 to vector<16xi1>
          %reduce_sum3A_187 = tpu.scan <sum>, %convert_element_type3A_185 masked %reduce_sum3A_186 : vector<16xi32>, vector<16xi1> -> vector<16xi32>
          %reduce_sum3A_188 = vector.extract %reduce_sum3A_187[15] : i32 from vector<16xi32>
          %jit3A_189 = arith.constant 0 : i32
          %broadcast_in_dim3A_190 = vector.broadcast %jit3A_189 : i32 to vector<16xi32>
          %select_n3A_191 = arith.select %and3A_184, %sub3A_179, %broadcast_in_dim3A_190 : vector<16xi1>, vector<16xi32>
          %gt3A_192 = arith.constant 0 : i32
          %gt3A_193 = arith.cmpi sgt, %reduce_sum3A_188, %gt3A_192 : i32
          %convert_element_type3A_194 = arith.extui %gt3A_193 : i1 to i32
          %cond3A_195 = arith.constant 0 : i32
          %cond3A_196 = arith.cmpi ne, %convert_element_type3A_194, %cond3A_195 : i32
          scf.if %cond3A_196 {
            %broadcast_in_dim3A_207 = arith.constant true
            %broadcast_in_dim3A_208 = vector.broadcast %broadcast_in_dim3A_207 : i1 to vector<16xi1>
            %masked_cumsum3A = tpu.scan <sum>, %convert_element_type3A_185 masked %broadcast_in_dim3A_208 : vector<16xi32>, vector<16xi1> -> vector<16xi32>
            %add3A_209 = vector.broadcast %while3A_171 : i32 to vector<16xi32>
            %add3A_210 = arith.addi %add3A_209, %masked_cumsum3A : vector<16xi32>
            %sub3A_211 = arith.subi %add3A_210, %convert_element_type3A_185 : vector<16xi32>
            %broadcast_in_dim3A_212 = arith.constant 0 : i32
            %broadcast_in_dim3A_213 = vector.broadcast %broadcast_in_dim3A_212 : i32 to vector<16xi32>
            %gather3A = tpu.vector_load_idx %arg12[%broadcast_in_dim3A_213, %select_n3A_191] masked %and3A_184 : memref<32x1024xf32, #tpu.memory_space<vmem>>[vector<16xi32>, vector<16xi32>], vector<16xf32>, vector<16xi1>
            tpu.vector_store_idx %arg13[%sub3A_211, %broadcast_in_dim3A_213], %gather3A masked %and3A_184 : memref<128x128xf32, #tpu.memory_space<vmem>>[vector<16xi32>, vector<16xi32>], vector<16xf32>, vector<16xi1>
            %broadcast_in_dim3A_214 = arith.constant 1 : i32
            %broadcast_in_dim3A_215 = vector.broadcast %broadcast_in_dim3A_214 : i32 to vector<16xi32>
            %gather3A_216 = tpu.vector_load_idx %arg12[%broadcast_in_dim3A_215, %select_n3A_191] masked %and3A_184 : memref<32x1024xf32, #tpu.memory_space<vmem>>[vector<16xi32>, vector<16xi32>], vector<16xf32>, vector<16xi1>
            tpu.vector_store_idx %arg13[%sub3A_211, %broadcast_in_dim3A_215], %gather3A_216 masked %and3A_184 : memref<128x128xf32, #tpu.memory_space<vmem>>[vector<16xi32>, vector<16xi32>], vector<16xf32>, vector<16xi1>
            %broadcast_in_dim3A_217 = arith.constant 2 : i32
            %broadcast_in_dim3A_218 = vector.broadcast %broadcast_in_dim3A_217 : i32 to vector<16xi32>
            %gather3A_219 = tpu.vector_load_idx %arg12[%broadcast_in_dim3A_218, %select_n3A_191] masked %and3A_184 : memref<32x1024xf32, #tpu.memory_space<vmem>>[vector<16xi32>, vector<16xi32>], vector<16xf32>, vector<16xi1>
            tpu.vector_store_idx %arg13[%sub3A_211, %broadcast_in_dim3A_218], %gather3A_219 masked %and3A_184 : memref<128x128xf32, #tpu.memory_space<vmem>>[vector<16xi32>, vector<16xi32>], vector<16xf32>, vector<16xi1>
            %broadcast_in_dim3A_220 = arith.constant 3 : i32
            %broadcast_in_dim3A_221 = vector.broadcast %broadcast_in_dim3A_220 : i32 to vector<16xi32>
            %gather3A_222 = tpu.vector_load_idx %arg12[%broadcast_in_dim3A_221, %select_n3A_191] masked %and3A_184 : memref<32x1024xf32, #tpu.memory_space<vmem>>[vector<16xi32>, vector<16xi32>], vector<16xf32>, vector<16xi1>
            tpu.vector_store_idx %arg13[%sub3A_211, %broadcast_in_dim3A_221], %gather3A_222 masked %and3A_184 : memref<128x128xf32, #tpu.memory_space<vmem>>[vector<16xi32>, vector<16xi32>], vector<16xf32>, vector<16xi1>
            %broadcast_in_dim3A_223 = arith.constant 4 : i32
            %broadcast_in_dim3A_224 = vector.broadcast %broadcast_in_dim3A_223 : i32 to vector<16xi32>
            %gather3A_225 = tpu.vector_load_idx %arg12[%broadcast_in_dim3A_224, %select_n3A_191] masked %and3A_184 : memref<32x1024xf32, #tpu.memory_space<vmem>>[vector<16xi32>, vector<16xi32>], vector<16xf32>, vector<16xi1>
            tpu.vector_store_idx %arg13[%sub3A_211, %broadcast_in_dim3A_224], %gather3A_225 masked %and3A_184 : memref<128x128xf32, #tpu.memory_space<vmem>>[vector<16xi32>, vector<16xi32>], vector<16xf32>, vector<16xi1>
            %broadcast_in_dim3A_226 = arith.constant 5 : i32
            %broadcast_in_dim3A_227 = vector.broadcast %broadcast_in_dim3A_226 : i32 to vector<16xi32>
            %gather3A_228 = tpu.vector_load_idx %arg12[%broadcast_in_dim3A_227, %select_n3A_191] masked %and3A_184 : memref<32x1024xf32, #tpu.memory_space<vmem>>[vector<16xi32>, vector<16xi32>], vector<16xf32>, vector<16xi1>
            tpu.vector_store_idx %arg13[%sub3A_211, %broadcast_in_dim3A_227], %gather3A_228 masked %and3A_184 : memref<128x128xf32, #tpu.memory_space<vmem>>[vector<16xi32>, vector<16xi32>], vector<16xf32>, vector<16xi1>
            %broadcast_in_dim3A_229 = arith.constant 6 : i32
            %broadcast_in_dim3A_230 = vector.broadcast %broadcast_in_dim3A_229 : i32 to vector<16xi32>
            %gather3A_231 = tpu.vector_load_idx %arg12[%broadcast_in_dim3A_230, %select_n3A_191] masked %and3A_184 : memref<32x1024xf32, #tpu.memory_space<vmem>>[vector<16xi32>, vector<16xi32>], vector<16xf32>, vector<16xi1>
            tpu.vector_store_idx %arg13[%sub3A_211, %broadcast_in_dim3A_230], %gather3A_231 masked %and3A_184 : memref<128x128xf32, #tpu.memory_space<vmem>>[vector<16xi32>, vector<16xi32>], vector<16xf32>, vector<16xi1>
            %broadcast_in_dim3A_232 = arith.constant 7 : i32
            %broadcast_in_dim3A_233 = vector.broadcast %broadcast_in_dim3A_232 : i32 to vector<16xi32>
            %gather3A_234 = tpu.vector_load_idx %arg12[%broadcast_in_dim3A_233, %select_n3A_191] masked %and3A_184 : memref<32x1024xf32, #tpu.memory_space<vmem>>[vector<16xi32>, vector<16xi32>], vector<16xf32>, vector<16xi1>
            tpu.vector_store_idx %arg13[%sub3A_211, %broadcast_in_dim3A_233], %gather3A_234 masked %and3A_184 : memref<128x128xf32, #tpu.memory_space<vmem>>[vector<16xi32>, vector<16xi32>], vector<16xf32>, vector<16xi1>
            %broadcast_in_dim3A_235 = arith.constant 8 : i32
            %broadcast_in_dim3A_236 = vector.broadcast %broadcast_in_dim3A_235 : i32 to vector<16xi32>
            %gather3A_237 = tpu.vector_load_idx %arg12[%broadcast_in_dim3A_236, %select_n3A_191] masked %and3A_184 : memref<32x1024xf32, #tpu.memory_space<vmem>>[vector<16xi32>, vector<16xi32>], vector<16xf32>, vector<16xi1>
            tpu.vector_store_idx %arg13[%sub3A_211, %broadcast_in_dim3A_236], %gather3A_237 masked %and3A_184 : memref<128x128xf32, #tpu.memory_space<vmem>>[vector<16xi32>, vector<16xi32>], vector<16xf32>, vector<16xi1>
            %broadcast_in_dim3A_238 = arith.constant 9 : i32
            %broadcast_in_dim3A_239 = vector.broadcast %broadcast_in_dim3A_238 : i32 to vector<16xi32>
            %gather3A_240 = tpu.vector_load_idx %arg12[%broadcast_in_dim3A_239, %select_n3A_191] masked %and3A_184 : memref<32x1024xf32, #tpu.memory_space<vmem>>[vector<16xi32>, vector<16xi32>], vector<16xf32>, vector<16xi1>
            tpu.vector_store_idx %arg13[%sub3A_211, %broadcast_in_dim3A_239], %gather3A_240 masked %and3A_184 : memref<128x128xf32, #tpu.memory_space<vmem>>[vector<16xi32>, vector<16xi32>], vector<16xf32>, vector<16xi1>
            %broadcast_in_dim3A_241 = arith.constant 10 : i32
            %broadcast_in_dim3A_242 = vector.broadcast %broadcast_in_dim3A_241 : i32 to vector<16xi32>
            %gather3A_243 = tpu.vector_load_idx %arg12[%broadcast_in_dim3A_242, %select_n3A_191] masked %and3A_184 : memref<32x1024xf32, #tpu.memory_space<vmem>>[vector<16xi32>, vector<16xi32>], vector<16xf32>, vector<16xi1>
            tpu.vector_store_idx %arg13[%sub3A_211, %broadcast_in_dim3A_242], %gather3A_243 masked %and3A_184 : memref<128x128xf32, #tpu.memory_space<vmem>>[vector<16xi32>, vector<16xi32>], vector<16xf32>, vector<16xi1>
            %broadcast_in_dim3A_244 = arith.constant 11 : i32
            %broadcast_in_dim3A_245 = vector.broadcast %broadcast_in_dim3A_244 : i32 to vector<16xi32>
            %gather3A_246 = tpu.vector_load_idx %arg12[%broadcast_in_dim3A_245, %select_n3A_191] masked %and3A_184 : memref<32x1024xf32, #tpu.memory_space<vmem>>[vector<16xi32>, vector<16xi32>], vector<16xf32>, vector<16xi1>
            tpu.vector_store_idx %arg13[%sub3A_211, %broadcast_in_dim3A_245], %gather3A_246 masked %and3A_184 : memref<128x128xf32, #tpu.memory_space<vmem>>[vector<16xi32>, vector<16xi32>], vector<16xf32>, vector<16xi1>
            %broadcast_in_dim3A_247 = arith.constant 12 : i32
            %broadcast_in_dim3A_248 = vector.broadcast %broadcast_in_dim3A_247 : i32 to vector<16xi32>
            %gather3A_249 = tpu.vector_load_idx %arg12[%broadcast_in_dim3A_248, %select_n3A_191] masked %and3A_184 : memref<32x1024xf32, #tpu.memory_space<vmem>>[vector<16xi32>, vector<16xi32>], vector<16xf32>, vector<16xi1>
            tpu.vector_store_idx %arg13[%sub3A_211, %broadcast_in_dim3A_248], %gather3A_249 masked %and3A_184 : memref<128x128xf32, #tpu.memory_space<vmem>>[vector<16xi32>, vector<16xi32>], vector<16xf32>, vector<16xi1>
            %broadcast_in_dim3A_250 = arith.constant 13 : i32
            %broadcast_in_dim3A_251 = vector.broadcast %broadcast_in_dim3A_250 : i32 to vector<16xi32>
            %gather3A_252 = tpu.vector_load_idx %arg12[%broadcast_in_dim3A_251, %select_n3A_191] masked %and3A_184 : memref<32x1024xf32, #tpu.memory_space<vmem>>[vector<16xi32>, vector<16xi32>], vector<16xf32>, vector<16xi1>
            tpu.vector_store_idx %arg13[%sub3A_211, %broadcast_in_dim3A_251], %gather3A_252 masked %and3A_184 : memref<128x128xf32, #tpu.memory_space<vmem>>[vector<16xi32>, vector<16xi32>], vector<16xf32>, vector<16xi1>
            %broadcast_in_dim3A_253 = arith.constant 14 : i32
            %broadcast_in_dim3A_254 = vector.broadcast %broadcast_in_dim3A_253 : i32 to vector<16xi32>
            %gather3A_255 = tpu.vector_load_idx %arg12[%broadcast_in_dim3A_254, %select_n3A_191] masked %and3A_184 : memref<32x1024xf32, #tpu.memory_space<vmem>>[vector<16xi32>, vector<16xi32>], vector<16xf32>, vector<16xi1>
            tpu.vector_store_idx %arg13[%sub3A_211, %broadcast_in_dim3A_254], %gather3A_255 masked %and3A_184 : memref<128x128xf32, #tpu.memory_space<vmem>>[vector<16xi32>, vector<16xi32>], vector<16xf32>, vector<16xi1>
            %broadcast_in_dim3A_256 = arith.constant 15 : i32
            %broadcast_in_dim3A_257 = vector.broadcast %broadcast_in_dim3A_256 : i32 to vector<16xi32>
            %gather3A_258 = tpu.vector_load_idx %arg12[%broadcast_in_dim3A_257, %select_n3A_191] masked %and3A_184 : memref<32x1024xf32, #tpu.memory_space<vmem>>[vector<16xi32>, vector<16xi32>], vector<16xf32>, vector<16xi1>
            tpu.vector_store_idx %arg13[%sub3A_211, %broadcast_in_dim3A_257], %gather3A_258 masked %and3A_184 : memref<128x128xf32, #tpu.memory_space<vmem>>[vector<16xi32>, vector<16xi32>], vector<16xf32>, vector<16xi1>
            %broadcast_in_dim3A_259 = arith.constant 16 : i32
            %broadcast_in_dim3A_260 = vector.broadcast %broadcast_in_dim3A_259 : i32 to vector<16xi32>
            %gather3A_261 = tpu.vector_load_idx %arg12[%broadcast_in_dim3A_260, %select_n3A_191] masked %and3A_184 : memref<32x1024xf32, #tpu.memory_space<vmem>>[vector<16xi32>, vector<16xi32>], vector<16xf32>, vector<16xi1>
            tpu.vector_store_idx %arg13[%sub3A_211, %broadcast_in_dim3A_260], %gather3A_261 masked %and3A_184 : memref<128x128xf32, #tpu.memory_space<vmem>>[vector<16xi32>, vector<16xi32>], vector<16xf32>, vector<16xi1>
            %broadcast_in_dim3A_262 = arith.constant 17 : i32
            %broadcast_in_dim3A_263 = vector.broadcast %broadcast_in_dim3A_262 : i32 to vector<16xi32>
            %gather3A_264 = tpu.vector_load_idx %arg12[%broadcast_in_dim3A_263, %select_n3A_191] masked %and3A_184 : memref<32x1024xf32, #tpu.memory_space<vmem>>[vector<16xi32>, vector<16xi32>], vector<16xf32>, vector<16xi1>
            tpu.vector_store_idx %arg13[%sub3A_211, %broadcast_in_dim3A_263], %gather3A_264 masked %and3A_184 : memref<128x128xf32, #tpu.memory_space<vmem>>[vector<16xi32>, vector<16xi32>], vector<16xf32>, vector<16xi1>
            %broadcast_in_dim3A_265 = arith.constant 18 : i32
            %broadcast_in_dim3A_266 = vector.broadcast %broadcast_in_dim3A_265 : i32 to vector<16xi32>
            %gather3A_267 = tpu.vector_load_idx %arg12[%broadcast_in_dim3A_266, %select_n3A_191] masked %and3A_184 : memref<32x1024xf32, #tpu.memory_space<vmem>>[vector<16xi32>, vector<16xi32>], vector<16xf32>, vector<16xi1>
            tpu.vector_store_idx %arg13[%sub3A_211, %broadcast_in_dim3A_266], %gather3A_267 masked %and3A_184 : memref<128x128xf32, #tpu.memory_space<vmem>>[vector<16xi32>, vector<16xi32>], vector<16xf32>, vector<16xi1>
            %broadcast_in_dim3A_268 = arith.constant 19 : i32
            %broadcast_in_dim3A_269 = vector.broadcast %broadcast_in_dim3A_268 : i32 to vector<16xi32>
            %gather3A_270 = tpu.vector_load_idx %arg12[%broadcast_in_dim3A_269, %select_n3A_191] masked %and3A_184 : memref<32x1024xf32, #tpu.memory_space<vmem>>[vector<16xi32>, vector<16xi32>], vector<16xf32>, vector<16xi1>
            tpu.vector_store_idx %arg13[%sub3A_211, %broadcast_in_dim3A_269], %gather3A_270 masked %and3A_184 : memref<128x128xf32, #tpu.memory_space<vmem>>[vector<16xi32>, vector<16xi32>], vector<16xf32>, vector<16xi1>
            %broadcast_in_dim3A_271 = arith.constant 20 : i32
            %broadcast_in_dim3A_272 = vector.broadcast %broadcast_in_dim3A_271 : i32 to vector<16xi32>
            %gather3A_273 = tpu.vector_load_idx %arg12[%broadcast_in_dim3A_272, %select_n3A_191] masked %and3A_184 : memref<32x1024xf32, #tpu.memory_space<vmem>>[vector<16xi32>, vector<16xi32>], vector<16xf32>, vector<16xi1>
            tpu.vector_store_idx %arg13[%sub3A_211, %broadcast_in_dim3A_272], %gather3A_273 masked %and3A_184 : memref<128x128xf32, #tpu.memory_space<vmem>>[vector<16xi32>, vector<16xi32>], vector<16xf32>, vector<16xi1>
            %broadcast_in_dim3A_274 = arith.constant 21 : i32
            %broadcast_in_dim3A_275 = vector.broadcast %broadcast_in_dim3A_274 : i32 to vector<16xi32>
            %gather3A_276 = tpu.vector_load_idx %arg12[%broadcast_in_dim3A_275, %select_n3A_191] masked %and3A_184 : memref<32x1024xf32, #tpu.memory_space<vmem>>[vector<16xi32>, vector<16xi32>], vector<16xf32>, vector<16xi1>
            tpu.vector_store_idx %arg13[%sub3A_211, %broadcast_in_dim3A_275], %gather3A_276 masked %and3A_184 : memref<128x128xf32, #tpu.memory_space<vmem>>[vector<16xi32>, vector<16xi32>], vector<16xf32>, vector<16xi1>
            %broadcast_in_dim3A_277 = arith.constant 22 : i32
            %broadcast_in_dim3A_278 = vector.broadcast %broadcast_in_dim3A_277 : i32 to vector<16xi32>
            %gather3A_279 = tpu.vector_load_idx %arg12[%broadcast_in_dim3A_278, %select_n3A_191] masked %and3A_184 : memref<32x1024xf32, #tpu.memory_space<vmem>>[vector<16xi32>, vector<16xi32>], vector<16xf32>, vector<16xi1>
            tpu.vector_store_idx %arg13[%sub3A_211, %broadcast_in_dim3A_278], %gather3A_279 masked %and3A_184 : memref<128x128xf32, #tpu.memory_space<vmem>>[vector<16xi32>, vector<16xi32>], vector<16xf32>, vector<16xi1>
            %broadcast_in_dim3A_280 = arith.constant 23 : i32
            %broadcast_in_dim3A_281 = vector.broadcast %broadcast_in_dim3A_280 : i32 to vector<16xi32>
            %gather3A_282 = tpu.vector_load_idx %arg12[%broadcast_in_dim3A_281, %select_n3A_191] masked %and3A_184 : memref<32x1024xf32, #tpu.memory_space<vmem>>[vector<16xi32>, vector<16xi32>], vector<16xf32>, vector<16xi1>
            tpu.vector_store_idx %arg13[%sub3A_211, %broadcast_in_dim3A_281], %gather3A_282 masked %and3A_184 : memref<128x128xf32, #tpu.memory_space<vmem>>[vector<16xi32>, vector<16xi32>], vector<16xf32>, vector<16xi1>
            %broadcast_in_dim3A_283 = arith.constant 24 : i32
            %broadcast_in_dim3A_284 = vector.broadcast %broadcast_in_dim3A_283 : i32 to vector<16xi32>
            %gather3A_285 = tpu.vector_load_idx %arg12[%broadcast_in_dim3A_284, %select_n3A_191] masked %and3A_184 : memref<32x1024xf32, #tpu.memory_space<vmem>>[vector<16xi32>, vector<16xi32>], vector<16xf32>, vector<16xi1>
            tpu.vector_store_idx %arg13[%sub3A_211, %broadcast_in_dim3A_284], %gather3A_285 masked %and3A_184 : memref<128x128xf32, #tpu.memory_space<vmem>>[vector<16xi32>, vector<16xi32>], vector<16xf32>, vector<16xi1>
            %broadcast_in_dim3A_286 = arith.constant 25 : i32
            %broadcast_in_dim3A_287 = vector.broadcast %broadcast_in_dim3A_286 : i32 to vector<16xi32>
            %gather3A_288 = tpu.vector_load_idx %arg12[%broadcast_in_dim3A_287, %select_n3A_191] masked %and3A_184 : memref<32x1024xf32, #tpu.memory_space<vmem>>[vector<16xi32>, vector<16xi32>], vector<16xf32>, vector<16xi1>
            tpu.vector_store_idx %arg13[%sub3A_211, %broadcast_in_dim3A_287], %gather3A_288 masked %and3A_184 : memref<128x128xf32, #tpu.memory_space<vmem>>[vector<16xi32>, vector<16xi32>], vector<16xf32>, vector<16xi1>
            %broadcast_in_dim3A_289 = arith.constant 26 : i32
            %broadcast_in_dim3A_290 = vector.broadcast %broadcast_in_dim3A_289 : i32 to vector<16xi32>
            %gather3A_291 = tpu.vector_load_idx %arg12[%broadcast_in_dim3A_290, %select_n3A_191] masked %and3A_184 : memref<32x1024xf32, #tpu.memory_space<vmem>>[vector<16xi32>, vector<16xi32>], vector<16xf32>, vector<16xi1>
            tpu.vector_store_idx %arg13[%sub3A_211, %broadcast_in_dim3A_290], %gather3A_291 masked %and3A_184 : memref<128x128xf32, #tpu.memory_space<vmem>>[vector<16xi32>, vector<16xi32>], vector<16xf32>, vector<16xi1>
            %broadcast_in_dim3A_292 = arith.constant 27 : i32
            %broadcast_in_dim3A_293 = vector.broadcast %broadcast_in_dim3A_292 : i32 to vector<16xi32>
            %gather3A_294 = tpu.vector_load_idx %arg12[%broadcast_in_dim3A_293, %select_n3A_191] masked %and3A_184 : memref<32x1024xf32, #tpu.memory_space<vmem>>[vector<16xi32>, vector<16xi32>], vector<16xf32>, vector<16xi1>
            tpu.vector_store_idx %arg13[%sub3A_211, %broadcast_in_dim3A_293], %gather3A_294 masked %and3A_184 : memref<128x128xf32, #tpu.memory_space<vmem>>[vector<16xi32>, vector<16xi32>], vector<16xf32>, vector<16xi1>
            %broadcast_in_dim3A_295 = arith.constant 28 : i32
            %broadcast_in_dim3A_296 = vector.broadcast %broadcast_in_dim3A_295 : i32 to vector<16xi32>
            %gather3A_297 = tpu.vector_load_idx %arg12[%broadcast_in_dim3A_296, %select_n3A_191] masked %and3A_184 : memref<32x1024xf32, #tpu.memory_space<vmem>>[vector<16xi32>, vector<16xi32>], vector<16xf32>, vector<16xi1>
            tpu.vector_store_idx %arg13[%sub3A_211, %broadcast_in_dim3A_296], %gather3A_297 masked %and3A_184 : memref<128x128xf32, #tpu.memory_space<vmem>>[vector<16xi32>, vector<16xi32>], vector<16xf32>, vector<16xi1>
            %broadcast_in_dim3A_298 = arith.constant 29 : i32
            %broadcast_in_dim3A_299 = vector.broadcast %broadcast_in_dim3A_298 : i32 to vector<16xi32>
            %gather3A_300 = tpu.vector_load_idx %arg12[%broadcast_in_dim3A_299, %select_n3A_191] masked %and3A_184 : memref<32x1024xf32, #tpu.memory_space<vmem>>[vector<16xi32>, vector<16xi32>], vector<16xf32>, vector<16xi1>
            tpu.vector_store_idx %arg13[%sub3A_211, %broadcast_in_dim3A_299], %gather3A_300 masked %and3A_184 : memref<128x128xf32, #tpu.memory_space<vmem>>[vector<16xi32>, vector<16xi32>], vector<16xf32>, vector<16xi1>
            %broadcast_in_dim3A_301 = arith.constant 30 : i32
            %broadcast_in_dim3A_302 = vector.broadcast %broadcast_in_dim3A_301 : i32 to vector<16xi32>
            %gather3A_303 = tpu.vector_load_idx %arg12[%broadcast_in_dim3A_302, %select_n3A_191] masked %and3A_184 : memref<32x1024xf32, #tpu.memory_space<vmem>>[vector<16xi32>, vector<16xi32>], vector<16xf32>, vector<16xi1>
            tpu.vector_store_idx %arg13[%sub3A_211, %broadcast_in_dim3A_302], %gather3A_303 masked %and3A_184 : memref<128x128xf32, #tpu.memory_space<vmem>>[vector<16xi32>, vector<16xi32>], vector<16xf32>, vector<16xi1>
            %broadcast_in_dim3A_304 = arith.constant 31 : i32
            %broadcast_in_dim3A_305 = vector.broadcast %broadcast_in_dim3A_304 : i32 to vector<16xi32>
            %gather3A_306 = tpu.vector_load_idx %arg12[%broadcast_in_dim3A_305, %select_n3A_191] masked %and3A_184 : memref<32x1024xf32, #tpu.memory_space<vmem>>[vector<16xi32>, vector<16xi32>], vector<16xf32>, vector<16xi1>
            tpu.vector_store_idx %arg13[%sub3A_211, %broadcast_in_dim3A_305], %gather3A_306 masked %and3A_184 : memref<128x128xf32, #tpu.memory_space<vmem>>[vector<16xi32>, vector<16xi32>], vector<16xf32>, vector<16xi1>
            tpu.vector_store_idx %arg14[%sub3A_211], %get3A_177 masked %and3A_184 : memref<128xi32, #tpu.memory_space<vmem>>[vector<16xi32>], vector<16xi32>, vector<16xi1>
          } else {
          }
          %add3A_197 = arith.addi %while3A_171, %reduce_sum3A_188 : i32
          %ge3A_198 = arith.constant 112 : i32
          %ge3A_199 = arith.cmpi sge, %add3A_197, %ge3A_198 : i32
          %convert_element_type3A_200 = arith.extui %ge3A_199 : i1 to i32
          %cond3A_201 = arith.constant 0 : i32
          %cond3A_202 = arith.cmpi ne, %convert_element_type3A_200, %cond3A_201 : i32
          scf.if %cond3A_202 {
            %dma_start3A_207 = arith.constant 0 : i32
            %dma_start3A_208 = arith.constant 0 : i32
            %dma_start3A_209 = tpu.memref_slice %arg6[%dma_start3A_207, %dma_start3A_208] : memref<16448x128xf32, #tpu.memory_space<hbm>> -> memref<16448x128xf32, #tpu.memory_space<hbm>>
            tpu.enqueue_indirect_dma source(%arg13 : memref<128x128xf32, #tpu.memory_space<vmem>>) target(%dma_start3A_209 : memref<16448x128xf32, #tpu.memory_space<hbm>>) offsets(%arg14 : memref<128xi32, #tpu.memory_space<vmem>>) semaphore(%arg16 : memref<!tpu.dma_semaphore, #tpu.memory_space<semaphore_mem>>)
            %dma_wait3A_210 = arith.constant 0 : i32
            %dma_wait3A_211 = arith.constant 0 : i32
            %dma_wait3A_212 = tpu.memref_slice %arg6[%dma_wait3A_210, %dma_wait3A_211] : memref<16448x128xf32, #tpu.memory_space<hbm>> -> memref<16448x128xf32, #tpu.memory_space<hbm>>
            tpu.wait_indirect_dma semaphore(%arg16 : memref<!tpu.dma_semaphore, #tpu.memory_space<semaphore_mem>>) src(%arg13 : memref<128x128xf32, #tpu.memory_space<vmem>>) dst(%dma_wait3A_212 : memref<16448x128xf32, #tpu.memory_space<hbm>>)
            %broadcast_in_dim3A_213 = arith.constant 16384 : i32
            %broadcast_in_dim3A_214 = vector.broadcast %broadcast_in_dim3A_213 : i32 to vector<16xi32>
            %swap3A_215 = arith.constant 0 : index
            %swap3A_216 = tpu.vector_load %arg14[%swap3A_215] {strides = array<i32>} : memref<128xi32, #tpu.memory_space<vmem>>, vector<16xi32>,
            tpu.vector_store %arg14[%swap3A_215], %broadcast_in_dim3A_214 {strides = array<i32>} : memref<128xi32, #tpu.memory_space<vmem>>, vector<16xi32>,
            %broadcast_in_dim3A_217 = arith.constant 16384 : i32
            %broadcast_in_dim3A_218 = vector.broadcast %broadcast_in_dim3A_217 : i32 to vector<16xi32>
            %swap3A_219 = arith.constant 16 : index
            %swap3A_220 = tpu.vector_load %arg14[%swap3A_219] {strides = array<i32>} : memref<128xi32, #tpu.memory_space<vmem>>, vector<16xi32>,
            tpu.vector_store %arg14[%swap3A_219], %broadcast_in_dim3A_218 {strides = array<i32>} : memref<128xi32, #tpu.memory_space<vmem>>, vector<16xi32>,
            %broadcast_in_dim3A_221 = arith.constant 16384 : i32
            %broadcast_in_dim3A_222 = vector.broadcast %broadcast_in_dim3A_221 : i32 to vector<16xi32>
            %swap3A_223 = arith.constant 32 : index
            %swap3A_224 = tpu.vector_load %arg14[%swap3A_223] {strides = array<i32>} : memref<128xi32, #tpu.memory_space<vmem>>, vector<16xi32>,
            tpu.vector_store %arg14[%swap3A_223], %broadcast_in_dim3A_222 {strides = array<i32>} : memref<128xi32, #tpu.memory_space<vmem>>, vector<16xi32>,
            %broadcast_in_dim3A_225 = arith.constant 16384 : i32
            %broadcast_in_dim3A_226 = vector.broadcast %broadcast_in_dim3A_225 : i32 to vector<16xi32>
            %swap3A_227 = arith.constant 48 : index
            %swap3A_228 = tpu.vector_load %arg14[%swap3A_227] {strides = array<i32>} : memref<128xi32, #tpu.memory_space<vmem>>, vector<16xi32>,
            tpu.vector_store %arg14[%swap3A_227], %broadcast_in_dim3A_226 {strides = array<i32>} : memref<128xi32, #tpu.memory_space<vmem>>, vector<16xi32>,
            %broadcast_in_dim3A_229 = arith.constant 16384 : i32
            %broadcast_in_dim3A_230 = vector.broadcast %broadcast_in_dim3A_229 : i32 to vector<16xi32>
            %swap3A_231 = arith.constant 64 : index
            %swap3A_232 = tpu.vector_load %arg14[%swap3A_231] {strides = array<i32>} : memref<128xi32, #tpu.memory_space<vmem>>, vector<16xi32>,
            tpu.vector_store %arg14[%swap3A_231], %broadcast_in_dim3A_230 {strides = array<i32>} : memref<128xi32, #tpu.memory_space<vmem>>, vector<16xi32>,
            %broadcast_in_dim3A_233 = arith.constant 16384 : i32
            %broadcast_in_dim3A_234 = vector.broadcast %broadcast_in_dim3A_233 : i32 to vector<16xi32>
            %swap3A_235 = arith.constant 80 : index
            %swap3A_236 = tpu.vector_load %arg14[%swap3A_235] {strides = array<i32>} : memref<128xi32, #tpu.memory_space<vmem>>, vector<16xi32>,
            tpu.vector_store %arg14[%swap3A_235], %broadcast_in_dim3A_234 {strides = array<i32>} : memref<128xi32, #tpu.memory_space<vmem>>, vector<16xi32>,
            %broadcast_in_dim3A_237 = arith.constant 16384 : i32
            %broadcast_in_dim3A_238 = vector.broadcast %broadcast_in_dim3A_237 : i32 to vector<16xi32>
            %swap3A_239 = arith.constant 96 : index
            %swap3A_240 = tpu.vector_load %arg14[%swap3A_239] {strides = array<i32>} : memref<128xi32, #tpu.memory_space<vmem>>, vector<16xi32>,
            tpu.vector_store %arg14[%swap3A_239], %broadcast_in_dim3A_238 {strides = array<i32>} : memref<128xi32, #tpu.memory_space<vmem>>, vector<16xi32>,
            %broadcast_in_dim3A_241 = arith.constant 16384 : i32
            %broadcast_in_dim3A_242 = vector.broadcast %broadcast_in_dim3A_241 : i32 to vector<16xi32>
            %swap3A_243 = arith.constant 112 : index
            %swap3A_244 = tpu.vector_load %arg14[%swap3A_243] {strides = array<i32>} : memref<128xi32, #tpu.memory_space<vmem>>, vector<16xi32>,
            tpu.vector_store %arg14[%swap3A_243], %broadcast_in_dim3A_242 {strides = array<i32>} : memref<128xi32, #tpu.memory_space<vmem>>, vector<16xi32>,
          } else {
          }
          %ge3A_203 = arith.constant 112 : i32
          %ge3A_204 = arith.cmpi sge, %add3A_197, %ge3A_203 : i32
          %jit3A_205 = arith.constant 0 : i32
          %select_n3A_206 = arith.select %ge3A_204, %jit3A_205, %add3A_197 : i32
          scf.yield %select_n3A_206 : i32
        }
        scf.yield %while3A_169 : i32
      }
      %scan3A_75 = arith.constant 30 : i32
      %add3A_76 = arith.constant 61440 : i32
      %add3A_77 = arith.addi %multiple_of3A, %add3A_76 : i32
      %multiple_of3A_78 = tpu.assume_multiple %add3A_77, 128 : i32
      %dma_wait3A = arith.constant 0 : i32
      %dma_wait3A_79 = tpu.memref_slice %arg2[%dma_wait3A, %multiple_of3A_78] : memref<32x1000000xf32, #tpu.memory_space<hbm>> -> memref<32x1024xf32, #tpu.memory_space<hbm>>
      %dma_wait3A_80 = arith.constant 0 : i32
      %dma_wait3A_81 = tpu.memref_slice %arg2[%dma_wait3A_80, %multiple_of3A_78] : memref<32x1000000xf32, #tpu.memory_space<hbm>> -> memref<32x1024xf32, #tpu.memory_space<hbm>>
      tpu.wait_dma2 semaphore(%arg15 : memref<!tpu.dma_semaphore, #tpu.memory_space<semaphore_mem>>) src(%dma_wait3A_81 : memref<32x1024xf32, #tpu.memory_space<hbm>>) dst(%arg11 : memref<32x1024xf32, #tpu.memory_space<vmem>>)
      %add3A_82 = arith.constant 61440 : i32
      %add3A_83 = arith.addi %multiple_of3A, %add3A_82 : i32
      %while3A = arith.constant 0 : i32
      %while3A_84 = arith.subi %select_n3A, %while3A : i32
      %while3A_85 = arith.addi %while3A, %while3A_84 : i32
      %while3A_86 = arith.constant 1 : i32
      %while3A_87 = arith.divsi %while3A_84, %while3A_86 : i32
      %while3A_88 = arith.muli %while3A_87, %while3A_86 : i32
      %while3A_89 = arith.addi %while3A, %while3A_88 : i32
      %while3A_90 = arith.constant 1 : i32
      %while3A_91 = scf.for %while3A_98 = %while3A to %while3A_89 step %while3A_90 iter_args(%while3A_99 = %scan3A_74) -> (i32)  : i32 {
        %mul3A_100 = arith.constant 16 : i32
        %mul3A_101 = arith.muli %while3A_98, %mul3A_100 : i32
        %multiple_of3A_102 = tpu.assume_multiple %mul3A_101, 16 : i32
        %get3A = arith.index_cast %multiple_of3A_102 : i32 to index
        %get3A_103 = tpu.vector_load %arg9[%get3A] {strides = array<i32>} : memref<2048xi32, #tpu.memory_space<vmem>>, vector<16xi32>,
        %get3A_104 = arith.index_cast %multiple_of3A_102 : i32 to index
        %get3A_105 = tpu.vector_load %arg10[%get3A_104] {strides = array<i32>} : memref<2048xi32, #tpu.memory_space<vmem>>, vector<16xi32>,
        %sub3A_106 = vector.broadcast %add3A_83 : i32 to vector<16xi32>
        %sub3A_107 = arith.subi %get3A_103, %sub3A_106 : vector<16xi32>
        %ge3A = arith.constant 0 : i32
        %ge3A_108 = vector.broadcast %ge3A : i32 to vector<16xi32>
        %ge3A_109 = arith.cmpi sge, %sub3A_107, %ge3A_108 : vector<16xi32>
        %lt3A = arith.constant 1024 : i32
        %lt3A_110 = vector.broadcast %lt3A : i32 to vector<16xi32>
        %lt3A_111 = arith.cmpi slt, %sub3A_107, %lt3A_110 : vector<16xi32>
        %and3A_112 = arith.andi %ge3A_109, %lt3A_111 : vector<16xi1>
        %convert_element_type3A_113 = arith.extui %and3A_112 : vector<16xi1> to vector<16xi32>
        %reduce_sum3A = arith.constant true
        %reduce_sum3A_114 = vector.broadcast %reduce_sum3A : i1 to vector<16xi1>
        %reduce_sum3A_115 = tpu.scan <sum>, %convert_element_type3A_113 masked %reduce_sum3A_114 : vector<16xi32>, vector<16xi1> -> vector<16xi32>
        %reduce_sum3A_116 = vector.extract %reduce_sum3A_115[15] : i32 from vector<16xi32>
        %jit3A_117 = arith.constant 0 : i32
        %broadcast_in_dim3A_118 = vector.broadcast %jit3A_117 : i32 to vector<16xi32>
        %select_n3A_119 = arith.select %and3A_112, %sub3A_107, %broadcast_in_dim3A_118 : vector<16xi1>, vector<16xi32>
        %gt3A_120 = arith.constant 0 : i32
        %gt3A_121 = arith.cmpi sgt, %reduce_sum3A_116, %gt3A_120 : i32
        %convert_element_type3A_122 = arith.extui %gt3A_121 : i1 to i32
        %cond3A_123 = arith.constant 0 : i32
        %cond3A_124 = arith.cmpi ne, %convert_element_type3A_122, %cond3A_123 : i32
        scf.if %cond3A_124 {
          %broadcast_in_dim3A_135 = arith.constant true
          %broadcast_in_dim3A_136 = vector.broadcast %broadcast_in_dim3A_135 : i1 to vector<16xi1>
          %masked_cumsum3A = tpu.scan <sum>, %convert_element_type3A_113 masked %broadcast_in_dim3A_136 : vector<16xi32>, vector<16xi1> -> vector<16xi32>
          %add3A_137 = vector.broadcast %while3A_99 : i32 to vector<16xi32>
          %add3A_138 = arith.addi %add3A_137, %masked_cumsum3A : vector<16xi32>
          %sub3A_139 = arith.subi %add3A_138, %convert_element_type3A_113 : vector<16xi32>
          %broadcast_in_dim3A_140 = arith.constant 0 : i32
          %broadcast_in_dim3A_141 = vector.broadcast %broadcast_in_dim3A_140 : i32 to vector<16xi32>
          %gather3A = tpu.vector_load_idx %arg11[%broadcast_in_dim3A_141, %select_n3A_119] masked %and3A_112 : memref<32x1024xf32, #tpu.memory_space<vmem>>[vector<16xi32>, vector<16xi32>], vector<16xf32>, vector<16xi1>
          tpu.vector_store_idx %arg13[%sub3A_139, %broadcast_in_dim3A_141], %gather3A masked %and3A_112 : memref<128x128xf32, #tpu.memory_space<vmem>>[vector<16xi32>, vector<16xi32>], vector<16xf32>, vector<16xi1>
          %broadcast_in_dim3A_142 = arith.constant 1 : i32
          %broadcast_in_dim3A_143 = vector.broadcast %broadcast_in_dim3A_142 : i32 to vector<16xi32>
          %gather3A_144 = tpu.vector_load_idx %arg11[%broadcast_in_dim3A_143, %select_n3A_119] masked %and3A_112 : memref<32x1024xf32, #tpu.memory_space<vmem>>[vector<16xi32>, vector<16xi32>], vector<16xf32>, vector<16xi1>
          tpu.vector_store_idx %arg13[%sub3A_139, %broadcast_in_dim3A_143], %gather3A_144 masked %and3A_112 : memref<128x128xf32, #tpu.memory_space<vmem>>[vector<16xi32>, vector<16xi32>], vector<16xf32>, vector<16xi1>
          %broadcast_in_dim3A_145 = arith.constant 2 : i32
          %broadcast_in_dim3A_146 = vector.broadcast %broadcast_in_dim3A_145 : i32 to vector<16xi32>
          %gather3A_147 = tpu.vector_load_idx %arg11[%broadcast_in_dim3A_146, %select_n3A_119] masked %and3A_112 : memref<32x1024xf32, #tpu.memory_space<vmem>>[vector<16xi32>, vector<16xi32>], vector<16xf32>, vector<16xi1>
          tpu.vector_store_idx %arg13[%sub3A_139, %broadcast_in_dim3A_146], %gather3A_147 masked %and3A_112 : memref<128x128xf32, #tpu.memory_space<vmem>>[vector<16xi32>, vector<16xi32>], vector<16xf32>, vector<16xi1>
          %broadcast_in_dim3A_148 = arith.constant 3 : i32
          %broadcast_in_dim3A_149 = vector.broadcast %broadcast_in_dim3A_148 : i32 to vector<16xi32>
          %gather3A_150 = tpu.vector_load_idx %arg11[%broadcast_in_dim3A_149, %select_n3A_119] masked %and3A_112 : memref<32x1024xf32, #tpu.memory_space<vmem>>[vector<16xi32>, vector<16xi32>], vector<16xf32>, vector<16xi1>
          tpu.vector_store_idx %arg13[%sub3A_139, %broadcast_in_dim3A_149], %gather3A_150 masked %and3A_112 : memref<128x128xf32, #tpu.memory_space<vmem>>[vector<16xi32>, vector<16xi32>], vector<16xf32>, vector<16xi1>
          %broadcast_in_dim3A_151 = arith.constant 4 : i32
          %broadcast_in_dim3A_152 = vector.broadcast %broadcast_in_dim3A_151 : i32 to vector<16xi32>
          %gather3A_153 = tpu.vector_load_idx %arg11[%broadcast_in_dim3A_152, %select_n3A_119] masked %and3A_112 : memref<32x1024xf32, #tpu.memory_space<vmem>>[vector<16xi32>, vector<16xi32>], vector<16xf32>, vector<16xi1>
          tpu.vector_store_idx %arg13[%sub3A_139, %broadcast_in_dim3A_152], %gather3A_153 masked %and3A_112 : memref<128x128xf32, #tpu.memory_space<vmem>>[vector<16xi32>, vector<16xi32>], vector<16xf32>, vector<16xi1>
          %broadcast_in_dim3A_154 = arith.constant 5 : i32
          %broadcast_in_dim3A_155 = vector.broadcast %broadcast_in_dim3A_154 : i32 to vector<16xi32>
          %gather3A_156 = tpu.vector_load_idx %arg11[%broadcast_in_dim3A_155, %select_n3A_119] masked %and3A_112 : memref<32x1024xf32, #tpu.memory_space<vmem>>[vector<16xi32>, vector<16xi32>], vector<16xf32>, vector<16xi1>
          tpu.vector_store_idx %arg13[%sub3A_139, %broadcast_in_dim3A_155], %gather3A_156 masked %and3A_112 : memref<128x128xf32, #tpu.memory_space<vmem>>[vector<16xi32>, vector<16xi32>], vector<16xf32>, vector<16xi1>
          %broadcast_in_dim3A_157 = arith.constant 6 : i32
          %broadcast_in_dim3A_158 = vector.broadcast %broadcast_in_dim3A_157 : i32 to vector<16xi32>
          %gather3A_159 = tpu.vector_load_idx %arg11[%broadcast_in_dim3A_158, %select_n3A_119] masked %and3A_112 : memref<32x1024xf32, #tpu.memory_space<vmem>>[vector<16xi32>, vector<16xi32>], vector<16xf32>, vector<16xi1>
          tpu.vector_store_idx %arg13[%sub3A_139, %broadcast_in_dim3A_158], %gather3A_159 masked %and3A_112 : memref<128x128xf32, #tpu.memory_space<vmem>>[vector<16xi32>, vector<16xi32>], vector<16xf32>, vector<16xi1>
          %broadcast_in_dim3A_160 = arith.constant 7 : i32
          %broadcast_in_dim3A_161 = vector.broadcast %broadcast_in_dim3A_160 : i32 to vector<16xi32>
          %gather3A_162 = tpu.vector_load_idx %arg11[%broadcast_in_dim3A_161, %select_n3A_119] masked %and3A_112 : memref<32x1024xf32, #tpu.memory_space<vmem>>[vector<16xi32>, vector<16xi32>], vector<16xf32>, vector<16xi1>
          tpu.vector_store_idx %arg13[%sub3A_139, %broadcast_in_dim3A_161], %gather3A_162 masked %and3A_112 : memref<128x128xf32, #tpu.memory_space<vmem>>[vector<16xi32>, vector<16xi32>], vector<16xf32>, vector<16xi1>
          %broadcast_in_dim3A_163 = arith.constant 8 : i32
          %broadcast_in_dim3A_164 = vector.broadcast %broadcast_in_dim3A_163 : i32 to vector<16xi32>
          %gather3A_165 = tpu.vector_load_idx %arg11[%broadcast_in_dim3A_164, %select_n3A_119] masked %and3A_112 : memref<32x1024xf32, #tpu.memory_space<vmem>>[vector<16xi32>, vector<16xi32>], vector<16xf32>, vector<16xi1>
          tpu.vector_store_idx %arg13[%sub3A_139, %broadcast_in_dim3A_164], %gather3A_165 masked %and3A_112 : memref<128x128xf32, #tpu.memory_space<vmem>>[vector<16xi32>, vector<16xi32>], vector<16xf32>, vector<16xi1>
          %broadcast_in_dim3A_166 = arith.constant 9 : i32
          %broadcast_in_dim3A_167 = vector.broadcast %broadcast_in_dim3A_166 : i32 to vector<16xi32>
          %gather3A_168 = tpu.vector_load_idx %arg11[%broadcast_in_dim3A_167, %select_n3A_119] masked %and3A_112 : memref<32x1024xf32, #tpu.memory_space<vmem>>[vector<16xi32>, vector<16xi32>], vector<16xf32>, vector<16xi1>
          tpu.vector_store_idx %arg13[%sub3A_139, %broadcast_in_dim3A_167], %gather3A_168 masked %and3A_112 : memref<128x128xf32, #tpu.memory_space<vmem>>[vector<16xi32>, vector<16xi32>], vector<16xf32>, vector<16xi1>
          %broadcast_in_dim3A_169 = arith.constant 10 : i32
          %broadcast_in_dim3A_170 = vector.broadcast %broadcast_in_dim3A_169 : i32 to vector<16xi32>
          %gather3A_171 = tpu.vector_load_idx %arg11[%broadcast_in_dim3A_170, %select_n3A_119] masked %and3A_112 : memref<32x1024xf32, #tpu.memory_space<vmem>>[vector<16xi32>, vector<16xi32>], vector<16xf32>, vector<16xi1>
          tpu.vector_store_idx %arg13[%sub3A_139, %broadcast_in_dim3A_170], %gather3A_171 masked %and3A_112 : memref<128x128xf32, #tpu.memory_space<vmem>>[vector<16xi32>, vector<16xi32>], vector<16xf32>, vector<16xi1>
          %broadcast_in_dim3A_172 = arith.constant 11 : i32
          %broadcast_in_dim3A_173 = vector.broadcast %broadcast_in_dim3A_172 : i32 to vector<16xi32>
          %gather3A_174 = tpu.vector_load_idx %arg11[%broadcast_in_dim3A_173, %select_n3A_119] masked %and3A_112 : memref<32x1024xf32, #tpu.memory_space<vmem>>[vector<16xi32>, vector<16xi32>], vector<16xf32>, vector<16xi1>
          tpu.vector_store_idx %arg13[%sub3A_139, %broadcast_in_dim3A_173], %gather3A_174 masked %and3A_112 : memref<128x128xf32, #tpu.memory_space<vmem>>[vector<16xi32>, vector<16xi32>], vector<16xf32>, vector<16xi1>
          %broadcast_in_dim3A_175 = arith.constant 12 : i32
          %broadcast_in_dim3A_176 = vector.broadcast %broadcast_in_dim3A_175 : i32 to vector<16xi32>
          %gather3A_177 = tpu.vector_load_idx %arg11[%broadcast_in_dim3A_176, %select_n3A_119] masked %and3A_112 : memref<32x1024xf32, #tpu.memory_space<vmem>>[vector<16xi32>, vector<16xi32>], vector<16xf32>, vector<16xi1>
          tpu.vector_store_idx %arg13[%sub3A_139, %broadcast_in_dim3A_176], %gather3A_177 masked %and3A_112 : memref<128x128xf32, #tpu.memory_space<vmem>>[vector<16xi32>, vector<16xi32>], vector<16xf32>, vector<16xi1>
          %broadcast_in_dim3A_178 = arith.constant 13 : i32
          %broadcast_in_dim3A_179 = vector.broadcast %broadcast_in_dim3A_178 : i32 to vector<16xi32>
          %gather3A_180 = tpu.vector_load_idx %arg11[%broadcast_in_dim3A_179, %select_n3A_119] masked %and3A_112 : memref<32x1024xf32, #tpu.memory_space<vmem>>[vector<16xi32>, vector<16xi32>], vector<16xf32>, vector<16xi1>
          tpu.vector_store_idx %arg13[%sub3A_139, %broadcast_in_dim3A_179], %gather3A_180 masked %and3A_112 : memref<128x128xf32, #tpu.memory_space<vmem>>[vector<16xi32>, vector<16xi32>], vector<16xf32>, vector<16xi1>
          %broadcast_in_dim3A_181 = arith.constant 14 : i32
          %broadcast_in_dim3A_182 = vector.broadcast %broadcast_in_dim3A_181 : i32 to vector<16xi32>
          %gather3A_183 = tpu.vector_load_idx %arg11[%broadcast_in_dim3A_182, %select_n3A_119] masked %and3A_112 : memref<32x1024xf32, #tpu.memory_space<vmem>>[vector<16xi32>, vector<16xi32>], vector<16xf32>, vector<16xi1>
          tpu.vector_store_idx %arg13[%sub3A_139, %broadcast_in_dim3A_182], %gather3A_183 masked %and3A_112 : memref<128x128xf32, #tpu.memory_space<vmem>>[vector<16xi32>, vector<16xi32>], vector<16xf32>, vector<16xi1>
          %broadcast_in_dim3A_184 = arith.constant 15 : i32
          %broadcast_in_dim3A_185 = vector.broadcast %broadcast_in_dim3A_184 : i32 to vector<16xi32>
          %gather3A_186 = tpu.vector_load_idx %arg11[%broadcast_in_dim3A_185, %select_n3A_119] masked %and3A_112 : memref<32x1024xf32, #tpu.memory_space<vmem>>[vector<16xi32>, vector<16xi32>], vector<16xf32>, vector<16xi1>
          tpu.vector_store_idx %arg13[%sub3A_139, %broadcast_in_dim3A_185], %gather3A_186 masked %and3A_112 : memref<128x128xf32, #tpu.memory_space<vmem>>[vector<16xi32>, vector<16xi32>], vector<16xf32>, vector<16xi1>
          %broadcast_in_dim3A_187 = arith.constant 16 : i32
          %broadcast_in_dim3A_188 = vector.broadcast %broadcast_in_dim3A_187 : i32 to vector<16xi32>
          %gather3A_189 = tpu.vector_load_idx %arg11[%broadcast_in_dim3A_188, %select_n3A_119] masked %and3A_112 : memref<32x1024xf32, #tpu.memory_space<vmem>>[vector<16xi32>, vector<16xi32>], vector<16xf32>, vector<16xi1>
          tpu.vector_store_idx %arg13[%sub3A_139, %broadcast_in_dim3A_188], %gather3A_189 masked %and3A_112 : memref<128x128xf32, #tpu.memory_space<vmem>>[vector<16xi32>, vector<16xi32>], vector<16xf32>, vector<16xi1>
          %broadcast_in_dim3A_190 = arith.constant 17 : i32
          %broadcast_in_dim3A_191 = vector.broadcast %broadcast_in_dim3A_190 : i32 to vector<16xi32>
          %gather3A_192 = tpu.vector_load_idx %arg11[%broadcast_in_dim3A_191, %select_n3A_119] masked %and3A_112 : memref<32x1024xf32, #tpu.memory_space<vmem>>[vector<16xi32>, vector<16xi32>], vector<16xf32>, vector<16xi1>
          tpu.vector_store_idx %arg13[%sub3A_139, %broadcast_in_dim3A_191], %gather3A_192 masked %and3A_112 : memref<128x128xf32, #tpu.memory_space<vmem>>[vector<16xi32>, vector<16xi32>], vector<16xf32>, vector<16xi1>
          %broadcast_in_dim3A_193 = arith.constant 18 : i32
          %broadcast_in_dim3A_194 = vector.broadcast %broadcast_in_dim3A_193 : i32 to vector<16xi32>
          %gather3A_195 = tpu.vector_load_idx %arg11[%broadcast_in_dim3A_194, %select_n3A_119] masked %and3A_112 : memref<32x1024xf32, #tpu.memory_space<vmem>>[vector<16xi32>, vector<16xi32>], vector<16xf32>, vector<16xi1>
          tpu.vector_store_idx %arg13[%sub3A_139, %broadcast_in_dim3A_194], %gather3A_195 masked %and3A_112 : memref<128x128xf32, #tpu.memory_space<vmem>>[vector<16xi32>, vector<16xi32>], vector<16xf32>, vector<16xi1>
          %broadcast_in_dim3A_196 = arith.constant 19 : i32
          %broadcast_in_dim3A_197 = vector.broadcast %broadcast_in_dim3A_196 : i32 to vector<16xi32>
          %gather3A_198 = tpu.vector_load_idx %arg11[%broadcast_in_dim3A_197, %select_n3A_119] masked %and3A_112 : memref<32x1024xf32, #tpu.memory_space<vmem>>[vector<16xi32>, vector<16xi32>], vector<16xf32>, vector<16xi1>
          tpu.vector_store_idx %arg13[%sub3A_139, %broadcast_in_dim3A_197], %gather3A_198 masked %and3A_112 : memref<128x128xf32, #tpu.memory_space<vmem>>[vector<16xi32>, vector<16xi32>], vector<16xf32>, vector<16xi1>
          %broadcast_in_dim3A_199 = arith.constant 20 : i32
          %broadcast_in_dim3A_200 = vector.broadcast %broadcast_in_dim3A_199 : i32 to vector<16xi32>
          %gather3A_201 = tpu.vector_load_idx %arg11[%broadcast_in_dim3A_200, %select_n3A_119] masked %and3A_112 : memref<32x1024xf32, #tpu.memory_space<vmem>>[vector<16xi32>, vector<16xi32>], vector<16xf32>, vector<16xi1>
          tpu.vector_store_idx %arg13[%sub3A_139, %broadcast_in_dim3A_200], %gather3A_201 masked %and3A_112 : memref<128x128xf32, #tpu.memory_space<vmem>>[vector<16xi32>, vector<16xi32>], vector<16xf32>, vector<16xi1>
          %broadcast_in_dim3A_202 = arith.constant 21 : i32
          %broadcast_in_dim3A_203 = vector.broadcast %broadcast_in_dim3A_202 : i32 to vector<16xi32>
          %gather3A_204 = tpu.vector_load_idx %arg11[%broadcast_in_dim3A_203, %select_n3A_119] masked %and3A_112 : memref<32x1024xf32, #tpu.memory_space<vmem>>[vector<16xi32>, vector<16xi32>], vector<16xf32>, vector<16xi1>
          tpu.vector_store_idx %arg13[%sub3A_139, %broadcast_in_dim3A_203], %gather3A_204 masked %and3A_112 : memref<128x128xf32, #tpu.memory_space<vmem>>[vector<16xi32>, vector<16xi32>], vector<16xf32>, vector<16xi1>
          %broadcast_in_dim3A_205 = arith.constant 22 : i32
          %broadcast_in_dim3A_206 = vector.broadcast %broadcast_in_dim3A_205 : i32 to vector<16xi32>
          %gather3A_207 = tpu.vector_load_idx %arg11[%broadcast_in_dim3A_206, %select_n3A_119] masked %and3A_112 : memref<32x1024xf32, #tpu.memory_space<vmem>>[vector<16xi32>, vector<16xi32>], vector<16xf32>, vector<16xi1>
          tpu.vector_store_idx %arg13[%sub3A_139, %broadcast_in_dim3A_206], %gather3A_207 masked %and3A_112 : memref<128x128xf32, #tpu.memory_space<vmem>>[vector<16xi32>, vector<16xi32>], vector<16xf32>, vector<16xi1>
          %broadcast_in_dim3A_208 = arith.constant 23 : i32
          %broadcast_in_dim3A_209 = vector.broadcast %broadcast_in_dim3A_208 : i32 to vector<16xi32>
          %gather3A_210 = tpu.vector_load_idx %arg11[%broadcast_in_dim3A_209, %select_n3A_119] masked %and3A_112 : memref<32x1024xf32, #tpu.memory_space<vmem>>[vector<16xi32>, vector<16xi32>], vector<16xf32>, vector<16xi1>
          tpu.vector_store_idx %arg13[%sub3A_139, %broadcast_in_dim3A_209], %gather3A_210 masked %and3A_112 : memref<128x128xf32, #tpu.memory_space<vmem>>[vector<16xi32>, vector<16xi32>], vector<16xf32>, vector<16xi1>
          %broadcast_in_dim3A_211 = arith.constant 24 : i32
          %broadcast_in_dim3A_212 = vector.broadcast %broadcast_in_dim3A_211 : i32 to vector<16xi32>
          %gather3A_213 = tpu.vector_load_idx %arg11[%broadcast_in_dim3A_212, %select_n3A_119] masked %and3A_112 : memref<32x1024xf32, #tpu.memory_space<vmem>>[vector<16xi32>, vector<16xi32>], vector<16xf32>, vector<16xi1>
          tpu.vector_store_idx %arg13[%sub3A_139, %broadcast_in_dim3A_212], %gather3A_213 masked %and3A_112 : memref<128x128xf32, #tpu.memory_space<vmem>>[vector<16xi32>, vector<16xi32>], vector<16xf32>, vector<16xi1>
          %broadcast_in_dim3A_214 = arith.constant 25 : i32
          %broadcast_in_dim3A_215 = vector.broadcast %broadcast_in_dim3A_214 : i32 to vector<16xi32>
          %gather3A_216 = tpu.vector_load_idx %arg11[%broadcast_in_dim3A_215, %select_n3A_119] masked %and3A_112 : memref<32x1024xf32, #tpu.memory_space<vmem>>[vector<16xi32>, vector<16xi32>], vector<16xf32>, vector<16xi1>
          tpu.vector_store_idx %arg13[%sub3A_139, %broadcast_in_dim3A_215], %gather3A_216 masked %and3A_112 : memref<128x128xf32, #tpu.memory_space<vmem>>[vector<16xi32>, vector<16xi32>], vector<16xf32>, vector<16xi1>
          %broadcast_in_dim3A_217 = arith.constant 26 : i32
          %broadcast_in_dim3A_218 = vector.broadcast %broadcast_in_dim3A_217 : i32 to vector<16xi32>
          %gather3A_219 = tpu.vector_load_idx %arg11[%broadcast_in_dim3A_218, %select_n3A_119] masked %and3A_112 : memref<32x1024xf32, #tpu.memory_space<vmem>>[vector<16xi32>, vector<16xi32>], vector<16xf32>, vector<16xi1>
          tpu.vector_store_idx %arg13[%sub3A_139, %broadcast_in_dim3A_218], %gather3A_219 masked %and3A_112 : memref<128x128xf32, #tpu.memory_space<vmem>>[vector<16xi32>, vector<16xi32>], vector<16xf32>, vector<16xi1>
          %broadcast_in_dim3A_220 = arith.constant 27 : i32
          %broadcast_in_dim3A_221 = vector.broadcast %broadcast_in_dim3A_220 : i32 to vector<16xi32>
          %gather3A_222 = tpu.vector_load_idx %arg11[%broadcast_in_dim3A_221, %select_n3A_119] masked %and3A_112 : memref<32x1024xf32, #tpu.memory_space<vmem>>[vector<16xi32>, vector<16xi32>], vector<16xf32>, vector<16xi1>
          tpu.vector_store_idx %arg13[%sub3A_139, %broadcast_in_dim3A_221], %gather3A_222 masked %and3A_112 : memref<128x128xf32, #tpu.memory_space<vmem>>[vector<16xi32>, vector<16xi32>], vector<16xf32>, vector<16xi1>
          %broadcast_in_dim3A_223 = arith.constant 28 : i32
          %broadcast_in_dim3A_224 = vector.broadcast %broadcast_in_dim3A_223 : i32 to vector<16xi32>
          %gather3A_225 = tpu.vector_load_idx %arg11[%broadcast_in_dim3A_224, %select_n3A_119] masked %and3A_112 : memref<32x1024xf32, #tpu.memory_space<vmem>>[vector<16xi32>, vector<16xi32>], vector<16xf32>, vector<16xi1>
          tpu.vector_store_idx %arg13[%sub3A_139, %broadcast_in_dim3A_224], %gather3A_225 masked %and3A_112 : memref<128x128xf32, #tpu.memory_space<vmem>>[vector<16xi32>, vector<16xi32>], vector<16xf32>, vector<16xi1>
          %broadcast_in_dim3A_226 = arith.constant 29 : i32
          %broadcast_in_dim3A_227 = vector.broadcast %broadcast_in_dim3A_226 : i32 to vector<16xi32>
          %gather3A_228 = tpu.vector_load_idx %arg11[%broadcast_in_dim3A_227, %select_n3A_119] masked %and3A_112 : memref<32x1024xf32, #tpu.memory_space<vmem>>[vector<16xi32>, vector<16xi32>], vector<16xf32>, vector<16xi1>
          tpu.vector_store_idx %arg13[%sub3A_139, %broadcast_in_dim3A_227], %gather3A_228 masked %and3A_112 : memref<128x128xf32, #tpu.memory_space<vmem>>[vector<16xi32>, vector<16xi32>], vector<16xf32>, vector<16xi1>
          %broadcast_in_dim3A_229 = arith.constant 30 : i32
          %broadcast_in_dim3A_230 = vector.broadcast %broadcast_in_dim3A_229 : i32 to vector<16xi32>
          %gather3A_231 = tpu.vector_load_idx %arg11[%broadcast_in_dim3A_230, %select_n3A_119] masked %and3A_112 : memref<32x1024xf32, #tpu.memory_space<vmem>>[vector<16xi32>, vector<16xi32>], vector<16xf32>, vector<16xi1>
          tpu.vector_store_idx %arg13[%sub3A_139, %broadcast_in_dim3A_230], %gather3A_231 masked %and3A_112 : memref<128x128xf32, #tpu.memory_space<vmem>>[vector<16xi32>, vector<16xi32>], vector<16xf32>, vector<16xi1>
          %broadcast_in_dim3A_232 = arith.constant 31 : i32
          %broadcast_in_dim3A_233 = vector.broadcast %broadcast_in_dim3A_232 : i32 to vector<16xi32>
          %gather3A_234 = tpu.vector_load_idx %arg11[%broadcast_in_dim3A_233, %select_n3A_119] masked %and3A_112 : memref<32x1024xf32, #tpu.memory_space<vmem>>[vector<16xi32>, vector<16xi32>], vector<16xf32>, vector<16xi1>
          tpu.vector_store_idx %arg13[%sub3A_139, %broadcast_in_dim3A_233], %gather3A_234 masked %and3A_112 : memref<128x128xf32, #tpu.memory_space<vmem>>[vector<16xi32>, vector<16xi32>], vector<16xf32>, vector<16xi1>
          tpu.vector_store_idx %arg14[%sub3A_139], %get3A_105 masked %and3A_112 : memref<128xi32, #tpu.memory_space<vmem>>[vector<16xi32>], vector<16xi32>, vector<16xi1>
        } else {
        }
        %add3A_125 = arith.addi %while3A_99, %reduce_sum3A_116 : i32
        %ge3A_126 = arith.constant 112 : i32
        %ge3A_127 = arith.cmpi sge, %add3A_125, %ge3A_126 : i32
        %convert_element_type3A_128 = arith.extui %ge3A_127 : i1 to i32
        %cond3A_129 = arith.constant 0 : i32
        %cond3A_130 = arith.cmpi ne, %convert_element_type3A_128, %cond3A_129 : i32
        scf.if %cond3A_130 {
          %dma_start3A_135 = arith.constant 0 : i32
          %dma_start3A_136 = arith.constant 0 : i32
          %dma_start3A_137 = tpu.memref_slice %arg6[%dma_start3A_135, %dma_start3A_136] : memref<16448x128xf32, #tpu.memory_space<hbm>> -> memref<16448x128xf32, #tpu.memory_space<hbm>>
          tpu.enqueue_indirect_dma source(%arg13 : memref<128x128xf32, #tpu.memory_space<vmem>>) target(%dma_start3A_137 : memref<16448x128xf32, #tpu.memory_space<hbm>>) offsets(%arg14 : memref<128xi32, #tpu.memory_space<vmem>>) semaphore(%arg16 : memref<!tpu.dma_semaphore, #tpu.memory_space<semaphore_mem>>)
          %dma_wait3A_138 = arith.constant 0 : i32
          %dma_wait3A_139 = arith.constant 0 : i32
          %dma_wait3A_140 = tpu.memref_slice %arg6[%dma_wait3A_138, %dma_wait3A_139] : memref<16448x128xf32, #tpu.memory_space<hbm>> -> memref<16448x128xf32, #tpu.memory_space<hbm>>
          tpu.wait_indirect_dma semaphore(%arg16 : memref<!tpu.dma_semaphore, #tpu.memory_space<semaphore_mem>>) src(%arg13 : memref<128x128xf32, #tpu.memory_space<vmem>>) dst(%dma_wait3A_140 : memref<16448x128xf32, #tpu.memory_space<hbm>>)
          %broadcast_in_dim3A_141 = arith.constant 16384 : i32
          %broadcast_in_dim3A_142 = vector.broadcast %broadcast_in_dim3A_141 : i32 to vector<16xi32>
          %swap3A_143 = arith.constant 0 : index
          %swap3A_144 = tpu.vector_load %arg14[%swap3A_143] {strides = array<i32>} : memref<128xi32, #tpu.memory_space<vmem>>, vector<16xi32>,
          tpu.vector_store %arg14[%swap3A_143], %broadcast_in_dim3A_142 {strides = array<i32>} : memref<128xi32, #tpu.memory_space<vmem>>, vector<16xi32>,
          %broadcast_in_dim3A_145 = arith.constant 16384 : i32
          %broadcast_in_dim3A_146 = vector.broadcast %broadcast_in_dim3A_145 : i32 to vector<16xi32>
          %swap3A_147 = arith.constant 16 : index
          %swap3A_148 = tpu.vector_load %arg14[%swap3A_147] {strides = array<i32>} : memref<128xi32, #tpu.memory_space<vmem>>, vector<16xi32>,
          tpu.vector_store %arg14[%swap3A_147], %broadcast_in_dim3A_146 {strides = array<i32>} : memref<128xi32, #tpu.memory_space<vmem>>, vector<16xi32>,
          %broadcast_in_dim3A_149 = arith.constant 16384 : i32
          %broadcast_in_dim3A_150 = vector.broadcast %broadcast_in_dim3A_149 : i32 to vector<16xi32>
          %swap3A_151 = arith.constant 32 : index
          %swap3A_152 = tpu.vector_load %arg14[%swap3A_151] {strides = array<i32>} : memref<128xi32, #tpu.memory_space<vmem>>, vector<16xi32>,
          tpu.vector_store %arg14[%swap3A_151], %broadcast_in_dim3A_150 {strides = array<i32>} : memref<128xi32, #tpu.memory_space<vmem>>, vector<16xi32>,
          %broadcast_in_dim3A_153 = arith.constant 16384 : i32
          %broadcast_in_dim3A_154 = vector.broadcast %broadcast_in_dim3A_153 : i32 to vector<16xi32>
          %swap3A_155 = arith.constant 48 : index
          %swap3A_156 = tpu.vector_load %arg14[%swap3A_155] {strides = array<i32>} : memref<128xi32, #tpu.memory_space<vmem>>, vector<16xi32>,
          tpu.vector_store %arg14[%swap3A_155], %broadcast_in_dim3A_154 {strides = array<i32>} : memref<128xi32, #tpu.memory_space<vmem>>, vector<16xi32>,
          %broadcast_in_dim3A_157 = arith.constant 16384 : i32
          %broadcast_in_dim3A_158 = vector.broadcast %broadcast_in_dim3A_157 : i32 to vector<16xi32>
          %swap3A_159 = arith.constant 64 : index
          %swap3A_160 = tpu.vector_load %arg14[%swap3A_159] {strides = array<i32>} : memref<128xi32, #tpu.memory_space<vmem>>, vector<16xi32>,
          tpu.vector_store %arg14[%swap3A_159], %broadcast_in_dim3A_158 {strides = array<i32>} : memref<128xi32, #tpu.memory_space<vmem>>, vector<16xi32>,
          %broadcast_in_dim3A_161 = arith.constant 16384 : i32
          %broadcast_in_dim3A_162 = vector.broadcast %broadcast_in_dim3A_161 : i32 to vector<16xi32>
          %swap3A_163 = arith.constant 80 : index
          %swap3A_164 = tpu.vector_load %arg14[%swap3A_163] {strides = array<i32>} : memref<128xi32, #tpu.memory_space<vmem>>, vector<16xi32>,
          tpu.vector_store %arg14[%swap3A_163], %broadcast_in_dim3A_162 {strides = array<i32>} : memref<128xi32, #tpu.memory_space<vmem>>, vector<16xi32>,
          %broadcast_in_dim3A_165 = arith.constant 16384 : i32
          %broadcast_in_dim3A_166 = vector.broadcast %broadcast_in_dim3A_165 : i32 to vector<16xi32>
          %swap3A_167 = arith.constant 96 : index
          %swap3A_168 = tpu.vector_load %arg14[%swap3A_167] {strides = array<i32>} : memref<128xi32, #tpu.memory_space<vmem>>, vector<16xi32>,
          tpu.vector_store %arg14[%swap3A_167], %broadcast_in_dim3A_166 {strides = array<i32>} : memref<128xi32, #tpu.memory_space<vmem>>, vector<16xi32>,
          %broadcast_in_dim3A_169 = arith.constant 16384 : i32
          %broadcast_in_dim3A_170 = vector.broadcast %broadcast_in_dim3A_169 : i32 to vector<16xi32>
          %swap3A_171 = arith.constant 112 : index
          %swap3A_172 = tpu.vector_load %arg14[%swap3A_171] {strides = array<i32>} : memref<128xi32, #tpu.memory_space<vmem>>, vector<16xi32>,
          tpu.vector_store %arg14[%swap3A_171], %broadcast_in_dim3A_170 {strides = array<i32>} : memref<128xi32, #tpu.memory_space<vmem>>, vector<16xi32>,
        } else {
        }
        %ge3A_131 = arith.constant 112 : i32
        %ge3A_132 = arith.cmpi sge, %add3A_125, %ge3A_131 : i32
        %jit3A_133 = arith.constant 0 : i32
        %select_n3A_134 = arith.select %ge3A_132, %jit3A_133, %add3A_125 : i32
        scf.yield %select_n3A_134 : i32
      }
      %while3A_92 = arith.constant 1 : i32
      %while3A_93 = scf.for %while3A_98 = %while3A_89 to %while3A_85 step %while3A_92 iter_args(%while3A_99 = %while3A_91) -> (i32)  : i32 {
        %mul3A_100 = arith.constant 16 : i32
        %mul3A_101 = arith.muli %while3A_98, %mul3A_100 : i32
        %multiple_of3A_102 = tpu.assume_multiple %mul3A_101, 16 : i32
        %get3A = arith.index_cast %multiple_of3A_102 : i32 to index
        %get3A_103 = tpu.vector_load %arg9[%get3A] {strides = array<i32>} : memref<2048xi32, #tpu.memory_space<vmem>>, vector<16xi32>,
        %get3A_104 = arith.index_cast %multiple_of3A_102 : i32 to index
        %get3A_105 = tpu.vector_load %arg10[%get3A_104] {strides = array<i32>} : memref<2048xi32, #tpu.memory_space<vmem>>, vector<16xi32>,
        %sub3A_106 = vector.broadcast %add3A_83 : i32 to vector<16xi32>
        %sub3A_107 = arith.subi %get3A_103, %sub3A_106 : vector<16xi32>
        %ge3A = arith.constant 0 : i32
        %ge3A_108 = vector.broadcast %ge3A : i32 to vector<16xi32>
        %ge3A_109 = arith.cmpi sge, %sub3A_107, %ge3A_108 : vector<16xi32>
        %lt3A = arith.constant 1024 : i32
        %lt3A_110 = vector.broadcast %lt3A : i32 to vector<16xi32>
        %lt3A_111 = arith.cmpi slt, %sub3A_107, %lt3A_110 : vector<16xi32>
        %and3A_112 = arith.andi %ge3A_109, %lt3A_111 : vector<16xi1>
        %convert_element_type3A_113 = arith.extui %and3A_112 : vector<16xi1> to vector<16xi32>
        %reduce_sum3A = arith.constant true
        %reduce_sum3A_114 = vector.broadcast %reduce_sum3A : i1 to vector<16xi1>
        %reduce_sum3A_115 = tpu.scan <sum>, %convert_element_type3A_113 masked %reduce_sum3A_114 : vector<16xi32>, vector<16xi1> -> vector<16xi32>
        %reduce_sum3A_116 = vector.extract %reduce_sum3A_115[15] : i32 from vector<16xi32>
        %jit3A_117 = arith.constant 0 : i32
        %broadcast_in_dim3A_118 = vector.broadcast %jit3A_117 : i32 to vector<16xi32>
        %select_n3A_119 = arith.select %and3A_112, %sub3A_107, %broadcast_in_dim3A_118 : vector<16xi1>, vector<16xi32>
        %gt3A_120 = arith.constant 0 : i32
        %gt3A_121 = arith.cmpi sgt, %reduce_sum3A_116, %gt3A_120 : i32
        %convert_element_type3A_122 = arith.extui %gt3A_121 : i1 to i32
        %cond3A_123 = arith.constant 0 : i32
        %cond3A_124 = arith.cmpi ne, %convert_element_type3A_122, %cond3A_123 : i32
        scf.if %cond3A_124 {
          %broadcast_in_dim3A_135 = arith.constant true
          %broadcast_in_dim3A_136 = vector.broadcast %broadcast_in_dim3A_135 : i1 to vector<16xi1>
          %masked_cumsum3A = tpu.scan <sum>, %convert_element_type3A_113 masked %broadcast_in_dim3A_136 : vector<16xi32>, vector<16xi1> -> vector<16xi32>
          %add3A_137 = vector.broadcast %while3A_99 : i32 to vector<16xi32>
          %add3A_138 = arith.addi %add3A_137, %masked_cumsum3A : vector<16xi32>
          %sub3A_139 = arith.subi %add3A_138, %convert_element_type3A_113 : vector<16xi32>
          %broadcast_in_dim3A_140 = arith.constant 0 : i32
          %broadcast_in_dim3A_141 = vector.broadcast %broadcast_in_dim3A_140 : i32 to vector<16xi32>
          %gather3A = tpu.vector_load_idx %arg11[%broadcast_in_dim3A_141, %select_n3A_119] masked %and3A_112 : memref<32x1024xf32, #tpu.memory_space<vmem>>[vector<16xi32>, vector<16xi32>], vector<16xf32>, vector<16xi1>
          tpu.vector_store_idx %arg13[%sub3A_139, %broadcast_in_dim3A_141], %gather3A masked %and3A_112 : memref<128x128xf32, #tpu.memory_space<vmem>>[vector<16xi32>, vector<16xi32>], vector<16xf32>, vector<16xi1>
          %broadcast_in_dim3A_142 = arith.constant 1 : i32
          %broadcast_in_dim3A_143 = vector.broadcast %broadcast_in_dim3A_142 : i32 to vector<16xi32>
          %gather3A_144 = tpu.vector_load_idx %arg11[%broadcast_in_dim3A_143, %select_n3A_119] masked %and3A_112 : memref<32x1024xf32, #tpu.memory_space<vmem>>[vector<16xi32>, vector<16xi32>], vector<16xf32>, vector<16xi1>
          tpu.vector_store_idx %arg13[%sub3A_139, %broadcast_in_dim3A_143], %gather3A_144 masked %and3A_112 : memref<128x128xf32, #tpu.memory_space<vmem>>[vector<16xi32>, vector<16xi32>], vector<16xf32>, vector<16xi1>
          %broadcast_in_dim3A_145 = arith.constant 2 : i32
          %broadcast_in_dim3A_146 = vector.broadcast %broadcast_in_dim3A_145 : i32 to vector<16xi32>
          %gather3A_147 = tpu.vector_load_idx %arg11[%broadcast_in_dim3A_146, %select_n3A_119] masked %and3A_112 : memref<32x1024xf32, #tpu.memory_space<vmem>>[vector<16xi32>, vector<16xi32>], vector<16xf32>, vector<16xi1>
          tpu.vector_store_idx %arg13[%sub3A_139, %broadcast_in_dim3A_146], %gather3A_147 masked %and3A_112 : memref<128x128xf32, #tpu.memory_space<vmem>>[vector<16xi32>, vector<16xi32>], vector<16xf32>, vector<16xi1>
          %broadcast_in_dim3A_148 = arith.constant 3 : i32
          %broadcast_in_dim3A_149 = vector.broadcast %broadcast_in_dim3A_148 : i32 to vector<16xi32>
          %gather3A_150 = tpu.vector_load_idx %arg11[%broadcast_in_dim3A_149, %select_n3A_119] masked %and3A_112 : memref<32x1024xf32, #tpu.memory_space<vmem>>[vector<16xi32>, vector<16xi32>], vector<16xf32>, vector<16xi1>
          tpu.vector_store_idx %arg13[%sub3A_139, %broadcast_in_dim3A_149], %gather3A_150 masked %and3A_112 : memref<128x128xf32, #tpu.memory_space<vmem>>[vector<16xi32>, vector<16xi32>], vector<16xf32>, vector<16xi1>
          %broadcast_in_dim3A_151 = arith.constant 4 : i32
          %broadcast_in_dim3A_152 = vector.broadcast %broadcast_in_dim3A_151 : i32 to vector<16xi32>
          %gather3A_153 = tpu.vector_load_idx %arg11[%broadcast_in_dim3A_152, %select_n3A_119] masked %and3A_112 : memref<32x1024xf32, #tpu.memory_space<vmem>>[vector<16xi32>, vector<16xi32>], vector<16xf32>, vector<16xi1>
          tpu.vector_store_idx %arg13[%sub3A_139, %broadcast_in_dim3A_152], %gather3A_153 masked %and3A_112 : memref<128x128xf32, #tpu.memory_space<vmem>>[vector<16xi32>, vector<16xi32>], vector<16xf32>, vector<16xi1>
          %broadcast_in_dim3A_154 = arith.constant 5 : i32
          %broadcast_in_dim3A_155 = vector.broadcast %broadcast_in_dim3A_154 : i32 to vector<16xi32>
          %gather3A_156 = tpu.vector_load_idx %arg11[%broadcast_in_dim3A_155, %select_n3A_119] masked %and3A_112 : memref<32x1024xf32, #tpu.memory_space<vmem>>[vector<16xi32>, vector<16xi32>], vector<16xf32>, vector<16xi1>
          tpu.vector_store_idx %arg13[%sub3A_139, %broadcast_in_dim3A_155], %gather3A_156 masked %and3A_112 : memref<128x128xf32, #tpu.memory_space<vmem>>[vector<16xi32>, vector<16xi32>], vector<16xf32>, vector<16xi1>
          %broadcast_in_dim3A_157 = arith.constant 6 : i32
          %broadcast_in_dim3A_158 = vector.broadcast %broadcast_in_dim3A_157 : i32 to vector<16xi32>
          %gather3A_159 = tpu.vector_load_idx %arg11[%broadcast_in_dim3A_158, %select_n3A_119] masked %and3A_112 : memref<32x1024xf32, #tpu.memory_space<vmem>>[vector<16xi32>, vector<16xi32>], vector<16xf32>, vector<16xi1>
          tpu.vector_store_idx %arg13[%sub3A_139, %broadcast_in_dim3A_158], %gather3A_159 masked %and3A_112 : memref<128x128xf32, #tpu.memory_space<vmem>>[vector<16xi32>, vector<16xi32>], vector<16xf32>, vector<16xi1>
          %broadcast_in_dim3A_160 = arith.constant 7 : i32
          %broadcast_in_dim3A_161 = vector.broadcast %broadcast_in_dim3A_160 : i32 to vector<16xi32>
          %gather3A_162 = tpu.vector_load_idx %arg11[%broadcast_in_dim3A_161, %select_n3A_119] masked %and3A_112 : memref<32x1024xf32, #tpu.memory_space<vmem>>[vector<16xi32>, vector<16xi32>], vector<16xf32>, vector<16xi1>
          tpu.vector_store_idx %arg13[%sub3A_139, %broadcast_in_dim3A_161], %gather3A_162 masked %and3A_112 : memref<128x128xf32, #tpu.memory_space<vmem>>[vector<16xi32>, vector<16xi32>], vector<16xf32>, vector<16xi1>
          %broadcast_in_dim3A_163 = arith.constant 8 : i32
          %broadcast_in_dim3A_164 = vector.broadcast %broadcast_in_dim3A_163 : i32 to vector<16xi32>
          %gather3A_165 = tpu.vector_load_idx %arg11[%broadcast_in_dim3A_164, %select_n3A_119] masked %and3A_112 : memref<32x1024xf32, #tpu.memory_space<vmem>>[vector<16xi32>, vector<16xi32>], vector<16xf32>, vector<16xi1>
          tpu.vector_store_idx %arg13[%sub3A_139, %broadcast_in_dim3A_164], %gather3A_165 masked %and3A_112 : memref<128x128xf32, #tpu.memory_space<vmem>>[vector<16xi32>, vector<16xi32>], vector<16xf32>, vector<16xi1>
          %broadcast_in_dim3A_166 = arith.constant 9 : i32
          %broadcast_in_dim3A_167 = vector.broadcast %broadcast_in_dim3A_166 : i32 to vector<16xi32>
          %gather3A_168 = tpu.vector_load_idx %arg11[%broadcast_in_dim3A_167, %select_n3A_119] masked %and3A_112 : memref<32x1024xf32, #tpu.memory_space<vmem>>[vector<16xi32>, vector<16xi32>], vector<16xf32>, vector<16xi1>
          tpu.vector_store_idx %arg13[%sub3A_139, %broadcast_in_dim3A_167], %gather3A_168 masked %and3A_112 : memref<128x128xf32, #tpu.memory_space<vmem>>[vector<16xi32>, vector<16xi32>], vector<16xf32>, vector<16xi1>
          %broadcast_in_dim3A_169 = arith.constant 10 : i32
          %broadcast_in_dim3A_170 = vector.broadcast %broadcast_in_dim3A_169 : i32 to vector<16xi32>
          %gather3A_171 = tpu.vector_load_idx %arg11[%broadcast_in_dim3A_170, %select_n3A_119] masked %and3A_112 : memref<32x1024xf32, #tpu.memory_space<vmem>>[vector<16xi32>, vector<16xi32>], vector<16xf32>, vector<16xi1>
          tpu.vector_store_idx %arg13[%sub3A_139, %broadcast_in_dim3A_170], %gather3A_171 masked %and3A_112 : memref<128x128xf32, #tpu.memory_space<vmem>>[vector<16xi32>, vector<16xi32>], vector<16xf32>, vector<16xi1>
          %broadcast_in_dim3A_172 = arith.constant 11 : i32
          %broadcast_in_dim3A_173 = vector.broadcast %broadcast_in_dim3A_172 : i32 to vector<16xi32>
          %gather3A_174 = tpu.vector_load_idx %arg11[%broadcast_in_dim3A_173, %select_n3A_119] masked %and3A_112 : memref<32x1024xf32, #tpu.memory_space<vmem>>[vector<16xi32>, vector<16xi32>], vector<16xf32>, vector<16xi1>
          tpu.vector_store_idx %arg13[%sub3A_139, %broadcast_in_dim3A_173], %gather3A_174 masked %and3A_112 : memref<128x128xf32, #tpu.memory_space<vmem>>[vector<16xi32>, vector<16xi32>], vector<16xf32>, vector<16xi1>
          %broadcast_in_dim3A_175 = arith.constant 12 : i32
          %broadcast_in_dim3A_176 = vector.broadcast %broadcast_in_dim3A_175 : i32 to vector<16xi32>
          %gather3A_177 = tpu.vector_load_idx %arg11[%broadcast_in_dim3A_176, %select_n3A_119] masked %and3A_112 : memref<32x1024xf32, #tpu.memory_space<vmem>>[vector<16xi32>, vector<16xi32>], vector<16xf32>, vector<16xi1>
          tpu.vector_store_idx %arg13[%sub3A_139, %broadcast_in_dim3A_176], %gather3A_177 masked %and3A_112 : memref<128x128xf32, #tpu.memory_space<vmem>>[vector<16xi32>, vector<16xi32>], vector<16xf32>, vector<16xi1>
          %broadcast_in_dim3A_178 = arith.constant 13 : i32
          %broadcast_in_dim3A_179 = vector.broadcast %broadcast_in_dim3A_178 : i32 to vector<16xi32>
          %gather3A_180 = tpu.vector_load_idx %arg11[%broadcast_in_dim3A_179, %select_n3A_119] masked %and3A_112 : memref<32x1024xf32, #tpu.memory_space<vmem>>[vector<16xi32>, vector<16xi32>], vector<16xf32>, vector<16xi1>
          tpu.vector_store_idx %arg13[%sub3A_139, %broadcast_in_dim3A_179], %gather3A_180 masked %and3A_112 : memref<128x128xf32, #tpu.memory_space<vmem>>[vector<16xi32>, vector<16xi32>], vector<16xf32>, vector<16xi1>
          %broadcast_in_dim3A_181 = arith.constant 14 : i32
          %broadcast_in_dim3A_182 = vector.broadcast %broadcast_in_dim3A_181 : i32 to vector<16xi32>
          %gather3A_183 = tpu.vector_load_idx %arg11[%broadcast_in_dim3A_182, %select_n3A_119] masked %and3A_112 : memref<32x1024xf32, #tpu.memory_space<vmem>>[vector<16xi32>, vector<16xi32>], vector<16xf32>, vector<16xi1>
          tpu.vector_store_idx %arg13[%sub3A_139, %broadcast_in_dim3A_182], %gather3A_183 masked %and3A_112 : memref<128x128xf32, #tpu.memory_space<vmem>>[vector<16xi32>, vector<16xi32>], vector<16xf32>, vector<16xi1>
          %broadcast_in_dim3A_184 = arith.constant 15 : i32
          %broadcast_in_dim3A_185 = vector.broadcast %broadcast_in_dim3A_184 : i32 to vector<16xi32>
          %gather3A_186 = tpu.vector_load_idx %arg11[%broadcast_in_dim3A_185, %select_n3A_119] masked %and3A_112 : memref<32x1024xf32, #tpu.memory_space<vmem>>[vector<16xi32>, vector<16xi32>], vector<16xf32>, vector<16xi1>
          tpu.vector_store_idx %arg13[%sub3A_139, %broadcast_in_dim3A_185], %gather3A_186 masked %and3A_112 : memref<128x128xf32, #tpu.memory_space<vmem>>[vector<16xi32>, vector<16xi32>], vector<16xf32>, vector<16xi1>
          %broadcast_in_dim3A_187 = arith.constant 16 : i32
          %broadcast_in_dim3A_188 = vector.broadcast %broadcast_in_dim3A_187 : i32 to vector<16xi32>
          %gather3A_189 = tpu.vector_load_idx %arg11[%broadcast_in_dim3A_188, %select_n3A_119] masked %and3A_112 : memref<32x1024xf32, #tpu.memory_space<vmem>>[vector<16xi32>, vector<16xi32>], vector<16xf32>, vector<16xi1>
          tpu.vector_store_idx %arg13[%sub3A_139, %broadcast_in_dim3A_188], %gather3A_189 masked %and3A_112 : memref<128x128xf32, #tpu.memory_space<vmem>>[vector<16xi32>, vector<16xi32>], vector<16xf32>, vector<16xi1>
          %broadcast_in_dim3A_190 = arith.constant 17 : i32
          %broadcast_in_dim3A_191 = vector.broadcast %broadcast_in_dim3A_190 : i32 to vector<16xi32>
          %gather3A_192 = tpu.vector_load_idx %arg11[%broadcast_in_dim3A_191, %select_n3A_119] masked %and3A_112 : memref<32x1024xf32, #tpu.memory_space<vmem>>[vector<16xi32>, vector<16xi32>], vector<16xf32>, vector<16xi1>
          tpu.vector_store_idx %arg13[%sub3A_139, %broadcast_in_dim3A_191], %gather3A_192 masked %and3A_112 : memref<128x128xf32, #tpu.memory_space<vmem>>[vector<16xi32>, vector<16xi32>], vector<16xf32>, vector<16xi1>
          %broadcast_in_dim3A_193 = arith.constant 18 : i32
          %broadcast_in_dim3A_194 = vector.broadcast %broadcast_in_dim3A_193 : i32 to vector<16xi32>
          %gather3A_195 = tpu.vector_load_idx %arg11[%broadcast_in_dim3A_194, %select_n3A_119] masked %and3A_112 : memref<32x1024xf32, #tpu.memory_space<vmem>>[vector<16xi32>, vector<16xi32>], vector<16xf32>, vector<16xi1>
          tpu.vector_store_idx %arg13[%sub3A_139, %broadcast_in_dim3A_194], %gather3A_195 masked %and3A_112 : memref<128x128xf32, #tpu.memory_space<vmem>>[vector<16xi32>, vector<16xi32>], vector<16xf32>, vector<16xi1>
          %broadcast_in_dim3A_196 = arith.constant 19 : i32
          %broadcast_in_dim3A_197 = vector.broadcast %broadcast_in_dim3A_196 : i32 to vector<16xi32>
          %gather3A_198 = tpu.vector_load_idx %arg11[%broadcast_in_dim3A_197, %select_n3A_119] masked %and3A_112 : memref<32x1024xf32, #tpu.memory_space<vmem>>[vector<16xi32>, vector<16xi32>], vector<16xf32>, vector<16xi1>
          tpu.vector_store_idx %arg13[%sub3A_139, %broadcast_in_dim3A_197], %gather3A_198 masked %and3A_112 : memref<128x128xf32, #tpu.memory_space<vmem>>[vector<16xi32>, vector<16xi32>], vector<16xf32>, vector<16xi1>
          %broadcast_in_dim3A_199 = arith.constant 20 : i32
          %broadcast_in_dim3A_200 = vector.broadcast %broadcast_in_dim3A_199 : i32 to vector<16xi32>
          %gather3A_201 = tpu.vector_load_idx %arg11[%broadcast_in_dim3A_200, %select_n3A_119] masked %and3A_112 : memref<32x1024xf32, #tpu.memory_space<vmem>>[vector<16xi32>, vector<16xi32>], vector<16xf32>, vector<16xi1>
          tpu.vector_store_idx %arg13[%sub3A_139, %broadcast_in_dim3A_200], %gather3A_201 masked %and3A_112 : memref<128x128xf32, #tpu.memory_space<vmem>>[vector<16xi32>, vector<16xi32>], vector<16xf32>, vector<16xi1>
          %broadcast_in_dim3A_202 = arith.constant 21 : i32
          %broadcast_in_dim3A_203 = vector.broadcast %broadcast_in_dim3A_202 : i32 to vector<16xi32>
          %gather3A_204 = tpu.vector_load_idx %arg11[%broadcast_in_dim3A_203, %select_n3A_119] masked %and3A_112 : memref<32x1024xf32, #tpu.memory_space<vmem>>[vector<16xi32>, vector<16xi32>], vector<16xf32>, vector<16xi1>
          tpu.vector_store_idx %arg13[%sub3A_139, %broadcast_in_dim3A_203], %gather3A_204 masked %and3A_112 : memref<128x128xf32, #tpu.memory_space<vmem>>[vector<16xi32>, vector<16xi32>], vector<16xf32>, vector<16xi1>
          %broadcast_in_dim3A_205 = arith.constant 22 : i32
          %broadcast_in_dim3A_206 = vector.broadcast %broadcast_in_dim3A_205 : i32 to vector<16xi32>
          %gather3A_207 = tpu.vector_load_idx %arg11[%broadcast_in_dim3A_206, %select_n3A_119] masked %and3A_112 : memref<32x1024xf32, #tpu.memory_space<vmem>>[vector<16xi32>, vector<16xi32>], vector<16xf32>, vector<16xi1>
          tpu.vector_store_idx %arg13[%sub3A_139, %broadcast_in_dim3A_206], %gather3A_207 masked %and3A_112 : memref<128x128xf32, #tpu.memory_space<vmem>>[vector<16xi32>, vector<16xi32>], vector<16xf32>, vector<16xi1>
          %broadcast_in_dim3A_208 = arith.constant 23 : i32
          %broadcast_in_dim3A_209 = vector.broadcast %broadcast_in_dim3A_208 : i32 to vector<16xi32>
          %gather3A_210 = tpu.vector_load_idx %arg11[%broadcast_in_dim3A_209, %select_n3A_119] masked %and3A_112 : memref<32x1024xf32, #tpu.memory_space<vmem>>[vector<16xi32>, vector<16xi32>], vector<16xf32>, vector<16xi1>
          tpu.vector_store_idx %arg13[%sub3A_139, %broadcast_in_dim3A_209], %gather3A_210 masked %and3A_112 : memref<128x128xf32, #tpu.memory_space<vmem>>[vector<16xi32>, vector<16xi32>], vector<16xf32>, vector<16xi1>
          %broadcast_in_dim3A_211 = arith.constant 24 : i32
          %broadcast_in_dim3A_212 = vector.broadcast %broadcast_in_dim3A_211 : i32 to vector<16xi32>
          %gather3A_213 = tpu.vector_load_idx %arg11[%broadcast_in_dim3A_212, %select_n3A_119] masked %and3A_112 : memref<32x1024xf32, #tpu.memory_space<vmem>>[vector<16xi32>, vector<16xi32>], vector<16xf32>, vector<16xi1>
          tpu.vector_store_idx %arg13[%sub3A_139, %broadcast_in_dim3A_212], %gather3A_213 masked %and3A_112 : memref<128x128xf32, #tpu.memory_space<vmem>>[vector<16xi32>, vector<16xi32>], vector<16xf32>, vector<16xi1>
          %broadcast_in_dim3A_214 = arith.constant 25 : i32
          %broadcast_in_dim3A_215 = vector.broadcast %broadcast_in_dim3A_214 : i32 to vector<16xi32>
          %gather3A_216 = tpu.vector_load_idx %arg11[%broadcast_in_dim3A_215, %select_n3A_119] masked %and3A_112 : memref<32x1024xf32, #tpu.memory_space<vmem>>[vector<16xi32>, vector<16xi32>], vector<16xf32>, vector<16xi1>
          tpu.vector_store_idx %arg13[%sub3A_139, %broadcast_in_dim3A_215], %gather3A_216 masked %and3A_112 : memref<128x128xf32, #tpu.memory_space<vmem>>[vector<16xi32>, vector<16xi32>], vector<16xf32>, vector<16xi1>
          %broadcast_in_dim3A_217 = arith.constant 26 : i32
          %broadcast_in_dim3A_218 = vector.broadcast %broadcast_in_dim3A_217 : i32 to vector<16xi32>
          %gather3A_219 = tpu.vector_load_idx %arg11[%broadcast_in_dim3A_218, %select_n3A_119] masked %and3A_112 : memref<32x1024xf32, #tpu.memory_space<vmem>>[vector<16xi32>, vector<16xi32>], vector<16xf32>, vector<16xi1>
          tpu.vector_store_idx %arg13[%sub3A_139, %broadcast_in_dim3A_218], %gather3A_219 masked %and3A_112 : memref<128x128xf32, #tpu.memory_space<vmem>>[vector<16xi32>, vector<16xi32>], vector<16xf32>, vector<16xi1>
          %broadcast_in_dim3A_220 = arith.constant 27 : i32
          %broadcast_in_dim3A_221 = vector.broadcast %broadcast_in_dim3A_220 : i32 to vector<16xi32>
          %gather3A_222 = tpu.vector_load_idx %arg11[%broadcast_in_dim3A_221, %select_n3A_119] masked %and3A_112 : memref<32x1024xf32, #tpu.memory_space<vmem>>[vector<16xi32>, vector<16xi32>], vector<16xf32>, vector<16xi1>
          tpu.vector_store_idx %arg13[%sub3A_139, %broadcast_in_dim3A_221], %gather3A_222 masked %and3A_112 : memref<128x128xf32, #tpu.memory_space<vmem>>[vector<16xi32>, vector<16xi32>], vector<16xf32>, vector<16xi1>
          %broadcast_in_dim3A_223 = arith.constant 28 : i32
          %broadcast_in_dim3A_224 = vector.broadcast %broadcast_in_dim3A_223 : i32 to vector<16xi32>
          %gather3A_225 = tpu.vector_load_idx %arg11[%broadcast_in_dim3A_224, %select_n3A_119] masked %and3A_112 : memref<32x1024xf32, #tpu.memory_space<vmem>>[vector<16xi32>, vector<16xi32>], vector<16xf32>, vector<16xi1>
          tpu.vector_store_idx %arg13[%sub3A_139, %broadcast_in_dim3A_224], %gather3A_225 masked %and3A_112 : memref<128x128xf32, #tpu.memory_space<vmem>>[vector<16xi32>, vector<16xi32>], vector<16xf32>, vector<16xi1>
          %broadcast_in_dim3A_226 = arith.constant 29 : i32
          %broadcast_in_dim3A_227 = vector.broadcast %broadcast_in_dim3A_226 : i32 to vector<16xi32>
          %gather3A_228 = tpu.vector_load_idx %arg11[%broadcast_in_dim3A_227, %select_n3A_119] masked %and3A_112 : memref<32x1024xf32, #tpu.memory_space<vmem>>[vector<16xi32>, vector<16xi32>], vector<16xf32>, vector<16xi1>
          tpu.vector_store_idx %arg13[%sub3A_139, %broadcast_in_dim3A_227], %gather3A_228 masked %and3A_112 : memref<128x128xf32, #tpu.memory_space<vmem>>[vector<16xi32>, vector<16xi32>], vector<16xf32>, vector<16xi1>
          %broadcast_in_dim3A_229 = arith.constant 30 : i32
          %broadcast_in_dim3A_230 = vector.broadcast %broadcast_in_dim3A_229 : i32 to vector<16xi32>
          %gather3A_231 = tpu.vector_load_idx %arg11[%broadcast_in_dim3A_230, %select_n3A_119] masked %and3A_112 : memref<32x1024xf32, #tpu.memory_space<vmem>>[vector<16xi32>, vector<16xi32>], vector<16xf32>, vector<16xi1>
          tpu.vector_store_idx %arg13[%sub3A_139, %broadcast_in_dim3A_230], %gather3A_231 masked %and3A_112 : memref<128x128xf32, #tpu.memory_space<vmem>>[vector<16xi32>, vector<16xi32>], vector<16xf32>, vector<16xi1>
          %broadcast_in_dim3A_232 = arith.constant 31 : i32
          %broadcast_in_dim3A_233 = vector.broadcast %broadcast_in_dim3A_232 : i32 to vector<16xi32>
          %gather3A_234 = tpu.vector_load_idx %arg11[%broadcast_in_dim3A_233, %select_n3A_119] masked %and3A_112 : memref<32x1024xf32, #tpu.memory_space<vmem>>[vector<16xi32>, vector<16xi32>], vector<16xf32>, vector<16xi1>
          tpu.vector_store_idx %arg13[%sub3A_139, %broadcast_in_dim3A_233], %gather3A_234 masked %and3A_112 : memref<128x128xf32, #tpu.memory_space<vmem>>[vector<16xi32>, vector<16xi32>], vector<16xf32>, vector<16xi1>
          tpu.vector_store_idx %arg14[%sub3A_139], %get3A_105 masked %and3A_112 : memref<128xi32, #tpu.memory_space<vmem>>[vector<16xi32>], vector<16xi32>, vector<16xi1>
        } else {
        }
        %add3A_125 = arith.addi %while3A_99, %reduce_sum3A_116 : i32
        %ge3A_126 = arith.constant 112 : i32
        %ge3A_127 = arith.cmpi sge, %add3A_125, %ge3A_126 : i32
        %convert_element_type3A_128 = arith.extui %ge3A_127 : i1 to i32
        %cond3A_129 = arith.constant 0 : i32
        %cond3A_130 = arith.cmpi ne, %convert_element_type3A_128, %cond3A_129 : i32
        scf.if %cond3A_130 {
          %dma_start3A_135 = arith.constant 0 : i32
          %dma_start3A_136 = arith.constant 0 : i32
          %dma_start3A_137 = tpu.memref_slice %arg6[%dma_start3A_135, %dma_start3A_136] : memref<16448x128xf32, #tpu.memory_space<hbm>> -> memref<16448x128xf32, #tpu.memory_space<hbm>>
          tpu.enqueue_indirect_dma source(%arg13 : memref<128x128xf32, #tpu.memory_space<vmem>>) target(%dma_start3A_137 : memref<16448x128xf32, #tpu.memory_space<hbm>>) offsets(%arg14 : memref<128xi32, #tpu.memory_space<vmem>>) semaphore(%arg16 : memref<!tpu.dma_semaphore, #tpu.memory_space<semaphore_mem>>)
          %dma_wait3A_138 = arith.constant 0 : i32
          %dma_wait3A_139 = arith.constant 0 : i32
          %dma_wait3A_140 = tpu.memref_slice %arg6[%dma_wait3A_138, %dma_wait3A_139] : memref<16448x128xf32, #tpu.memory_space<hbm>> -> memref<16448x128xf32, #tpu.memory_space<hbm>>
          tpu.wait_indirect_dma semaphore(%arg16 : memref<!tpu.dma_semaphore, #tpu.memory_space<semaphore_mem>>) src(%arg13 : memref<128x128xf32, #tpu.memory_space<vmem>>) dst(%dma_wait3A_140 : memref<16448x128xf32, #tpu.memory_space<hbm>>)
          %broadcast_in_dim3A_141 = arith.constant 16384 : i32
          %broadcast_in_dim3A_142 = vector.broadcast %broadcast_in_dim3A_141 : i32 to vector<16xi32>
          %swap3A_143 = arith.constant 0 : index
          %swap3A_144 = tpu.vector_load %arg14[%swap3A_143] {strides = array<i32>} : memref<128xi32, #tpu.memory_space<vmem>>, vector<16xi32>,
          tpu.vector_store %arg14[%swap3A_143], %broadcast_in_dim3A_142 {strides = array<i32>} : memref<128xi32, #tpu.memory_space<vmem>>, vector<16xi32>,
          %broadcast_in_dim3A_145 = arith.constant 16384 : i32
          %broadcast_in_dim3A_146 = vector.broadcast %broadcast_in_dim3A_145 : i32 to vector<16xi32>
          %swap3A_147 = arith.constant 16 : index
          %swap3A_148 = tpu.vector_load %arg14[%swap3A_147] {strides = array<i32>} : memref<128xi32, #tpu.memory_space<vmem>>, vector<16xi32>,
          tpu.vector_store %arg14[%swap3A_147], %broadcast_in_dim3A_146 {strides = array<i32>} : memref<128xi32, #tpu.memory_space<vmem>>, vector<16xi32>,
          %broadcast_in_dim3A_149 = arith.constant 16384 : i32
          %broadcast_in_dim3A_150 = vector.broadcast %broadcast_in_dim3A_149 : i32 to vector<16xi32>
          %swap3A_151 = arith.constant 32 : index
          %swap3A_152 = tpu.vector_load %arg14[%swap3A_151] {strides = array<i32>} : memref<128xi32, #tpu.memory_space<vmem>>, vector<16xi32>,
          tpu.vector_store %arg14[%swap3A_151], %broadcast_in_dim3A_150 {strides = array<i32>} : memref<128xi32, #tpu.memory_space<vmem>>, vector<16xi32>,
          %broadcast_in_dim3A_153 = arith.constant 16384 : i32
          %broadcast_in_dim3A_154 = vector.broadcast %broadcast_in_dim3A_153 : i32 to vector<16xi32>
          %swap3A_155 = arith.constant 48 : index
          %swap3A_156 = tpu.vector_load %arg14[%swap3A_155] {strides = array<i32>} : memref<128xi32, #tpu.memory_space<vmem>>, vector<16xi32>,
          tpu.vector_store %arg14[%swap3A_155], %broadcast_in_dim3A_154 {strides = array<i32>} : memref<128xi32, #tpu.memory_space<vmem>>, vector<16xi32>,
          %broadcast_in_dim3A_157 = arith.constant 16384 : i32
          %broadcast_in_dim3A_158 = vector.broadcast %broadcast_in_dim3A_157 : i32 to vector<16xi32>
          %swap3A_159 = arith.constant 64 : index
          %swap3A_160 = tpu.vector_load %arg14[%swap3A_159] {strides = array<i32>} : memref<128xi32, #tpu.memory_space<vmem>>, vector<16xi32>,
          tpu.vector_store %arg14[%swap3A_159], %broadcast_in_dim3A_158 {strides = array<i32>} : memref<128xi32, #tpu.memory_space<vmem>>, vector<16xi32>,
          %broadcast_in_dim3A_161 = arith.constant 16384 : i32
          %broadcast_in_dim3A_162 = vector.broadcast %broadcast_in_dim3A_161 : i32 to vector<16xi32>
          %swap3A_163 = arith.constant 80 : index
          %swap3A_164 = tpu.vector_load %arg14[%swap3A_163] {strides = array<i32>} : memref<128xi32, #tpu.memory_space<vmem>>, vector<16xi32>,
          tpu.vector_store %arg14[%swap3A_163], %broadcast_in_dim3A_162 {strides = array<i32>} : memref<128xi32, #tpu.memory_space<vmem>>, vector<16xi32>,
          %broadcast_in_dim3A_165 = arith.constant 16384 : i32
          %broadcast_in_dim3A_166 = vector.broadcast %broadcast_in_dim3A_165 : i32 to vector<16xi32>
          %swap3A_167 = arith.constant 96 : index
          %swap3A_168 = tpu.vector_load %arg14[%swap3A_167] {strides = array<i32>} : memref<128xi32, #tpu.memory_space<vmem>>, vector<16xi32>,
          tpu.vector_store %arg14[%swap3A_167], %broadcast_in_dim3A_166 {strides = array<i32>} : memref<128xi32, #tpu.memory_space<vmem>>, vector<16xi32>,
          %broadcast_in_dim3A_169 = arith.constant 16384 : i32
          %broadcast_in_dim3A_170 = vector.broadcast %broadcast_in_dim3A_169 : i32 to vector<16xi32>
          %swap3A_171 = arith.constant 112 : index
          %swap3A_172 = tpu.vector_load %arg14[%swap3A_171] {strides = array<i32>} : memref<128xi32, #tpu.memory_space<vmem>>, vector<16xi32>,
          tpu.vector_store %arg14[%swap3A_171], %broadcast_in_dim3A_170 {strides = array<i32>} : memref<128xi32, #tpu.memory_space<vmem>>, vector<16xi32>,
        } else {
        }
        %ge3A_131 = arith.constant 112 : i32
        %ge3A_132 = arith.cmpi sge, %add3A_125, %ge3A_131 : i32
        %jit3A_133 = arith.constant 0 : i32
        %select_n3A_134 = arith.select %ge3A_132, %jit3A_133, %add3A_125 : i32
        scf.yield %select_n3A_134 : i32
      }
      %gt3A = arith.constant 0 : i32
      %gt3A_94 = arith.cmpi sgt, %while3A_93, %gt3A : i32
      %convert_element_type3A_95 = arith.extui %gt3A_94 : i1 to i32
      %cond3A_96 = arith.constant 0 : i32
      %cond3A_97 = arith.cmpi ne, %convert_element_type3A_95, %cond3A_96 : i32
      scf.if %cond3A_97 {
        %dma_start3A_98 = arith.constant 0 : i32
        %dma_start3A_99 = arith.constant 0 : i32
        %dma_start3A_100 = tpu.memref_slice %arg6[%dma_start3A_98, %dma_start3A_99] : memref<16448x128xf32, #tpu.memory_space<hbm>> -> memref<16448x128xf32, #tpu.memory_space<hbm>>
        tpu.enqueue_indirect_dma source(%arg13 : memref<128x128xf32, #tpu.memory_space<vmem>>) target(%dma_start3A_100 : memref<16448x128xf32, #tpu.memory_space<hbm>>) offsets(%arg14 : memref<128xi32, #tpu.memory_space<vmem>>) semaphore(%arg16 : memref<!tpu.dma_semaphore, #tpu.memory_space<semaphore_mem>>)
        %dma_wait3A_101 = arith.constant 0 : i32
        %dma_wait3A_102 = arith.constant 0 : i32
        %dma_wait3A_103 = tpu.memref_slice %arg6[%dma_wait3A_101, %dma_wait3A_102] : memref<16448x128xf32, #tpu.memory_space<hbm>> -> memref<16448x128xf32, #tpu.memory_space<hbm>>
        tpu.wait_indirect_dma semaphore(%arg16 : memref<!tpu.dma_semaphore, #tpu.memory_space<semaphore_mem>>) src(%arg13 : memref<128x128xf32, #tpu.memory_space<vmem>>) dst(%dma_wait3A_103 : memref<16448x128xf32, #tpu.memory_space<hbm>>)
        %broadcast_in_dim3A_104 = arith.constant 16384 : i32
        %broadcast_in_dim3A_105 = vector.broadcast %broadcast_in_dim3A_104 : i32 to vector<16xi32>
        %swap3A_106 = arith.constant 0 : index
        %swap3A_107 = tpu.vector_load %arg14[%swap3A_106] {strides = array<i32>} : memref<128xi32, #tpu.memory_space<vmem>>, vector<16xi32>,
        tpu.vector_store %arg14[%swap3A_106], %broadcast_in_dim3A_105 {strides = array<i32>} : memref<128xi32, #tpu.memory_space<vmem>>, vector<16xi32>,
        %broadcast_in_dim3A_108 = arith.constant 16384 : i32
        %broadcast_in_dim3A_109 = vector.broadcast %broadcast_in_dim3A_108 : i32 to vector<16xi32>
        %swap3A_110 = arith.constant 16 : index
        %swap3A_111 = tpu.vector_load %arg14[%swap3A_110] {strides = array<i32>} : memref<128xi32, #tpu.memory_space<vmem>>, vector<16xi32>,
        tpu.vector_store %arg14[%swap3A_110], %broadcast_in_dim3A_109 {strides = array<i32>} : memref<128xi32, #tpu.memory_space<vmem>>, vector<16xi32>,
        %broadcast_in_dim3A_112 = arith.constant 16384 : i32
        %broadcast_in_dim3A_113 = vector.broadcast %broadcast_in_dim3A_112 : i32 to vector<16xi32>
        %swap3A_114 = arith.constant 32 : index
        %swap3A_115 = tpu.vector_load %arg14[%swap3A_114] {strides = array<i32>} : memref<128xi32, #tpu.memory_space<vmem>>, vector<16xi32>,
        tpu.vector_store %arg14[%swap3A_114], %broadcast_in_dim3A_113 {strides = array<i32>} : memref<128xi32, #tpu.memory_space<vmem>>, vector<16xi32>,
        %broadcast_in_dim3A_116 = arith.constant 16384 : i32
        %broadcast_in_dim3A_117 = vector.broadcast %broadcast_in_dim3A_116 : i32 to vector<16xi32>
        %swap3A_118 = arith.constant 48 : index
        %swap3A_119 = tpu.vector_load %arg14[%swap3A_118] {strides = array<i32>} : memref<128xi32, #tpu.memory_space<vmem>>, vector<16xi32>,
        tpu.vector_store %arg14[%swap3A_118], %broadcast_in_dim3A_117 {strides = array<i32>} : memref<128xi32, #tpu.memory_space<vmem>>, vector<16xi32>,
        %broadcast_in_dim3A_120 = arith.constant 16384 : i32
        %broadcast_in_dim3A_121 = vector.broadcast %broadcast_in_dim3A_120 : i32 to vector<16xi32>
        %swap3A_122 = arith.constant 64 : index
        %swap3A_123 = tpu.vector_load %arg14[%swap3A_122] {strides = array<i32>} : memref<128xi32, #tpu.memory_space<vmem>>, vector<16xi32>,
        tpu.vector_store %arg14[%swap3A_122], %broadcast_in_dim3A_121 {strides = array<i32>} : memref<128xi32, #tpu.memory_space<vmem>>, vector<16xi32>,
        %broadcast_in_dim3A_124 = arith.constant 16384 : i32
        %broadcast_in_dim3A_125 = vector.broadcast %broadcast_in_dim3A_124 : i32 to vector<16xi32>
        %swap3A_126 = arith.constant 80 : index
        %swap3A_127 = tpu.vector_load %arg14[%swap3A_126] {strides = array<i32>} : memref<128xi32, #tpu.memory_space<vmem>>, vector<16xi32>,
        tpu.vector_store %arg14[%swap3A_126], %broadcast_in_dim3A_125 {strides = array<i32>} : memref<128xi32, #tpu.memory_space<vmem>>, vector<16xi32>,
        %broadcast_in_dim3A_128 = arith.constant 16384 : i32
        %broadcast_in_dim3A_129 = vector.broadcast %broadcast_in_dim3A_128 : i32 to vector<16xi32>
        %swap3A_130 = arith.constant 96 : index
        %swap3A_131 = tpu.vector_load %arg14[%swap3A_130] {strides = array<i32>} : memref<128xi32, #tpu.memory_space<vmem>>, vector<16xi32>,
        tpu.vector_store %arg14[%swap3A_130], %broadcast_in_dim3A_129 {strides = array<i32>} : memref<128xi32, #tpu.memory_space<vmem>>, vector<16xi32>,
        %broadcast_in_dim3A_132 = arith.constant 16384 : i32
        %broadcast_in_dim3A_133 = vector.broadcast %broadcast_in_dim3A_132 : i32 to vector<16xi32>
        %swap3A_134 = arith.constant 112 : index
        %swap3A_135 = tpu.vector_load %arg14[%swap3A_134] {strides = array<i32>} : memref<128xi32, #tpu.memory_space<vmem>>, vector<16xi32>,
        tpu.vector_store %arg14[%swap3A_134], %broadcast_in_dim3A_133 {strides = array<i32>} : memref<128xi32, #tpu.memory_space<vmem>>, vector<16xi32>,
      } else {
      }
    } else {
    }
    %eq3A_2 = arith.constant 1 : i32
    %eq3A_3 = arith.cmpi eq, %arg0, %eq3A_2 : i32
    %convert_element_type3A_4 = arith.extui %eq3A_3 : i1 to i32
    %cond3A_5 = arith.constant 0 : i32
    %cond3A_6 = arith.cmpi ne, %convert_element_type3A_4, %cond3A_5 : i32
    scf.if %cond3A_6 {
      %mul3A = arith.constant 62464 : i32
      %mul3A_7 = arith.muli %arg1, %mul3A : i32
      %multiple_of3A = tpu.assume_multiple %mul3A_7, 128 : i32
      %add3A = arith.constant 62464 : i32
      %add3A_8 = arith.addi %multiple_of3A, %add3A : i32
      %add3A_9 = arith.constant 0 : i32
      %add3A_10 = arith.addi %multiple_of3A, %add3A_9 : i32
      %multiple_of3A_11 = tpu.assume_multiple %add3A_10, 128 : i32
      %dma_start3A = arith.constant 0 : i32
      %dma_start3A_12 = tpu.memref_slice %arg3[%dma_start3A, %multiple_of3A_11] : memref<32x1000000xf32, #tpu.memory_space<hbm>> -> memref<32x1024xf32, #tpu.memory_space<hbm>>
      %dma_start3A_13 = arith.constant 0 : i32
      %dma_start3A_14 = tpu.memref_slice %arg3[%dma_start3A_13, %multiple_of3A_11] : memref<32x1000000xf32, #tpu.memory_space<hbm>> -> memref<32x1024xf32, #tpu.memory_space<hbm>>
      tpu.enqueue_dma source(%dma_start3A_14 : memref<32x1024xf32, #tpu.memory_space<hbm>>) target(%arg11 : memref<32x1024xf32, #tpu.memory_space<vmem>>) target_semaphore(%arg15 : memref<!tpu.dma_semaphore, #tpu.memory_space<semaphore_mem>>)
      "tpu.region"() ({
        %run_scoped3A = tpu.sem_alloc : memref<!tpu.dma_semaphore, #tpu.memory_space<semaphore_mem>>
        tpu.enqueue_dma source(%arg5 : memref<16384xi32, #tpu.memory_space<hbm>>) target(%arg8 : memref<16384xi32, #tpu.memory_space<vmem>>) target_semaphore(%run_scoped3A : memref<!tpu.dma_semaphore, #tpu.memory_space<semaphore_mem>>)
        tpu.wait_dma2 semaphore(%run_scoped3A : memref<!tpu.dma_semaphore, #tpu.memory_space<semaphore_mem>>) src(%arg5 : memref<16384xi32, #tpu.memory_space<hbm>>) dst(%arg8 : memref<16384xi32, #tpu.memory_space<vmem>>)
        tpu.yield
      }) : () -> ()
      %scan3A = arith.constant 0 : i32
      %scan3A_15 = arith.constant 0 : i32
      %scan3A_16 = arith.constant 1024 : i32
      %scan3A_17 = arith.addi %scan3A_15, %scan3A_16 : i32
      %scan3A_18 = arith.constant 1 : i32
      %scan3A_19 = scf.for %scan3A_98 = %scan3A_15 to %scan3A_17 step %scan3A_18 iter_args(%scan3A_99 = %scan3A) -> (i32)  : i32 {
        %mul3A_100 = arith.constant 16 : i32
        %mul3A_101 = arith.muli %scan3A_98, %mul3A_100 : i32
        %multiple_of3A_102 = tpu.assume_multiple %mul3A_101, 16 : i32
        %get3A = arith.index_cast %multiple_of3A_102 : i32 to index
        %get3A_103 = tpu.vector_load %arg8[%get3A] {strides = array<i32>} : memref<16384xi32, #tpu.memory_space<vmem>>, vector<16xi32>,
        %ge3A = vector.broadcast %multiple_of3A : i32 to vector<16xi32>
        %ge3A_104 = arith.cmpi sge, %get3A_103, %ge3A : vector<16xi32>
        %lt3A = vector.broadcast %add3A_8 : i32 to vector<16xi32>
        %lt3A_105 = arith.cmpi slt, %get3A_103, %lt3A : vector<16xi32>
        %and3A_106 = arith.andi %ge3A_104, %lt3A_105 : vector<16xi1>
        %convert_element_type3A_107 = arith.extui %and3A_106 : vector<16xi1> to vector<16xi32>
        %broadcast_in_dim3A_108 = arith.constant true
        %broadcast_in_dim3A_109 = vector.broadcast %broadcast_in_dim3A_108 : i1 to vector<16xi1>
        %masked_cumsum3A = tpu.scan <sum>, %convert_element_type3A_107 masked %broadcast_in_dim3A_109 : vector<16xi32>, vector<16xi1> -> vector<16xi32>
        %sub3A_110 = arith.subi %masked_cumsum3A, %convert_element_type3A_107 : vector<16xi32>
        %add3A_111 = vector.broadcast %scan3A_99 : i32 to vector<16xi32>
        %add3A_112 = arith.addi %add3A_111, %sub3A_110 : vector<16xi32>
        tpu.vector_store_idx %arg9[%add3A_112], %get3A_103 masked %and3A_106 : memref<2048xi32, #tpu.memory_space<vmem>>[vector<16xi32>], vector<16xi32>, vector<16xi1>
        %add3A_113 = vector.broadcast %multiple_of3A_102 : i32 to vector<16xi32>
        %add3A_114 = arith.addi %add3A_113, %iota3A : vector<16xi32>
        tpu.vector_store_idx %arg10[%add3A_112], %add3A_114 masked %and3A_106 : memref<2048xi32, #tpu.memory_space<vmem>>[vector<16xi32>], vector<16xi32>, vector<16xi1>
        %reduce_sum3A = arith.constant true
        %reduce_sum3A_115 = vector.broadcast %reduce_sum3A : i1 to vector<16xi1>
        %reduce_sum3A_116 = tpu.scan <sum>, %convert_element_type3A_107 masked %reduce_sum3A_115 : vector<16xi32>, vector<16xi1> -> vector<16xi32>
        %reduce_sum3A_117 = vector.extract %reduce_sum3A_116[15] : i32 from vector<16xi32>
        %add3A_118 = arith.addi %scan3A_99, %reduce_sum3A_117 : i32
        scf.yield %add3A_118 : i32
      }
      %scan3A_20 = arith.constant 1024 : i32
      %add3A_21 = arith.constant 15 : i32
      %add3A_22 = arith.addi %scan3A_19, %add3A_21 : i32
      %jit3A = arith.constant 16 : i32
      %div3A = arith.divsi %add3A_22, %jit3A : i32
      %sign3A = arith.constant 0 : i32
      %sign3A_23 = arith.cmpi sgt, %add3A_22, %sign3A : i32
      %sign3A_24 = arith.extui %sign3A_23 : i1 to i32
      %sign3A_25 = arith.constant 0 : i32
      %sign3A_26 = arith.cmpi slt, %add3A_22, %sign3A_25 : i32
      %sign3A_27 = arith.extui %sign3A_26 : i1 to i32
      %sign3A_28 = arith.subi %sign3A_24, %sign3A_27 : i32
      %sign3A_29 = arith.constant 0 : i32
      %sign3A_30 = arith.cmpi sgt, %jit3A, %sign3A_29 : i32
      %sign3A_31 = arith.extui %sign3A_30 : i1 to i32
      %sign3A_32 = arith.constant 0 : i32
      %sign3A_33 = arith.cmpi slt, %jit3A, %sign3A_32 : i32
      %sign3A_34 = arith.extui %sign3A_33 : i1 to i32
      %sign3A_35 = arith.subi %sign3A_31, %sign3A_34 : i32
      %ne3A = arith.cmpi ne, %sign3A_28, %sign3A_35 : i32
      %rem3A = arith.remsi %add3A_22, %jit3A : i32
      %ne3A_36 = arith.constant 0 : i32
      %ne3A_37 = arith.cmpi ne, %rem3A, %ne3A_36 : i32
      %and3A = arith.andi %ne3A, %ne3A_37 : i1
      %sub3A = arith.constant 1 : i32
      %sub3A_38 = arith.subi %div3A, %sub3A : i32
      %select_n3A = arith.select %and3A, %sub3A_38, %div3A : i32
      %broadcast_in_dim3A = arith.constant 16384 : i32
      %broadcast_in_dim3A_39 = vector.broadcast %broadcast_in_dim3A : i32 to vector<16xi32>
      %swap3A = arith.constant 0 : index
      %swap3A_40 = tpu.vector_load %arg14[%swap3A] {strides = array<i32>} : memref<128xi32, #tpu.memory_space<vmem>>, vector<16xi32>,
      tpu.vector_store %arg14[%swap3A], %broadcast_in_dim3A_39 {strides = array<i32>} : memref<128xi32, #tpu.memory_space<vmem>>, vector<16xi32>,
      %broadcast_in_dim3A_41 = arith.constant 16384 : i32
      %broadcast_in_dim3A_42 = vector.broadcast %broadcast_in_dim3A_41 : i32 to vector<16xi32>
      %swap3A_43 = arith.constant 16 : index
      %swap3A_44 = tpu.vector_load %arg14[%swap3A_43] {strides = array<i32>} : memref<128xi32, #tpu.memory_space<vmem>>, vector<16xi32>,
      tpu.vector_store %arg14[%swap3A_43], %broadcast_in_dim3A_42 {strides = array<i32>} : memref<128xi32, #tpu.memory_space<vmem>>, vector<16xi32>,
      %broadcast_in_dim3A_45 = arith.constant 16384 : i32
      %broadcast_in_dim3A_46 = vector.broadcast %broadcast_in_dim3A_45 : i32 to vector<16xi32>
      %swap3A_47 = arith.constant 32 : index
      %swap3A_48 = tpu.vector_load %arg14[%swap3A_47] {strides = array<i32>} : memref<128xi32, #tpu.memory_space<vmem>>, vector<16xi32>,
      tpu.vector_store %arg14[%swap3A_47], %broadcast_in_dim3A_46 {strides = array<i32>} : memref<128xi32, #tpu.memory_space<vmem>>, vector<16xi32>,
      %broadcast_in_dim3A_49 = arith.constant 16384 : i32
      %broadcast_in_dim3A_50 = vector.broadcast %broadcast_in_dim3A_49 : i32 to vector<16xi32>
      %swap3A_51 = arith.constant 48 : index
      %swap3A_52 = tpu.vector_load %arg14[%swap3A_51] {strides = array<i32>} : memref<128xi32, #tpu.memory_space<vmem>>, vector<16xi32>,
      tpu.vector_store %arg14[%swap3A_51], %broadcast_in_dim3A_50 {strides = array<i32>} : memref<128xi32, #tpu.memory_space<vmem>>, vector<16xi32>,
      %broadcast_in_dim3A_53 = arith.constant 16384 : i32
      %broadcast_in_dim3A_54 = vector.broadcast %broadcast_in_dim3A_53 : i32 to vector<16xi32>
      %swap3A_55 = arith.constant 64 : index
      %swap3A_56 = tpu.vector_load %arg14[%swap3A_55] {strides = array<i32>} : memref<128xi32, #tpu.memory_space<vmem>>, vector<16xi32>,
      tpu.vector_store %arg14[%swap3A_55], %broadcast_in_dim3A_54 {strides = array<i32>} : memref<128xi32, #tpu.memory_space<vmem>>, vector<16xi32>,
      %broadcast_in_dim3A_57 = arith.constant 16384 : i32
      %broadcast_in_dim3A_58 = vector.broadcast %broadcast_in_dim3A_57 : i32 to vector<16xi32>
      %swap3A_59 = arith.constant 80 : index
      %swap3A_60 = tpu.vector_load %arg14[%swap3A_59] {strides = array<i32>} : memref<128xi32, #tpu.memory_space<vmem>>, vector<16xi32>,
      tpu.vector_store %arg14[%swap3A_59], %broadcast_in_dim3A_58 {strides = array<i32>} : memref<128xi32, #tpu.memory_space<vmem>>, vector<16xi32>,
      %broadcast_in_dim3A_61 = arith.constant 16384 : i32
      %broadcast_in_dim3A_62 = vector.broadcast %broadcast_in_dim3A_61 : i32 to vector<16xi32>
      %swap3A_63 = arith.constant 96 : index
      %swap3A_64 = tpu.vector_load %arg14[%swap3A_63] {strides = array<i32>} : memref<128xi32, #tpu.memory_space<vmem>>, vector<16xi32>,
      tpu.vector_store %arg14[%swap3A_63], %broadcast_in_dim3A_62 {strides = array<i32>} : memref<128xi32, #tpu.memory_space<vmem>>, vector<16xi32>,
      %broadcast_in_dim3A_65 = arith.constant 16384 : i32
      %broadcast_in_dim3A_66 = vector.broadcast %broadcast_in_dim3A_65 : i32 to vector<16xi32>
      %swap3A_67 = arith.constant 112 : index
      %swap3A_68 = tpu.vector_load %arg14[%swap3A_67] {strides = array<i32>} : memref<128xi32, #tpu.memory_space<vmem>>, vector<16xi32>,
      tpu.vector_store %arg14[%swap3A_67], %broadcast_in_dim3A_66 {strides = array<i32>} : memref<128xi32, #tpu.memory_space<vmem>>, vector<16xi32>,
      %scan3A_69 = arith.constant 0 : i32
      %scan3A_70 = arith.constant 0 : i32
      %scan3A_71 = arith.constant 30 : i32
      %scan3A_72 = arith.addi %scan3A_70, %scan3A_71 : i32
      %scan3A_73 = arith.constant 1 : i32
      %scan3A_74 = scf.for %scan3A_98 = %scan3A_70 to %scan3A_72 step %scan3A_73 iter_args(%scan3A_99 = %scan3A_69) -> (i32)  : i32 {
        %mul3A_100 = arith.constant 2 : i32
        %mul3A_101 = arith.muli %scan3A_98, %mul3A_100 : i32
        %mul3A_102 = arith.constant 1024 : i32
        %mul3A_103 = arith.muli %mul3A_101, %mul3A_102 : i32
        %add3A_104 = arith.addi %multiple_of3A, %mul3A_103 : i32
        %multiple_of3A_105 = tpu.assume_multiple %add3A_104, 128 : i32
        %dma_wait3A_106 = arith.constant 0 : i32
        %dma_wait3A_107 = tpu.memref_slice %arg3[%dma_wait3A_106, %multiple_of3A_105] : memref<32x1000000xf32, #tpu.memory_space<hbm>> -> memref<32x1024xf32, #tpu.memory_space<hbm>>
        %dma_wait3A_108 = arith.constant 0 : i32
        %dma_wait3A_109 = tpu.memref_slice %arg3[%dma_wait3A_108, %multiple_of3A_105] : memref<32x1000000xf32, #tpu.memory_space<hbm>> -> memref<32x1024xf32, #tpu.memory_space<hbm>>
        tpu.wait_dma2 semaphore(%arg15 : memref<!tpu.dma_semaphore, #tpu.memory_space<semaphore_mem>>) src(%dma_wait3A_109 : memref<32x1024xf32, #tpu.memory_space<hbm>>) dst(%arg11 : memref<32x1024xf32, #tpu.memory_space<vmem>>)
        %add3A_110 = arith.constant 1 : i32
        %add3A_111 = arith.addi %mul3A_101, %add3A_110 : i32
        %mul3A_112 = arith.constant 1024 : i32
        %mul3A_113 = arith.muli %add3A_111, %mul3A_112 : i32
        %add3A_114 = arith.addi %multiple_of3A, %mul3A_113 : i32
        %multiple_of3A_115 = tpu.assume_multiple %add3A_114, 128 : i32
        %dma_start3A_116 = arith.constant 0 : i32
        %dma_start3A_117 = tpu.memref_slice %arg3[%dma_start3A_116, %multiple_of3A_115] : memref<32x1000000xf32, #tpu.memory_space<hbm>> -> memref<32x1024xf32, #tpu.memory_space<hbm>>
        %dma_start3A_118 = arith.constant 0 : i32
        %dma_start3A_119 = tpu.memref_slice %arg3[%dma_start3A_118, %multiple_of3A_115] : memref<32x1000000xf32, #tpu.memory_space<hbm>> -> memref<32x1024xf32, #tpu.memory_space<hbm>>
        tpu.enqueue_dma source(%dma_start3A_119 : memref<32x1024xf32, #tpu.memory_space<hbm>>) target(%arg12 : memref<32x1024xf32, #tpu.memory_space<vmem>>) target_semaphore(%arg15 : memref<!tpu.dma_semaphore, #tpu.memory_space<semaphore_mem>>)
        %mul3A_120 = arith.constant 1024 : i32
        %mul3A_121 = arith.muli %mul3A_101, %mul3A_120 : i32
        %add3A_122 = arith.addi %multiple_of3A, %mul3A_121 : i32
        %while3A_123 = arith.constant 0 : i32
        %while3A_124 = arith.subi %select_n3A, %while3A_123 : i32
        %while3A_125 = arith.addi %while3A_123, %while3A_124 : i32
        %while3A_126 = arith.constant 1 : i32
        %while3A_127 = arith.divsi %while3A_124, %while3A_126 : i32
        %while3A_128 = arith.muli %while3A_127, %while3A_126 : i32
        %while3A_129 = arith.addi %while3A_123, %while3A_128 : i32
        %while3A_130 = arith.constant 1 : i32
        %while3A_131 = scf.for %while3A_170 = %while3A_123 to %while3A_129 step %while3A_130 iter_args(%while3A_171 = %scan3A_99) -> (i32)  : i32 {
          %mul3A_172 = arith.constant 16 : i32
          %mul3A_173 = arith.muli %while3A_170, %mul3A_172 : i32
          %multiple_of3A_174 = tpu.assume_multiple %mul3A_173, 16 : i32
          %get3A = arith.index_cast %multiple_of3A_174 : i32 to index
          %get3A_175 = tpu.vector_load %arg9[%get3A] {strides = array<i32>} : memref<2048xi32, #tpu.memory_space<vmem>>, vector<16xi32>,
          %get3A_176 = arith.index_cast %multiple_of3A_174 : i32 to index
          %get3A_177 = tpu.vector_load %arg10[%get3A_176] {strides = array<i32>} : memref<2048xi32, #tpu.memory_space<vmem>>, vector<16xi32>,
          %sub3A_178 = vector.broadcast %add3A_122 : i32 to vector<16xi32>
          %sub3A_179 = arith.subi %get3A_175, %sub3A_178 : vector<16xi32>
          %ge3A = arith.constant 0 : i32
          %ge3A_180 = vector.broadcast %ge3A : i32 to vector<16xi32>
          %ge3A_181 = arith.cmpi sge, %sub3A_179, %ge3A_180 : vector<16xi32>
          %lt3A = arith.constant 1024 : i32
          %lt3A_182 = vector.broadcast %lt3A : i32 to vector<16xi32>
          %lt3A_183 = arith.cmpi slt, %sub3A_179, %lt3A_182 : vector<16xi32>
          %and3A_184 = arith.andi %ge3A_181, %lt3A_183 : vector<16xi1>
          %convert_element_type3A_185 = arith.extui %and3A_184 : vector<16xi1> to vector<16xi32>
          %reduce_sum3A = arith.constant true
          %reduce_sum3A_186 = vector.broadcast %reduce_sum3A : i1 to vector<16xi1>
          %reduce_sum3A_187 = tpu.scan <sum>, %convert_element_type3A_185 masked %reduce_sum3A_186 : vector<16xi32>, vector<16xi1> -> vector<16xi32>
          %reduce_sum3A_188 = vector.extract %reduce_sum3A_187[15] : i32 from vector<16xi32>
          %jit3A_189 = arith.constant 0 : i32
          %broadcast_in_dim3A_190 = vector.broadcast %jit3A_189 : i32 to vector<16xi32>
          %select_n3A_191 = arith.select %and3A_184, %sub3A_179, %broadcast_in_dim3A_190 : vector<16xi1>, vector<16xi32>
          %gt3A_192 = arith.constant 0 : i32
          %gt3A_193 = arith.cmpi sgt, %reduce_sum3A_188, %gt3A_192 : i32
          %convert_element_type3A_194 = arith.extui %gt3A_193 : i1 to i32
          %cond3A_195 = arith.constant 0 : i32
          %cond3A_196 = arith.cmpi ne, %convert_element_type3A_194, %cond3A_195 : i32
          scf.if %cond3A_196 {
            %broadcast_in_dim3A_207 = arith.constant true
            %broadcast_in_dim3A_208 = vector.broadcast %broadcast_in_dim3A_207 : i1 to vector<16xi1>
            %masked_cumsum3A = tpu.scan <sum>, %convert_element_type3A_185 masked %broadcast_in_dim3A_208 : vector<16xi32>, vector<16xi1> -> vector<16xi32>
            %add3A_209 = vector.broadcast %while3A_171 : i32 to vector<16xi32>
            %add3A_210 = arith.addi %add3A_209, %masked_cumsum3A : vector<16xi32>
            %sub3A_211 = arith.subi %add3A_210, %convert_element_type3A_185 : vector<16xi32>
            %broadcast_in_dim3A_212 = arith.constant 0 : i32
            %broadcast_in_dim3A_213 = vector.broadcast %broadcast_in_dim3A_212 : i32 to vector<16xi32>
            %gather3A = tpu.vector_load_idx %arg11[%broadcast_in_dim3A_213, %select_n3A_191] masked %and3A_184 : memref<32x1024xf32, #tpu.memory_space<vmem>>[vector<16xi32>, vector<16xi32>], vector<16xf32>, vector<16xi1>
            tpu.vector_store_idx %arg13[%sub3A_211, %broadcast_in_dim3A_213], %gather3A masked %and3A_184 : memref<128x128xf32, #tpu.memory_space<vmem>>[vector<16xi32>, vector<16xi32>], vector<16xf32>, vector<16xi1>
            %broadcast_in_dim3A_214 = arith.constant 1 : i32
            %broadcast_in_dim3A_215 = vector.broadcast %broadcast_in_dim3A_214 : i32 to vector<16xi32>
            %gather3A_216 = tpu.vector_load_idx %arg11[%broadcast_in_dim3A_215, %select_n3A_191] masked %and3A_184 : memref<32x1024xf32, #tpu.memory_space<vmem>>[vector<16xi32>, vector<16xi32>], vector<16xf32>, vector<16xi1>
            tpu.vector_store_idx %arg13[%sub3A_211, %broadcast_in_dim3A_215], %gather3A_216 masked %and3A_184 : memref<128x128xf32, #tpu.memory_space<vmem>>[vector<16xi32>, vector<16xi32>], vector<16xf32>, vector<16xi1>
            %broadcast_in_dim3A_217 = arith.constant 2 : i32
            %broadcast_in_dim3A_218 = vector.broadcast %broadcast_in_dim3A_217 : i32 to vector<16xi32>
            %gather3A_219 = tpu.vector_load_idx %arg11[%broadcast_in_dim3A_218, %select_n3A_191] masked %and3A_184 : memref<32x1024xf32, #tpu.memory_space<vmem>>[vector<16xi32>, vector<16xi32>], vector<16xf32>, vector<16xi1>
            tpu.vector_store_idx %arg13[%sub3A_211, %broadcast_in_dim3A_218], %gather3A_219 masked %and3A_184 : memref<128x128xf32, #tpu.memory_space<vmem>>[vector<16xi32>, vector<16xi32>], vector<16xf32>, vector<16xi1>
            %broadcast_in_dim3A_220 = arith.constant 3 : i32
            %broadcast_in_dim3A_221 = vector.broadcast %broadcast_in_dim3A_220 : i32 to vector<16xi32>
            %gather3A_222 = tpu.vector_load_idx %arg11[%broadcast_in_dim3A_221, %select_n3A_191] masked %and3A_184 : memref<32x1024xf32, #tpu.memory_space<vmem>>[vector<16xi32>, vector<16xi32>], vector<16xf32>, vector<16xi1>
            tpu.vector_store_idx %arg13[%sub3A_211, %broadcast_in_dim3A_221], %gather3A_222 masked %and3A_184 : memref<128x128xf32, #tpu.memory_space<vmem>>[vector<16xi32>, vector<16xi32>], vector<16xf32>, vector<16xi1>
            %broadcast_in_dim3A_223 = arith.constant 4 : i32
            %broadcast_in_dim3A_224 = vector.broadcast %broadcast_in_dim3A_223 : i32 to vector<16xi32>
            %gather3A_225 = tpu.vector_load_idx %arg11[%broadcast_in_dim3A_224, %select_n3A_191] masked %and3A_184 : memref<32x1024xf32, #tpu.memory_space<vmem>>[vector<16xi32>, vector<16xi32>], vector<16xf32>, vector<16xi1>
            tpu.vector_store_idx %arg13[%sub3A_211, %broadcast_in_dim3A_224], %gather3A_225 masked %and3A_184 : memref<128x128xf32, #tpu.memory_space<vmem>>[vector<16xi32>, vector<16xi32>], vector<16xf32>, vector<16xi1>
            %broadcast_in_dim3A_226 = arith.constant 5 : i32
            %broadcast_in_dim3A_227 = vector.broadcast %broadcast_in_dim3A_226 : i32 to vector<16xi32>
            %gather3A_228 = tpu.vector_load_idx %arg11[%broadcast_in_dim3A_227, %select_n3A_191] masked %and3A_184 : memref<32x1024xf32, #tpu.memory_space<vmem>>[vector<16xi32>, vector<16xi32>], vector<16xf32>, vector<16xi1>
            tpu.vector_store_idx %arg13[%sub3A_211, %broadcast_in_dim3A_227], %gather3A_228 masked %and3A_184 : memref<128x128xf32, #tpu.memory_space<vmem>>[vector<16xi32>, vector<16xi32>], vector<16xf32>, vector<16xi1>
            %broadcast_in_dim3A_229 = arith.constant 6 : i32
            %broadcast_in_dim3A_230 = vector.broadcast %broadcast_in_dim3A_229 : i32 to vector<16xi32>
            %gather3A_231 = tpu.vector_load_idx %arg11[%broadcast_in_dim3A_230, %select_n3A_191] masked %and3A_184 : memref<32x1024xf32, #tpu.memory_space<vmem>>[vector<16xi32>, vector<16xi32>], vector<16xf32>, vector<16xi1>
            tpu.vector_store_idx %arg13[%sub3A_211, %broadcast_in_dim3A_230], %gather3A_231 masked %and3A_184 : memref<128x128xf32, #tpu.memory_space<vmem>>[vector<16xi32>, vector<16xi32>], vector<16xf32>, vector<16xi1>
            %broadcast_in_dim3A_232 = arith.constant 7 : i32
            %broadcast_in_dim3A_233 = vector.broadcast %broadcast_in_dim3A_232 : i32 to vector<16xi32>
            %gather3A_234 = tpu.vector_load_idx %arg11[%broadcast_in_dim3A_233, %select_n3A_191] masked %and3A_184 : memref<32x1024xf32, #tpu.memory_space<vmem>>[vector<16xi32>, vector<16xi32>], vector<16xf32>, vector<16xi1>
            tpu.vector_store_idx %arg13[%sub3A_211, %broadcast_in_dim3A_233], %gather3A_234 masked %and3A_184 : memref<128x128xf32, #tpu.memory_space<vmem>>[vector<16xi32>, vector<16xi32>], vector<16xf32>, vector<16xi1>
            %broadcast_in_dim3A_235 = arith.constant 8 : i32
            %broadcast_in_dim3A_236 = vector.broadcast %broadcast_in_dim3A_235 : i32 to vector<16xi32>
            %gather3A_237 = tpu.vector_load_idx %arg11[%broadcast_in_dim3A_236, %select_n3A_191] masked %and3A_184 : memref<32x1024xf32, #tpu.memory_space<vmem>>[vector<16xi32>, vector<16xi32>], vector<16xf32>, vector<16xi1>
            tpu.vector_store_idx %arg13[%sub3A_211, %broadcast_in_dim3A_236], %gather3A_237 masked %and3A_184 : memref<128x128xf32, #tpu.memory_space<vmem>>[vector<16xi32>, vector<16xi32>], vector<16xf32>, vector<16xi1>
            %broadcast_in_dim3A_238 = arith.constant 9 : i32
            %broadcast_in_dim3A_239 = vector.broadcast %broadcast_in_dim3A_238 : i32 to vector<16xi32>
            %gather3A_240 = tpu.vector_load_idx %arg11[%broadcast_in_dim3A_239, %select_n3A_191] masked %and3A_184 : memref<32x1024xf32, #tpu.memory_space<vmem>>[vector<16xi32>, vector<16xi32>], vector<16xf32>, vector<16xi1>
            tpu.vector_store_idx %arg13[%sub3A_211, %broadcast_in_dim3A_239], %gather3A_240 masked %and3A_184 : memref<128x128xf32, #tpu.memory_space<vmem>>[vector<16xi32>, vector<16xi32>], vector<16xf32>, vector<16xi1>
            %broadcast_in_dim3A_241 = arith.constant 10 : i32
            %broadcast_in_dim3A_242 = vector.broadcast %broadcast_in_dim3A_241 : i32 to vector<16xi32>
            %gather3A_243 = tpu.vector_load_idx %arg11[%broadcast_in_dim3A_242, %select_n3A_191] masked %and3A_184 : memref<32x1024xf32, #tpu.memory_space<vmem>>[vector<16xi32>, vector<16xi32>], vector<16xf32>, vector<16xi1>
            tpu.vector_store_idx %arg13[%sub3A_211, %broadcast_in_dim3A_242], %gather3A_243 masked %and3A_184 : memref<128x128xf32, #tpu.memory_space<vmem>>[vector<16xi32>, vector<16xi32>], vector<16xf32>, vector<16xi1>
            %broadcast_in_dim3A_244 = arith.constant 11 : i32
            %broadcast_in_dim3A_245 = vector.broadcast %broadcast_in_dim3A_244 : i32 to vector<16xi32>
            %gather3A_246 = tpu.vector_load_idx %arg11[%broadcast_in_dim3A_245, %select_n3A_191] masked %and3A_184 : memref<32x1024xf32, #tpu.memory_space<vmem>>[vector<16xi32>, vector<16xi32>], vector<16xf32>, vector<16xi1>
            tpu.vector_store_idx %arg13[%sub3A_211, %broadcast_in_dim3A_245], %gather3A_246 masked %and3A_184 : memref<128x128xf32, #tpu.memory_space<vmem>>[vector<16xi32>, vector<16xi32>], vector<16xf32>, vector<16xi1>
            %broadcast_in_dim3A_247 = arith.constant 12 : i32
            %broadcast_in_dim3A_248 = vector.broadcast %broadcast_in_dim3A_247 : i32 to vector<16xi32>
            %gather3A_249 = tpu.vector_load_idx %arg11[%broadcast_in_dim3A_248, %select_n3A_191] masked %and3A_184 : memref<32x1024xf32, #tpu.memory_space<vmem>>[vector<16xi32>, vector<16xi32>], vector<16xf32>, vector<16xi1>
            tpu.vector_store_idx %arg13[%sub3A_211, %broadcast_in_dim3A_248], %gather3A_249 masked %and3A_184 : memref<128x128xf32, #tpu.memory_space<vmem>>[vector<16xi32>, vector<16xi32>], vector<16xf32>, vector<16xi1>
            %broadcast_in_dim3A_250 = arith.constant 13 : i32
            %broadcast_in_dim3A_251 = vector.broadcast %broadcast_in_dim3A_250 : i32 to vector<16xi32>
            %gather3A_252 = tpu.vector_load_idx %arg11[%broadcast_in_dim3A_251, %select_n3A_191] masked %and3A_184 : memref<32x1024xf32, #tpu.memory_space<vmem>>[vector<16xi32>, vector<16xi32>], vector<16xf32>, vector<16xi1>
            tpu.vector_store_idx %arg13[%sub3A_211, %broadcast_in_dim3A_251], %gather3A_252 masked %and3A_184 : memref<128x128xf32, #tpu.memory_space<vmem>>[vector<16xi32>, vector<16xi32>], vector<16xf32>, vector<16xi1>
            %broadcast_in_dim3A_253 = arith.constant 14 : i32
            %broadcast_in_dim3A_254 = vector.broadcast %broadcast_in_dim3A_253 : i32 to vector<16xi32>
            %gather3A_255 = tpu.vector_load_idx %arg11[%broadcast_in_dim3A_254, %select_n3A_191] masked %and3A_184 : memref<32x1024xf32, #tpu.memory_space<vmem>>[vector<16xi32>, vector<16xi32>], vector<16xf32>, vector<16xi1>
            tpu.vector_store_idx %arg13[%sub3A_211, %broadcast_in_dim3A_254], %gather3A_255 masked %and3A_184 : memref<128x128xf32, #tpu.memory_space<vmem>>[vector<16xi32>, vector<16xi32>], vector<16xf32>, vector<16xi1>
            %broadcast_in_dim3A_256 = arith.constant 15 : i32
            %broadcast_in_dim3A_257 = vector.broadcast %broadcast_in_dim3A_256 : i32 to vector<16xi32>
            %gather3A_258 = tpu.vector_load_idx %arg11[%broadcast_in_dim3A_257, %select_n3A_191] masked %and3A_184 : memref<32x1024xf32, #tpu.memory_space<vmem>>[vector<16xi32>, vector<16xi32>], vector<16xf32>, vector<16xi1>
            tpu.vector_store_idx %arg13[%sub3A_211, %broadcast_in_dim3A_257], %gather3A_258 masked %and3A_184 : memref<128x128xf32, #tpu.memory_space<vmem>>[vector<16xi32>, vector<16xi32>], vector<16xf32>, vector<16xi1>
            %broadcast_in_dim3A_259 = arith.constant 16 : i32
            %broadcast_in_dim3A_260 = vector.broadcast %broadcast_in_dim3A_259 : i32 to vector<16xi32>
            %gather3A_261 = tpu.vector_load_idx %arg11[%broadcast_in_dim3A_260, %select_n3A_191] masked %and3A_184 : memref<32x1024xf32, #tpu.memory_space<vmem>>[vector<16xi32>, vector<16xi32>], vector<16xf32>, vector<16xi1>
            tpu.vector_store_idx %arg13[%sub3A_211, %broadcast_in_dim3A_260], %gather3A_261 masked %and3A_184 : memref<128x128xf32, #tpu.memory_space<vmem>>[vector<16xi32>, vector<16xi32>], vector<16xf32>, vector<16xi1>
            %broadcast_in_dim3A_262 = arith.constant 17 : i32
            %broadcast_in_dim3A_263 = vector.broadcast %broadcast_in_dim3A_262 : i32 to vector<16xi32>
            %gather3A_264 = tpu.vector_load_idx %arg11[%broadcast_in_dim3A_263, %select_n3A_191] masked %and3A_184 : memref<32x1024xf32, #tpu.memory_space<vmem>>[vector<16xi32>, vector<16xi32>], vector<16xf32>, vector<16xi1>
            tpu.vector_store_idx %arg13[%sub3A_211, %broadcast_in_dim3A_263], %gather3A_264 masked %and3A_184 : memref<128x128xf32, #tpu.memory_space<vmem>>[vector<16xi32>, vector<16xi32>], vector<16xf32>, vector<16xi1>
            %broadcast_in_dim3A_265 = arith.constant 18 : i32
            %broadcast_in_dim3A_266 = vector.broadcast %broadcast_in_dim3A_265 : i32 to vector<16xi32>
            %gather3A_267 = tpu.vector_load_idx %arg11[%broadcast_in_dim3A_266, %select_n3A_191] masked %and3A_184 : memref<32x1024xf32, #tpu.memory_space<vmem>>[vector<16xi32>, vector<16xi32>], vector<16xf32>, vector<16xi1>
            tpu.vector_store_idx %arg13[%sub3A_211, %broadcast_in_dim3A_266], %gather3A_267 masked %and3A_184 : memref<128x128xf32, #tpu.memory_space<vmem>>[vector<16xi32>, vector<16xi32>], vector<16xf32>, vector<16xi1>
            %broadcast_in_dim3A_268 = arith.constant 19 : i32
            %broadcast_in_dim3A_269 = vector.broadcast %broadcast_in_dim3A_268 : i32 to vector<16xi32>
            %gather3A_270 = tpu.vector_load_idx %arg11[%broadcast_in_dim3A_269, %select_n3A_191] masked %and3A_184 : memref<32x1024xf32, #tpu.memory_space<vmem>>[vector<16xi32>, vector<16xi32>], vector<16xf32>, vector<16xi1>
            tpu.vector_store_idx %arg13[%sub3A_211, %broadcast_in_dim3A_269], %gather3A_270 masked %and3A_184 : memref<128x128xf32, #tpu.memory_space<vmem>>[vector<16xi32>, vector<16xi32>], vector<16xf32>, vector<16xi1>
            %broadcast_in_dim3A_271 = arith.constant 20 : i32
            %broadcast_in_dim3A_272 = vector.broadcast %broadcast_in_dim3A_271 : i32 to vector<16xi32>
            %gather3A_273 = tpu.vector_load_idx %arg11[%broadcast_in_dim3A_272, %select_n3A_191] masked %and3A_184 : memref<32x1024xf32, #tpu.memory_space<vmem>>[vector<16xi32>, vector<16xi32>], vector<16xf32>, vector<16xi1>
            tpu.vector_store_idx %arg13[%sub3A_211, %broadcast_in_dim3A_272], %gather3A_273 masked %and3A_184 : memref<128x128xf32, #tpu.memory_space<vmem>>[vector<16xi32>, vector<16xi32>], vector<16xf32>, vector<16xi1>
            %broadcast_in_dim3A_274 = arith.constant 21 : i32
            %broadcast_in_dim3A_275 = vector.broadcast %broadcast_in_dim3A_274 : i32 to vector<16xi32>
            %gather3A_276 = tpu.vector_load_idx %arg11[%broadcast_in_dim3A_275, %select_n3A_191] masked %and3A_184 : memref<32x1024xf32, #tpu.memory_space<vmem>>[vector<16xi32>, vector<16xi32>], vector<16xf32>, vector<16xi1>
            tpu.vector_store_idx %arg13[%sub3A_211, %broadcast_in_dim3A_275], %gather3A_276 masked %and3A_184 : memref<128x128xf32, #tpu.memory_space<vmem>>[vector<16xi32>, vector<16xi32>], vector<16xf32>, vector<16xi1>
            %broadcast_in_dim3A_277 = arith.constant 22 : i32
            %broadcast_in_dim3A_278 = vector.broadcast %broadcast_in_dim3A_277 : i32 to vector<16xi32>
            %gather3A_279 = tpu.vector_load_idx %arg11[%broadcast_in_dim3A_278, %select_n3A_191] masked %and3A_184 : memref<32x1024xf32, #tpu.memory_space<vmem>>[vector<16xi32>, vector<16xi32>], vector<16xf32>, vector<16xi1>
            tpu.vector_store_idx %arg13[%sub3A_211, %broadcast_in_dim3A_278], %gather3A_279 masked %and3A_184 : memref<128x128xf32, #tpu.memory_space<vmem>>[vector<16xi32>, vector<16xi32>], vector<16xf32>, vector<16xi1>
            %broadcast_in_dim3A_280 = arith.constant 23 : i32
            %broadcast_in_dim3A_281 = vector.broadcast %broadcast_in_dim3A_280 : i32 to vector<16xi32>
            %gather3A_282 = tpu.vector_load_idx %arg11[%broadcast_in_dim3A_281, %select_n3A_191] masked %and3A_184 : memref<32x1024xf32, #tpu.memory_space<vmem>>[vector<16xi32>, vector<16xi32>], vector<16xf32>, vector<16xi1>
            tpu.vector_store_idx %arg13[%sub3A_211, %broadcast_in_dim3A_281], %gather3A_282 masked %and3A_184 : memref<128x128xf32, #tpu.memory_space<vmem>>[vector<16xi32>, vector<16xi32>], vector<16xf32>, vector<16xi1>
            %broadcast_in_dim3A_283 = arith.constant 24 : i32
            %broadcast_in_dim3A_284 = vector.broadcast %broadcast_in_dim3A_283 : i32 to vector<16xi32>
            %gather3A_285 = tpu.vector_load_idx %arg11[%broadcast_in_dim3A_284, %select_n3A_191] masked %and3A_184 : memref<32x1024xf32, #tpu.memory_space<vmem>>[vector<16xi32>, vector<16xi32>], vector<16xf32>, vector<16xi1>
            tpu.vector_store_idx %arg13[%sub3A_211, %broadcast_in_dim3A_284], %gather3A_285 masked %and3A_184 : memref<128x128xf32, #tpu.memory_space<vmem>>[vector<16xi32>, vector<16xi32>], vector<16xf32>, vector<16xi1>
            %broadcast_in_dim3A_286 = arith.constant 25 : i32
            %broadcast_in_dim3A_287 = vector.broadcast %broadcast_in_dim3A_286 : i32 to vector<16xi32>
            %gather3A_288 = tpu.vector_load_idx %arg11[%broadcast_in_dim3A_287, %select_n3A_191] masked %and3A_184 : memref<32x1024xf32, #tpu.memory_space<vmem>>[vector<16xi32>, vector<16xi32>], vector<16xf32>, vector<16xi1>
            tpu.vector_store_idx %arg13[%sub3A_211, %broadcast_in_dim3A_287], %gather3A_288 masked %and3A_184 : memref<128x128xf32, #tpu.memory_space<vmem>>[vector<16xi32>, vector<16xi32>], vector<16xf32>, vector<16xi1>
            %broadcast_in_dim3A_289 = arith.constant 26 : i32
            %broadcast_in_dim3A_290 = vector.broadcast %broadcast_in_dim3A_289 : i32 to vector<16xi32>
            %gather3A_291 = tpu.vector_load_idx %arg11[%broadcast_in_dim3A_290, %select_n3A_191] masked %and3A_184 : memref<32x1024xf32, #tpu.memory_space<vmem>>[vector<16xi32>, vector<16xi32>], vector<16xf32>, vector<16xi1>
            tpu.vector_store_idx %arg13[%sub3A_211, %broadcast_in_dim3A_290], %gather3A_291 masked %and3A_184 : memref<128x128xf32, #tpu.memory_space<vmem>>[vector<16xi32>, vector<16xi32>], vector<16xf32>, vector<16xi1>
            %broadcast_in_dim3A_292 = arith.constant 27 : i32
            %broadcast_in_dim3A_293 = vector.broadcast %broadcast_in_dim3A_292 : i32 to vector<16xi32>
            %gather3A_294 = tpu.vector_load_idx %arg11[%broadcast_in_dim3A_293, %select_n3A_191] masked %and3A_184 : memref<32x1024xf32, #tpu.memory_space<vmem>>[vector<16xi32>, vector<16xi32>], vector<16xf32>, vector<16xi1>
            tpu.vector_store_idx %arg13[%sub3A_211, %broadcast_in_dim3A_293], %gather3A_294 masked %and3A_184 : memref<128x128xf32, #tpu.memory_space<vmem>>[vector<16xi32>, vector<16xi32>], vector<16xf32>, vector<16xi1>
            %broadcast_in_dim3A_295 = arith.constant 28 : i32
            %broadcast_in_dim3A_296 = vector.broadcast %broadcast_in_dim3A_295 : i32 to vector<16xi32>
            %gather3A_297 = tpu.vector_load_idx %arg11[%broadcast_in_dim3A_296, %select_n3A_191] masked %and3A_184 : memref<32x1024xf32, #tpu.memory_space<vmem>>[vector<16xi32>, vector<16xi32>], vector<16xf32>, vector<16xi1>
            tpu.vector_store_idx %arg13[%sub3A_211, %broadcast_in_dim3A_296], %gather3A_297 masked %and3A_184 : memref<128x128xf32, #tpu.memory_space<vmem>>[vector<16xi32>, vector<16xi32>], vector<16xf32>, vector<16xi1>
            %broadcast_in_dim3A_298 = arith.constant 29 : i32
            %broadcast_in_dim3A_299 = vector.broadcast %broadcast_in_dim3A_298 : i32 to vector<16xi32>
            %gather3A_300 = tpu.vector_load_idx %arg11[%broadcast_in_dim3A_299, %select_n3A_191] masked %and3A_184 : memref<32x1024xf32, #tpu.memory_space<vmem>>[vector<16xi32>, vector<16xi32>], vector<16xf32>, vector<16xi1>
            tpu.vector_store_idx %arg13[%sub3A_211, %broadcast_in_dim3A_299], %gather3A_300 masked %and3A_184 : memref<128x128xf32, #tpu.memory_space<vmem>>[vector<16xi32>, vector<16xi32>], vector<16xf32>, vector<16xi1>
            %broadcast_in_dim3A_301 = arith.constant 30 : i32
            %broadcast_in_dim3A_302 = vector.broadcast %broadcast_in_dim3A_301 : i32 to vector<16xi32>
            %gather3A_303 = tpu.vector_load_idx %arg11[%broadcast_in_dim3A_302, %select_n3A_191] masked %and3A_184 : memref<32x1024xf32, #tpu.memory_space<vmem>>[vector<16xi32>, vector<16xi32>], vector<16xf32>, vector<16xi1>
            tpu.vector_store_idx %arg13[%sub3A_211, %broadcast_in_dim3A_302], %gather3A_303 masked %and3A_184 : memref<128x128xf32, #tpu.memory_space<vmem>>[vector<16xi32>, vector<16xi32>], vector<16xf32>, vector<16xi1>
            %broadcast_in_dim3A_304 = arith.constant 31 : i32
            %broadcast_in_dim3A_305 = vector.broadcast %broadcast_in_dim3A_304 : i32 to vector<16xi32>
            %gather3A_306 = tpu.vector_load_idx %arg11[%broadcast_in_dim3A_305, %select_n3A_191] masked %and3A_184 : memref<32x1024xf32, #tpu.memory_space<vmem>>[vector<16xi32>, vector<16xi32>], vector<16xf32>, vector<16xi1>
            tpu.vector_store_idx %arg13[%sub3A_211, %broadcast_in_dim3A_305], %gather3A_306 masked %and3A_184 : memref<128x128xf32, #tpu.memory_space<vmem>>[vector<16xi32>, vector<16xi32>], vector<16xf32>, vector<16xi1>
            tpu.vector_store_idx %arg14[%sub3A_211], %get3A_177 masked %and3A_184 : memref<128xi32, #tpu.memory_space<vmem>>[vector<16xi32>], vector<16xi32>, vector<16xi1>
          } else {
          }
          %add3A_197 = arith.addi %while3A_171, %reduce_sum3A_188 : i32
          %ge3A_198 = arith.constant 112 : i32
          %ge3A_199 = arith.cmpi sge, %add3A_197, %ge3A_198 : i32
          %convert_element_type3A_200 = arith.extui %ge3A_199 : i1 to i32
          %cond3A_201 = arith.constant 0 : i32
          %cond3A_202 = arith.cmpi ne, %convert_element_type3A_200, %cond3A_201 : i32
          scf.if %cond3A_202 {
            %dma_start3A_207 = arith.constant 0 : i32
            %dma_start3A_208 = arith.constant 0 : i32
            %dma_start3A_209 = tpu.memref_slice %arg7[%dma_start3A_207, %dma_start3A_208] : memref<16448x128xf32, #tpu.memory_space<hbm>> -> memref<16448x128xf32, #tpu.memory_space<hbm>>
            tpu.enqueue_indirect_dma source(%arg13 : memref<128x128xf32, #tpu.memory_space<vmem>>) target(%dma_start3A_209 : memref<16448x128xf32, #tpu.memory_space<hbm>>) offsets(%arg14 : memref<128xi32, #tpu.memory_space<vmem>>) semaphore(%arg16 : memref<!tpu.dma_semaphore, #tpu.memory_space<semaphore_mem>>)
            %dma_wait3A_210 = arith.constant 0 : i32
            %dma_wait3A_211 = arith.constant 0 : i32
            %dma_wait3A_212 = tpu.memref_slice %arg7[%dma_wait3A_210, %dma_wait3A_211] : memref<16448x128xf32, #tpu.memory_space<hbm>> -> memref<16448x128xf32, #tpu.memory_space<hbm>>
            tpu.wait_indirect_dma semaphore(%arg16 : memref<!tpu.dma_semaphore, #tpu.memory_space<semaphore_mem>>) src(%arg13 : memref<128x128xf32, #tpu.memory_space<vmem>>) dst(%dma_wait3A_212 : memref<16448x128xf32, #tpu.memory_space<hbm>>)
            %broadcast_in_dim3A_213 = arith.constant 16384 : i32
            %broadcast_in_dim3A_214 = vector.broadcast %broadcast_in_dim3A_213 : i32 to vector<16xi32>
            %swap3A_215 = arith.constant 0 : index
            %swap3A_216 = tpu.vector_load %arg14[%swap3A_215] {strides = array<i32>} : memref<128xi32, #tpu.memory_space<vmem>>, vector<16xi32>,
            tpu.vector_store %arg14[%swap3A_215], %broadcast_in_dim3A_214 {strides = array<i32>} : memref<128xi32, #tpu.memory_space<vmem>>, vector<16xi32>,
            %broadcast_in_dim3A_217 = arith.constant 16384 : i32
            %broadcast_in_dim3A_218 = vector.broadcast %broadcast_in_dim3A_217 : i32 to vector<16xi32>
            %swap3A_219 = arith.constant 16 : index
            %swap3A_220 = tpu.vector_load %arg14[%swap3A_219] {strides = array<i32>} : memref<128xi32, #tpu.memory_space<vmem>>, vector<16xi32>,
            tpu.vector_store %arg14[%swap3A_219], %broadcast_in_dim3A_218 {strides = array<i32>} : memref<128xi32, #tpu.memory_space<vmem>>, vector<16xi32>,
            %broadcast_in_dim3A_221 = arith.constant 16384 : i32
            %broadcast_in_dim3A_222 = vector.broadcast %broadcast_in_dim3A_221 : i32 to vector<16xi32>
            %swap3A_223 = arith.constant 32 : index
            %swap3A_224 = tpu.vector_load %arg14[%swap3A_223] {strides = array<i32>} : memref<128xi32, #tpu.memory_space<vmem>>, vector<16xi32>,
            tpu.vector_store %arg14[%swap3A_223], %broadcast_in_dim3A_222 {strides = array<i32>} : memref<128xi32, #tpu.memory_space<vmem>>, vector<16xi32>,
            %broadcast_in_dim3A_225 = arith.constant 16384 : i32
            %broadcast_in_dim3A_226 = vector.broadcast %broadcast_in_dim3A_225 : i32 to vector<16xi32>
            %swap3A_227 = arith.constant 48 : index
            %swap3A_228 = tpu.vector_load %arg14[%swap3A_227] {strides = array<i32>} : memref<128xi32, #tpu.memory_space<vmem>>, vector<16xi32>,
            tpu.vector_store %arg14[%swap3A_227], %broadcast_in_dim3A_226 {strides = array<i32>} : memref<128xi32, #tpu.memory_space<vmem>>, vector<16xi32>,
            %broadcast_in_dim3A_229 = arith.constant 16384 : i32
            %broadcast_in_dim3A_230 = vector.broadcast %broadcast_in_dim3A_229 : i32 to vector<16xi32>
            %swap3A_231 = arith.constant 64 : index
            %swap3A_232 = tpu.vector_load %arg14[%swap3A_231] {strides = array<i32>} : memref<128xi32, #tpu.memory_space<vmem>>, vector<16xi32>,
            tpu.vector_store %arg14[%swap3A_231], %broadcast_in_dim3A_230 {strides = array<i32>} : memref<128xi32, #tpu.memory_space<vmem>>, vector<16xi32>,
            %broadcast_in_dim3A_233 = arith.constant 16384 : i32
            %broadcast_in_dim3A_234 = vector.broadcast %broadcast_in_dim3A_233 : i32 to vector<16xi32>
            %swap3A_235 = arith.constant 80 : index
            %swap3A_236 = tpu.vector_load %arg14[%swap3A_235] {strides = array<i32>} : memref<128xi32, #tpu.memory_space<vmem>>, vector<16xi32>,
            tpu.vector_store %arg14[%swap3A_235], %broadcast_in_dim3A_234 {strides = array<i32>} : memref<128xi32, #tpu.memory_space<vmem>>, vector<16xi32>,
            %broadcast_in_dim3A_237 = arith.constant 16384 : i32
            %broadcast_in_dim3A_238 = vector.broadcast %broadcast_in_dim3A_237 : i32 to vector<16xi32>
            %swap3A_239 = arith.constant 96 : index
            %swap3A_240 = tpu.vector_load %arg14[%swap3A_239] {strides = array<i32>} : memref<128xi32, #tpu.memory_space<vmem>>, vector<16xi32>,
            tpu.vector_store %arg14[%swap3A_239], %broadcast_in_dim3A_238 {strides = array<i32>} : memref<128xi32, #tpu.memory_space<vmem>>, vector<16xi32>,
            %broadcast_in_dim3A_241 = arith.constant 16384 : i32
            %broadcast_in_dim3A_242 = vector.broadcast %broadcast_in_dim3A_241 : i32 to vector<16xi32>
            %swap3A_243 = arith.constant 112 : index
            %swap3A_244 = tpu.vector_load %arg14[%swap3A_243] {strides = array<i32>} : memref<128xi32, #tpu.memory_space<vmem>>, vector<16xi32>,
            tpu.vector_store %arg14[%swap3A_243], %broadcast_in_dim3A_242 {strides = array<i32>} : memref<128xi32, #tpu.memory_space<vmem>>, vector<16xi32>,
          } else {
          }
          %ge3A_203 = arith.constant 112 : i32
          %ge3A_204 = arith.cmpi sge, %add3A_197, %ge3A_203 : i32
          %jit3A_205 = arith.constant 0 : i32
          %select_n3A_206 = arith.select %ge3A_204, %jit3A_205, %add3A_197 : i32
          scf.yield %select_n3A_206 : i32
        }
        %while3A_132 = arith.constant 1 : i32
        %while3A_133 = scf.for %while3A_170 = %while3A_129 to %while3A_125 step %while3A_132 iter_args(%while3A_171 = %while3A_131) -> (i32)  : i32 {
          %mul3A_172 = arith.constant 16 : i32
          %mul3A_173 = arith.muli %while3A_170, %mul3A_172 : i32
          %multiple_of3A_174 = tpu.assume_multiple %mul3A_173, 16 : i32
          %get3A = arith.index_cast %multiple_of3A_174 : i32 to index
          %get3A_175 = tpu.vector_load %arg9[%get3A] {strides = array<i32>} : memref<2048xi32, #tpu.memory_space<vmem>>, vector<16xi32>,
          %get3A_176 = arith.index_cast %multiple_of3A_174 : i32 to index
          %get3A_177 = tpu.vector_load %arg10[%get3A_176] {strides = array<i32>} : memref<2048xi32, #tpu.memory_space<vmem>>, vector<16xi32>,
          %sub3A_178 = vector.broadcast %add3A_122 : i32 to vector<16xi32>
          %sub3A_179 = arith.subi %get3A_175, %sub3A_178 : vector<16xi32>
          %ge3A = arith.constant 0 : i32
          %ge3A_180 = vector.broadcast %ge3A : i32 to vector<16xi32>
          %ge3A_181 = arith.cmpi sge, %sub3A_179, %ge3A_180 : vector<16xi32>
          %lt3A = arith.constant 1024 : i32
          %lt3A_182 = vector.broadcast %lt3A : i32 to vector<16xi32>
          %lt3A_183 = arith.cmpi slt, %sub3A_179, %lt3A_182 : vector<16xi32>
          %and3A_184 = arith.andi %ge3A_181, %lt3A_183 : vector<16xi1>
          %convert_element_type3A_185 = arith.extui %and3A_184 : vector<16xi1> to vector<16xi32>
          %reduce_sum3A = arith.constant true
          %reduce_sum3A_186 = vector.broadcast %reduce_sum3A : i1 to vector<16xi1>
          %reduce_sum3A_187 = tpu.scan <sum>, %convert_element_type3A_185 masked %reduce_sum3A_186 : vector<16xi32>, vector<16xi1> -> vector<16xi32>
          %reduce_sum3A_188 = vector.extract %reduce_sum3A_187[15] : i32 from vector<16xi32>
          %jit3A_189 = arith.constant 0 : i32
          %broadcast_in_dim3A_190 = vector.broadcast %jit3A_189 : i32 to vector<16xi32>
          %select_n3A_191 = arith.select %and3A_184, %sub3A_179, %broadcast_in_dim3A_190 : vector<16xi1>, vector<16xi32>
          %gt3A_192 = arith.constant 0 : i32
          %gt3A_193 = arith.cmpi sgt, %reduce_sum3A_188, %gt3A_192 : i32
          %convert_element_type3A_194 = arith.extui %gt3A_193 : i1 to i32
          %cond3A_195 = arith.constant 0 : i32
          %cond3A_196 = arith.cmpi ne, %convert_element_type3A_194, %cond3A_195 : i32
          scf.if %cond3A_196 {
            %broadcast_in_dim3A_207 = arith.constant true
            %broadcast_in_dim3A_208 = vector.broadcast %broadcast_in_dim3A_207 : i1 to vector<16xi1>
            %masked_cumsum3A = tpu.scan <sum>, %convert_element_type3A_185 masked %broadcast_in_dim3A_208 : vector<16xi32>, vector<16xi1> -> vector<16xi32>
            %add3A_209 = vector.broadcast %while3A_171 : i32 to vector<16xi32>
            %add3A_210 = arith.addi %add3A_209, %masked_cumsum3A : vector<16xi32>
            %sub3A_211 = arith.subi %add3A_210, %convert_element_type3A_185 : vector<16xi32>
            %broadcast_in_dim3A_212 = arith.constant 0 : i32
            %broadcast_in_dim3A_213 = vector.broadcast %broadcast_in_dim3A_212 : i32 to vector<16xi32>
            %gather3A = tpu.vector_load_idx %arg11[%broadcast_in_dim3A_213, %select_n3A_191] masked %and3A_184 : memref<32x1024xf32, #tpu.memory_space<vmem>>[vector<16xi32>, vector<16xi32>], vector<16xf32>, vector<16xi1>
            tpu.vector_store_idx %arg13[%sub3A_211, %broadcast_in_dim3A_213], %gather3A masked %and3A_184 : memref<128x128xf32, #tpu.memory_space<vmem>>[vector<16xi32>, vector<16xi32>], vector<16xf32>, vector<16xi1>
            %broadcast_in_dim3A_214 = arith.constant 1 : i32
            %broadcast_in_dim3A_215 = vector.broadcast %broadcast_in_dim3A_214 : i32 to vector<16xi32>
            %gather3A_216 = tpu.vector_load_idx %arg11[%broadcast_in_dim3A_215, %select_n3A_191] masked %and3A_184 : memref<32x1024xf32, #tpu.memory_space<vmem>>[vector<16xi32>, vector<16xi32>], vector<16xf32>, vector<16xi1>
            tpu.vector_store_idx %arg13[%sub3A_211, %broadcast_in_dim3A_215], %gather3A_216 masked %and3A_184 : memref<128x128xf32, #tpu.memory_space<vmem>>[vector<16xi32>, vector<16xi32>], vector<16xf32>, vector<16xi1>
            %broadcast_in_dim3A_217 = arith.constant 2 : i32
            %broadcast_in_dim3A_218 = vector.broadcast %broadcast_in_dim3A_217 : i32 to vector<16xi32>
            %gather3A_219 = tpu.vector_load_idx %arg11[%broadcast_in_dim3A_218, %select_n3A_191] masked %and3A_184 : memref<32x1024xf32, #tpu.memory_space<vmem>>[vector<16xi32>, vector<16xi32>], vector<16xf32>, vector<16xi1>
            tpu.vector_store_idx %arg13[%sub3A_211, %broadcast_in_dim3A_218], %gather3A_219 masked %and3A_184 : memref<128x128xf32, #tpu.memory_space<vmem>>[vector<16xi32>, vector<16xi32>], vector<16xf32>, vector<16xi1>
            %broadcast_in_dim3A_220 = arith.constant 3 : i32
            %broadcast_in_dim3A_221 = vector.broadcast %broadcast_in_dim3A_220 : i32 to vector<16xi32>
            %gather3A_222 = tpu.vector_load_idx %arg11[%broadcast_in_dim3A_221, %select_n3A_191] masked %and3A_184 : memref<32x1024xf32, #tpu.memory_space<vmem>>[vector<16xi32>, vector<16xi32>], vector<16xf32>, vector<16xi1>
            tpu.vector_store_idx %arg13[%sub3A_211, %broadcast_in_dim3A_221], %gather3A_222 masked %and3A_184 : memref<128x128xf32, #tpu.memory_space<vmem>>[vector<16xi32>, vector<16xi32>], vector<16xf32>, vector<16xi1>
            %broadcast_in_dim3A_223 = arith.constant 4 : i32
            %broadcast_in_dim3A_224 = vector.broadcast %broadcast_in_dim3A_223 : i32 to vector<16xi32>
            %gather3A_225 = tpu.vector_load_idx %arg11[%broadcast_in_dim3A_224, %select_n3A_191] masked %and3A_184 : memref<32x1024xf32, #tpu.memory_space<vmem>>[vector<16xi32>, vector<16xi32>], vector<16xf32>, vector<16xi1>
            tpu.vector_store_idx %arg13[%sub3A_211, %broadcast_in_dim3A_224], %gather3A_225 masked %and3A_184 : memref<128x128xf32, #tpu.memory_space<vmem>>[vector<16xi32>, vector<16xi32>], vector<16xf32>, vector<16xi1>
            %broadcast_in_dim3A_226 = arith.constant 5 : i32
            %broadcast_in_dim3A_227 = vector.broadcast %broadcast_in_dim3A_226 : i32 to vector<16xi32>
            %gather3A_228 = tpu.vector_load_idx %arg11[%broadcast_in_dim3A_227, %select_n3A_191] masked %and3A_184 : memref<32x1024xf32, #tpu.memory_space<vmem>>[vector<16xi32>, vector<16xi32>], vector<16xf32>, vector<16xi1>
            tpu.vector_store_idx %arg13[%sub3A_211, %broadcast_in_dim3A_227], %gather3A_228 masked %and3A_184 : memref<128x128xf32, #tpu.memory_space<vmem>>[vector<16xi32>, vector<16xi32>], vector<16xf32>, vector<16xi1>
            %broadcast_in_dim3A_229 = arith.constant 6 : i32
            %broadcast_in_dim3A_230 = vector.broadcast %broadcast_in_dim3A_229 : i32 to vector<16xi32>
            %gather3A_231 = tpu.vector_load_idx %arg11[%broadcast_in_dim3A_230, %select_n3A_191] masked %and3A_184 : memref<32x1024xf32, #tpu.memory_space<vmem>>[vector<16xi32>, vector<16xi32>], vector<16xf32>, vector<16xi1>
            tpu.vector_store_idx %arg13[%sub3A_211, %broadcast_in_dim3A_230], %gather3A_231 masked %and3A_184 : memref<128x128xf32, #tpu.memory_space<vmem>>[vector<16xi32>, vector<16xi32>], vector<16xf32>, vector<16xi1>
            %broadcast_in_dim3A_232 = arith.constant 7 : i32
            %broadcast_in_dim3A_233 = vector.broadcast %broadcast_in_dim3A_232 : i32 to vector<16xi32>
            %gather3A_234 = tpu.vector_load_idx %arg11[%broadcast_in_dim3A_233, %select_n3A_191] masked %and3A_184 : memref<32x1024xf32, #tpu.memory_space<vmem>>[vector<16xi32>, vector<16xi32>], vector<16xf32>, vector<16xi1>
            tpu.vector_store_idx %arg13[%sub3A_211, %broadcast_in_dim3A_233], %gather3A_234 masked %and3A_184 : memref<128x128xf32, #tpu.memory_space<vmem>>[vector<16xi32>, vector<16xi32>], vector<16xf32>, vector<16xi1>
            %broadcast_in_dim3A_235 = arith.constant 8 : i32
            %broadcast_in_dim3A_236 = vector.broadcast %broadcast_in_dim3A_235 : i32 to vector<16xi32>
            %gather3A_237 = tpu.vector_load_idx %arg11[%broadcast_in_dim3A_236, %select_n3A_191] masked %and3A_184 : memref<32x1024xf32, #tpu.memory_space<vmem>>[vector<16xi32>, vector<16xi32>], vector<16xf32>, vector<16xi1>
            tpu.vector_store_idx %arg13[%sub3A_211, %broadcast_in_dim3A_236], %gather3A_237 masked %and3A_184 : memref<128x128xf32, #tpu.memory_space<vmem>>[vector<16xi32>, vector<16xi32>], vector<16xf32>, vector<16xi1>
            %broadcast_in_dim3A_238 = arith.constant 9 : i32
            %broadcast_in_dim3A_239 = vector.broadcast %broadcast_in_dim3A_238 : i32 to vector<16xi32>
            %gather3A_240 = tpu.vector_load_idx %arg11[%broadcast_in_dim3A_239, %select_n3A_191] masked %and3A_184 : memref<32x1024xf32, #tpu.memory_space<vmem>>[vector<16xi32>, vector<16xi32>], vector<16xf32>, vector<16xi1>
            tpu.vector_store_idx %arg13[%sub3A_211, %broadcast_in_dim3A_239], %gather3A_240 masked %and3A_184 : memref<128x128xf32, #tpu.memory_space<vmem>>[vector<16xi32>, vector<16xi32>], vector<16xf32>, vector<16xi1>
            %broadcast_in_dim3A_241 = arith.constant 10 : i32
            %broadcast_in_dim3A_242 = vector.broadcast %broadcast_in_dim3A_241 : i32 to vector<16xi32>
            %gather3A_243 = tpu.vector_load_idx %arg11[%broadcast_in_dim3A_242, %select_n3A_191] masked %and3A_184 : memref<32x1024xf32, #tpu.memory_space<vmem>>[vector<16xi32>, vector<16xi32>], vector<16xf32>, vector<16xi1>
            tpu.vector_store_idx %arg13[%sub3A_211, %broadcast_in_dim3A_242], %gather3A_243 masked %and3A_184 : memref<128x128xf32, #tpu.memory_space<vmem>>[vector<16xi32>, vector<16xi32>], vector<16xf32>, vector<16xi1>
            %broadcast_in_dim3A_244 = arith.constant 11 : i32
            %broadcast_in_dim3A_245 = vector.broadcast %broadcast_in_dim3A_244 : i32 to vector<16xi32>
            %gather3A_246 = tpu.vector_load_idx %arg11[%broadcast_in_dim3A_245, %select_n3A_191] masked %and3A_184 : memref<32x1024xf32, #tpu.memory_space<vmem>>[vector<16xi32>, vector<16xi32>], vector<16xf32>, vector<16xi1>
            tpu.vector_store_idx %arg13[%sub3A_211, %broadcast_in_dim3A_245], %gather3A_246 masked %and3A_184 : memref<128x128xf32, #tpu.memory_space<vmem>>[vector<16xi32>, vector<16xi32>], vector<16xf32>, vector<16xi1>
            %broadcast_in_dim3A_247 = arith.constant 12 : i32
            %broadcast_in_dim3A_248 = vector.broadcast %broadcast_in_dim3A_247 : i32 to vector<16xi32>
            %gather3A_249 = tpu.vector_load_idx %arg11[%broadcast_in_dim3A_248, %select_n3A_191] masked %and3A_184 : memref<32x1024xf32, #tpu.memory_space<vmem>>[vector<16xi32>, vector<16xi32>], vector<16xf32>, vector<16xi1>
            tpu.vector_store_idx %arg13[%sub3A_211, %broadcast_in_dim3A_248], %gather3A_249 masked %and3A_184 : memref<128x128xf32, #tpu.memory_space<vmem>>[vector<16xi32>, vector<16xi32>], vector<16xf32>, vector<16xi1>
            %broadcast_in_dim3A_250 = arith.constant 13 : i32
            %broadcast_in_dim3A_251 = vector.broadcast %broadcast_in_dim3A_250 : i32 to vector<16xi32>
            %gather3A_252 = tpu.vector_load_idx %arg11[%broadcast_in_dim3A_251, %select_n3A_191] masked %and3A_184 : memref<32x1024xf32, #tpu.memory_space<vmem>>[vector<16xi32>, vector<16xi32>], vector<16xf32>, vector<16xi1>
            tpu.vector_store_idx %arg13[%sub3A_211, %broadcast_in_dim3A_251], %gather3A_252 masked %and3A_184 : memref<128x128xf32, #tpu.memory_space<vmem>>[vector<16xi32>, vector<16xi32>], vector<16xf32>, vector<16xi1>
            %broadcast_in_dim3A_253 = arith.constant 14 : i32
            %broadcast_in_dim3A_254 = vector.broadcast %broadcast_in_dim3A_253 : i32 to vector<16xi32>
            %gather3A_255 = tpu.vector_load_idx %arg11[%broadcast_in_dim3A_254, %select_n3A_191] masked %and3A_184 : memref<32x1024xf32, #tpu.memory_space<vmem>>[vector<16xi32>, vector<16xi32>], vector<16xf32>, vector<16xi1>
            tpu.vector_store_idx %arg13[%sub3A_211, %broadcast_in_dim3A_254], %gather3A_255 masked %and3A_184 : memref<128x128xf32, #tpu.memory_space<vmem>>[vector<16xi32>, vector<16xi32>], vector<16xf32>, vector<16xi1>
            %broadcast_in_dim3A_256 = arith.constant 15 : i32
            %broadcast_in_dim3A_257 = vector.broadcast %broadcast_in_dim3A_256 : i32 to vector<16xi32>
            %gather3A_258 = tpu.vector_load_idx %arg11[%broadcast_in_dim3A_257, %select_n3A_191] masked %and3A_184 : memref<32x1024xf32, #tpu.memory_space<vmem>>[vector<16xi32>, vector<16xi32>], vector<16xf32>, vector<16xi1>
            tpu.vector_store_idx %arg13[%sub3A_211, %broadcast_in_dim3A_257], %gather3A_258 masked %and3A_184 : memref<128x128xf32, #tpu.memory_space<vmem>>[vector<16xi32>, vector<16xi32>], vector<16xf32>, vector<16xi1>
            %broadcast_in_dim3A_259 = arith.constant 16 : i32
            %broadcast_in_dim3A_260 = vector.broadcast %broadcast_in_dim3A_259 : i32 to vector<16xi32>
            %gather3A_261 = tpu.vector_load_idx %arg11[%broadcast_in_dim3A_260, %select_n3A_191] masked %and3A_184 : memref<32x1024xf32, #tpu.memory_space<vmem>>[vector<16xi32>, vector<16xi32>], vector<16xf32>, vector<16xi1>
            tpu.vector_store_idx %arg13[%sub3A_211, %broadcast_in_dim3A_260], %gather3A_261 masked %and3A_184 : memref<128x128xf32, #tpu.memory_space<vmem>>[vector<16xi32>, vector<16xi32>], vector<16xf32>, vector<16xi1>
            %broadcast_in_dim3A_262 = arith.constant 17 : i32
            %broadcast_in_dim3A_263 = vector.broadcast %broadcast_in_dim3A_262 : i32 to vector<16xi32>
            %gather3A_264 = tpu.vector_load_idx %arg11[%broadcast_in_dim3A_263, %select_n3A_191] masked %and3A_184 : memref<32x1024xf32, #tpu.memory_space<vmem>>[vector<16xi32>, vector<16xi32>], vector<16xf32>, vector<16xi1>
            tpu.vector_store_idx %arg13[%sub3A_211, %broadcast_in_dim3A_263], %gather3A_264 masked %and3A_184 : memref<128x128xf32, #tpu.memory_space<vmem>>[vector<16xi32>, vector<16xi32>], vector<16xf32>, vector<16xi1>
            %broadcast_in_dim3A_265 = arith.constant 18 : i32
            %broadcast_in_dim3A_266 = vector.broadcast %broadcast_in_dim3A_265 : i32 to vector<16xi32>
            %gather3A_267 = tpu.vector_load_idx %arg11[%broadcast_in_dim3A_266, %select_n3A_191] masked %and3A_184 : memref<32x1024xf32, #tpu.memory_space<vmem>>[vector<16xi32>, vector<16xi32>], vector<16xf32>, vector<16xi1>
            tpu.vector_store_idx %arg13[%sub3A_211, %broadcast_in_dim3A_266], %gather3A_267 masked %and3A_184 : memref<128x128xf32, #tpu.memory_space<vmem>>[vector<16xi32>, vector<16xi32>], vector<16xf32>, vector<16xi1>
            %broadcast_in_dim3A_268 = arith.constant 19 : i32
            %broadcast_in_dim3A_269 = vector.broadcast %broadcast_in_dim3A_268 : i32 to vector<16xi32>
            %gather3A_270 = tpu.vector_load_idx %arg11[%broadcast_in_dim3A_269, %select_n3A_191] masked %and3A_184 : memref<32x1024xf32, #tpu.memory_space<vmem>>[vector<16xi32>, vector<16xi32>], vector<16xf32>, vector<16xi1>
            tpu.vector_store_idx %arg13[%sub3A_211, %broadcast_in_dim3A_269], %gather3A_270 masked %and3A_184 : memref<128x128xf32, #tpu.memory_space<vmem>>[vector<16xi32>, vector<16xi32>], vector<16xf32>, vector<16xi1>
            %broadcast_in_dim3A_271 = arith.constant 20 : i32
            %broadcast_in_dim3A_272 = vector.broadcast %broadcast_in_dim3A_271 : i32 to vector<16xi32>
            %gather3A_273 = tpu.vector_load_idx %arg11[%broadcast_in_dim3A_272, %select_n3A_191] masked %and3A_184 : memref<32x1024xf32, #tpu.memory_space<vmem>>[vector<16xi32>, vector<16xi32>], vector<16xf32>, vector<16xi1>
            tpu.vector_store_idx %arg13[%sub3A_211, %broadcast_in_dim3A_272], %gather3A_273 masked %and3A_184 : memref<128x128xf32, #tpu.memory_space<vmem>>[vector<16xi32>, vector<16xi32>], vector<16xf32>, vector<16xi1>
            %broadcast_in_dim3A_274 = arith.constant 21 : i32
            %broadcast_in_dim3A_275 = vector.broadcast %broadcast_in_dim3A_274 : i32 to vector<16xi32>
            %gather3A_276 = tpu.vector_load_idx %arg11[%broadcast_in_dim3A_275, %select_n3A_191] masked %and3A_184 : memref<32x1024xf32, #tpu.memory_space<vmem>>[vector<16xi32>, vector<16xi32>], vector<16xf32>, vector<16xi1>
            tpu.vector_store_idx %arg13[%sub3A_211, %broadcast_in_dim3A_275], %gather3A_276 masked %and3A_184 : memref<128x128xf32, #tpu.memory_space<vmem>>[vector<16xi32>, vector<16xi32>], vector<16xf32>, vector<16xi1>
            %broadcast_in_dim3A_277 = arith.constant 22 : i32
            %broadcast_in_dim3A_278 = vector.broadcast %broadcast_in_dim3A_277 : i32 to vector<16xi32>
            %gather3A_279 = tpu.vector_load_idx %arg11[%broadcast_in_dim3A_278, %select_n3A_191] masked %and3A_184 : memref<32x1024xf32, #tpu.memory_space<vmem>>[vector<16xi32>, vector<16xi32>], vector<16xf32>, vector<16xi1>
            tpu.vector_store_idx %arg13[%sub3A_211, %broadcast_in_dim3A_278], %gather3A_279 masked %and3A_184 : memref<128x128xf32, #tpu.memory_space<vmem>>[vector<16xi32>, vector<16xi32>], vector<16xf32>, vector<16xi1>
            %broadcast_in_dim3A_280 = arith.constant 23 : i32
            %broadcast_in_dim3A_281 = vector.broadcast %broadcast_in_dim3A_280 : i32 to vector<16xi32>
            %gather3A_282 = tpu.vector_load_idx %arg11[%broadcast_in_dim3A_281, %select_n3A_191] masked %and3A_184 : memref<32x1024xf32, #tpu.memory_space<vmem>>[vector<16xi32>, vector<16xi32>], vector<16xf32>, vector<16xi1>
            tpu.vector_store_idx %arg13[%sub3A_211, %broadcast_in_dim3A_281], %gather3A_282 masked %and3A_184 : memref<128x128xf32, #tpu.memory_space<vmem>>[vector<16xi32>, vector<16xi32>], vector<16xf32>, vector<16xi1>
            %broadcast_in_dim3A_283 = arith.constant 24 : i32
            %broadcast_in_dim3A_284 = vector.broadcast %broadcast_in_dim3A_283 : i32 to vector<16xi32>
            %gather3A_285 = tpu.vector_load_idx %arg11[%broadcast_in_dim3A_284, %select_n3A_191] masked %and3A_184 : memref<32x1024xf32, #tpu.memory_space<vmem>>[vector<16xi32>, vector<16xi32>], vector<16xf32>, vector<16xi1>
            tpu.vector_store_idx %arg13[%sub3A_211, %broadcast_in_dim3A_284], %gather3A_285 masked %and3A_184 : memref<128x128xf32, #tpu.memory_space<vmem>>[vector<16xi32>, vector<16xi32>], vector<16xf32>, vector<16xi1>
            %broadcast_in_dim3A_286 = arith.constant 25 : i32
            %broadcast_in_dim3A_287 = vector.broadcast %broadcast_in_dim3A_286 : i32 to vector<16xi32>
            %gather3A_288 = tpu.vector_load_idx %arg11[%broadcast_in_dim3A_287, %select_n3A_191] masked %and3A_184 : memref<32x1024xf32, #tpu.memory_space<vmem>>[vector<16xi32>, vector<16xi32>], vector<16xf32>, vector<16xi1>
            tpu.vector_store_idx %arg13[%sub3A_211, %broadcast_in_dim3A_287], %gather3A_288 masked %and3A_184 : memref<128x128xf32, #tpu.memory_space<vmem>>[vector<16xi32>, vector<16xi32>], vector<16xf32>, vector<16xi1>
            %broadcast_in_dim3A_289 = arith.constant 26 : i32
            %broadcast_in_dim3A_290 = vector.broadcast %broadcast_in_dim3A_289 : i32 to vector<16xi32>
            %gather3A_291 = tpu.vector_load_idx %arg11[%broadcast_in_dim3A_290, %select_n3A_191] masked %and3A_184 : memref<32x1024xf32, #tpu.memory_space<vmem>>[vector<16xi32>, vector<16xi32>], vector<16xf32>, vector<16xi1>
            tpu.vector_store_idx %arg13[%sub3A_211, %broadcast_in_dim3A_290], %gather3A_291 masked %and3A_184 : memref<128x128xf32, #tpu.memory_space<vmem>>[vector<16xi32>, vector<16xi32>], vector<16xf32>, vector<16xi1>
            %broadcast_in_dim3A_292 = arith.constant 27 : i32
            %broadcast_in_dim3A_293 = vector.broadcast %broadcast_in_dim3A_292 : i32 to vector<16xi32>
            %gather3A_294 = tpu.vector_load_idx %arg11[%broadcast_in_dim3A_293, %select_n3A_191] masked %and3A_184 : memref<32x1024xf32, #tpu.memory_space<vmem>>[vector<16xi32>, vector<16xi32>], vector<16xf32>, vector<16xi1>
            tpu.vector_store_idx %arg13[%sub3A_211, %broadcast_in_dim3A_293], %gather3A_294 masked %and3A_184 : memref<128x128xf32, #tpu.memory_space<vmem>>[vector<16xi32>, vector<16xi32>], vector<16xf32>, vector<16xi1>
            %broadcast_in_dim3A_295 = arith.constant 28 : i32
            %broadcast_in_dim3A_296 = vector.broadcast %broadcast_in_dim3A_295 : i32 to vector<16xi32>
            %gather3A_297 = tpu.vector_load_idx %arg11[%broadcast_in_dim3A_296, %select_n3A_191] masked %and3A_184 : memref<32x1024xf32, #tpu.memory_space<vmem>>[vector<16xi32>, vector<16xi32>], vector<16xf32>, vector<16xi1>
            tpu.vector_store_idx %arg13[%sub3A_211, %broadcast_in_dim3A_296], %gather3A_297 masked %and3A_184 : memref<128x128xf32, #tpu.memory_space<vmem>>[vector<16xi32>, vector<16xi32>], vector<16xf32>, vector<16xi1>
            %broadcast_in_dim3A_298 = arith.constant 29 : i32
            %broadcast_in_dim3A_299 = vector.broadcast %broadcast_in_dim3A_298 : i32 to vector<16xi32>
            %gather3A_300 = tpu.vector_load_idx %arg11[%broadcast_in_dim3A_299, %select_n3A_191] masked %and3A_184 : memref<32x1024xf32, #tpu.memory_space<vmem>>[vector<16xi32>, vector<16xi32>], vector<16xf32>, vector<16xi1>
            tpu.vector_store_idx %arg13[%sub3A_211, %broadcast_in_dim3A_299], %gather3A_300 masked %and3A_184 : memref<128x128xf32, #tpu.memory_space<vmem>>[vector<16xi32>, vector<16xi32>], vector<16xf32>, vector<16xi1>
            %broadcast_in_dim3A_301 = arith.constant 30 : i32
            %broadcast_in_dim3A_302 = vector.broadcast %broadcast_in_dim3A_301 : i32 to vector<16xi32>
            %gather3A_303 = tpu.vector_load_idx %arg11[%broadcast_in_dim3A_302, %select_n3A_191] masked %and3A_184 : memref<32x1024xf32, #tpu.memory_space<vmem>>[vector<16xi32>, vector<16xi32>], vector<16xf32>, vector<16xi1>
            tpu.vector_store_idx %arg13[%sub3A_211, %broadcast_in_dim3A_302], %gather3A_303 masked %and3A_184 : memref<128x128xf32, #tpu.memory_space<vmem>>[vector<16xi32>, vector<16xi32>], vector<16xf32>, vector<16xi1>
            %broadcast_in_dim3A_304 = arith.constant 31 : i32
            %broadcast_in_dim3A_305 = vector.broadcast %broadcast_in_dim3A_304 : i32 to vector<16xi32>
            %gather3A_306 = tpu.vector_load_idx %arg11[%broadcast_in_dim3A_305, %select_n3A_191] masked %and3A_184 : memref<32x1024xf32, #tpu.memory_space<vmem>>[vector<16xi32>, vector<16xi32>], vector<16xf32>, vector<16xi1>
            tpu.vector_store_idx %arg13[%sub3A_211, %broadcast_in_dim3A_305], %gather3A_306 masked %and3A_184 : memref<128x128xf32, #tpu.memory_space<vmem>>[vector<16xi32>, vector<16xi32>], vector<16xf32>, vector<16xi1>
            tpu.vector_store_idx %arg14[%sub3A_211], %get3A_177 masked %and3A_184 : memref<128xi32, #tpu.memory_space<vmem>>[vector<16xi32>], vector<16xi32>, vector<16xi1>
          } else {
          }
          %add3A_197 = arith.addi %while3A_171, %reduce_sum3A_188 : i32
          %ge3A_198 = arith.constant 112 : i32
          %ge3A_199 = arith.cmpi sge, %add3A_197, %ge3A_198 : i32
          %convert_element_type3A_200 = arith.extui %ge3A_199 : i1 to i32
          %cond3A_201 = arith.constant 0 : i32
          %cond3A_202 = arith.cmpi ne, %convert_element_type3A_200, %cond3A_201 : i32
          scf.if %cond3A_202 {
            %dma_start3A_207 = arith.constant 0 : i32
            %dma_start3A_208 = arith.constant 0 : i32
            %dma_start3A_209 = tpu.memref_slice %arg7[%dma_start3A_207, %dma_start3A_208] : memref<16448x128xf32, #tpu.memory_space<hbm>> -> memref<16448x128xf32, #tpu.memory_space<hbm>>
            tpu.enqueue_indirect_dma source(%arg13 : memref<128x128xf32, #tpu.memory_space<vmem>>) target(%dma_start3A_209 : memref<16448x128xf32, #tpu.memory_space<hbm>>) offsets(%arg14 : memref<128xi32, #tpu.memory_space<vmem>>) semaphore(%arg16 : memref<!tpu.dma_semaphore, #tpu.memory_space<semaphore_mem>>)
            %dma_wait3A_210 = arith.constant 0 : i32
            %dma_wait3A_211 = arith.constant 0 : i32
            %dma_wait3A_212 = tpu.memref_slice %arg7[%dma_wait3A_210, %dma_wait3A_211] : memref<16448x128xf32, #tpu.memory_space<hbm>> -> memref<16448x128xf32, #tpu.memory_space<hbm>>
            tpu.wait_indirect_dma semaphore(%arg16 : memref<!tpu.dma_semaphore, #tpu.memory_space<semaphore_mem>>) src(%arg13 : memref<128x128xf32, #tpu.memory_space<vmem>>) dst(%dma_wait3A_212 : memref<16448x128xf32, #tpu.memory_space<hbm>>)
            %broadcast_in_dim3A_213 = arith.constant 16384 : i32
            %broadcast_in_dim3A_214 = vector.broadcast %broadcast_in_dim3A_213 : i32 to vector<16xi32>
            %swap3A_215 = arith.constant 0 : index
            %swap3A_216 = tpu.vector_load %arg14[%swap3A_215] {strides = array<i32>} : memref<128xi32, #tpu.memory_space<vmem>>, vector<16xi32>,
            tpu.vector_store %arg14[%swap3A_215], %broadcast_in_dim3A_214 {strides = array<i32>} : memref<128xi32, #tpu.memory_space<vmem>>, vector<16xi32>,
            %broadcast_in_dim3A_217 = arith.constant 16384 : i32
            %broadcast_in_dim3A_218 = vector.broadcast %broadcast_in_dim3A_217 : i32 to vector<16xi32>
            %swap3A_219 = arith.constant 16 : index
            %swap3A_220 = tpu.vector_load %arg14[%swap3A_219] {strides = array<i32>} : memref<128xi32, #tpu.memory_space<vmem>>, vector<16xi32>,
            tpu.vector_store %arg14[%swap3A_219], %broadcast_in_dim3A_218 {strides = array<i32>} : memref<128xi32, #tpu.memory_space<vmem>>, vector<16xi32>,
            %broadcast_in_dim3A_221 = arith.constant 16384 : i32
            %broadcast_in_dim3A_222 = vector.broadcast %broadcast_in_dim3A_221 : i32 to vector<16xi32>
            %swap3A_223 = arith.constant 32 : index
            %swap3A_224 = tpu.vector_load %arg14[%swap3A_223] {strides = array<i32>} : memref<128xi32, #tpu.memory_space<vmem>>, vector<16xi32>,
            tpu.vector_store %arg14[%swap3A_223], %broadcast_in_dim3A_222 {strides = array<i32>} : memref<128xi32, #tpu.memory_space<vmem>>, vector<16xi32>,
            %broadcast_in_dim3A_225 = arith.constant 16384 : i32
            %broadcast_in_dim3A_226 = vector.broadcast %broadcast_in_dim3A_225 : i32 to vector<16xi32>
            %swap3A_227 = arith.constant 48 : index
            %swap3A_228 = tpu.vector_load %arg14[%swap3A_227] {strides = array<i32>} : memref<128xi32, #tpu.memory_space<vmem>>, vector<16xi32>,
            tpu.vector_store %arg14[%swap3A_227], %broadcast_in_dim3A_226 {strides = array<i32>} : memref<128xi32, #tpu.memory_space<vmem>>, vector<16xi32>,
            %broadcast_in_dim3A_229 = arith.constant 16384 : i32
            %broadcast_in_dim3A_230 = vector.broadcast %broadcast_in_dim3A_229 : i32 to vector<16xi32>
            %swap3A_231 = arith.constant 64 : index
            %swap3A_232 = tpu.vector_load %arg14[%swap3A_231] {strides = array<i32>} : memref<128xi32, #tpu.memory_space<vmem>>, vector<16xi32>,
            tpu.vector_store %arg14[%swap3A_231], %broadcast_in_dim3A_230 {strides = array<i32>} : memref<128xi32, #tpu.memory_space<vmem>>, vector<16xi32>,
            %broadcast_in_dim3A_233 = arith.constant 16384 : i32
            %broadcast_in_dim3A_234 = vector.broadcast %broadcast_in_dim3A_233 : i32 to vector<16xi32>
            %swap3A_235 = arith.constant 80 : index
            %swap3A_236 = tpu.vector_load %arg14[%swap3A_235] {strides = array<i32>} : memref<128xi32, #tpu.memory_space<vmem>>, vector<16xi32>,
            tpu.vector_store %arg14[%swap3A_235], %broadcast_in_dim3A_234 {strides = array<i32>} : memref<128xi32, #tpu.memory_space<vmem>>, vector<16xi32>,
            %broadcast_in_dim3A_237 = arith.constant 16384 : i32
            %broadcast_in_dim3A_238 = vector.broadcast %broadcast_in_dim3A_237 : i32 to vector<16xi32>
            %swap3A_239 = arith.constant 96 : index
            %swap3A_240 = tpu.vector_load %arg14[%swap3A_239] {strides = array<i32>} : memref<128xi32, #tpu.memory_space<vmem>>, vector<16xi32>,
            tpu.vector_store %arg14[%swap3A_239], %broadcast_in_dim3A_238 {strides = array<i32>} : memref<128xi32, #tpu.memory_space<vmem>>, vector<16xi32>,
            %broadcast_in_dim3A_241 = arith.constant 16384 : i32
            %broadcast_in_dim3A_242 = vector.broadcast %broadcast_in_dim3A_241 : i32 to vector<16xi32>
            %swap3A_243 = arith.constant 112 : index
            %swap3A_244 = tpu.vector_load %arg14[%swap3A_243] {strides = array<i32>} : memref<128xi32, #tpu.memory_space<vmem>>, vector<16xi32>,
            tpu.vector_store %arg14[%swap3A_243], %broadcast_in_dim3A_242 {strides = array<i32>} : memref<128xi32, #tpu.memory_space<vmem>>, vector<16xi32>,
          } else {
          }
          %ge3A_203 = arith.constant 112 : i32
          %ge3A_204 = arith.cmpi sge, %add3A_197, %ge3A_203 : i32
          %jit3A_205 = arith.constant 0 : i32
          %select_n3A_206 = arith.select %ge3A_204, %jit3A_205, %add3A_197 : i32
          scf.yield %select_n3A_206 : i32
        }
        %add3A_134 = arith.constant 1 : i32
        %add3A_135 = arith.addi %mul3A_101, %add3A_134 : i32
        %mul3A_136 = arith.constant 1024 : i32
        %mul3A_137 = arith.muli %add3A_135, %mul3A_136 : i32
        %add3A_138 = arith.addi %multiple_of3A, %mul3A_137 : i32
        %multiple_of3A_139 = tpu.assume_multiple %add3A_138, 128 : i32
        %dma_wait3A_140 = arith.constant 0 : i32
        %dma_wait3A_141 = tpu.memref_slice %arg3[%dma_wait3A_140, %multiple_of3A_139] : memref<32x1000000xf32, #tpu.memory_space<hbm>> -> memref<32x1024xf32, #tpu.memory_space<hbm>>
        %dma_wait3A_142 = arith.constant 0 : i32
        %dma_wait3A_143 = tpu.memref_slice %arg3[%dma_wait3A_142, %multiple_of3A_139] : memref<32x1000000xf32, #tpu.memory_space<hbm>> -> memref<32x1024xf32, #tpu.memory_space<hbm>>
        tpu.wait_dma2 semaphore(%arg15 : memref<!tpu.dma_semaphore, #tpu.memory_space<semaphore_mem>>) src(%dma_wait3A_143 : memref<32x1024xf32, #tpu.memory_space<hbm>>) dst(%arg12 : memref<32x1024xf32, #tpu.memory_space<vmem>>)
        %add3A_144 = arith.constant 2 : i32
        %add3A_145 = arith.addi %mul3A_101, %add3A_144 : i32
        %mul3A_146 = arith.constant 1024 : i32
        %mul3A_147 = arith.muli %add3A_145, %mul3A_146 : i32
        %add3A_148 = arith.addi %multiple_of3A, %mul3A_147 : i32
        %multiple_of3A_149 = tpu.assume_multiple %add3A_148, 128 : i32
        %dma_start3A_150 = arith.constant 0 : i32
        %dma_start3A_151 = tpu.memref_slice %arg3[%dma_start3A_150, %multiple_of3A_149] : memref<32x1000000xf32, #tpu.memory_space<hbm>> -> memref<32x1024xf32, #tpu.memory_space<hbm>>
        %dma_start3A_152 = arith.constant 0 : i32
        %dma_start3A_153 = tpu.memref_slice %arg3[%dma_start3A_152, %multiple_of3A_149] : memref<32x1000000xf32, #tpu.memory_space<hbm>> -> memref<32x1024xf32, #tpu.memory_space<hbm>>
        tpu.enqueue_dma source(%dma_start3A_153 : memref<32x1024xf32, #tpu.memory_space<hbm>>) target(%arg11 : memref<32x1024xf32, #tpu.memory_space<vmem>>) target_semaphore(%arg15 : memref<!tpu.dma_semaphore, #tpu.memory_space<semaphore_mem>>)
        %add3A_154 = arith.constant 1 : i32
        %add3A_155 = arith.addi %mul3A_101, %add3A_154 : i32
        %mul3A_156 = arith.constant 1024 : i32
        %mul3A_157 = arith.muli %add3A_155, %mul3A_156 : i32
        %add3A_158 = arith.addi %multiple_of3A, %mul3A_157 : i32
        %while3A_159 = arith.constant 0 : i32
        %while3A_160 = arith.subi %select_n3A, %while3A_159 : i32
        %while3A_161 = arith.addi %while3A_159, %while3A_160 : i32
        %while3A_162 = arith.constant 1 : i32
        %while3A_163 = arith.divsi %while3A_160, %while3A_162 : i32
        %while3A_164 = arith.muli %while3A_163, %while3A_162 : i32
        %while3A_165 = arith.addi %while3A_159, %while3A_164 : i32
        %while3A_166 = arith.constant 1 : i32
        %while3A_167 = scf.for %while3A_170 = %while3A_159 to %while3A_165 step %while3A_166 iter_args(%while3A_171 = %while3A_133) -> (i32)  : i32 {
          %mul3A_172 = arith.constant 16 : i32
          %mul3A_173 = arith.muli %while3A_170, %mul3A_172 : i32
          %multiple_of3A_174 = tpu.assume_multiple %mul3A_173, 16 : i32
          %get3A = arith.index_cast %multiple_of3A_174 : i32 to index
          %get3A_175 = tpu.vector_load %arg9[%get3A] {strides = array<i32>} : memref<2048xi32, #tpu.memory_space<vmem>>, vector<16xi32>,
          %get3A_176 = arith.index_cast %multiple_of3A_174 : i32 to index
          %get3A_177 = tpu.vector_load %arg10[%get3A_176] {strides = array<i32>} : memref<2048xi32, #tpu.memory_space<vmem>>, vector<16xi32>,
          %sub3A_178 = vector.broadcast %add3A_158 : i32 to vector<16xi32>
          %sub3A_179 = arith.subi %get3A_175, %sub3A_178 : vector<16xi32>
          %ge3A = arith.constant 0 : i32
          %ge3A_180 = vector.broadcast %ge3A : i32 to vector<16xi32>
          %ge3A_181 = arith.cmpi sge, %sub3A_179, %ge3A_180 : vector<16xi32>
          %lt3A = arith.constant 1024 : i32
          %lt3A_182 = vector.broadcast %lt3A : i32 to vector<16xi32>
          %lt3A_183 = arith.cmpi slt, %sub3A_179, %lt3A_182 : vector<16xi32>
          %and3A_184 = arith.andi %ge3A_181, %lt3A_183 : vector<16xi1>
          %convert_element_type3A_185 = arith.extui %and3A_184 : vector<16xi1> to vector<16xi32>
          %reduce_sum3A = arith.constant true
          %reduce_sum3A_186 = vector.broadcast %reduce_sum3A : i1 to vector<16xi1>
          %reduce_sum3A_187 = tpu.scan <sum>, %convert_element_type3A_185 masked %reduce_sum3A_186 : vector<16xi32>, vector<16xi1> -> vector<16xi32>
          %reduce_sum3A_188 = vector.extract %reduce_sum3A_187[15] : i32 from vector<16xi32>
          %jit3A_189 = arith.constant 0 : i32
          %broadcast_in_dim3A_190 = vector.broadcast %jit3A_189 : i32 to vector<16xi32>
          %select_n3A_191 = arith.select %and3A_184, %sub3A_179, %broadcast_in_dim3A_190 : vector<16xi1>, vector<16xi32>
          %gt3A_192 = arith.constant 0 : i32
          %gt3A_193 = arith.cmpi sgt, %reduce_sum3A_188, %gt3A_192 : i32
          %convert_element_type3A_194 = arith.extui %gt3A_193 : i1 to i32
          %cond3A_195 = arith.constant 0 : i32
          %cond3A_196 = arith.cmpi ne, %convert_element_type3A_194, %cond3A_195 : i32
          scf.if %cond3A_196 {
            %broadcast_in_dim3A_207 = arith.constant true
            %broadcast_in_dim3A_208 = vector.broadcast %broadcast_in_dim3A_207 : i1 to vector<16xi1>
            %masked_cumsum3A = tpu.scan <sum>, %convert_element_type3A_185 masked %broadcast_in_dim3A_208 : vector<16xi32>, vector<16xi1> -> vector<16xi32>
            %add3A_209 = vector.broadcast %while3A_171 : i32 to vector<16xi32>
            %add3A_210 = arith.addi %add3A_209, %masked_cumsum3A : vector<16xi32>
            %sub3A_211 = arith.subi %add3A_210, %convert_element_type3A_185 : vector<16xi32>
            %broadcast_in_dim3A_212 = arith.constant 0 : i32
            %broadcast_in_dim3A_213 = vector.broadcast %broadcast_in_dim3A_212 : i32 to vector<16xi32>
            %gather3A = tpu.vector_load_idx %arg12[%broadcast_in_dim3A_213, %select_n3A_191] masked %and3A_184 : memref<32x1024xf32, #tpu.memory_space<vmem>>[vector<16xi32>, vector<16xi32>], vector<16xf32>, vector<16xi1>
            tpu.vector_store_idx %arg13[%sub3A_211, %broadcast_in_dim3A_213], %gather3A masked %and3A_184 : memref<128x128xf32, #tpu.memory_space<vmem>>[vector<16xi32>, vector<16xi32>], vector<16xf32>, vector<16xi1>
            %broadcast_in_dim3A_214 = arith.constant 1 : i32
            %broadcast_in_dim3A_215 = vector.broadcast %broadcast_in_dim3A_214 : i32 to vector<16xi32>
            %gather3A_216 = tpu.vector_load_idx %arg12[%broadcast_in_dim3A_215, %select_n3A_191] masked %and3A_184 : memref<32x1024xf32, #tpu.memory_space<vmem>>[vector<16xi32>, vector<16xi32>], vector<16xf32>, vector<16xi1>
            tpu.vector_store_idx %arg13[%sub3A_211, %broadcast_in_dim3A_215], %gather3A_216 masked %and3A_184 : memref<128x128xf32, #tpu.memory_space<vmem>>[vector<16xi32>, vector<16xi32>], vector<16xf32>, vector<16xi1>
            %broadcast_in_dim3A_217 = arith.constant 2 : i32
            %broadcast_in_dim3A_218 = vector.broadcast %broadcast_in_dim3A_217 : i32 to vector<16xi32>
            %gather3A_219 = tpu.vector_load_idx %arg12[%broadcast_in_dim3A_218, %select_n3A_191] masked %and3A_184 : memref<32x1024xf32, #tpu.memory_space<vmem>>[vector<16xi32>, vector<16xi32>], vector<16xf32>, vector<16xi1>
            tpu.vector_store_idx %arg13[%sub3A_211, %broadcast_in_dim3A_218], %gather3A_219 masked %and3A_184 : memref<128x128xf32, #tpu.memory_space<vmem>>[vector<16xi32>, vector<16xi32>], vector<16xf32>, vector<16xi1>
            %broadcast_in_dim3A_220 = arith.constant 3 : i32
            %broadcast_in_dim3A_221 = vector.broadcast %broadcast_in_dim3A_220 : i32 to vector<16xi32>
            %gather3A_222 = tpu.vector_load_idx %arg12[%broadcast_in_dim3A_221, %select_n3A_191] masked %and3A_184 : memref<32x1024xf32, #tpu.memory_space<vmem>>[vector<16xi32>, vector<16xi32>], vector<16xf32>, vector<16xi1>
            tpu.vector_store_idx %arg13[%sub3A_211, %broadcast_in_dim3A_221], %gather3A_222 masked %and3A_184 : memref<128x128xf32, #tpu.memory_space<vmem>>[vector<16xi32>, vector<16xi32>], vector<16xf32>, vector<16xi1>
            %broadcast_in_dim3A_223 = arith.constant 4 : i32
            %broadcast_in_dim3A_224 = vector.broadcast %broadcast_in_dim3A_223 : i32 to vector<16xi32>
            %gather3A_225 = tpu.vector_load_idx %arg12[%broadcast_in_dim3A_224, %select_n3A_191] masked %and3A_184 : memref<32x1024xf32, #tpu.memory_space<vmem>>[vector<16xi32>, vector<16xi32>], vector<16xf32>, vector<16xi1>
            tpu.vector_store_idx %arg13[%sub3A_211, %broadcast_in_dim3A_224], %gather3A_225 masked %and3A_184 : memref<128x128xf32, #tpu.memory_space<vmem>>[vector<16xi32>, vector<16xi32>], vector<16xf32>, vector<16xi1>
            %broadcast_in_dim3A_226 = arith.constant 5 : i32
            %broadcast_in_dim3A_227 = vector.broadcast %broadcast_in_dim3A_226 : i32 to vector<16xi32>
            %gather3A_228 = tpu.vector_load_idx %arg12[%broadcast_in_dim3A_227, %select_n3A_191] masked %and3A_184 : memref<32x1024xf32, #tpu.memory_space<vmem>>[vector<16xi32>, vector<16xi32>], vector<16xf32>, vector<16xi1>
            tpu.vector_store_idx %arg13[%sub3A_211, %broadcast_in_dim3A_227], %gather3A_228 masked %and3A_184 : memref<128x128xf32, #tpu.memory_space<vmem>>[vector<16xi32>, vector<16xi32>], vector<16xf32>, vector<16xi1>
            %broadcast_in_dim3A_229 = arith.constant 6 : i32
            %broadcast_in_dim3A_230 = vector.broadcast %broadcast_in_dim3A_229 : i32 to vector<16xi32>
            %gather3A_231 = tpu.vector_load_idx %arg12[%broadcast_in_dim3A_230, %select_n3A_191] masked %and3A_184 : memref<32x1024xf32, #tpu.memory_space<vmem>>[vector<16xi32>, vector<16xi32>], vector<16xf32>, vector<16xi1>
            tpu.vector_store_idx %arg13[%sub3A_211, %broadcast_in_dim3A_230], %gather3A_231 masked %and3A_184 : memref<128x128xf32, #tpu.memory_space<vmem>>[vector<16xi32>, vector<16xi32>], vector<16xf32>, vector<16xi1>
            %broadcast_in_dim3A_232 = arith.constant 7 : i32
            %broadcast_in_dim3A_233 = vector.broadcast %broadcast_in_dim3A_232 : i32 to vector<16xi32>
            %gather3A_234 = tpu.vector_load_idx %arg12[%broadcast_in_dim3A_233, %select_n3A_191] masked %and3A_184 : memref<32x1024xf32, #tpu.memory_space<vmem>>[vector<16xi32>, vector<16xi32>], vector<16xf32>, vector<16xi1>
            tpu.vector_store_idx %arg13[%sub3A_211, %broadcast_in_dim3A_233], %gather3A_234 masked %and3A_184 : memref<128x128xf32, #tpu.memory_space<vmem>>[vector<16xi32>, vector<16xi32>], vector<16xf32>, vector<16xi1>
            %broadcast_in_dim3A_235 = arith.constant 8 : i32
            %broadcast_in_dim3A_236 = vector.broadcast %broadcast_in_dim3A_235 : i32 to vector<16xi32>
            %gather3A_237 = tpu.vector_load_idx %arg12[%broadcast_in_dim3A_236, %select_n3A_191] masked %and3A_184 : memref<32x1024xf32, #tpu.memory_space<vmem>>[vector<16xi32>, vector<16xi32>], vector<16xf32>, vector<16xi1>
            tpu.vector_store_idx %arg13[%sub3A_211, %broadcast_in_dim3A_236], %gather3A_237 masked %and3A_184 : memref<128x128xf32, #tpu.memory_space<vmem>>[vector<16xi32>, vector<16xi32>], vector<16xf32>, vector<16xi1>
            %broadcast_in_dim3A_238 = arith.constant 9 : i32
            %broadcast_in_dim3A_239 = vector.broadcast %broadcast_in_dim3A_238 : i32 to vector<16xi32>
            %gather3A_240 = tpu.vector_load_idx %arg12[%broadcast_in_dim3A_239, %select_n3A_191] masked %and3A_184 : memref<32x1024xf32, #tpu.memory_space<vmem>>[vector<16xi32>, vector<16xi32>], vector<16xf32>, vector<16xi1>
            tpu.vector_store_idx %arg13[%sub3A_211, %broadcast_in_dim3A_239], %gather3A_240 masked %and3A_184 : memref<128x128xf32, #tpu.memory_space<vmem>>[vector<16xi32>, vector<16xi32>], vector<16xf32>, vector<16xi1>
            %broadcast_in_dim3A_241 = arith.constant 10 : i32
            %broadcast_in_dim3A_242 = vector.broadcast %broadcast_in_dim3A_241 : i32 to vector<16xi32>
            %gather3A_243 = tpu.vector_load_idx %arg12[%broadcast_in_dim3A_242, %select_n3A_191] masked %and3A_184 : memref<32x1024xf32, #tpu.memory_space<vmem>>[vector<16xi32>, vector<16xi32>], vector<16xf32>, vector<16xi1>
            tpu.vector_store_idx %arg13[%sub3A_211, %broadcast_in_dim3A_242], %gather3A_243 masked %and3A_184 : memref<128x128xf32, #tpu.memory_space<vmem>>[vector<16xi32>, vector<16xi32>], vector<16xf32>, vector<16xi1>
            %broadcast_in_dim3A_244 = arith.constant 11 : i32
            %broadcast_in_dim3A_245 = vector.broadcast %broadcast_in_dim3A_244 : i32 to vector<16xi32>
            %gather3A_246 = tpu.vector_load_idx %arg12[%broadcast_in_dim3A_245, %select_n3A_191] masked %and3A_184 : memref<32x1024xf32, #tpu.memory_space<vmem>>[vector<16xi32>, vector<16xi32>], vector<16xf32>, vector<16xi1>
            tpu.vector_store_idx %arg13[%sub3A_211, %broadcast_in_dim3A_245], %gather3A_246 masked %and3A_184 : memref<128x128xf32, #tpu.memory_space<vmem>>[vector<16xi32>, vector<16xi32>], vector<16xf32>, vector<16xi1>
            %broadcast_in_dim3A_247 = arith.constant 12 : i32
            %broadcast_in_dim3A_248 = vector.broadcast %broadcast_in_dim3A_247 : i32 to vector<16xi32>
            %gather3A_249 = tpu.vector_load_idx %arg12[%broadcast_in_dim3A_248, %select_n3A_191] masked %and3A_184 : memref<32x1024xf32, #tpu.memory_space<vmem>>[vector<16xi32>, vector<16xi32>], vector<16xf32>, vector<16xi1>
            tpu.vector_store_idx %arg13[%sub3A_211, %broadcast_in_dim3A_248], %gather3A_249 masked %and3A_184 : memref<128x128xf32, #tpu.memory_space<vmem>>[vector<16xi32>, vector<16xi32>], vector<16xf32>, vector<16xi1>
            %broadcast_in_dim3A_250 = arith.constant 13 : i32
            %broadcast_in_dim3A_251 = vector.broadcast %broadcast_in_dim3A_250 : i32 to vector<16xi32>
            %gather3A_252 = tpu.vector_load_idx %arg12[%broadcast_in_dim3A_251, %select_n3A_191] masked %and3A_184 : memref<32x1024xf32, #tpu.memory_space<vmem>>[vector<16xi32>, vector<16xi32>], vector<16xf32>, vector<16xi1>
            tpu.vector_store_idx %arg13[%sub3A_211, %broadcast_in_dim3A_251], %gather3A_252 masked %and3A_184 : memref<128x128xf32, #tpu.memory_space<vmem>>[vector<16xi32>, vector<16xi32>], vector<16xf32>, vector<16xi1>
            %broadcast_in_dim3A_253 = arith.constant 14 : i32
            %broadcast_in_dim3A_254 = vector.broadcast %broadcast_in_dim3A_253 : i32 to vector<16xi32>
            %gather3A_255 = tpu.vector_load_idx %arg12[%broadcast_in_dim3A_254, %select_n3A_191] masked %and3A_184 : memref<32x1024xf32, #tpu.memory_space<vmem>>[vector<16xi32>, vector<16xi32>], vector<16xf32>, vector<16xi1>
            tpu.vector_store_idx %arg13[%sub3A_211, %broadcast_in_dim3A_254], %gather3A_255 masked %and3A_184 : memref<128x128xf32, #tpu.memory_space<vmem>>[vector<16xi32>, vector<16xi32>], vector<16xf32>, vector<16xi1>
            %broadcast_in_dim3A_256 = arith.constant 15 : i32
            %broadcast_in_dim3A_257 = vector.broadcast %broadcast_in_dim3A_256 : i32 to vector<16xi32>
            %gather3A_258 = tpu.vector_load_idx %arg12[%broadcast_in_dim3A_257, %select_n3A_191] masked %and3A_184 : memref<32x1024xf32, #tpu.memory_space<vmem>>[vector<16xi32>, vector<16xi32>], vector<16xf32>, vector<16xi1>
            tpu.vector_store_idx %arg13[%sub3A_211, %broadcast_in_dim3A_257], %gather3A_258 masked %and3A_184 : memref<128x128xf32, #tpu.memory_space<vmem>>[vector<16xi32>, vector<16xi32>], vector<16xf32>, vector<16xi1>
            %broadcast_in_dim3A_259 = arith.constant 16 : i32
            %broadcast_in_dim3A_260 = vector.broadcast %broadcast_in_dim3A_259 : i32 to vector<16xi32>
            %gather3A_261 = tpu.vector_load_idx %arg12[%broadcast_in_dim3A_260, %select_n3A_191] masked %and3A_184 : memref<32x1024xf32, #tpu.memory_space<vmem>>[vector<16xi32>, vector<16xi32>], vector<16xf32>, vector<16xi1>
            tpu.vector_store_idx %arg13[%sub3A_211, %broadcast_in_dim3A_260], %gather3A_261 masked %and3A_184 : memref<128x128xf32, #tpu.memory_space<vmem>>[vector<16xi32>, vector<16xi32>], vector<16xf32>, vector<16xi1>
            %broadcast_in_dim3A_262 = arith.constant 17 : i32
            %broadcast_in_dim3A_263 = vector.broadcast %broadcast_in_dim3A_262 : i32 to vector<16xi32>
            %gather3A_264 = tpu.vector_load_idx %arg12[%broadcast_in_dim3A_263, %select_n3A_191] masked %and3A_184 : memref<32x1024xf32, #tpu.memory_space<vmem>>[vector<16xi32>, vector<16xi32>], vector<16xf32>, vector<16xi1>
            tpu.vector_store_idx %arg13[%sub3A_211, %broadcast_in_dim3A_263], %gather3A_264 masked %and3A_184 : memref<128x128xf32, #tpu.memory_space<vmem>>[vector<16xi32>, vector<16xi32>], vector<16xf32>, vector<16xi1>
            %broadcast_in_dim3A_265 = arith.constant 18 : i32
            %broadcast_in_dim3A_266 = vector.broadcast %broadcast_in_dim3A_265 : i32 to vector<16xi32>
            %gather3A_267 = tpu.vector_load_idx %arg12[%broadcast_in_dim3A_266, %select_n3A_191] masked %and3A_184 : memref<32x1024xf32, #tpu.memory_space<vmem>>[vector<16xi32>, vector<16xi32>], vector<16xf32>, vector<16xi1>
            tpu.vector_store_idx %arg13[%sub3A_211, %broadcast_in_dim3A_266], %gather3A_267 masked %and3A_184 : memref<128x128xf32, #tpu.memory_space<vmem>>[vector<16xi32>, vector<16xi32>], vector<16xf32>, vector<16xi1>
            %broadcast_in_dim3A_268 = arith.constant 19 : i32
            %broadcast_in_dim3A_269 = vector.broadcast %broadcast_in_dim3A_268 : i32 to vector<16xi32>
            %gather3A_270 = tpu.vector_load_idx %arg12[%broadcast_in_dim3A_269, %select_n3A_191] masked %and3A_184 : memref<32x1024xf32, #tpu.memory_space<vmem>>[vector<16xi32>, vector<16xi32>], vector<16xf32>, vector<16xi1>
            tpu.vector_store_idx %arg13[%sub3A_211, %broadcast_in_dim3A_269], %gather3A_270 masked %and3A_184 : memref<128x128xf32, #tpu.memory_space<vmem>>[vector<16xi32>, vector<16xi32>], vector<16xf32>, vector<16xi1>
            %broadcast_in_dim3A_271 = arith.constant 20 : i32
            %broadcast_in_dim3A_272 = vector.broadcast %broadcast_in_dim3A_271 : i32 to vector<16xi32>
            %gather3A_273 = tpu.vector_load_idx %arg12[%broadcast_in_dim3A_272, %select_n3A_191] masked %and3A_184 : memref<32x1024xf32, #tpu.memory_space<vmem>>[vector<16xi32>, vector<16xi32>], vector<16xf32>, vector<16xi1>
            tpu.vector_store_idx %arg13[%sub3A_211, %broadcast_in_dim3A_272], %gather3A_273 masked %and3A_184 : memref<128x128xf32, #tpu.memory_space<vmem>>[vector<16xi32>, vector<16xi32>], vector<16xf32>, vector<16xi1>
            %broadcast_in_dim3A_274 = arith.constant 21 : i32
            %broadcast_in_dim3A_275 = vector.broadcast %broadcast_in_dim3A_274 : i32 to vector<16xi32>
            %gather3A_276 = tpu.vector_load_idx %arg12[%broadcast_in_dim3A_275, %select_n3A_191] masked %and3A_184 : memref<32x1024xf32, #tpu.memory_space<vmem>>[vector<16xi32>, vector<16xi32>], vector<16xf32>, vector<16xi1>
            tpu.vector_store_idx %arg13[%sub3A_211, %broadcast_in_dim3A_275], %gather3A_276 masked %and3A_184 : memref<128x128xf32, #tpu.memory_space<vmem>>[vector<16xi32>, vector<16xi32>], vector<16xf32>, vector<16xi1>
            %broadcast_in_dim3A_277 = arith.constant 22 : i32
            %broadcast_in_dim3A_278 = vector.broadcast %broadcast_in_dim3A_277 : i32 to vector<16xi32>
            %gather3A_279 = tpu.vector_load_idx %arg12[%broadcast_in_dim3A_278, %select_n3A_191] masked %and3A_184 : memref<32x1024xf32, #tpu.memory_space<vmem>>[vector<16xi32>, vector<16xi32>], vector<16xf32>, vector<16xi1>
            tpu.vector_store_idx %arg13[%sub3A_211, %broadcast_in_dim3A_278], %gather3A_279 masked %and3A_184 : memref<128x128xf32, #tpu.memory_space<vmem>>[vector<16xi32>, vector<16xi32>], vector<16xf32>, vector<16xi1>
            %broadcast_in_dim3A_280 = arith.constant 23 : i32
            %broadcast_in_dim3A_281 = vector.broadcast %broadcast_in_dim3A_280 : i32 to vector<16xi32>
            %gather3A_282 = tpu.vector_load_idx %arg12[%broadcast_in_dim3A_281, %select_n3A_191] masked %and3A_184 : memref<32x1024xf32, #tpu.memory_space<vmem>>[vector<16xi32>, vector<16xi32>], vector<16xf32>, vector<16xi1>
            tpu.vector_store_idx %arg13[%sub3A_211, %broadcast_in_dim3A_281], %gather3A_282 masked %and3A_184 : memref<128x128xf32, #tpu.memory_space<vmem>>[vector<16xi32>, vector<16xi32>], vector<16xf32>, vector<16xi1>
            %broadcast_in_dim3A_283 = arith.constant 24 : i32
            %broadcast_in_dim3A_284 = vector.broadcast %broadcast_in_dim3A_283 : i32 to vector<16xi32>
            %gather3A_285 = tpu.vector_load_idx %arg12[%broadcast_in_dim3A_284, %select_n3A_191] masked %and3A_184 : memref<32x1024xf32, #tpu.memory_space<vmem>>[vector<16xi32>, vector<16xi32>], vector<16xf32>, vector<16xi1>
            tpu.vector_store_idx %arg13[%sub3A_211, %broadcast_in_dim3A_284], %gather3A_285 masked %and3A_184 : memref<128x128xf32, #tpu.memory_space<vmem>>[vector<16xi32>, vector<16xi32>], vector<16xf32>, vector<16xi1>
            %broadcast_in_dim3A_286 = arith.constant 25 : i32
            %broadcast_in_dim3A_287 = vector.broadcast %broadcast_in_dim3A_286 : i32 to vector<16xi32>
            %gather3A_288 = tpu.vector_load_idx %arg12[%broadcast_in_dim3A_287, %select_n3A_191] masked %and3A_184 : memref<32x1024xf32, #tpu.memory_space<vmem>>[vector<16xi32>, vector<16xi32>], vector<16xf32>, vector<16xi1>
            tpu.vector_store_idx %arg13[%sub3A_211, %broadcast_in_dim3A_287], %gather3A_288 masked %and3A_184 : memref<128x128xf32, #tpu.memory_space<vmem>>[vector<16xi32>, vector<16xi32>], vector<16xf32>, vector<16xi1>
            %broadcast_in_dim3A_289 = arith.constant 26 : i32
            %broadcast_in_dim3A_290 = vector.broadcast %broadcast_in_dim3A_289 : i32 to vector<16xi32>
            %gather3A_291 = tpu.vector_load_idx %arg12[%broadcast_in_dim3A_290, %select_n3A_191] masked %and3A_184 : memref<32x1024xf32, #tpu.memory_space<vmem>>[vector<16xi32>, vector<16xi32>], vector<16xf32>, vector<16xi1>
            tpu.vector_store_idx %arg13[%sub3A_211, %broadcast_in_dim3A_290], %gather3A_291 masked %and3A_184 : memref<128x128xf32, #tpu.memory_space<vmem>>[vector<16xi32>, vector<16xi32>], vector<16xf32>, vector<16xi1>
            %broadcast_in_dim3A_292 = arith.constant 27 : i32
            %broadcast_in_dim3A_293 = vector.broadcast %broadcast_in_dim3A_292 : i32 to vector<16xi32>
            %gather3A_294 = tpu.vector_load_idx %arg12[%broadcast_in_dim3A_293, %select_n3A_191] masked %and3A_184 : memref<32x1024xf32, #tpu.memory_space<vmem>>[vector<16xi32>, vector<16xi32>], vector<16xf32>, vector<16xi1>
            tpu.vector_store_idx %arg13[%sub3A_211, %broadcast_in_dim3A_293], %gather3A_294 masked %and3A_184 : memref<128x128xf32, #tpu.memory_space<vmem>>[vector<16xi32>, vector<16xi32>], vector<16xf32>, vector<16xi1>
            %broadcast_in_dim3A_295 = arith.constant 28 : i32
            %broadcast_in_dim3A_296 = vector.broadcast %broadcast_in_dim3A_295 : i32 to vector<16xi32>
            %gather3A_297 = tpu.vector_load_idx %arg12[%broadcast_in_dim3A_296, %select_n3A_191] masked %and3A_184 : memref<32x1024xf32, #tpu.memory_space<vmem>>[vector<16xi32>, vector<16xi32>], vector<16xf32>, vector<16xi1>
            tpu.vector_store_idx %arg13[%sub3A_211, %broadcast_in_dim3A_296], %gather3A_297 masked %and3A_184 : memref<128x128xf32, #tpu.memory_space<vmem>>[vector<16xi32>, vector<16xi32>], vector<16xf32>, vector<16xi1>
            %broadcast_in_dim3A_298 = arith.constant 29 : i32
            %broadcast_in_dim3A_299 = vector.broadcast %broadcast_in_dim3A_298 : i32 to vector<16xi32>
            %gather3A_300 = tpu.vector_load_idx %arg12[%broadcast_in_dim3A_299, %select_n3A_191] masked %and3A_184 : memref<32x1024xf32, #tpu.memory_space<vmem>>[vector<16xi32>, vector<16xi32>], vector<16xf32>, vector<16xi1>
            tpu.vector_store_idx %arg13[%sub3A_211, %broadcast_in_dim3A_299], %gather3A_300 masked %and3A_184 : memref<128x128xf32, #tpu.memory_space<vmem>>[vector<16xi32>, vector<16xi32>], vector<16xf32>, vector<16xi1>
            %broadcast_in_dim3A_301 = arith.constant 30 : i32
            %broadcast_in_dim3A_302 = vector.broadcast %broadcast_in_dim3A_301 : i32 to vector<16xi32>
            %gather3A_303 = tpu.vector_load_idx %arg12[%broadcast_in_dim3A_302, %select_n3A_191] masked %and3A_184 : memref<32x1024xf32, #tpu.memory_space<vmem>>[vector<16xi32>, vector<16xi32>], vector<16xf32>, vector<16xi1>
            tpu.vector_store_idx %arg13[%sub3A_211, %broadcast_in_dim3A_302], %gather3A_303 masked %and3A_184 : memref<128x128xf32, #tpu.memory_space<vmem>>[vector<16xi32>, vector<16xi32>], vector<16xf32>, vector<16xi1>
            %broadcast_in_dim3A_304 = arith.constant 31 : i32
            %broadcast_in_dim3A_305 = vector.broadcast %broadcast_in_dim3A_304 : i32 to vector<16xi32>
            %gather3A_306 = tpu.vector_load_idx %arg12[%broadcast_in_dim3A_305, %select_n3A_191] masked %and3A_184 : memref<32x1024xf32, #tpu.memory_space<vmem>>[vector<16xi32>, vector<16xi32>], vector<16xf32>, vector<16xi1>
            tpu.vector_store_idx %arg13[%sub3A_211, %broadcast_in_dim3A_305], %gather3A_306 masked %and3A_184 : memref<128x128xf32, #tpu.memory_space<vmem>>[vector<16xi32>, vector<16xi32>], vector<16xf32>, vector<16xi1>
            tpu.vector_store_idx %arg14[%sub3A_211], %get3A_177 masked %and3A_184 : memref<128xi32, #tpu.memory_space<vmem>>[vector<16xi32>], vector<16xi32>, vector<16xi1>
          } else {
          }
          %add3A_197 = arith.addi %while3A_171, %reduce_sum3A_188 : i32
          %ge3A_198 = arith.constant 112 : i32
          %ge3A_199 = arith.cmpi sge, %add3A_197, %ge3A_198 : i32
          %convert_element_type3A_200 = arith.extui %ge3A_199 : i1 to i32
          %cond3A_201 = arith.constant 0 : i32
          %cond3A_202 = arith.cmpi ne, %convert_element_type3A_200, %cond3A_201 : i32
          scf.if %cond3A_202 {
            %dma_start3A_207 = arith.constant 0 : i32
            %dma_start3A_208 = arith.constant 0 : i32
            %dma_start3A_209 = tpu.memref_slice %arg7[%dma_start3A_207, %dma_start3A_208] : memref<16448x128xf32, #tpu.memory_space<hbm>> -> memref<16448x128xf32, #tpu.memory_space<hbm>>
            tpu.enqueue_indirect_dma source(%arg13 : memref<128x128xf32, #tpu.memory_space<vmem>>) target(%dma_start3A_209 : memref<16448x128xf32, #tpu.memory_space<hbm>>) offsets(%arg14 : memref<128xi32, #tpu.memory_space<vmem>>) semaphore(%arg16 : memref<!tpu.dma_semaphore, #tpu.memory_space<semaphore_mem>>)
            %dma_wait3A_210 = arith.constant 0 : i32
            %dma_wait3A_211 = arith.constant 0 : i32
            %dma_wait3A_212 = tpu.memref_slice %arg7[%dma_wait3A_210, %dma_wait3A_211] : memref<16448x128xf32, #tpu.memory_space<hbm>> -> memref<16448x128xf32, #tpu.memory_space<hbm>>
            tpu.wait_indirect_dma semaphore(%arg16 : memref<!tpu.dma_semaphore, #tpu.memory_space<semaphore_mem>>) src(%arg13 : memref<128x128xf32, #tpu.memory_space<vmem>>) dst(%dma_wait3A_212 : memref<16448x128xf32, #tpu.memory_space<hbm>>)
            %broadcast_in_dim3A_213 = arith.constant 16384 : i32
            %broadcast_in_dim3A_214 = vector.broadcast %broadcast_in_dim3A_213 : i32 to vector<16xi32>
            %swap3A_215 = arith.constant 0 : index
            %swap3A_216 = tpu.vector_load %arg14[%swap3A_215] {strides = array<i32>} : memref<128xi32, #tpu.memory_space<vmem>>, vector<16xi32>,
            tpu.vector_store %arg14[%swap3A_215], %broadcast_in_dim3A_214 {strides = array<i32>} : memref<128xi32, #tpu.memory_space<vmem>>, vector<16xi32>,
            %broadcast_in_dim3A_217 = arith.constant 16384 : i32
            %broadcast_in_dim3A_218 = vector.broadcast %broadcast_in_dim3A_217 : i32 to vector<16xi32>
            %swap3A_219 = arith.constant 16 : index
            %swap3A_220 = tpu.vector_load %arg14[%swap3A_219] {strides = array<i32>} : memref<128xi32, #tpu.memory_space<vmem>>, vector<16xi32>,
            tpu.vector_store %arg14[%swap3A_219], %broadcast_in_dim3A_218 {strides = array<i32>} : memref<128xi32, #tpu.memory_space<vmem>>, vector<16xi32>,
            %broadcast_in_dim3A_221 = arith.constant 16384 : i32
            %broadcast_in_dim3A_222 = vector.broadcast %broadcast_in_dim3A_221 : i32 to vector<16xi32>
            %swap3A_223 = arith.constant 32 : index
            %swap3A_224 = tpu.vector_load %arg14[%swap3A_223] {strides = array<i32>} : memref<128xi32, #tpu.memory_space<vmem>>, vector<16xi32>,
            tpu.vector_store %arg14[%swap3A_223], %broadcast_in_dim3A_222 {strides = array<i32>} : memref<128xi32, #tpu.memory_space<vmem>>, vector<16xi32>,
            %broadcast_in_dim3A_225 = arith.constant 16384 : i32
            %broadcast_in_dim3A_226 = vector.broadcast %broadcast_in_dim3A_225 : i32 to vector<16xi32>
            %swap3A_227 = arith.constant 48 : index
            %swap3A_228 = tpu.vector_load %arg14[%swap3A_227] {strides = array<i32>} : memref<128xi32, #tpu.memory_space<vmem>>, vector<16xi32>,
            tpu.vector_store %arg14[%swap3A_227], %broadcast_in_dim3A_226 {strides = array<i32>} : memref<128xi32, #tpu.memory_space<vmem>>, vector<16xi32>,
            %broadcast_in_dim3A_229 = arith.constant 16384 : i32
            %broadcast_in_dim3A_230 = vector.broadcast %broadcast_in_dim3A_229 : i32 to vector<16xi32>
            %swap3A_231 = arith.constant 64 : index
            %swap3A_232 = tpu.vector_load %arg14[%swap3A_231] {strides = array<i32>} : memref<128xi32, #tpu.memory_space<vmem>>, vector<16xi32>,
            tpu.vector_store %arg14[%swap3A_231], %broadcast_in_dim3A_230 {strides = array<i32>} : memref<128xi32, #tpu.memory_space<vmem>>, vector<16xi32>,
            %broadcast_in_dim3A_233 = arith.constant 16384 : i32
            %broadcast_in_dim3A_234 = vector.broadcast %broadcast_in_dim3A_233 : i32 to vector<16xi32>
            %swap3A_235 = arith.constant 80 : index
            %swap3A_236 = tpu.vector_load %arg14[%swap3A_235] {strides = array<i32>} : memref<128xi32, #tpu.memory_space<vmem>>, vector<16xi32>,
            tpu.vector_store %arg14[%swap3A_235], %broadcast_in_dim3A_234 {strides = array<i32>} : memref<128xi32, #tpu.memory_space<vmem>>, vector<16xi32>,
            %broadcast_in_dim3A_237 = arith.constant 16384 : i32
            %broadcast_in_dim3A_238 = vector.broadcast %broadcast_in_dim3A_237 : i32 to vector<16xi32>
            %swap3A_239 = arith.constant 96 : index
            %swap3A_240 = tpu.vector_load %arg14[%swap3A_239] {strides = array<i32>} : memref<128xi32, #tpu.memory_space<vmem>>, vector<16xi32>,
            tpu.vector_store %arg14[%swap3A_239], %broadcast_in_dim3A_238 {strides = array<i32>} : memref<128xi32, #tpu.memory_space<vmem>>, vector<16xi32>,
            %broadcast_in_dim3A_241 = arith.constant 16384 : i32
            %broadcast_in_dim3A_242 = vector.broadcast %broadcast_in_dim3A_241 : i32 to vector<16xi32>
            %swap3A_243 = arith.constant 112 : index
            %swap3A_244 = tpu.vector_load %arg14[%swap3A_243] {strides = array<i32>} : memref<128xi32, #tpu.memory_space<vmem>>, vector<16xi32>,
            tpu.vector_store %arg14[%swap3A_243], %broadcast_in_dim3A_242 {strides = array<i32>} : memref<128xi32, #tpu.memory_space<vmem>>, vector<16xi32>,
          } else {
          }
          %ge3A_203 = arith.constant 112 : i32
          %ge3A_204 = arith.cmpi sge, %add3A_197, %ge3A_203 : i32
          %jit3A_205 = arith.constant 0 : i32
          %select_n3A_206 = arith.select %ge3A_204, %jit3A_205, %add3A_197 : i32
          scf.yield %select_n3A_206 : i32
        }
        %while3A_168 = arith.constant 1 : i32
        %while3A_169 = scf.for %while3A_170 = %while3A_165 to %while3A_161 step %while3A_168 iter_args(%while3A_171 = %while3A_167) -> (i32)  : i32 {
          %mul3A_172 = arith.constant 16 : i32
          %mul3A_173 = arith.muli %while3A_170, %mul3A_172 : i32
          %multiple_of3A_174 = tpu.assume_multiple %mul3A_173, 16 : i32
          %get3A = arith.index_cast %multiple_of3A_174 : i32 to index
          %get3A_175 = tpu.vector_load %arg9[%get3A] {strides = array<i32>} : memref<2048xi32, #tpu.memory_space<vmem>>, vector<16xi32>,
          %get3A_176 = arith.index_cast %multiple_of3A_174 : i32 to index
          %get3A_177 = tpu.vector_load %arg10[%get3A_176] {strides = array<i32>} : memref<2048xi32, #tpu.memory_space<vmem>>, vector<16xi32>,
          %sub3A_178 = vector.broadcast %add3A_158 : i32 to vector<16xi32>
          %sub3A_179 = arith.subi %get3A_175, %sub3A_178 : vector<16xi32>
          %ge3A = arith.constant 0 : i32
          %ge3A_180 = vector.broadcast %ge3A : i32 to vector<16xi32>
          %ge3A_181 = arith.cmpi sge, %sub3A_179, %ge3A_180 : vector<16xi32>
          %lt3A = arith.constant 1024 : i32
          %lt3A_182 = vector.broadcast %lt3A : i32 to vector<16xi32>
          %lt3A_183 = arith.cmpi slt, %sub3A_179, %lt3A_182 : vector<16xi32>
          %and3A_184 = arith.andi %ge3A_181, %lt3A_183 : vector<16xi1>
          %convert_element_type3A_185 = arith.extui %and3A_184 : vector<16xi1> to vector<16xi32>
          %reduce_sum3A = arith.constant true
          %reduce_sum3A_186 = vector.broadcast %reduce_sum3A : i1 to vector<16xi1>
          %reduce_sum3A_187 = tpu.scan <sum>, %convert_element_type3A_185 masked %reduce_sum3A_186 : vector<16xi32>, vector<16xi1> -> vector<16xi32>
          %reduce_sum3A_188 = vector.extract %reduce_sum3A_187[15] : i32 from vector<16xi32>
          %jit3A_189 = arith.constant 0 : i32
          %broadcast_in_dim3A_190 = vector.broadcast %jit3A_189 : i32 to vector<16xi32>
          %select_n3A_191 = arith.select %and3A_184, %sub3A_179, %broadcast_in_dim3A_190 : vector<16xi1>, vector<16xi32>
          %gt3A_192 = arith.constant 0 : i32
          %gt3A_193 = arith.cmpi sgt, %reduce_sum3A_188, %gt3A_192 : i32
          %convert_element_type3A_194 = arith.extui %gt3A_193 : i1 to i32
          %cond3A_195 = arith.constant 0 : i32
          %cond3A_196 = arith.cmpi ne, %convert_element_type3A_194, %cond3A_195 : i32
          scf.if %cond3A_196 {
            %broadcast_in_dim3A_207 = arith.constant true
            %broadcast_in_dim3A_208 = vector.broadcast %broadcast_in_dim3A_207 : i1 to vector<16xi1>
            %masked_cumsum3A = tpu.scan <sum>, %convert_element_type3A_185 masked %broadcast_in_dim3A_208 : vector<16xi32>, vector<16xi1> -> vector<16xi32>
            %add3A_209 = vector.broadcast %while3A_171 : i32 to vector<16xi32>
            %add3A_210 = arith.addi %add3A_209, %masked_cumsum3A : vector<16xi32>
            %sub3A_211 = arith.subi %add3A_210, %convert_element_type3A_185 : vector<16xi32>
            %broadcast_in_dim3A_212 = arith.constant 0 : i32
            %broadcast_in_dim3A_213 = vector.broadcast %broadcast_in_dim3A_212 : i32 to vector<16xi32>
            %gather3A = tpu.vector_load_idx %arg12[%broadcast_in_dim3A_213, %select_n3A_191] masked %and3A_184 : memref<32x1024xf32, #tpu.memory_space<vmem>>[vector<16xi32>, vector<16xi32>], vector<16xf32>, vector<16xi1>
            tpu.vector_store_idx %arg13[%sub3A_211, %broadcast_in_dim3A_213], %gather3A masked %and3A_184 : memref<128x128xf32, #tpu.memory_space<vmem>>[vector<16xi32>, vector<16xi32>], vector<16xf32>, vector<16xi1>
            %broadcast_in_dim3A_214 = arith.constant 1 : i32
            %broadcast_in_dim3A_215 = vector.broadcast %broadcast_in_dim3A_214 : i32 to vector<16xi32>
            %gather3A_216 = tpu.vector_load_idx %arg12[%broadcast_in_dim3A_215, %select_n3A_191] masked %and3A_184 : memref<32x1024xf32, #tpu.memory_space<vmem>>[vector<16xi32>, vector<16xi32>], vector<16xf32>, vector<16xi1>
            tpu.vector_store_idx %arg13[%sub3A_211, %broadcast_in_dim3A_215], %gather3A_216 masked %and3A_184 : memref<128x128xf32, #tpu.memory_space<vmem>>[vector<16xi32>, vector<16xi32>], vector<16xf32>, vector<16xi1>
            %broadcast_in_dim3A_217 = arith.constant 2 : i32
            %broadcast_in_dim3A_218 = vector.broadcast %broadcast_in_dim3A_217 : i32 to vector<16xi32>
            %gather3A_219 = tpu.vector_load_idx %arg12[%broadcast_in_dim3A_218, %select_n3A_191] masked %and3A_184 : memref<32x1024xf32, #tpu.memory_space<vmem>>[vector<16xi32>, vector<16xi32>], vector<16xf32>, vector<16xi1>
            tpu.vector_store_idx %arg13[%sub3A_211, %broadcast_in_dim3A_218], %gather3A_219 masked %and3A_184 : memref<128x128xf32, #tpu.memory_space<vmem>>[vector<16xi32>, vector<16xi32>], vector<16xf32>, vector<16xi1>
            %broadcast_in_dim3A_220 = arith.constant 3 : i32
            %broadcast_in_dim3A_221 = vector.broadcast %broadcast_in_dim3A_220 : i32 to vector<16xi32>
            %gather3A_222 = tpu.vector_load_idx %arg12[%broadcast_in_dim3A_221, %select_n3A_191] masked %and3A_184 : memref<32x1024xf32, #tpu.memory_space<vmem>>[vector<16xi32>, vector<16xi32>], vector<16xf32>, vector<16xi1>
            tpu.vector_store_idx %arg13[%sub3A_211, %broadcast_in_dim3A_221], %gather3A_222 masked %and3A_184 : memref<128x128xf32, #tpu.memory_space<vmem>>[vector<16xi32>, vector<16xi32>], vector<16xf32>, vector<16xi1>
            %broadcast_in_dim3A_223 = arith.constant 4 : i32
            %broadcast_in_dim3A_224 = vector.broadcast %broadcast_in_dim3A_223 : i32 to vector<16xi32>
            %gather3A_225 = tpu.vector_load_idx %arg12[%broadcast_in_dim3A_224, %select_n3A_191] masked %and3A_184 : memref<32x1024xf32, #tpu.memory_space<vmem>>[vector<16xi32>, vector<16xi32>], vector<16xf32>, vector<16xi1>
            tpu.vector_store_idx %arg13[%sub3A_211, %broadcast_in_dim3A_224], %gather3A_225 masked %and3A_184 : memref<128x128xf32, #tpu.memory_space<vmem>>[vector<16xi32>, vector<16xi32>], vector<16xf32>, vector<16xi1>
            %broadcast_in_dim3A_226 = arith.constant 5 : i32
            %broadcast_in_dim3A_227 = vector.broadcast %broadcast_in_dim3A_226 : i32 to vector<16xi32>
            %gather3A_228 = tpu.vector_load_idx %arg12[%broadcast_in_dim3A_227, %select_n3A_191] masked %and3A_184 : memref<32x1024xf32, #tpu.memory_space<vmem>>[vector<16xi32>, vector<16xi32>], vector<16xf32>, vector<16xi1>
            tpu.vector_store_idx %arg13[%sub3A_211, %broadcast_in_dim3A_227], %gather3A_228 masked %and3A_184 : memref<128x128xf32, #tpu.memory_space<vmem>>[vector<16xi32>, vector<16xi32>], vector<16xf32>, vector<16xi1>
            %broadcast_in_dim3A_229 = arith.constant 6 : i32
            %broadcast_in_dim3A_230 = vector.broadcast %broadcast_in_dim3A_229 : i32 to vector<16xi32>
            %gather3A_231 = tpu.vector_load_idx %arg12[%broadcast_in_dim3A_230, %select_n3A_191] masked %and3A_184 : memref<32x1024xf32, #tpu.memory_space<vmem>>[vector<16xi32>, vector<16xi32>], vector<16xf32>, vector<16xi1>
            tpu.vector_store_idx %arg13[%sub3A_211, %broadcast_in_dim3A_230], %gather3A_231 masked %and3A_184 : memref<128x128xf32, #tpu.memory_space<vmem>>[vector<16xi32>, vector<16xi32>], vector<16xf32>, vector<16xi1>
            %broadcast_in_dim3A_232 = arith.constant 7 : i32
            %broadcast_in_dim3A_233 = vector.broadcast %broadcast_in_dim3A_232 : i32 to vector<16xi32>
            %gather3A_234 = tpu.vector_load_idx %arg12[%broadcast_in_dim3A_233, %select_n3A_191] masked %and3A_184 : memref<32x1024xf32, #tpu.memory_space<vmem>>[vector<16xi32>, vector<16xi32>], vector<16xf32>, vector<16xi1>
            tpu.vector_store_idx %arg13[%sub3A_211, %broadcast_in_dim3A_233], %gather3A_234 masked %and3A_184 : memref<128x128xf32, #tpu.memory_space<vmem>>[vector<16xi32>, vector<16xi32>], vector<16xf32>, vector<16xi1>
            %broadcast_in_dim3A_235 = arith.constant 8 : i32
            %broadcast_in_dim3A_236 = vector.broadcast %broadcast_in_dim3A_235 : i32 to vector<16xi32>
            %gather3A_237 = tpu.vector_load_idx %arg12[%broadcast_in_dim3A_236, %select_n3A_191] masked %and3A_184 : memref<32x1024xf32, #tpu.memory_space<vmem>>[vector<16xi32>, vector<16xi32>], vector<16xf32>, vector<16xi1>
            tpu.vector_store_idx %arg13[%sub3A_211, %broadcast_in_dim3A_236], %gather3A_237 masked %and3A_184 : memref<128x128xf32, #tpu.memory_space<vmem>>[vector<16xi32>, vector<16xi32>], vector<16xf32>, vector<16xi1>
            %broadcast_in_dim3A_238 = arith.constant 9 : i32
            %broadcast_in_dim3A_239 = vector.broadcast %broadcast_in_dim3A_238 : i32 to vector<16xi32>
            %gather3A_240 = tpu.vector_load_idx %arg12[%broadcast_in_dim3A_239, %select_n3A_191] masked %and3A_184 : memref<32x1024xf32, #tpu.memory_space<vmem>>[vector<16xi32>, vector<16xi32>], vector<16xf32>, vector<16xi1>
            tpu.vector_store_idx %arg13[%sub3A_211, %broadcast_in_dim3A_239], %gather3A_240 masked %and3A_184 : memref<128x128xf32, #tpu.memory_space<vmem>>[vector<16xi32>, vector<16xi32>], vector<16xf32>, vector<16xi1>
            %broadcast_in_dim3A_241 = arith.constant 10 : i32
            %broadcast_in_dim3A_242 = vector.broadcast %broadcast_in_dim3A_241 : i32 to vector<16xi32>
            %gather3A_243 = tpu.vector_load_idx %arg12[%broadcast_in_dim3A_242, %select_n3A_191] masked %and3A_184 : memref<32x1024xf32, #tpu.memory_space<vmem>>[vector<16xi32>, vector<16xi32>], vector<16xf32>, vector<16xi1>
            tpu.vector_store_idx %arg13[%sub3A_211, %broadcast_in_dim3A_242], %gather3A_243 masked %and3A_184 : memref<128x128xf32, #tpu.memory_space<vmem>>[vector<16xi32>, vector<16xi32>], vector<16xf32>, vector<16xi1>
            %broadcast_in_dim3A_244 = arith.constant 11 : i32
            %broadcast_in_dim3A_245 = vector.broadcast %broadcast_in_dim3A_244 : i32 to vector<16xi32>
            %gather3A_246 = tpu.vector_load_idx %arg12[%broadcast_in_dim3A_245, %select_n3A_191] masked %and3A_184 : memref<32x1024xf32, #tpu.memory_space<vmem>>[vector<16xi32>, vector<16xi32>], vector<16xf32>, vector<16xi1>
            tpu.vector_store_idx %arg13[%sub3A_211, %broadcast_in_dim3A_245], %gather3A_246 masked %and3A_184 : memref<128x128xf32, #tpu.memory_space<vmem>>[vector<16xi32>, vector<16xi32>], vector<16xf32>, vector<16xi1>
            %broadcast_in_dim3A_247 = arith.constant 12 : i32
            %broadcast_in_dim3A_248 = vector.broadcast %broadcast_in_dim3A_247 : i32 to vector<16xi32>
            %gather3A_249 = tpu.vector_load_idx %arg12[%broadcast_in_dim3A_248, %select_n3A_191] masked %and3A_184 : memref<32x1024xf32, #tpu.memory_space<vmem>>[vector<16xi32>, vector<16xi32>], vector<16xf32>, vector<16xi1>
            tpu.vector_store_idx %arg13[%sub3A_211, %broadcast_in_dim3A_248], %gather3A_249 masked %and3A_184 : memref<128x128xf32, #tpu.memory_space<vmem>>[vector<16xi32>, vector<16xi32>], vector<16xf32>, vector<16xi1>
            %broadcast_in_dim3A_250 = arith.constant 13 : i32
            %broadcast_in_dim3A_251 = vector.broadcast %broadcast_in_dim3A_250 : i32 to vector<16xi32>
            %gather3A_252 = tpu.vector_load_idx %arg12[%broadcast_in_dim3A_251, %select_n3A_191] masked %and3A_184 : memref<32x1024xf32, #tpu.memory_space<vmem>>[vector<16xi32>, vector<16xi32>], vector<16xf32>, vector<16xi1>
            tpu.vector_store_idx %arg13[%sub3A_211, %broadcast_in_dim3A_251], %gather3A_252 masked %and3A_184 : memref<128x128xf32, #tpu.memory_space<vmem>>[vector<16xi32>, vector<16xi32>], vector<16xf32>, vector<16xi1>
            %broadcast_in_dim3A_253 = arith.constant 14 : i32
            %broadcast_in_dim3A_254 = vector.broadcast %broadcast_in_dim3A_253 : i32 to vector<16xi32>
            %gather3A_255 = tpu.vector_load_idx %arg12[%broadcast_in_dim3A_254, %select_n3A_191] masked %and3A_184 : memref<32x1024xf32, #tpu.memory_space<vmem>>[vector<16xi32>, vector<16xi32>], vector<16xf32>, vector<16xi1>
            tpu.vector_store_idx %arg13[%sub3A_211, %broadcast_in_dim3A_254], %gather3A_255 masked %and3A_184 : memref<128x128xf32, #tpu.memory_space<vmem>>[vector<16xi32>, vector<16xi32>], vector<16xf32>, vector<16xi1>
            %broadcast_in_dim3A_256 = arith.constant 15 : i32
            %broadcast_in_dim3A_257 = vector.broadcast %broadcast_in_dim3A_256 : i32 to vector<16xi32>
            %gather3A_258 = tpu.vector_load_idx %arg12[%broadcast_in_dim3A_257, %select_n3A_191] masked %and3A_184 : memref<32x1024xf32, #tpu.memory_space<vmem>>[vector<16xi32>, vector<16xi32>], vector<16xf32>, vector<16xi1>
            tpu.vector_store_idx %arg13[%sub3A_211, %broadcast_in_dim3A_257], %gather3A_258 masked %and3A_184 : memref<128x128xf32, #tpu.memory_space<vmem>>[vector<16xi32>, vector<16xi32>], vector<16xf32>, vector<16xi1>
            %broadcast_in_dim3A_259 = arith.constant 16 : i32
            %broadcast_in_dim3A_260 = vector.broadcast %broadcast_in_dim3A_259 : i32 to vector<16xi32>
            %gather3A_261 = tpu.vector_load_idx %arg12[%broadcast_in_dim3A_260, %select_n3A_191] masked %and3A_184 : memref<32x1024xf32, #tpu.memory_space<vmem>>[vector<16xi32>, vector<16xi32>], vector<16xf32>, vector<16xi1>
            tpu.vector_store_idx %arg13[%sub3A_211, %broadcast_in_dim3A_260], %gather3A_261 masked %and3A_184 : memref<128x128xf32, #tpu.memory_space<vmem>>[vector<16xi32>, vector<16xi32>], vector<16xf32>, vector<16xi1>
            %broadcast_in_dim3A_262 = arith.constant 17 : i32
            %broadcast_in_dim3A_263 = vector.broadcast %broadcast_in_dim3A_262 : i32 to vector<16xi32>
            %gather3A_264 = tpu.vector_load_idx %arg12[%broadcast_in_dim3A_263, %select_n3A_191] masked %and3A_184 : memref<32x1024xf32, #tpu.memory_space<vmem>>[vector<16xi32>, vector<16xi32>], vector<16xf32>, vector<16xi1>
            tpu.vector_store_idx %arg13[%sub3A_211, %broadcast_in_dim3A_263], %gather3A_264 masked %and3A_184 : memref<128x128xf32, #tpu.memory_space<vmem>>[vector<16xi32>, vector<16xi32>], vector<16xf32>, vector<16xi1>
            %broadcast_in_dim3A_265 = arith.constant 18 : i32
            %broadcast_in_dim3A_266 = vector.broadcast %broadcast_in_dim3A_265 : i32 to vector<16xi32>
            %gather3A_267 = tpu.vector_load_idx %arg12[%broadcast_in_dim3A_266, %select_n3A_191] masked %and3A_184 : memref<32x1024xf32, #tpu.memory_space<vmem>>[vector<16xi32>, vector<16xi32>], vector<16xf32>, vector<16xi1>
            tpu.vector_store_idx %arg13[%sub3A_211, %broadcast_in_dim3A_266], %gather3A_267 masked %and3A_184 : memref<128x128xf32, #tpu.memory_space<vmem>>[vector<16xi32>, vector<16xi32>], vector<16xf32>, vector<16xi1>
            %broadcast_in_dim3A_268 = arith.constant 19 : i32
            %broadcast_in_dim3A_269 = vector.broadcast %broadcast_in_dim3A_268 : i32 to vector<16xi32>
            %gather3A_270 = tpu.vector_load_idx %arg12[%broadcast_in_dim3A_269, %select_n3A_191] masked %and3A_184 : memref<32x1024xf32, #tpu.memory_space<vmem>>[vector<16xi32>, vector<16xi32>], vector<16xf32>, vector<16xi1>
            tpu.vector_store_idx %arg13[%sub3A_211, %broadcast_in_dim3A_269], %gather3A_270 masked %and3A_184 : memref<128x128xf32, #tpu.memory_space<vmem>>[vector<16xi32>, vector<16xi32>], vector<16xf32>, vector<16xi1>
            %broadcast_in_dim3A_271 = arith.constant 20 : i32
            %broadcast_in_dim3A_272 = vector.broadcast %broadcast_in_dim3A_271 : i32 to vector<16xi32>
            %gather3A_273 = tpu.vector_load_idx %arg12[%broadcast_in_dim3A_272, %select_n3A_191] masked %and3A_184 : memref<32x1024xf32, #tpu.memory_space<vmem>>[vector<16xi32>, vector<16xi32>], vector<16xf32>, vector<16xi1>
            tpu.vector_store_idx %arg13[%sub3A_211, %broadcast_in_dim3A_272], %gather3A_273 masked %and3A_184 : memref<128x128xf32, #tpu.memory_space<vmem>>[vector<16xi32>, vector<16xi32>], vector<16xf32>, vector<16xi1>
            %broadcast_in_dim3A_274 = arith.constant 21 : i32
            %broadcast_in_dim3A_275 = vector.broadcast %broadcast_in_dim3A_274 : i32 to vector<16xi32>
            %gather3A_276 = tpu.vector_load_idx %arg12[%broadcast_in_dim3A_275, %select_n3A_191] masked %and3A_184 : memref<32x1024xf32, #tpu.memory_space<vmem>>[vector<16xi32>, vector<16xi32>], vector<16xf32>, vector<16xi1>
            tpu.vector_store_idx %arg13[%sub3A_211, %broadcast_in_dim3A_275], %gather3A_276 masked %and3A_184 : memref<128x128xf32, #tpu.memory_space<vmem>>[vector<16xi32>, vector<16xi32>], vector<16xf32>, vector<16xi1>
            %broadcast_in_dim3A_277 = arith.constant 22 : i32
            %broadcast_in_dim3A_278 = vector.broadcast %broadcast_in_dim3A_277 : i32 to vector<16xi32>
            %gather3A_279 = tpu.vector_load_idx %arg12[%broadcast_in_dim3A_278, %select_n3A_191] masked %and3A_184 : memref<32x1024xf32, #tpu.memory_space<vmem>>[vector<16xi32>, vector<16xi32>], vector<16xf32>, vector<16xi1>
            tpu.vector_store_idx %arg13[%sub3A_211, %broadcast_in_dim3A_278], %gather3A_279 masked %and3A_184 : memref<128x128xf32, #tpu.memory_space<vmem>>[vector<16xi32>, vector<16xi32>], vector<16xf32>, vector<16xi1>
            %broadcast_in_dim3A_280 = arith.constant 23 : i32
            %broadcast_in_dim3A_281 = vector.broadcast %broadcast_in_dim3A_280 : i32 to vector<16xi32>
            %gather3A_282 = tpu.vector_load_idx %arg12[%broadcast_in_dim3A_281, %select_n3A_191] masked %and3A_184 : memref<32x1024xf32, #tpu.memory_space<vmem>>[vector<16xi32>, vector<16xi32>], vector<16xf32>, vector<16xi1>
            tpu.vector_store_idx %arg13[%sub3A_211, %broadcast_in_dim3A_281], %gather3A_282 masked %and3A_184 : memref<128x128xf32, #tpu.memory_space<vmem>>[vector<16xi32>, vector<16xi32>], vector<16xf32>, vector<16xi1>
            %broadcast_in_dim3A_283 = arith.constant 24 : i32
            %broadcast_in_dim3A_284 = vector.broadcast %broadcast_in_dim3A_283 : i32 to vector<16xi32>
            %gather3A_285 = tpu.vector_load_idx %arg12[%broadcast_in_dim3A_284, %select_n3A_191] masked %and3A_184 : memref<32x1024xf32, #tpu.memory_space<vmem>>[vector<16xi32>, vector<16xi32>], vector<16xf32>, vector<16xi1>
            tpu.vector_store_idx %arg13[%sub3A_211, %broadcast_in_dim3A_284], %gather3A_285 masked %and3A_184 : memref<128x128xf32, #tpu.memory_space<vmem>>[vector<16xi32>, vector<16xi32>], vector<16xf32>, vector<16xi1>
            %broadcast_in_dim3A_286 = arith.constant 25 : i32
            %broadcast_in_dim3A_287 = vector.broadcast %broadcast_in_dim3A_286 : i32 to vector<16xi32>
            %gather3A_288 = tpu.vector_load_idx %arg12[%broadcast_in_dim3A_287, %select_n3A_191] masked %and3A_184 : memref<32x1024xf32, #tpu.memory_space<vmem>>[vector<16xi32>, vector<16xi32>], vector<16xf32>, vector<16xi1>
            tpu.vector_store_idx %arg13[%sub3A_211, %broadcast_in_dim3A_287], %gather3A_288 masked %and3A_184 : memref<128x128xf32, #tpu.memory_space<vmem>>[vector<16xi32>, vector<16xi32>], vector<16xf32>, vector<16xi1>
            %broadcast_in_dim3A_289 = arith.constant 26 : i32
            %broadcast_in_dim3A_290 = vector.broadcast %broadcast_in_dim3A_289 : i32 to vector<16xi32>
            %gather3A_291 = tpu.vector_load_idx %arg12[%broadcast_in_dim3A_290, %select_n3A_191] masked %and3A_184 : memref<32x1024xf32, #tpu.memory_space<vmem>>[vector<16xi32>, vector<16xi32>], vector<16xf32>, vector<16xi1>
            tpu.vector_store_idx %arg13[%sub3A_211, %broadcast_in_dim3A_290], %gather3A_291 masked %and3A_184 : memref<128x128xf32, #tpu.memory_space<vmem>>[vector<16xi32>, vector<16xi32>], vector<16xf32>, vector<16xi1>
            %broadcast_in_dim3A_292 = arith.constant 27 : i32
            %broadcast_in_dim3A_293 = vector.broadcast %broadcast_in_dim3A_292 : i32 to vector<16xi32>
            %gather3A_294 = tpu.vector_load_idx %arg12[%broadcast_in_dim3A_293, %select_n3A_191] masked %and3A_184 : memref<32x1024xf32, #tpu.memory_space<vmem>>[vector<16xi32>, vector<16xi32>], vector<16xf32>, vector<16xi1>
            tpu.vector_store_idx %arg13[%sub3A_211, %broadcast_in_dim3A_293], %gather3A_294 masked %and3A_184 : memref<128x128xf32, #tpu.memory_space<vmem>>[vector<16xi32>, vector<16xi32>], vector<16xf32>, vector<16xi1>
            %broadcast_in_dim3A_295 = arith.constant 28 : i32
            %broadcast_in_dim3A_296 = vector.broadcast %broadcast_in_dim3A_295 : i32 to vector<16xi32>
            %gather3A_297 = tpu.vector_load_idx %arg12[%broadcast_in_dim3A_296, %select_n3A_191] masked %and3A_184 : memref<32x1024xf32, #tpu.memory_space<vmem>>[vector<16xi32>, vector<16xi32>], vector<16xf32>, vector<16xi1>
            tpu.vector_store_idx %arg13[%sub3A_211, %broadcast_in_dim3A_296], %gather3A_297 masked %and3A_184 : memref<128x128xf32, #tpu.memory_space<vmem>>[vector<16xi32>, vector<16xi32>], vector<16xf32>, vector<16xi1>
            %broadcast_in_dim3A_298 = arith.constant 29 : i32
            %broadcast_in_dim3A_299 = vector.broadcast %broadcast_in_dim3A_298 : i32 to vector<16xi32>
            %gather3A_300 = tpu.vector_load_idx %arg12[%broadcast_in_dim3A_299, %select_n3A_191] masked %and3A_184 : memref<32x1024xf32, #tpu.memory_space<vmem>>[vector<16xi32>, vector<16xi32>], vector<16xf32>, vector<16xi1>
            tpu.vector_store_idx %arg13[%sub3A_211, %broadcast_in_dim3A_299], %gather3A_300 masked %and3A_184 : memref<128x128xf32, #tpu.memory_space<vmem>>[vector<16xi32>, vector<16xi32>], vector<16xf32>, vector<16xi1>
            %broadcast_in_dim3A_301 = arith.constant 30 : i32
            %broadcast_in_dim3A_302 = vector.broadcast %broadcast_in_dim3A_301 : i32 to vector<16xi32>
            %gather3A_303 = tpu.vector_load_idx %arg12[%broadcast_in_dim3A_302, %select_n3A_191] masked %and3A_184 : memref<32x1024xf32, #tpu.memory_space<vmem>>[vector<16xi32>, vector<16xi32>], vector<16xf32>, vector<16xi1>
            tpu.vector_store_idx %arg13[%sub3A_211, %broadcast_in_dim3A_302], %gather3A_303 masked %and3A_184 : memref<128x128xf32, #tpu.memory_space<vmem>>[vector<16xi32>, vector<16xi32>], vector<16xf32>, vector<16xi1>
            %broadcast_in_dim3A_304 = arith.constant 31 : i32
            %broadcast_in_dim3A_305 = vector.broadcast %broadcast_in_dim3A_304 : i32 to vector<16xi32>
            %gather3A_306 = tpu.vector_load_idx %arg12[%broadcast_in_dim3A_305, %select_n3A_191] masked %and3A_184 : memref<32x1024xf32, #tpu.memory_space<vmem>>[vector<16xi32>, vector<16xi32>], vector<16xf32>, vector<16xi1>
            tpu.vector_store_idx %arg13[%sub3A_211, %broadcast_in_dim3A_305], %gather3A_306 masked %and3A_184 : memref<128x128xf32, #tpu.memory_space<vmem>>[vector<16xi32>, vector<16xi32>], vector<16xf32>, vector<16xi1>
            tpu.vector_store_idx %arg14[%sub3A_211], %get3A_177 masked %and3A_184 : memref<128xi32, #tpu.memory_space<vmem>>[vector<16xi32>], vector<16xi32>, vector<16xi1>
          } else {
          }
          %add3A_197 = arith.addi %while3A_171, %reduce_sum3A_188 : i32
          %ge3A_198 = arith.constant 112 : i32
          %ge3A_199 = arith.cmpi sge, %add3A_197, %ge3A_198 : i32
          %convert_element_type3A_200 = arith.extui %ge3A_199 : i1 to i32
          %cond3A_201 = arith.constant 0 : i32
          %cond3A_202 = arith.cmpi ne, %convert_element_type3A_200, %cond3A_201 : i32
          scf.if %cond3A_202 {
            %dma_start3A_207 = arith.constant 0 : i32
            %dma_start3A_208 = arith.constant 0 : i32
            %dma_start3A_209 = tpu.memref_slice %arg7[%dma_start3A_207, %dma_start3A_208] : memref<16448x128xf32, #tpu.memory_space<hbm>> -> memref<16448x128xf32, #tpu.memory_space<hbm>>
            tpu.enqueue_indirect_dma source(%arg13 : memref<128x128xf32, #tpu.memory_space<vmem>>) target(%dma_start3A_209 : memref<16448x128xf32, #tpu.memory_space<hbm>>) offsets(%arg14 : memref<128xi32, #tpu.memory_space<vmem>>) semaphore(%arg16 : memref<!tpu.dma_semaphore, #tpu.memory_space<semaphore_mem>>)
            %dma_wait3A_210 = arith.constant 0 : i32
            %dma_wait3A_211 = arith.constant 0 : i32
            %dma_wait3A_212 = tpu.memref_slice %arg7[%dma_wait3A_210, %dma_wait3A_211] : memref<16448x128xf32, #tpu.memory_space<hbm>> -> memref<16448x128xf32, #tpu.memory_space<hbm>>
            tpu.wait_indirect_dma semaphore(%arg16 : memref<!tpu.dma_semaphore, #tpu.memory_space<semaphore_mem>>) src(%arg13 : memref<128x128xf32, #tpu.memory_space<vmem>>) dst(%dma_wait3A_212 : memref<16448x128xf32, #tpu.memory_space<hbm>>)
            %broadcast_in_dim3A_213 = arith.constant 16384 : i32
            %broadcast_in_dim3A_214 = vector.broadcast %broadcast_in_dim3A_213 : i32 to vector<16xi32>
            %swap3A_215 = arith.constant 0 : index
            %swap3A_216 = tpu.vector_load %arg14[%swap3A_215] {strides = array<i32>} : memref<128xi32, #tpu.memory_space<vmem>>, vector<16xi32>,
            tpu.vector_store %arg14[%swap3A_215], %broadcast_in_dim3A_214 {strides = array<i32>} : memref<128xi32, #tpu.memory_space<vmem>>, vector<16xi32>,
            %broadcast_in_dim3A_217 = arith.constant 16384 : i32
            %broadcast_in_dim3A_218 = vector.broadcast %broadcast_in_dim3A_217 : i32 to vector<16xi32>
            %swap3A_219 = arith.constant 16 : index
            %swap3A_220 = tpu.vector_load %arg14[%swap3A_219] {strides = array<i32>} : memref<128xi32, #tpu.memory_space<vmem>>, vector<16xi32>,
            tpu.vector_store %arg14[%swap3A_219], %broadcast_in_dim3A_218 {strides = array<i32>} : memref<128xi32, #tpu.memory_space<vmem>>, vector<16xi32>,
            %broadcast_in_dim3A_221 = arith.constant 16384 : i32
            %broadcast_in_dim3A_222 = vector.broadcast %broadcast_in_dim3A_221 : i32 to vector<16xi32>
            %swap3A_223 = arith.constant 32 : index
            %swap3A_224 = tpu.vector_load %arg14[%swap3A_223] {strides = array<i32>} : memref<128xi32, #tpu.memory_space<vmem>>, vector<16xi32>,
            tpu.vector_store %arg14[%swap3A_223], %broadcast_in_dim3A_222 {strides = array<i32>} : memref<128xi32, #tpu.memory_space<vmem>>, vector<16xi32>,
            %broadcast_in_dim3A_225 = arith.constant 16384 : i32
            %broadcast_in_dim3A_226 = vector.broadcast %broadcast_in_dim3A_225 : i32 to vector<16xi32>
            %swap3A_227 = arith.constant 48 : index
            %swap3A_228 = tpu.vector_load %arg14[%swap3A_227] {strides = array<i32>} : memref<128xi32, #tpu.memory_space<vmem>>, vector<16xi32>,
            tpu.vector_store %arg14[%swap3A_227], %broadcast_in_dim3A_226 {strides = array<i32>} : memref<128xi32, #tpu.memory_space<vmem>>, vector<16xi32>,
            %broadcast_in_dim3A_229 = arith.constant 16384 : i32
            %broadcast_in_dim3A_230 = vector.broadcast %broadcast_in_dim3A_229 : i32 to vector<16xi32>
            %swap3A_231 = arith.constant 64 : index
            %swap3A_232 = tpu.vector_load %arg14[%swap3A_231] {strides = array<i32>} : memref<128xi32, #tpu.memory_space<vmem>>, vector<16xi32>,
            tpu.vector_store %arg14[%swap3A_231], %broadcast_in_dim3A_230 {strides = array<i32>} : memref<128xi32, #tpu.memory_space<vmem>>, vector<16xi32>,
            %broadcast_in_dim3A_233 = arith.constant 16384 : i32
            %broadcast_in_dim3A_234 = vector.broadcast %broadcast_in_dim3A_233 : i32 to vector<16xi32>
            %swap3A_235 = arith.constant 80 : index
            %swap3A_236 = tpu.vector_load %arg14[%swap3A_235] {strides = array<i32>} : memref<128xi32, #tpu.memory_space<vmem>>, vector<16xi32>,
            tpu.vector_store %arg14[%swap3A_235], %broadcast_in_dim3A_234 {strides = array<i32>} : memref<128xi32, #tpu.memory_space<vmem>>, vector<16xi32>,
            %broadcast_in_dim3A_237 = arith.constant 16384 : i32
            %broadcast_in_dim3A_238 = vector.broadcast %broadcast_in_dim3A_237 : i32 to vector<16xi32>
            %swap3A_239 = arith.constant 96 : index
            %swap3A_240 = tpu.vector_load %arg14[%swap3A_239] {strides = array<i32>} : memref<128xi32, #tpu.memory_space<vmem>>, vector<16xi32>,
            tpu.vector_store %arg14[%swap3A_239], %broadcast_in_dim3A_238 {strides = array<i32>} : memref<128xi32, #tpu.memory_space<vmem>>, vector<16xi32>,
            %broadcast_in_dim3A_241 = arith.constant 16384 : i32
            %broadcast_in_dim3A_242 = vector.broadcast %broadcast_in_dim3A_241 : i32 to vector<16xi32>
            %swap3A_243 = arith.constant 112 : index
            %swap3A_244 = tpu.vector_load %arg14[%swap3A_243] {strides = array<i32>} : memref<128xi32, #tpu.memory_space<vmem>>, vector<16xi32>,
            tpu.vector_store %arg14[%swap3A_243], %broadcast_in_dim3A_242 {strides = array<i32>} : memref<128xi32, #tpu.memory_space<vmem>>, vector<16xi32>,
          } else {
          }
          %ge3A_203 = arith.constant 112 : i32
          %ge3A_204 = arith.cmpi sge, %add3A_197, %ge3A_203 : i32
          %jit3A_205 = arith.constant 0 : i32
          %select_n3A_206 = arith.select %ge3A_204, %jit3A_205, %add3A_197 : i32
          scf.yield %select_n3A_206 : i32
        }
        scf.yield %while3A_169 : i32
      }
      %scan3A_75 = arith.constant 30 : i32
      %add3A_76 = arith.constant 61440 : i32
      %add3A_77 = arith.addi %multiple_of3A, %add3A_76 : i32
      %multiple_of3A_78 = tpu.assume_multiple %add3A_77, 128 : i32
      %dma_wait3A = arith.constant 0 : i32
      %dma_wait3A_79 = tpu.memref_slice %arg3[%dma_wait3A, %multiple_of3A_78] : memref<32x1000000xf32, #tpu.memory_space<hbm>> -> memref<32x1024xf32, #tpu.memory_space<hbm>>
      %dma_wait3A_80 = arith.constant 0 : i32
      %dma_wait3A_81 = tpu.memref_slice %arg3[%dma_wait3A_80, %multiple_of3A_78] : memref<32x1000000xf32, #tpu.memory_space<hbm>> -> memref<32x1024xf32, #tpu.memory_space<hbm>>
      tpu.wait_dma2 semaphore(%arg15 : memref<!tpu.dma_semaphore, #tpu.memory_space<semaphore_mem>>) src(%dma_wait3A_81 : memref<32x1024xf32, #tpu.memory_space<hbm>>) dst(%arg11 : memref<32x1024xf32, #tpu.memory_space<vmem>>)
      %add3A_82 = arith.constant 61440 : i32
      %add3A_83 = arith.addi %multiple_of3A, %add3A_82 : i32
      %while3A = arith.constant 0 : i32
      %while3A_84 = arith.subi %select_n3A, %while3A : i32
      %while3A_85 = arith.addi %while3A, %while3A_84 : i32
      %while3A_86 = arith.constant 1 : i32
      %while3A_87 = arith.divsi %while3A_84, %while3A_86 : i32
      %while3A_88 = arith.muli %while3A_87, %while3A_86 : i32
      %while3A_89 = arith.addi %while3A, %while3A_88 : i32
      %while3A_90 = arith.constant 1 : i32
      %while3A_91 = scf.for %while3A_98 = %while3A to %while3A_89 step %while3A_90 iter_args(%while3A_99 = %scan3A_74) -> (i32)  : i32 {
        %mul3A_100 = arith.constant 16 : i32
        %mul3A_101 = arith.muli %while3A_98, %mul3A_100 : i32
        %multiple_of3A_102 = tpu.assume_multiple %mul3A_101, 16 : i32
        %get3A = arith.index_cast %multiple_of3A_102 : i32 to index
        %get3A_103 = tpu.vector_load %arg9[%get3A] {strides = array<i32>} : memref<2048xi32, #tpu.memory_space<vmem>>, vector<16xi32>,
        %get3A_104 = arith.index_cast %multiple_of3A_102 : i32 to index
        %get3A_105 = tpu.vector_load %arg10[%get3A_104] {strides = array<i32>} : memref<2048xi32, #tpu.memory_space<vmem>>, vector<16xi32>,
        %sub3A_106 = vector.broadcast %add3A_83 : i32 to vector<16xi32>
        %sub3A_107 = arith.subi %get3A_103, %sub3A_106 : vector<16xi32>
        %ge3A = arith.constant 0 : i32
        %ge3A_108 = vector.broadcast %ge3A : i32 to vector<16xi32>
        %ge3A_109 = arith.cmpi sge, %sub3A_107, %ge3A_108 : vector<16xi32>
        %lt3A = arith.constant 1024 : i32
        %lt3A_110 = vector.broadcast %lt3A : i32 to vector<16xi32>
        %lt3A_111 = arith.cmpi slt, %sub3A_107, %lt3A_110 : vector<16xi32>
        %and3A_112 = arith.andi %ge3A_109, %lt3A_111 : vector<16xi1>
        %convert_element_type3A_113 = arith.extui %and3A_112 : vector<16xi1> to vector<16xi32>
        %reduce_sum3A = arith.constant true
        %reduce_sum3A_114 = vector.broadcast %reduce_sum3A : i1 to vector<16xi1>
        %reduce_sum3A_115 = tpu.scan <sum>, %convert_element_type3A_113 masked %reduce_sum3A_114 : vector<16xi32>, vector<16xi1> -> vector<16xi32>
        %reduce_sum3A_116 = vector.extract %reduce_sum3A_115[15] : i32 from vector<16xi32>
        %jit3A_117 = arith.constant 0 : i32
        %broadcast_in_dim3A_118 = vector.broadcast %jit3A_117 : i32 to vector<16xi32>
        %select_n3A_119 = arith.select %and3A_112, %sub3A_107, %broadcast_in_dim3A_118 : vector<16xi1>, vector<16xi32>
        %gt3A_120 = arith.constant 0 : i32
        %gt3A_121 = arith.cmpi sgt, %reduce_sum3A_116, %gt3A_120 : i32
        %convert_element_type3A_122 = arith.extui %gt3A_121 : i1 to i32
        %cond3A_123 = arith.constant 0 : i32
        %cond3A_124 = arith.cmpi ne, %convert_element_type3A_122, %cond3A_123 : i32
        scf.if %cond3A_124 {
          %broadcast_in_dim3A_135 = arith.constant true
          %broadcast_in_dim3A_136 = vector.broadcast %broadcast_in_dim3A_135 : i1 to vector<16xi1>
          %masked_cumsum3A = tpu.scan <sum>, %convert_element_type3A_113 masked %broadcast_in_dim3A_136 : vector<16xi32>, vector<16xi1> -> vector<16xi32>
          %add3A_137 = vector.broadcast %while3A_99 : i32 to vector<16xi32>
          %add3A_138 = arith.addi %add3A_137, %masked_cumsum3A : vector<16xi32>
          %sub3A_139 = arith.subi %add3A_138, %convert_element_type3A_113 : vector<16xi32>
          %broadcast_in_dim3A_140 = arith.constant 0 : i32
          %broadcast_in_dim3A_141 = vector.broadcast %broadcast_in_dim3A_140 : i32 to vector<16xi32>
          %gather3A = tpu.vector_load_idx %arg11[%broadcast_in_dim3A_141, %select_n3A_119] masked %and3A_112 : memref<32x1024xf32, #tpu.memory_space<vmem>>[vector<16xi32>, vector<16xi32>], vector<16xf32>, vector<16xi1>
          tpu.vector_store_idx %arg13[%sub3A_139, %broadcast_in_dim3A_141], %gather3A masked %and3A_112 : memref<128x128xf32, #tpu.memory_space<vmem>>[vector<16xi32>, vector<16xi32>], vector<16xf32>, vector<16xi1>
          %broadcast_in_dim3A_142 = arith.constant 1 : i32
          %broadcast_in_dim3A_143 = vector.broadcast %broadcast_in_dim3A_142 : i32 to vector<16xi32>
          %gather3A_144 = tpu.vector_load_idx %arg11[%broadcast_in_dim3A_143, %select_n3A_119] masked %and3A_112 : memref<32x1024xf32, #tpu.memory_space<vmem>>[vector<16xi32>, vector<16xi32>], vector<16xf32>, vector<16xi1>
          tpu.vector_store_idx %arg13[%sub3A_139, %broadcast_in_dim3A_143], %gather3A_144 masked %and3A_112 : memref<128x128xf32, #tpu.memory_space<vmem>>[vector<16xi32>, vector<16xi32>], vector<16xf32>, vector<16xi1>
          %broadcast_in_dim3A_145 = arith.constant 2 : i32
          %broadcast_in_dim3A_146 = vector.broadcast %broadcast_in_dim3A_145 : i32 to vector<16xi32>
          %gather3A_147 = tpu.vector_load_idx %arg11[%broadcast_in_dim3A_146, %select_n3A_119] masked %and3A_112 : memref<32x1024xf32, #tpu.memory_space<vmem>>[vector<16xi32>, vector<16xi32>], vector<16xf32>, vector<16xi1>
          tpu.vector_store_idx %arg13[%sub3A_139, %broadcast_in_dim3A_146], %gather3A_147 masked %and3A_112 : memref<128x128xf32, #tpu.memory_space<vmem>>[vector<16xi32>, vector<16xi32>], vector<16xf32>, vector<16xi1>
          %broadcast_in_dim3A_148 = arith.constant 3 : i32
          %broadcast_in_dim3A_149 = vector.broadcast %broadcast_in_dim3A_148 : i32 to vector<16xi32>
          %gather3A_150 = tpu.vector_load_idx %arg11[%broadcast_in_dim3A_149, %select_n3A_119] masked %and3A_112 : memref<32x1024xf32, #tpu.memory_space<vmem>>[vector<16xi32>, vector<16xi32>], vector<16xf32>, vector<16xi1>
          tpu.vector_store_idx %arg13[%sub3A_139, %broadcast_in_dim3A_149], %gather3A_150 masked %and3A_112 : memref<128x128xf32, #tpu.memory_space<vmem>>[vector<16xi32>, vector<16xi32>], vector<16xf32>, vector<16xi1>
          %broadcast_in_dim3A_151 = arith.constant 4 : i32
          %broadcast_in_dim3A_152 = vector.broadcast %broadcast_in_dim3A_151 : i32 to vector<16xi32>
          %gather3A_153 = tpu.vector_load_idx %arg11[%broadcast_in_dim3A_152, %select_n3A_119] masked %and3A_112 : memref<32x1024xf32, #tpu.memory_space<vmem>>[vector<16xi32>, vector<16xi32>], vector<16xf32>, vector<16xi1>
          tpu.vector_store_idx %arg13[%sub3A_139, %broadcast_in_dim3A_152], %gather3A_153 masked %and3A_112 : memref<128x128xf32, #tpu.memory_space<vmem>>[vector<16xi32>, vector<16xi32>], vector<16xf32>, vector<16xi1>
          %broadcast_in_dim3A_154 = arith.constant 5 : i32
          %broadcast_in_dim3A_155 = vector.broadcast %broadcast_in_dim3A_154 : i32 to vector<16xi32>
          %gather3A_156 = tpu.vector_load_idx %arg11[%broadcast_in_dim3A_155, %select_n3A_119] masked %and3A_112 : memref<32x1024xf32, #tpu.memory_space<vmem>>[vector<16xi32>, vector<16xi32>], vector<16xf32>, vector<16xi1>
          tpu.vector_store_idx %arg13[%sub3A_139, %broadcast_in_dim3A_155], %gather3A_156 masked %and3A_112 : memref<128x128xf32, #tpu.memory_space<vmem>>[vector<16xi32>, vector<16xi32>], vector<16xf32>, vector<16xi1>
          %broadcast_in_dim3A_157 = arith.constant 6 : i32
          %broadcast_in_dim3A_158 = vector.broadcast %broadcast_in_dim3A_157 : i32 to vector<16xi32>
          %gather3A_159 = tpu.vector_load_idx %arg11[%broadcast_in_dim3A_158, %select_n3A_119] masked %and3A_112 : memref<32x1024xf32, #tpu.memory_space<vmem>>[vector<16xi32>, vector<16xi32>], vector<16xf32>, vector<16xi1>
          tpu.vector_store_idx %arg13[%sub3A_139, %broadcast_in_dim3A_158], %gather3A_159 masked %and3A_112 : memref<128x128xf32, #tpu.memory_space<vmem>>[vector<16xi32>, vector<16xi32>], vector<16xf32>, vector<16xi1>
          %broadcast_in_dim3A_160 = arith.constant 7 : i32
          %broadcast_in_dim3A_161 = vector.broadcast %broadcast_in_dim3A_160 : i32 to vector<16xi32>
          %gather3A_162 = tpu.vector_load_idx %arg11[%broadcast_in_dim3A_161, %select_n3A_119] masked %and3A_112 : memref<32x1024xf32, #tpu.memory_space<vmem>>[vector<16xi32>, vector<16xi32>], vector<16xf32>, vector<16xi1>
          tpu.vector_store_idx %arg13[%sub3A_139, %broadcast_in_dim3A_161], %gather3A_162 masked %and3A_112 : memref<128x128xf32, #tpu.memory_space<vmem>>[vector<16xi32>, vector<16xi32>], vector<16xf32>, vector<16xi1>
          %broadcast_in_dim3A_163 = arith.constant 8 : i32
          %broadcast_in_dim3A_164 = vector.broadcast %broadcast_in_dim3A_163 : i32 to vector<16xi32>
          %gather3A_165 = tpu.vector_load_idx %arg11[%broadcast_in_dim3A_164, %select_n3A_119] masked %and3A_112 : memref<32x1024xf32, #tpu.memory_space<vmem>>[vector<16xi32>, vector<16xi32>], vector<16xf32>, vector<16xi1>
          tpu.vector_store_idx %arg13[%sub3A_139, %broadcast_in_dim3A_164], %gather3A_165 masked %and3A_112 : memref<128x128xf32, #tpu.memory_space<vmem>>[vector<16xi32>, vector<16xi32>], vector<16xf32>, vector<16xi1>
          %broadcast_in_dim3A_166 = arith.constant 9 : i32
          %broadcast_in_dim3A_167 = vector.broadcast %broadcast_in_dim3A_166 : i32 to vector<16xi32>
          %gather3A_168 = tpu.vector_load_idx %arg11[%broadcast_in_dim3A_167, %select_n3A_119] masked %and3A_112 : memref<32x1024xf32, #tpu.memory_space<vmem>>[vector<16xi32>, vector<16xi32>], vector<16xf32>, vector<16xi1>
          tpu.vector_store_idx %arg13[%sub3A_139, %broadcast_in_dim3A_167], %gather3A_168 masked %and3A_112 : memref<128x128xf32, #tpu.memory_space<vmem>>[vector<16xi32>, vector<16xi32>], vector<16xf32>, vector<16xi1>
          %broadcast_in_dim3A_169 = arith.constant 10 : i32
          %broadcast_in_dim3A_170 = vector.broadcast %broadcast_in_dim3A_169 : i32 to vector<16xi32>
          %gather3A_171 = tpu.vector_load_idx %arg11[%broadcast_in_dim3A_170, %select_n3A_119] masked %and3A_112 : memref<32x1024xf32, #tpu.memory_space<vmem>>[vector<16xi32>, vector<16xi32>], vector<16xf32>, vector<16xi1>
          tpu.vector_store_idx %arg13[%sub3A_139, %broadcast_in_dim3A_170], %gather3A_171 masked %and3A_112 : memref<128x128xf32, #tpu.memory_space<vmem>>[vector<16xi32>, vector<16xi32>], vector<16xf32>, vector<16xi1>
          %broadcast_in_dim3A_172 = arith.constant 11 : i32
          %broadcast_in_dim3A_173 = vector.broadcast %broadcast_in_dim3A_172 : i32 to vector<16xi32>
          %gather3A_174 = tpu.vector_load_idx %arg11[%broadcast_in_dim3A_173, %select_n3A_119] masked %and3A_112 : memref<32x1024xf32, #tpu.memory_space<vmem>>[vector<16xi32>, vector<16xi32>], vector<16xf32>, vector<16xi1>
          tpu.vector_store_idx %arg13[%sub3A_139, %broadcast_in_dim3A_173], %gather3A_174 masked %and3A_112 : memref<128x128xf32, #tpu.memory_space<vmem>>[vector<16xi32>, vector<16xi32>], vector<16xf32>, vector<16xi1>
          %broadcast_in_dim3A_175 = arith.constant 12 : i32
          %broadcast_in_dim3A_176 = vector.broadcast %broadcast_in_dim3A_175 : i32 to vector<16xi32>
          %gather3A_177 = tpu.vector_load_idx %arg11[%broadcast_in_dim3A_176, %select_n3A_119] masked %and3A_112 : memref<32x1024xf32, #tpu.memory_space<vmem>>[vector<16xi32>, vector<16xi32>], vector<16xf32>, vector<16xi1>
          tpu.vector_store_idx %arg13[%sub3A_139, %broadcast_in_dim3A_176], %gather3A_177 masked %and3A_112 : memref<128x128xf32, #tpu.memory_space<vmem>>[vector<16xi32>, vector<16xi32>], vector<16xf32>, vector<16xi1>
          %broadcast_in_dim3A_178 = arith.constant 13 : i32
          %broadcast_in_dim3A_179 = vector.broadcast %broadcast_in_dim3A_178 : i32 to vector<16xi32>
          %gather3A_180 = tpu.vector_load_idx %arg11[%broadcast_in_dim3A_179, %select_n3A_119] masked %and3A_112 : memref<32x1024xf32, #tpu.memory_space<vmem>>[vector<16xi32>, vector<16xi32>], vector<16xf32>, vector<16xi1>
          tpu.vector_store_idx %arg13[%sub3A_139, %broadcast_in_dim3A_179], %gather3A_180 masked %and3A_112 : memref<128x128xf32, #tpu.memory_space<vmem>>[vector<16xi32>, vector<16xi32>], vector<16xf32>, vector<16xi1>
          %broadcast_in_dim3A_181 = arith.constant 14 : i32
          %broadcast_in_dim3A_182 = vector.broadcast %broadcast_in_dim3A_181 : i32 to vector<16xi32>
          %gather3A_183 = tpu.vector_load_idx %arg11[%broadcast_in_dim3A_182, %select_n3A_119] masked %and3A_112 : memref<32x1024xf32, #tpu.memory_space<vmem>>[vector<16xi32>, vector<16xi32>], vector<16xf32>, vector<16xi1>
          tpu.vector_store_idx %arg13[%sub3A_139, %broadcast_in_dim3A_182], %gather3A_183 masked %and3A_112 : memref<128x128xf32, #tpu.memory_space<vmem>>[vector<16xi32>, vector<16xi32>], vector<16xf32>, vector<16xi1>
          %broadcast_in_dim3A_184 = arith.constant 15 : i32
          %broadcast_in_dim3A_185 = vector.broadcast %broadcast_in_dim3A_184 : i32 to vector<16xi32>
          %gather3A_186 = tpu.vector_load_idx %arg11[%broadcast_in_dim3A_185, %select_n3A_119] masked %and3A_112 : memref<32x1024xf32, #tpu.memory_space<vmem>>[vector<16xi32>, vector<16xi32>], vector<16xf32>, vector<16xi1>
          tpu.vector_store_idx %arg13[%sub3A_139, %broadcast_in_dim3A_185], %gather3A_186 masked %and3A_112 : memref<128x128xf32, #tpu.memory_space<vmem>>[vector<16xi32>, vector<16xi32>], vector<16xf32>, vector<16xi1>
          %broadcast_in_dim3A_187 = arith.constant 16 : i32
          %broadcast_in_dim3A_188 = vector.broadcast %broadcast_in_dim3A_187 : i32 to vector<16xi32>
          %gather3A_189 = tpu.vector_load_idx %arg11[%broadcast_in_dim3A_188, %select_n3A_119] masked %and3A_112 : memref<32x1024xf32, #tpu.memory_space<vmem>>[vector<16xi32>, vector<16xi32>], vector<16xf32>, vector<16xi1>
          tpu.vector_store_idx %arg13[%sub3A_139, %broadcast_in_dim3A_188], %gather3A_189 masked %and3A_112 : memref<128x128xf32, #tpu.memory_space<vmem>>[vector<16xi32>, vector<16xi32>], vector<16xf32>, vector<16xi1>
          %broadcast_in_dim3A_190 = arith.constant 17 : i32
          %broadcast_in_dim3A_191 = vector.broadcast %broadcast_in_dim3A_190 : i32 to vector<16xi32>
          %gather3A_192 = tpu.vector_load_idx %arg11[%broadcast_in_dim3A_191, %select_n3A_119] masked %and3A_112 : memref<32x1024xf32, #tpu.memory_space<vmem>>[vector<16xi32>, vector<16xi32>], vector<16xf32>, vector<16xi1>
          tpu.vector_store_idx %arg13[%sub3A_139, %broadcast_in_dim3A_191], %gather3A_192 masked %and3A_112 : memref<128x128xf32, #tpu.memory_space<vmem>>[vector<16xi32>, vector<16xi32>], vector<16xf32>, vector<16xi1>
          %broadcast_in_dim3A_193 = arith.constant 18 : i32
          %broadcast_in_dim3A_194 = vector.broadcast %broadcast_in_dim3A_193 : i32 to vector<16xi32>
          %gather3A_195 = tpu.vector_load_idx %arg11[%broadcast_in_dim3A_194, %select_n3A_119] masked %and3A_112 : memref<32x1024xf32, #tpu.memory_space<vmem>>[vector<16xi32>, vector<16xi32>], vector<16xf32>, vector<16xi1>
          tpu.vector_store_idx %arg13[%sub3A_139, %broadcast_in_dim3A_194], %gather3A_195 masked %and3A_112 : memref<128x128xf32, #tpu.memory_space<vmem>>[vector<16xi32>, vector<16xi32>], vector<16xf32>, vector<16xi1>
          %broadcast_in_dim3A_196 = arith.constant 19 : i32
          %broadcast_in_dim3A_197 = vector.broadcast %broadcast_in_dim3A_196 : i32 to vector<16xi32>
          %gather3A_198 = tpu.vector_load_idx %arg11[%broadcast_in_dim3A_197, %select_n3A_119] masked %and3A_112 : memref<32x1024xf32, #tpu.memory_space<vmem>>[vector<16xi32>, vector<16xi32>], vector<16xf32>, vector<16xi1>
          tpu.vector_store_idx %arg13[%sub3A_139, %broadcast_in_dim3A_197], %gather3A_198 masked %and3A_112 : memref<128x128xf32, #tpu.memory_space<vmem>>[vector<16xi32>, vector<16xi32>], vector<16xf32>, vector<16xi1>
          %broadcast_in_dim3A_199 = arith.constant 20 : i32
          %broadcast_in_dim3A_200 = vector.broadcast %broadcast_in_dim3A_199 : i32 to vector<16xi32>
          %gather3A_201 = tpu.vector_load_idx %arg11[%broadcast_in_dim3A_200, %select_n3A_119] masked %and3A_112 : memref<32x1024xf32, #tpu.memory_space<vmem>>[vector<16xi32>, vector<16xi32>], vector<16xf32>, vector<16xi1>
          tpu.vector_store_idx %arg13[%sub3A_139, %broadcast_in_dim3A_200], %gather3A_201 masked %and3A_112 : memref<128x128xf32, #tpu.memory_space<vmem>>[vector<16xi32>, vector<16xi32>], vector<16xf32>, vector<16xi1>
          %broadcast_in_dim3A_202 = arith.constant 21 : i32
          %broadcast_in_dim3A_203 = vector.broadcast %broadcast_in_dim3A_202 : i32 to vector<16xi32>
          %gather3A_204 = tpu.vector_load_idx %arg11[%broadcast_in_dim3A_203, %select_n3A_119] masked %and3A_112 : memref<32x1024xf32, #tpu.memory_space<vmem>>[vector<16xi32>, vector<16xi32>], vector<16xf32>, vector<16xi1>
          tpu.vector_store_idx %arg13[%sub3A_139, %broadcast_in_dim3A_203], %gather3A_204 masked %and3A_112 : memref<128x128xf32, #tpu.memory_space<vmem>>[vector<16xi32>, vector<16xi32>], vector<16xf32>, vector<16xi1>
          %broadcast_in_dim3A_205 = arith.constant 22 : i32
          %broadcast_in_dim3A_206 = vector.broadcast %broadcast_in_dim3A_205 : i32 to vector<16xi32>
          %gather3A_207 = tpu.vector_load_idx %arg11[%broadcast_in_dim3A_206, %select_n3A_119] masked %and3A_112 : memref<32x1024xf32, #tpu.memory_space<vmem>>[vector<16xi32>, vector<16xi32>], vector<16xf32>, vector<16xi1>
          tpu.vector_store_idx %arg13[%sub3A_139, %broadcast_in_dim3A_206], %gather3A_207 masked %and3A_112 : memref<128x128xf32, #tpu.memory_space<vmem>>[vector<16xi32>, vector<16xi32>], vector<16xf32>, vector<16xi1>
          %broadcast_in_dim3A_208 = arith.constant 23 : i32
          %broadcast_in_dim3A_209 = vector.broadcast %broadcast_in_dim3A_208 : i32 to vector<16xi32>
          %gather3A_210 = tpu.vector_load_idx %arg11[%broadcast_in_dim3A_209, %select_n3A_119] masked %and3A_112 : memref<32x1024xf32, #tpu.memory_space<vmem>>[vector<16xi32>, vector<16xi32>], vector<16xf32>, vector<16xi1>
          tpu.vector_store_idx %arg13[%sub3A_139, %broadcast_in_dim3A_209], %gather3A_210 masked %and3A_112 : memref<128x128xf32, #tpu.memory_space<vmem>>[vector<16xi32>, vector<16xi32>], vector<16xf32>, vector<16xi1>
          %broadcast_in_dim3A_211 = arith.constant 24 : i32
          %broadcast_in_dim3A_212 = vector.broadcast %broadcast_in_dim3A_211 : i32 to vector<16xi32>
          %gather3A_213 = tpu.vector_load_idx %arg11[%broadcast_in_dim3A_212, %select_n3A_119] masked %and3A_112 : memref<32x1024xf32, #tpu.memory_space<vmem>>[vector<16xi32>, vector<16xi32>], vector<16xf32>, vector<16xi1>
          tpu.vector_store_idx %arg13[%sub3A_139, %broadcast_in_dim3A_212], %gather3A_213 masked %and3A_112 : memref<128x128xf32, #tpu.memory_space<vmem>>[vector<16xi32>, vector<16xi32>], vector<16xf32>, vector<16xi1>
          %broadcast_in_dim3A_214 = arith.constant 25 : i32
          %broadcast_in_dim3A_215 = vector.broadcast %broadcast_in_dim3A_214 : i32 to vector<16xi32>
          %gather3A_216 = tpu.vector_load_idx %arg11[%broadcast_in_dim3A_215, %select_n3A_119] masked %and3A_112 : memref<32x1024xf32, #tpu.memory_space<vmem>>[vector<16xi32>, vector<16xi32>], vector<16xf32>, vector<16xi1>
          tpu.vector_store_idx %arg13[%sub3A_139, %broadcast_in_dim3A_215], %gather3A_216 masked %and3A_112 : memref<128x128xf32, #tpu.memory_space<vmem>>[vector<16xi32>, vector<16xi32>], vector<16xf32>, vector<16xi1>
          %broadcast_in_dim3A_217 = arith.constant 26 : i32
          %broadcast_in_dim3A_218 = vector.broadcast %broadcast_in_dim3A_217 : i32 to vector<16xi32>
          %gather3A_219 = tpu.vector_load_idx %arg11[%broadcast_in_dim3A_218, %select_n3A_119] masked %and3A_112 : memref<32x1024xf32, #tpu.memory_space<vmem>>[vector<16xi32>, vector<16xi32>], vector<16xf32>, vector<16xi1>
          tpu.vector_store_idx %arg13[%sub3A_139, %broadcast_in_dim3A_218], %gather3A_219 masked %and3A_112 : memref<128x128xf32, #tpu.memory_space<vmem>>[vector<16xi32>, vector<16xi32>], vector<16xf32>, vector<16xi1>
          %broadcast_in_dim3A_220 = arith.constant 27 : i32
          %broadcast_in_dim3A_221 = vector.broadcast %broadcast_in_dim3A_220 : i32 to vector<16xi32>
          %gather3A_222 = tpu.vector_load_idx %arg11[%broadcast_in_dim3A_221, %select_n3A_119] masked %and3A_112 : memref<32x1024xf32, #tpu.memory_space<vmem>>[vector<16xi32>, vector<16xi32>], vector<16xf32>, vector<16xi1>
          tpu.vector_store_idx %arg13[%sub3A_139, %broadcast_in_dim3A_221], %gather3A_222 masked %and3A_112 : memref<128x128xf32, #tpu.memory_space<vmem>>[vector<16xi32>, vector<16xi32>], vector<16xf32>, vector<16xi1>
          %broadcast_in_dim3A_223 = arith.constant 28 : i32
          %broadcast_in_dim3A_224 = vector.broadcast %broadcast_in_dim3A_223 : i32 to vector<16xi32>
          %gather3A_225 = tpu.vector_load_idx %arg11[%broadcast_in_dim3A_224, %select_n3A_119] masked %and3A_112 : memref<32x1024xf32, #tpu.memory_space<vmem>>[vector<16xi32>, vector<16xi32>], vector<16xf32>, vector<16xi1>
          tpu.vector_store_idx %arg13[%sub3A_139, %broadcast_in_dim3A_224], %gather3A_225 masked %and3A_112 : memref<128x128xf32, #tpu.memory_space<vmem>>[vector<16xi32>, vector<16xi32>], vector<16xf32>, vector<16xi1>
          %broadcast_in_dim3A_226 = arith.constant 29 : i32
          %broadcast_in_dim3A_227 = vector.broadcast %broadcast_in_dim3A_226 : i32 to vector<16xi32>
          %gather3A_228 = tpu.vector_load_idx %arg11[%broadcast_in_dim3A_227, %select_n3A_119] masked %and3A_112 : memref<32x1024xf32, #tpu.memory_space<vmem>>[vector<16xi32>, vector<16xi32>], vector<16xf32>, vector<16xi1>
          tpu.vector_store_idx %arg13[%sub3A_139, %broadcast_in_dim3A_227], %gather3A_228 masked %and3A_112 : memref<128x128xf32, #tpu.memory_space<vmem>>[vector<16xi32>, vector<16xi32>], vector<16xf32>, vector<16xi1>
          %broadcast_in_dim3A_229 = arith.constant 30 : i32
          %broadcast_in_dim3A_230 = vector.broadcast %broadcast_in_dim3A_229 : i32 to vector<16xi32>
          %gather3A_231 = tpu.vector_load_idx %arg11[%broadcast_in_dim3A_230, %select_n3A_119] masked %and3A_112 : memref<32x1024xf32, #tpu.memory_space<vmem>>[vector<16xi32>, vector<16xi32>], vector<16xf32>, vector<16xi1>
          tpu.vector_store_idx %arg13[%sub3A_139, %broadcast_in_dim3A_230], %gather3A_231 masked %and3A_112 : memref<128x128xf32, #tpu.memory_space<vmem>>[vector<16xi32>, vector<16xi32>], vector<16xf32>, vector<16xi1>
          %broadcast_in_dim3A_232 = arith.constant 31 : i32
          %broadcast_in_dim3A_233 = vector.broadcast %broadcast_in_dim3A_232 : i32 to vector<16xi32>
          %gather3A_234 = tpu.vector_load_idx %arg11[%broadcast_in_dim3A_233, %select_n3A_119] masked %and3A_112 : memref<32x1024xf32, #tpu.memory_space<vmem>>[vector<16xi32>, vector<16xi32>], vector<16xf32>, vector<16xi1>
          tpu.vector_store_idx %arg13[%sub3A_139, %broadcast_in_dim3A_233], %gather3A_234 masked %and3A_112 : memref<128x128xf32, #tpu.memory_space<vmem>>[vector<16xi32>, vector<16xi32>], vector<16xf32>, vector<16xi1>
          tpu.vector_store_idx %arg14[%sub3A_139], %get3A_105 masked %and3A_112 : memref<128xi32, #tpu.memory_space<vmem>>[vector<16xi32>], vector<16xi32>, vector<16xi1>
        } else {
        }
        %add3A_125 = arith.addi %while3A_99, %reduce_sum3A_116 : i32
        %ge3A_126 = arith.constant 112 : i32
        %ge3A_127 = arith.cmpi sge, %add3A_125, %ge3A_126 : i32
        %convert_element_type3A_128 = arith.extui %ge3A_127 : i1 to i32
        %cond3A_129 = arith.constant 0 : i32
        %cond3A_130 = arith.cmpi ne, %convert_element_type3A_128, %cond3A_129 : i32
        scf.if %cond3A_130 {
          %dma_start3A_135 = arith.constant 0 : i32
          %dma_start3A_136 = arith.constant 0 : i32
          %dma_start3A_137 = tpu.memref_slice %arg7[%dma_start3A_135, %dma_start3A_136] : memref<16448x128xf32, #tpu.memory_space<hbm>> -> memref<16448x128xf32, #tpu.memory_space<hbm>>
          tpu.enqueue_indirect_dma source(%arg13 : memref<128x128xf32, #tpu.memory_space<vmem>>) target(%dma_start3A_137 : memref<16448x128xf32, #tpu.memory_space<hbm>>) offsets(%arg14 : memref<128xi32, #tpu.memory_space<vmem>>) semaphore(%arg16 : memref<!tpu.dma_semaphore, #tpu.memory_space<semaphore_mem>>)
          %dma_wait3A_138 = arith.constant 0 : i32
          %dma_wait3A_139 = arith.constant 0 : i32
          %dma_wait3A_140 = tpu.memref_slice %arg7[%dma_wait3A_138, %dma_wait3A_139] : memref<16448x128xf32, #tpu.memory_space<hbm>> -> memref<16448x128xf32, #tpu.memory_space<hbm>>
          tpu.wait_indirect_dma semaphore(%arg16 : memref<!tpu.dma_semaphore, #tpu.memory_space<semaphore_mem>>) src(%arg13 : memref<128x128xf32, #tpu.memory_space<vmem>>) dst(%dma_wait3A_140 : memref<16448x128xf32, #tpu.memory_space<hbm>>)
          %broadcast_in_dim3A_141 = arith.constant 16384 : i32
          %broadcast_in_dim3A_142 = vector.broadcast %broadcast_in_dim3A_141 : i32 to vector<16xi32>
          %swap3A_143 = arith.constant 0 : index
          %swap3A_144 = tpu.vector_load %arg14[%swap3A_143] {strides = array<i32>} : memref<128xi32, #tpu.memory_space<vmem>>, vector<16xi32>,
          tpu.vector_store %arg14[%swap3A_143], %broadcast_in_dim3A_142 {strides = array<i32>} : memref<128xi32, #tpu.memory_space<vmem>>, vector<16xi32>,
          %broadcast_in_dim3A_145 = arith.constant 16384 : i32
          %broadcast_in_dim3A_146 = vector.broadcast %broadcast_in_dim3A_145 : i32 to vector<16xi32>
          %swap3A_147 = arith.constant 16 : index
          %swap3A_148 = tpu.vector_load %arg14[%swap3A_147] {strides = array<i32>} : memref<128xi32, #tpu.memory_space<vmem>>, vector<16xi32>,
          tpu.vector_store %arg14[%swap3A_147], %broadcast_in_dim3A_146 {strides = array<i32>} : memref<128xi32, #tpu.memory_space<vmem>>, vector<16xi32>,
          %broadcast_in_dim3A_149 = arith.constant 16384 : i32
          %broadcast_in_dim3A_150 = vector.broadcast %broadcast_in_dim3A_149 : i32 to vector<16xi32>
          %swap3A_151 = arith.constant 32 : index
          %swap3A_152 = tpu.vector_load %arg14[%swap3A_151] {strides = array<i32>} : memref<128xi32, #tpu.memory_space<vmem>>, vector<16xi32>,
          tpu.vector_store %arg14[%swap3A_151], %broadcast_in_dim3A_150 {strides = array<i32>} : memref<128xi32, #tpu.memory_space<vmem>>, vector<16xi32>,
          %broadcast_in_dim3A_153 = arith.constant 16384 : i32
          %broadcast_in_dim3A_154 = vector.broadcast %broadcast_in_dim3A_153 : i32 to vector<16xi32>
          %swap3A_155 = arith.constant 48 : index
          %swap3A_156 = tpu.vector_load %arg14[%swap3A_155] {strides = array<i32>} : memref<128xi32, #tpu.memory_space<vmem>>, vector<16xi32>,
          tpu.vector_store %arg14[%swap3A_155], %broadcast_in_dim3A_154 {strides = array<i32>} : memref<128xi32, #tpu.memory_space<vmem>>, vector<16xi32>,
          %broadcast_in_dim3A_157 = arith.constant 16384 : i32
          %broadcast_in_dim3A_158 = vector.broadcast %broadcast_in_dim3A_157 : i32 to vector<16xi32>
          %swap3A_159 = arith.constant 64 : index
          %swap3A_160 = tpu.vector_load %arg14[%swap3A_159] {strides = array<i32>} : memref<128xi32, #tpu.memory_space<vmem>>, vector<16xi32>,
          tpu.vector_store %arg14[%swap3A_159], %broadcast_in_dim3A_158 {strides = array<i32>} : memref<128xi32, #tpu.memory_space<vmem>>, vector<16xi32>,
          %broadcast_in_dim3A_161 = arith.constant 16384 : i32
          %broadcast_in_dim3A_162 = vector.broadcast %broadcast_in_dim3A_161 : i32 to vector<16xi32>
          %swap3A_163 = arith.constant 80 : index
          %swap3A_164 = tpu.vector_load %arg14[%swap3A_163] {strides = array<i32>} : memref<128xi32, #tpu.memory_space<vmem>>, vector<16xi32>,
          tpu.vector_store %arg14[%swap3A_163], %broadcast_in_dim3A_162 {strides = array<i32>} : memref<128xi32, #tpu.memory_space<vmem>>, vector<16xi32>,
          %broadcast_in_dim3A_165 = arith.constant 16384 : i32
          %broadcast_in_dim3A_166 = vector.broadcast %broadcast_in_dim3A_165 : i32 to vector<16xi32>
          %swap3A_167 = arith.constant 96 : index
          %swap3A_168 = tpu.vector_load %arg14[%swap3A_167] {strides = array<i32>} : memref<128xi32, #tpu.memory_space<vmem>>, vector<16xi32>,
          tpu.vector_store %arg14[%swap3A_167], %broadcast_in_dim3A_166 {strides = array<i32>} : memref<128xi32, #tpu.memory_space<vmem>>, vector<16xi32>,
          %broadcast_in_dim3A_169 = arith.constant 16384 : i32
          %broadcast_in_dim3A_170 = vector.broadcast %broadcast_in_dim3A_169 : i32 to vector<16xi32>
          %swap3A_171 = arith.constant 112 : index
          %swap3A_172 = tpu.vector_load %arg14[%swap3A_171] {strides = array<i32>} : memref<128xi32, #tpu.memory_space<vmem>>, vector<16xi32>,
          tpu.vector_store %arg14[%swap3A_171], %broadcast_in_dim3A_170 {strides = array<i32>} : memref<128xi32, #tpu.memory_space<vmem>>, vector<16xi32>,
        } else {
        }
        %ge3A_131 = arith.constant 112 : i32
        %ge3A_132 = arith.cmpi sge, %add3A_125, %ge3A_131 : i32
        %jit3A_133 = arith.constant 0 : i32
        %select_n3A_134 = arith.select %ge3A_132, %jit3A_133, %add3A_125 : i32
        scf.yield %select_n3A_134 : i32
      }
      %while3A_92 = arith.constant 1 : i32
      %while3A_93 = scf.for %while3A_98 = %while3A_89 to %while3A_85 step %while3A_92 iter_args(%while3A_99 = %while3A_91) -> (i32)  : i32 {
        %mul3A_100 = arith.constant 16 : i32
        %mul3A_101 = arith.muli %while3A_98, %mul3A_100 : i32
        %multiple_of3A_102 = tpu.assume_multiple %mul3A_101, 16 : i32
        %get3A = arith.index_cast %multiple_of3A_102 : i32 to index
        %get3A_103 = tpu.vector_load %arg9[%get3A] {strides = array<i32>} : memref<2048xi32, #tpu.memory_space<vmem>>, vector<16xi32>,
        %get3A_104 = arith.index_cast %multiple_of3A_102 : i32 to index
        %get3A_105 = tpu.vector_load %arg10[%get3A_104] {strides = array<i32>} : memref<2048xi32, #tpu.memory_space<vmem>>, vector<16xi32>,
        %sub3A_106 = vector.broadcast %add3A_83 : i32 to vector<16xi32>
        %sub3A_107 = arith.subi %get3A_103, %sub3A_106 : vector<16xi32>
        %ge3A = arith.constant 0 : i32
        %ge3A_108 = vector.broadcast %ge3A : i32 to vector<16xi32>
        %ge3A_109 = arith.cmpi sge, %sub3A_107, %ge3A_108 : vector<16xi32>
        %lt3A = arith.constant 1024 : i32
        %lt3A_110 = vector.broadcast %lt3A : i32 to vector<16xi32>
        %lt3A_111 = arith.cmpi slt, %sub3A_107, %lt3A_110 : vector<16xi32>
        %and3A_112 = arith.andi %ge3A_109, %lt3A_111 : vector<16xi1>
        %convert_element_type3A_113 = arith.extui %and3A_112 : vector<16xi1> to vector<16xi32>
        %reduce_sum3A = arith.constant true
        %reduce_sum3A_114 = vector.broadcast %reduce_sum3A : i1 to vector<16xi1>
        %reduce_sum3A_115 = tpu.scan <sum>, %convert_element_type3A_113 masked %reduce_sum3A_114 : vector<16xi32>, vector<16xi1> -> vector<16xi32>
        %reduce_sum3A_116 = vector.extract %reduce_sum3A_115[15] : i32 from vector<16xi32>
        %jit3A_117 = arith.constant 0 : i32
        %broadcast_in_dim3A_118 = vector.broadcast %jit3A_117 : i32 to vector<16xi32>
        %select_n3A_119 = arith.select %and3A_112, %sub3A_107, %broadcast_in_dim3A_118 : vector<16xi1>, vector<16xi32>
        %gt3A_120 = arith.constant 0 : i32
        %gt3A_121 = arith.cmpi sgt, %reduce_sum3A_116, %gt3A_120 : i32
        %convert_element_type3A_122 = arith.extui %gt3A_121 : i1 to i32
        %cond3A_123 = arith.constant 0 : i32
        %cond3A_124 = arith.cmpi ne, %convert_element_type3A_122, %cond3A_123 : i32
        scf.if %cond3A_124 {
          %broadcast_in_dim3A_135 = arith.constant true
          %broadcast_in_dim3A_136 = vector.broadcast %broadcast_in_dim3A_135 : i1 to vector<16xi1>
          %masked_cumsum3A = tpu.scan <sum>, %convert_element_type3A_113 masked %broadcast_in_dim3A_136 : vector<16xi32>, vector<16xi1> -> vector<16xi32>
          %add3A_137 = vector.broadcast %while3A_99 : i32 to vector<16xi32>
          %add3A_138 = arith.addi %add3A_137, %masked_cumsum3A : vector<16xi32>
          %sub3A_139 = arith.subi %add3A_138, %convert_element_type3A_113 : vector<16xi32>
          %broadcast_in_dim3A_140 = arith.constant 0 : i32
          %broadcast_in_dim3A_141 = vector.broadcast %broadcast_in_dim3A_140 : i32 to vector<16xi32>
          %gather3A = tpu.vector_load_idx %arg11[%broadcast_in_dim3A_141, %select_n3A_119] masked %and3A_112 : memref<32x1024xf32, #tpu.memory_space<vmem>>[vector<16xi32>, vector<16xi32>], vector<16xf32>, vector<16xi1>
          tpu.vector_store_idx %arg13[%sub3A_139, %broadcast_in_dim3A_141], %gather3A masked %and3A_112 : memref<128x128xf32, #tpu.memory_space<vmem>>[vector<16xi32>, vector<16xi32>], vector<16xf32>, vector<16xi1>
          %broadcast_in_dim3A_142 = arith.constant 1 : i32
          %broadcast_in_dim3A_143 = vector.broadcast %broadcast_in_dim3A_142 : i32 to vector<16xi32>
          %gather3A_144 = tpu.vector_load_idx %arg11[%broadcast_in_dim3A_143, %select_n3A_119] masked %and3A_112 : memref<32x1024xf32, #tpu.memory_space<vmem>>[vector<16xi32>, vector<16xi32>], vector<16xf32>, vector<16xi1>
          tpu.vector_store_idx %arg13[%sub3A_139, %broadcast_in_dim3A_143], %gather3A_144 masked %and3A_112 : memref<128x128xf32, #tpu.memory_space<vmem>>[vector<16xi32>, vector<16xi32>], vector<16xf32>, vector<16xi1>
          %broadcast_in_dim3A_145 = arith.constant 2 : i32
          %broadcast_in_dim3A_146 = vector.broadcast %broadcast_in_dim3A_145 : i32 to vector<16xi32>
          %gather3A_147 = tpu.vector_load_idx %arg11[%broadcast_in_dim3A_146, %select_n3A_119] masked %and3A_112 : memref<32x1024xf32, #tpu.memory_space<vmem>>[vector<16xi32>, vector<16xi32>], vector<16xf32>, vector<16xi1>
          tpu.vector_store_idx %arg13[%sub3A_139, %broadcast_in_dim3A_146], %gather3A_147 masked %and3A_112 : memref<128x128xf32, #tpu.memory_space<vmem>>[vector<16xi32>, vector<16xi32>], vector<16xf32>, vector<16xi1>
          %broadcast_in_dim3A_148 = arith.constant 3 : i32
          %broadcast_in_dim3A_149 = vector.broadcast %broadcast_in_dim3A_148 : i32 to vector<16xi32>
          %gather3A_150 = tpu.vector_load_idx %arg11[%broadcast_in_dim3A_149, %select_n3A_119] masked %and3A_112 : memref<32x1024xf32, #tpu.memory_space<vmem>>[vector<16xi32>, vector<16xi32>], vector<16xf32>, vector<16xi1>
          tpu.vector_store_idx %arg13[%sub3A_139, %broadcast_in_dim3A_149], %gather3A_150 masked %and3A_112 : memref<128x128xf32, #tpu.memory_space<vmem>>[vector<16xi32>, vector<16xi32>], vector<16xf32>, vector<16xi1>
          %broadcast_in_dim3A_151 = arith.constant 4 : i32
          %broadcast_in_dim3A_152 = vector.broadcast %broadcast_in_dim3A_151 : i32 to vector<16xi32>
          %gather3A_153 = tpu.vector_load_idx %arg11[%broadcast_in_dim3A_152, %select_n3A_119] masked %and3A_112 : memref<32x1024xf32, #tpu.memory_space<vmem>>[vector<16xi32>, vector<16xi32>], vector<16xf32>, vector<16xi1>
          tpu.vector_store_idx %arg13[%sub3A_139, %broadcast_in_dim3A_152], %gather3A_153 masked %and3A_112 : memref<128x128xf32, #tpu.memory_space<vmem>>[vector<16xi32>, vector<16xi32>], vector<16xf32>, vector<16xi1>
          %broadcast_in_dim3A_154 = arith.constant 5 : i32
          %broadcast_in_dim3A_155 = vector.broadcast %broadcast_in_dim3A_154 : i32 to vector<16xi32>
          %gather3A_156 = tpu.vector_load_idx %arg11[%broadcast_in_dim3A_155, %select_n3A_119] masked %and3A_112 : memref<32x1024xf32, #tpu.memory_space<vmem>>[vector<16xi32>, vector<16xi32>], vector<16xf32>, vector<16xi1>
          tpu.vector_store_idx %arg13[%sub3A_139, %broadcast_in_dim3A_155], %gather3A_156 masked %and3A_112 : memref<128x128xf32, #tpu.memory_space<vmem>>[vector<16xi32>, vector<16xi32>], vector<16xf32>, vector<16xi1>
          %broadcast_in_dim3A_157 = arith.constant 6 : i32
          %broadcast_in_dim3A_158 = vector.broadcast %broadcast_in_dim3A_157 : i32 to vector<16xi32>
          %gather3A_159 = tpu.vector_load_idx %arg11[%broadcast_in_dim3A_158, %select_n3A_119] masked %and3A_112 : memref<32x1024xf32, #tpu.memory_space<vmem>>[vector<16xi32>, vector<16xi32>], vector<16xf32>, vector<16xi1>
          tpu.vector_store_idx %arg13[%sub3A_139, %broadcast_in_dim3A_158], %gather3A_159 masked %and3A_112 : memref<128x128xf32, #tpu.memory_space<vmem>>[vector<16xi32>, vector<16xi32>], vector<16xf32>, vector<16xi1>
          %broadcast_in_dim3A_160 = arith.constant 7 : i32
          %broadcast_in_dim3A_161 = vector.broadcast %broadcast_in_dim3A_160 : i32 to vector<16xi32>
          %gather3A_162 = tpu.vector_load_idx %arg11[%broadcast_in_dim3A_161, %select_n3A_119] masked %and3A_112 : memref<32x1024xf32, #tpu.memory_space<vmem>>[vector<16xi32>, vector<16xi32>], vector<16xf32>, vector<16xi1>
          tpu.vector_store_idx %arg13[%sub3A_139, %broadcast_in_dim3A_161], %gather3A_162 masked %and3A_112 : memref<128x128xf32, #tpu.memory_space<vmem>>[vector<16xi32>, vector<16xi32>], vector<16xf32>, vector<16xi1>
          %broadcast_in_dim3A_163 = arith.constant 8 : i32
          %broadcast_in_dim3A_164 = vector.broadcast %broadcast_in_dim3A_163 : i32 to vector<16xi32>
          %gather3A_165 = tpu.vector_load_idx %arg11[%broadcast_in_dim3A_164, %select_n3A_119] masked %and3A_112 : memref<32x1024xf32, #tpu.memory_space<vmem>>[vector<16xi32>, vector<16xi32>], vector<16xf32>, vector<16xi1>
          tpu.vector_store_idx %arg13[%sub3A_139, %broadcast_in_dim3A_164], %gather3A_165 masked %and3A_112 : memref<128x128xf32, #tpu.memory_space<vmem>>[vector<16xi32>, vector<16xi32>], vector<16xf32>, vector<16xi1>
          %broadcast_in_dim3A_166 = arith.constant 9 : i32
          %broadcast_in_dim3A_167 = vector.broadcast %broadcast_in_dim3A_166 : i32 to vector<16xi32>
          %gather3A_168 = tpu.vector_load_idx %arg11[%broadcast_in_dim3A_167, %select_n3A_119] masked %and3A_112 : memref<32x1024xf32, #tpu.memory_space<vmem>>[vector<16xi32>, vector<16xi32>], vector<16xf32>, vector<16xi1>
          tpu.vector_store_idx %arg13[%sub3A_139, %broadcast_in_dim3A_167], %gather3A_168 masked %and3A_112 : memref<128x128xf32, #tpu.memory_space<vmem>>[vector<16xi32>, vector<16xi32>], vector<16xf32>, vector<16xi1>
          %broadcast_in_dim3A_169 = arith.constant 10 : i32
          %broadcast_in_dim3A_170 = vector.broadcast %broadcast_in_dim3A_169 : i32 to vector<16xi32>
          %gather3A_171 = tpu.vector_load_idx %arg11[%broadcast_in_dim3A_170, %select_n3A_119] masked %and3A_112 : memref<32x1024xf32, #tpu.memory_space<vmem>>[vector<16xi32>, vector<16xi32>], vector<16xf32>, vector<16xi1>
          tpu.vector_store_idx %arg13[%sub3A_139, %broadcast_in_dim3A_170], %gather3A_171 masked %and3A_112 : memref<128x128xf32, #tpu.memory_space<vmem>>[vector<16xi32>, vector<16xi32>], vector<16xf32>, vector<16xi1>
          %broadcast_in_dim3A_172 = arith.constant 11 : i32
          %broadcast_in_dim3A_173 = vector.broadcast %broadcast_in_dim3A_172 : i32 to vector<16xi32>
          %gather3A_174 = tpu.vector_load_idx %arg11[%broadcast_in_dim3A_173, %select_n3A_119] masked %and3A_112 : memref<32x1024xf32, #tpu.memory_space<vmem>>[vector<16xi32>, vector<16xi32>], vector<16xf32>, vector<16xi1>
          tpu.vector_store_idx %arg13[%sub3A_139, %broadcast_in_dim3A_173], %gather3A_174 masked %and3A_112 : memref<128x128xf32, #tpu.memory_space<vmem>>[vector<16xi32>, vector<16xi32>], vector<16xf32>, vector<16xi1>
          %broadcast_in_dim3A_175 = arith.constant 12 : i32
          %broadcast_in_dim3A_176 = vector.broadcast %broadcast_in_dim3A_175 : i32 to vector<16xi32>
          %gather3A_177 = tpu.vector_load_idx %arg11[%broadcast_in_dim3A_176, %select_n3A_119] masked %and3A_112 : memref<32x1024xf32, #tpu.memory_space<vmem>>[vector<16xi32>, vector<16xi32>], vector<16xf32>, vector<16xi1>
          tpu.vector_store_idx %arg13[%sub3A_139, %broadcast_in_dim3A_176], %gather3A_177 masked %and3A_112 : memref<128x128xf32, #tpu.memory_space<vmem>>[vector<16xi32>, vector<16xi32>], vector<16xf32>, vector<16xi1>
          %broadcast_in_dim3A_178 = arith.constant 13 : i32
          %broadcast_in_dim3A_179 = vector.broadcast %broadcast_in_dim3A_178 : i32 to vector<16xi32>
          %gather3A_180 = tpu.vector_load_idx %arg11[%broadcast_in_dim3A_179, %select_n3A_119] masked %and3A_112 : memref<32x1024xf32, #tpu.memory_space<vmem>>[vector<16xi32>, vector<16xi32>], vector<16xf32>, vector<16xi1>
          tpu.vector_store_idx %arg13[%sub3A_139, %broadcast_in_dim3A_179], %gather3A_180 masked %and3A_112 : memref<128x128xf32, #tpu.memory_space<vmem>>[vector<16xi32>, vector<16xi32>], vector<16xf32>, vector<16xi1>
          %broadcast_in_dim3A_181 = arith.constant 14 : i32
          %broadcast_in_dim3A_182 = vector.broadcast %broadcast_in_dim3A_181 : i32 to vector<16xi32>
          %gather3A_183 = tpu.vector_load_idx %arg11[%broadcast_in_dim3A_182, %select_n3A_119] masked %and3A_112 : memref<32x1024xf32, #tpu.memory_space<vmem>>[vector<16xi32>, vector<16xi32>], vector<16xf32>, vector<16xi1>
          tpu.vector_store_idx %arg13[%sub3A_139, %broadcast_in_dim3A_182], %gather3A_183 masked %and3A_112 : memref<128x128xf32, #tpu.memory_space<vmem>>[vector<16xi32>, vector<16xi32>], vector<16xf32>, vector<16xi1>
          %broadcast_in_dim3A_184 = arith.constant 15 : i32
          %broadcast_in_dim3A_185 = vector.broadcast %broadcast_in_dim3A_184 : i32 to vector<16xi32>
          %gather3A_186 = tpu.vector_load_idx %arg11[%broadcast_in_dim3A_185, %select_n3A_119] masked %and3A_112 : memref<32x1024xf32, #tpu.memory_space<vmem>>[vector<16xi32>, vector<16xi32>], vector<16xf32>, vector<16xi1>
          tpu.vector_store_idx %arg13[%sub3A_139, %broadcast_in_dim3A_185], %gather3A_186 masked %and3A_112 : memref<128x128xf32, #tpu.memory_space<vmem>>[vector<16xi32>, vector<16xi32>], vector<16xf32>, vector<16xi1>
          %broadcast_in_dim3A_187 = arith.constant 16 : i32
          %broadcast_in_dim3A_188 = vector.broadcast %broadcast_in_dim3A_187 : i32 to vector<16xi32>
          %gather3A_189 = tpu.vector_load_idx %arg11[%broadcast_in_dim3A_188, %select_n3A_119] masked %and3A_112 : memref<32x1024xf32, #tpu.memory_space<vmem>>[vector<16xi32>, vector<16xi32>], vector<16xf32>, vector<16xi1>
          tpu.vector_store_idx %arg13[%sub3A_139, %broadcast_in_dim3A_188], %gather3A_189 masked %and3A_112 : memref<128x128xf32, #tpu.memory_space<vmem>>[vector<16xi32>, vector<16xi32>], vector<16xf32>, vector<16xi1>
          %broadcast_in_dim3A_190 = arith.constant 17 : i32
          %broadcast_in_dim3A_191 = vector.broadcast %broadcast_in_dim3A_190 : i32 to vector<16xi32>
          %gather3A_192 = tpu.vector_load_idx %arg11[%broadcast_in_dim3A_191, %select_n3A_119] masked %and3A_112 : memref<32x1024xf32, #tpu.memory_space<vmem>>[vector<16xi32>, vector<16xi32>], vector<16xf32>, vector<16xi1>
          tpu.vector_store_idx %arg13[%sub3A_139, %broadcast_in_dim3A_191], %gather3A_192 masked %and3A_112 : memref<128x128xf32, #tpu.memory_space<vmem>>[vector<16xi32>, vector<16xi32>], vector<16xf32>, vector<16xi1>
          %broadcast_in_dim3A_193 = arith.constant 18 : i32
          %broadcast_in_dim3A_194 = vector.broadcast %broadcast_in_dim3A_193 : i32 to vector<16xi32>
          %gather3A_195 = tpu.vector_load_idx %arg11[%broadcast_in_dim3A_194, %select_n3A_119] masked %and3A_112 : memref<32x1024xf32, #tpu.memory_space<vmem>>[vector<16xi32>, vector<16xi32>], vector<16xf32>, vector<16xi1>
          tpu.vector_store_idx %arg13[%sub3A_139, %broadcast_in_dim3A_194], %gather3A_195 masked %and3A_112 : memref<128x128xf32, #tpu.memory_space<vmem>>[vector<16xi32>, vector<16xi32>], vector<16xf32>, vector<16xi1>
          %broadcast_in_dim3A_196 = arith.constant 19 : i32
          %broadcast_in_dim3A_197 = vector.broadcast %broadcast_in_dim3A_196 : i32 to vector<16xi32>
          %gather3A_198 = tpu.vector_load_idx %arg11[%broadcast_in_dim3A_197, %select_n3A_119] masked %and3A_112 : memref<32x1024xf32, #tpu.memory_space<vmem>>[vector<16xi32>, vector<16xi32>], vector<16xf32>, vector<16xi1>
          tpu.vector_store_idx %arg13[%sub3A_139, %broadcast_in_dim3A_197], %gather3A_198 masked %and3A_112 : memref<128x128xf32, #tpu.memory_space<vmem>>[vector<16xi32>, vector<16xi32>], vector<16xf32>, vector<16xi1>
          %broadcast_in_dim3A_199 = arith.constant 20 : i32
          %broadcast_in_dim3A_200 = vector.broadcast %broadcast_in_dim3A_199 : i32 to vector<16xi32>
          %gather3A_201 = tpu.vector_load_idx %arg11[%broadcast_in_dim3A_200, %select_n3A_119] masked %and3A_112 : memref<32x1024xf32, #tpu.memory_space<vmem>>[vector<16xi32>, vector<16xi32>], vector<16xf32>, vector<16xi1>
          tpu.vector_store_idx %arg13[%sub3A_139, %broadcast_in_dim3A_200], %gather3A_201 masked %and3A_112 : memref<128x128xf32, #tpu.memory_space<vmem>>[vector<16xi32>, vector<16xi32>], vector<16xf32>, vector<16xi1>
          %broadcast_in_dim3A_202 = arith.constant 21 : i32
          %broadcast_in_dim3A_203 = vector.broadcast %broadcast_in_dim3A_202 : i32 to vector<16xi32>
          %gather3A_204 = tpu.vector_load_idx %arg11[%broadcast_in_dim3A_203, %select_n3A_119] masked %and3A_112 : memref<32x1024xf32, #tpu.memory_space<vmem>>[vector<16xi32>, vector<16xi32>], vector<16xf32>, vector<16xi1>
          tpu.vector_store_idx %arg13[%sub3A_139, %broadcast_in_dim3A_203], %gather3A_204 masked %and3A_112 : memref<128x128xf32, #tpu.memory_space<vmem>>[vector<16xi32>, vector<16xi32>], vector<16xf32>, vector<16xi1>
          %broadcast_in_dim3A_205 = arith.constant 22 : i32
          %broadcast_in_dim3A_206 = vector.broadcast %broadcast_in_dim3A_205 : i32 to vector<16xi32>
          %gather3A_207 = tpu.vector_load_idx %arg11[%broadcast_in_dim3A_206, %select_n3A_119] masked %and3A_112 : memref<32x1024xf32, #tpu.memory_space<vmem>>[vector<16xi32>, vector<16xi32>], vector<16xf32>, vector<16xi1>
          tpu.vector_store_idx %arg13[%sub3A_139, %broadcast_in_dim3A_206], %gather3A_207 masked %and3A_112 : memref<128x128xf32, #tpu.memory_space<vmem>>[vector<16xi32>, vector<16xi32>], vector<16xf32>, vector<16xi1>
          %broadcast_in_dim3A_208 = arith.constant 23 : i32
          %broadcast_in_dim3A_209 = vector.broadcast %broadcast_in_dim3A_208 : i32 to vector<16xi32>
          %gather3A_210 = tpu.vector_load_idx %arg11[%broadcast_in_dim3A_209, %select_n3A_119] masked %and3A_112 : memref<32x1024xf32, #tpu.memory_space<vmem>>[vector<16xi32>, vector<16xi32>], vector<16xf32>, vector<16xi1>
          tpu.vector_store_idx %arg13[%sub3A_139, %broadcast_in_dim3A_209], %gather3A_210 masked %and3A_112 : memref<128x128xf32, #tpu.memory_space<vmem>>[vector<16xi32>, vector<16xi32>], vector<16xf32>, vector<16xi1>
          %broadcast_in_dim3A_211 = arith.constant 24 : i32
          %broadcast_in_dim3A_212 = vector.broadcast %broadcast_in_dim3A_211 : i32 to vector<16xi32>
          %gather3A_213 = tpu.vector_load_idx %arg11[%broadcast_in_dim3A_212, %select_n3A_119] masked %and3A_112 : memref<32x1024xf32, #tpu.memory_space<vmem>>[vector<16xi32>, vector<16xi32>], vector<16xf32>, vector<16xi1>
          tpu.vector_store_idx %arg13[%sub3A_139, %broadcast_in_dim3A_212], %gather3A_213 masked %and3A_112 : memref<128x128xf32, #tpu.memory_space<vmem>>[vector<16xi32>, vector<16xi32>], vector<16xf32>, vector<16xi1>
          %broadcast_in_dim3A_214 = arith.constant 25 : i32
          %broadcast_in_dim3A_215 = vector.broadcast %broadcast_in_dim3A_214 : i32 to vector<16xi32>
          %gather3A_216 = tpu.vector_load_idx %arg11[%broadcast_in_dim3A_215, %select_n3A_119] masked %and3A_112 : memref<32x1024xf32, #tpu.memory_space<vmem>>[vector<16xi32>, vector<16xi32>], vector<16xf32>, vector<16xi1>
          tpu.vector_store_idx %arg13[%sub3A_139, %broadcast_in_dim3A_215], %gather3A_216 masked %and3A_112 : memref<128x128xf32, #tpu.memory_space<vmem>>[vector<16xi32>, vector<16xi32>], vector<16xf32>, vector<16xi1>
          %broadcast_in_dim3A_217 = arith.constant 26 : i32
          %broadcast_in_dim3A_218 = vector.broadcast %broadcast_in_dim3A_217 : i32 to vector<16xi32>
          %gather3A_219 = tpu.vector_load_idx %arg11[%broadcast_in_dim3A_218, %select_n3A_119] masked %and3A_112 : memref<32x1024xf32, #tpu.memory_space<vmem>>[vector<16xi32>, vector<16xi32>], vector<16xf32>, vector<16xi1>
          tpu.vector_store_idx %arg13[%sub3A_139, %broadcast_in_dim3A_218], %gather3A_219 masked %and3A_112 : memref<128x128xf32, #tpu.memory_space<vmem>>[vector<16xi32>, vector<16xi32>], vector<16xf32>, vector<16xi1>
          %broadcast_in_dim3A_220 = arith.constant 27 : i32
          %broadcast_in_dim3A_221 = vector.broadcast %broadcast_in_dim3A_220 : i32 to vector<16xi32>
          %gather3A_222 = tpu.vector_load_idx %arg11[%broadcast_in_dim3A_221, %select_n3A_119] masked %and3A_112 : memref<32x1024xf32, #tpu.memory_space<vmem>>[vector<16xi32>, vector<16xi32>], vector<16xf32>, vector<16xi1>
          tpu.vector_store_idx %arg13[%sub3A_139, %broadcast_in_dim3A_221], %gather3A_222 masked %and3A_112 : memref<128x128xf32, #tpu.memory_space<vmem>>[vector<16xi32>, vector<16xi32>], vector<16xf32>, vector<16xi1>
          %broadcast_in_dim3A_223 = arith.constant 28 : i32
          %broadcast_in_dim3A_224 = vector.broadcast %broadcast_in_dim3A_223 : i32 to vector<16xi32>
          %gather3A_225 = tpu.vector_load_idx %arg11[%broadcast_in_dim3A_224, %select_n3A_119] masked %and3A_112 : memref<32x1024xf32, #tpu.memory_space<vmem>>[vector<16xi32>, vector<16xi32>], vector<16xf32>, vector<16xi1>
          tpu.vector_store_idx %arg13[%sub3A_139, %broadcast_in_dim3A_224], %gather3A_225 masked %and3A_112 : memref<128x128xf32, #tpu.memory_space<vmem>>[vector<16xi32>, vector<16xi32>], vector<16xf32>, vector<16xi1>
          %broadcast_in_dim3A_226 = arith.constant 29 : i32
          %broadcast_in_dim3A_227 = vector.broadcast %broadcast_in_dim3A_226 : i32 to vector<16xi32>
          %gather3A_228 = tpu.vector_load_idx %arg11[%broadcast_in_dim3A_227, %select_n3A_119] masked %and3A_112 : memref<32x1024xf32, #tpu.memory_space<vmem>>[vector<16xi32>, vector<16xi32>], vector<16xf32>, vector<16xi1>
          tpu.vector_store_idx %arg13[%sub3A_139, %broadcast_in_dim3A_227], %gather3A_228 masked %and3A_112 : memref<128x128xf32, #tpu.memory_space<vmem>>[vector<16xi32>, vector<16xi32>], vector<16xf32>, vector<16xi1>
          %broadcast_in_dim3A_229 = arith.constant 30 : i32
          %broadcast_in_dim3A_230 = vector.broadcast %broadcast_in_dim3A_229 : i32 to vector<16xi32>
          %gather3A_231 = tpu.vector_load_idx %arg11[%broadcast_in_dim3A_230, %select_n3A_119] masked %and3A_112 : memref<32x1024xf32, #tpu.memory_space<vmem>>[vector<16xi32>, vector<16xi32>], vector<16xf32>, vector<16xi1>
          tpu.vector_store_idx %arg13[%sub3A_139, %broadcast_in_dim3A_230], %gather3A_231 masked %and3A_112 : memref<128x128xf32, #tpu.memory_space<vmem>>[vector<16xi32>, vector<16xi32>], vector<16xf32>, vector<16xi1>
          %broadcast_in_dim3A_232 = arith.constant 31 : i32
          %broadcast_in_dim3A_233 = vector.broadcast %broadcast_in_dim3A_232 : i32 to vector<16xi32>
          %gather3A_234 = tpu.vector_load_idx %arg11[%broadcast_in_dim3A_233, %select_n3A_119] masked %and3A_112 : memref<32x1024xf32, #tpu.memory_space<vmem>>[vector<16xi32>, vector<16xi32>], vector<16xf32>, vector<16xi1>
          tpu.vector_store_idx %arg13[%sub3A_139, %broadcast_in_dim3A_233], %gather3A_234 masked %and3A_112 : memref<128x128xf32, #tpu.memory_space<vmem>>[vector<16xi32>, vector<16xi32>], vector<16xf32>, vector<16xi1>
          tpu.vector_store_idx %arg14[%sub3A_139], %get3A_105 masked %and3A_112 : memref<128xi32, #tpu.memory_space<vmem>>[vector<16xi32>], vector<16xi32>, vector<16xi1>
        } else {
        }
        %add3A_125 = arith.addi %while3A_99, %reduce_sum3A_116 : i32
        %ge3A_126 = arith.constant 112 : i32
        %ge3A_127 = arith.cmpi sge, %add3A_125, %ge3A_126 : i32
        %convert_element_type3A_128 = arith.extui %ge3A_127 : i1 to i32
        %cond3A_129 = arith.constant 0 : i32
        %cond3A_130 = arith.cmpi ne, %convert_element_type3A_128, %cond3A_129 : i32
        scf.if %cond3A_130 {
          %dma_start3A_135 = arith.constant 0 : i32
          %dma_start3A_136 = arith.constant 0 : i32
          %dma_start3A_137 = tpu.memref_slice %arg7[%dma_start3A_135, %dma_start3A_136] : memref<16448x128xf32, #tpu.memory_space<hbm>> -> memref<16448x128xf32, #tpu.memory_space<hbm>>
          tpu.enqueue_indirect_dma source(%arg13 : memref<128x128xf32, #tpu.memory_space<vmem>>) target(%dma_start3A_137 : memref<16448x128xf32, #tpu.memory_space<hbm>>) offsets(%arg14 : memref<128xi32, #tpu.memory_space<vmem>>) semaphore(%arg16 : memref<!tpu.dma_semaphore, #tpu.memory_space<semaphore_mem>>)
          %dma_wait3A_138 = arith.constant 0 : i32
          %dma_wait3A_139 = arith.constant 0 : i32
          %dma_wait3A_140 = tpu.memref_slice %arg7[%dma_wait3A_138, %dma_wait3A_139] : memref<16448x128xf32, #tpu.memory_space<hbm>> -> memref<16448x128xf32, #tpu.memory_space<hbm>>
          tpu.wait_indirect_dma semaphore(%arg16 : memref<!tpu.dma_semaphore, #tpu.memory_space<semaphore_mem>>) src(%arg13 : memref<128x128xf32, #tpu.memory_space<vmem>>) dst(%dma_wait3A_140 : memref<16448x128xf32, #tpu.memory_space<hbm>>)
          %broadcast_in_dim3A_141 = arith.constant 16384 : i32
          %broadcast_in_dim3A_142 = vector.broadcast %broadcast_in_dim3A_141 : i32 to vector<16xi32>
          %swap3A_143 = arith.constant 0 : index
          %swap3A_144 = tpu.vector_load %arg14[%swap3A_143] {strides = array<i32>} : memref<128xi32, #tpu.memory_space<vmem>>, vector<16xi32>,
          tpu.vector_store %arg14[%swap3A_143], %broadcast_in_dim3A_142 {strides = array<i32>} : memref<128xi32, #tpu.memory_space<vmem>>, vector<16xi32>,
          %broadcast_in_dim3A_145 = arith.constant 16384 : i32
          %broadcast_in_dim3A_146 = vector.broadcast %broadcast_in_dim3A_145 : i32 to vector<16xi32>
          %swap3A_147 = arith.constant 16 : index
          %swap3A_148 = tpu.vector_load %arg14[%swap3A_147] {strides = array<i32>} : memref<128xi32, #tpu.memory_space<vmem>>, vector<16xi32>,
          tpu.vector_store %arg14[%swap3A_147], %broadcast_in_dim3A_146 {strides = array<i32>} : memref<128xi32, #tpu.memory_space<vmem>>, vector<16xi32>,
          %broadcast_in_dim3A_149 = arith.constant 16384 : i32
          %broadcast_in_dim3A_150 = vector.broadcast %broadcast_in_dim3A_149 : i32 to vector<16xi32>
          %swap3A_151 = arith.constant 32 : index
          %swap3A_152 = tpu.vector_load %arg14[%swap3A_151] {strides = array<i32>} : memref<128xi32, #tpu.memory_space<vmem>>, vector<16xi32>,
          tpu.vector_store %arg14[%swap3A_151], %broadcast_in_dim3A_150 {strides = array<i32>} : memref<128xi32, #tpu.memory_space<vmem>>, vector<16xi32>,
          %broadcast_in_dim3A_153 = arith.constant 16384 : i32
          %broadcast_in_dim3A_154 = vector.broadcast %broadcast_in_dim3A_153 : i32 to vector<16xi32>
          %swap3A_155 = arith.constant 48 : index
          %swap3A_156 = tpu.vector_load %arg14[%swap3A_155] {strides = array<i32>} : memref<128xi32, #tpu.memory_space<vmem>>, vector<16xi32>,
          tpu.vector_store %arg14[%swap3A_155], %broadcast_in_dim3A_154 {strides = array<i32>} : memref<128xi32, #tpu.memory_space<vmem>>, vector<16xi32>,
          %broadcast_in_dim3A_157 = arith.constant 16384 : i32
          %broadcast_in_dim3A_158 = vector.broadcast %broadcast_in_dim3A_157 : i32 to vector<16xi32>
          %swap3A_159 = arith.constant 64 : index
          %swap3A_160 = tpu.vector_load %arg14[%swap3A_159] {strides = array<i32>} : memref<128xi32, #tpu.memory_space<vmem>>, vector<16xi32>,
          tpu.vector_store %arg14[%swap3A_159], %broadcast_in_dim3A_158 {strides = array<i32>} : memref<128xi32, #tpu.memory_space<vmem>>, vector<16xi32>,
          %broadcast_in_dim3A_161 = arith.constant 16384 : i32
          %broadcast_in_dim3A_162 = vector.broadcast %broadcast_in_dim3A_161 : i32 to vector<16xi32>
          %swap3A_163 = arith.constant 80 : index
          %swap3A_164 = tpu.vector_load %arg14[%swap3A_163] {strides = array<i32>} : memref<128xi32, #tpu.memory_space<vmem>>, vector<16xi32>,
          tpu.vector_store %arg14[%swap3A_163], %broadcast_in_dim3A_162 {strides = array<i32>} : memref<128xi32, #tpu.memory_space<vmem>>, vector<16xi32>,
          %broadcast_in_dim3A_165 = arith.constant 16384 : i32
          %broadcast_in_dim3A_166 = vector.broadcast %broadcast_in_dim3A_165 : i32 to vector<16xi32>
          %swap3A_167 = arith.constant 96 : index
          %swap3A_168 = tpu.vector_load %arg14[%swap3A_167] {strides = array<i32>} : memref<128xi32, #tpu.memory_space<vmem>>, vector<16xi32>,
          tpu.vector_store %arg14[%swap3A_167], %broadcast_in_dim3A_166 {strides = array<i32>} : memref<128xi32, #tpu.memory_space<vmem>>, vector<16xi32>,
          %broadcast_in_dim3A_169 = arith.constant 16384 : i32
          %broadcast_in_dim3A_170 = vector.broadcast %broadcast_in_dim3A_169 : i32 to vector<16xi32>
          %swap3A_171 = arith.constant 112 : index
          %swap3A_172 = tpu.vector_load %arg14[%swap3A_171] {strides = array<i32>} : memref<128xi32, #tpu.memory_space<vmem>>, vector<16xi32>,
          tpu.vector_store %arg14[%swap3A_171], %broadcast_in_dim3A_170 {strides = array<i32>} : memref<128xi32, #tpu.memory_space<vmem>>, vector<16xi32>,
        } else {
        }
        %ge3A_131 = arith.constant 112 : i32
        %ge3A_132 = arith.cmpi sge, %add3A_125, %ge3A_131 : i32
        %jit3A_133 = arith.constant 0 : i32
        %select_n3A_134 = arith.select %ge3A_132, %jit3A_133, %add3A_125 : i32
        scf.yield %select_n3A_134 : i32
      }
      %gt3A = arith.constant 0 : i32
      %gt3A_94 = arith.cmpi sgt, %while3A_93, %gt3A : i32
      %convert_element_type3A_95 = arith.extui %gt3A_94 : i1 to i32
      %cond3A_96 = arith.constant 0 : i32
      %cond3A_97 = arith.cmpi ne, %convert_element_type3A_95, %cond3A_96 : i32
      scf.if %cond3A_97 {
        %dma_start3A_98 = arith.constant 0 : i32
        %dma_start3A_99 = arith.constant 0 : i32
        %dma_start3A_100 = tpu.memref_slice %arg7[%dma_start3A_98, %dma_start3A_99] : memref<16448x128xf32, #tpu.memory_space<hbm>> -> memref<16448x128xf32, #tpu.memory_space<hbm>>
        tpu.enqueue_indirect_dma source(%arg13 : memref<128x128xf32, #tpu.memory_space<vmem>>) target(%dma_start3A_100 : memref<16448x128xf32, #tpu.memory_space<hbm>>) offsets(%arg14 : memref<128xi32, #tpu.memory_space<vmem>>) semaphore(%arg16 : memref<!tpu.dma_semaphore, #tpu.memory_space<semaphore_mem>>)
        %dma_wait3A_101 = arith.constant 0 : i32
        %dma_wait3A_102 = arith.constant 0 : i32
        %dma_wait3A_103 = tpu.memref_slice %arg7[%dma_wait3A_101, %dma_wait3A_102] : memref<16448x128xf32, #tpu.memory_space<hbm>> -> memref<16448x128xf32, #tpu.memory_space<hbm>>
        tpu.wait_indirect_dma semaphore(%arg16 : memref<!tpu.dma_semaphore, #tpu.memory_space<semaphore_mem>>) src(%arg13 : memref<128x128xf32, #tpu.memory_space<vmem>>) dst(%dma_wait3A_103 : memref<16448x128xf32, #tpu.memory_space<hbm>>)
        %broadcast_in_dim3A_104 = arith.constant 16384 : i32
        %broadcast_in_dim3A_105 = vector.broadcast %broadcast_in_dim3A_104 : i32 to vector<16xi32>
        %swap3A_106 = arith.constant 0 : index
        %swap3A_107 = tpu.vector_load %arg14[%swap3A_106] {strides = array<i32>} : memref<128xi32, #tpu.memory_space<vmem>>, vector<16xi32>,
        tpu.vector_store %arg14[%swap3A_106], %broadcast_in_dim3A_105 {strides = array<i32>} : memref<128xi32, #tpu.memory_space<vmem>>, vector<16xi32>,
        %broadcast_in_dim3A_108 = arith.constant 16384 : i32
        %broadcast_in_dim3A_109 = vector.broadcast %broadcast_in_dim3A_108 : i32 to vector<16xi32>
        %swap3A_110 = arith.constant 16 : index
        %swap3A_111 = tpu.vector_load %arg14[%swap3A_110] {strides = array<i32>} : memref<128xi32, #tpu.memory_space<vmem>>, vector<16xi32>,
        tpu.vector_store %arg14[%swap3A_110], %broadcast_in_dim3A_109 {strides = array<i32>} : memref<128xi32, #tpu.memory_space<vmem>>, vector<16xi32>,
        %broadcast_in_dim3A_112 = arith.constant 16384 : i32
        %broadcast_in_dim3A_113 = vector.broadcast %broadcast_in_dim3A_112 : i32 to vector<16xi32>
        %swap3A_114 = arith.constant 32 : index
        %swap3A_115 = tpu.vector_load %arg14[%swap3A_114] {strides = array<i32>} : memref<128xi32, #tpu.memory_space<vmem>>, vector<16xi32>,
        tpu.vector_store %arg14[%swap3A_114], %broadcast_in_dim3A_113 {strides = array<i32>} : memref<128xi32, #tpu.memory_space<vmem>>, vector<16xi32>,
        %broadcast_in_dim3A_116 = arith.constant 16384 : i32
        %broadcast_in_dim3A_117 = vector.broadcast %broadcast_in_dim3A_116 : i32 to vector<16xi32>
        %swap3A_118 = arith.constant 48 : index
        %swap3A_119 = tpu.vector_load %arg14[%swap3A_118] {strides = array<i32>} : memref<128xi32, #tpu.memory_space<vmem>>, vector<16xi32>,
        tpu.vector_store %arg14[%swap3A_118], %broadcast_in_dim3A_117 {strides = array<i32>} : memref<128xi32, #tpu.memory_space<vmem>>, vector<16xi32>,
        %broadcast_in_dim3A_120 = arith.constant 16384 : i32
        %broadcast_in_dim3A_121 = vector.broadcast %broadcast_in_dim3A_120 : i32 to vector<16xi32>
        %swap3A_122 = arith.constant 64 : index
        %swap3A_123 = tpu.vector_load %arg14[%swap3A_122] {strides = array<i32>} : memref<128xi32, #tpu.memory_space<vmem>>, vector<16xi32>,
        tpu.vector_store %arg14[%swap3A_122], %broadcast_in_dim3A_121 {strides = array<i32>} : memref<128xi32, #tpu.memory_space<vmem>>, vector<16xi32>,
        %broadcast_in_dim3A_124 = arith.constant 16384 : i32
        %broadcast_in_dim3A_125 = vector.broadcast %broadcast_in_dim3A_124 : i32 to vector<16xi32>
        %swap3A_126 = arith.constant 80 : index
        %swap3A_127 = tpu.vector_load %arg14[%swap3A_126] {strides = array<i32>} : memref<128xi32, #tpu.memory_space<vmem>>, vector<16xi32>,
        tpu.vector_store %arg14[%swap3A_126], %broadcast_in_dim3A_125 {strides = array<i32>} : memref<128xi32, #tpu.memory_space<vmem>>, vector<16xi32>,
        %broadcast_in_dim3A_128 = arith.constant 16384 : i32
        %broadcast_in_dim3A_129 = vector.broadcast %broadcast_in_dim3A_128 : i32 to vector<16xi32>
        %swap3A_130 = arith.constant 96 : index
        %swap3A_131 = tpu.vector_load %arg14[%swap3A_130] {strides = array<i32>} : memref<128xi32, #tpu.memory_space<vmem>>, vector<16xi32>,
        tpu.vector_store %arg14[%swap3A_130], %broadcast_in_dim3A_129 {strides = array<i32>} : memref<128xi32, #tpu.memory_space<vmem>>, vector<16xi32>,
        %broadcast_in_dim3A_132 = arith.constant 16384 : i32
        %broadcast_in_dim3A_133 = vector.broadcast %broadcast_in_dim3A_132 : i32 to vector<16xi32>
        %swap3A_134 = arith.constant 112 : index
        %swap3A_135 = tpu.vector_load %arg14[%swap3A_134] {strides = array<i32>} : memref<128xi32, #tpu.memory_space<vmem>>, vector<16xi32>,
        tpu.vector_store %arg14[%swap3A_134], %broadcast_in_dim3A_133 {strides = array<i32>} : memref<128xi32, #tpu.memory_space<vmem>>, vector<16xi32>,
      } else {
      }
    } else {
    }
    return
  }
}

module attributes {stable_mosaic.version = 14 : i64} {
  func.func @_mlp_body(%arg0: memref<16384x32xf32, #tpu.memory_space<vmem>>, %arg1: memref<16384x32xf32, #tpu.memory_space<vmem>>, %arg2: memref<32x128xf32, #tpu.memory_space<vmem>>, %arg3: memref<1x128xf32, #tpu.memory_space<vmem>>, %arg4: memref<1x128xf32, #tpu.memory_space<vmem>>, %arg5: memref<1x128xf32, #tpu.memory_space<vmem>>, %arg6: memref<32x128xf32, #tpu.memory_space<vmem>>, %arg7: memref<1x128xf32, #tpu.memory_space<vmem>>, %arg8: memref<1x128xf32, #tpu.memory_space<vmem>>, %arg9: memref<1x128xf32, #tpu.memory_space<vmem>>, %arg10: memref<128x256xf32, #tpu.memory_space<vmem>>, %arg11: memref<128x256xf32, #tpu.memory_space<vmem>>, %arg12: memref<1x256xf32, #tpu.memory_space<vmem>>, %arg13: memref<1x256xf32, #tpu.memory_space<vmem>>, %arg14: memref<1x256xf32, #tpu.memory_space<vmem>>, %arg15: memref<256x128xf32, #tpu.memory_space<vmem>>, %arg16: memref<1x128xf32, #tpu.memory_space<vmem>>, %arg17: memref<1x128xf32, #tpu.memory_space<vmem>>, %arg18: memref<1x128xf32, #tpu.memory_space<vmem>>, %arg19: memref<128x64xf32, #tpu.memory_space<vmem>>, %arg20: memref<1x64xf32, #tpu.memory_space<vmem>>, %arg21: memref<1x64xf32, #tpu.memory_space<vmem>>, %arg22: memref<1x64xf32, #tpu.memory_space<vmem>>, %arg23: memref<64x1xf32, #tpu.memory_space<vmem>>, %arg24: memref<1x1xf32, #tpu.memory_space<vmem>>, %arg25: memref<16384x1xf32, #tpu.memory_space<vmem>>) attributes {dimension_semantics = [], scalar_prefetch = 0 : i64, scratch_operands = 0 : i64, tpu.core_type = #tpu.core_type<tc>} {
    %get3A = arith.constant 0 : index
    %get3A_0 = arith.constant 0 : index
    %get3A_1 = vector.load %arg0[%get3A, %get3A_0] : memref<16384x32xf32, #tpu.memory_space<vmem>>, vector<16384x32xf32>
    %get3A_2 = arith.constant 0 : index
    %get3A_3 = arith.constant 0 : index
    %get3A_4 = vector.load %arg2[%get3A_2, %get3A_3] : memref<32x128xf32, #tpu.memory_space<vmem>>, vector<32x128xf32>
    %dot_general3A = arith.constant dense<0.000000e+00> : vector<16384x128xf32>
    %dot_general3A_5 = tpu.matmul %get3A_1, %get3A_4, %dot_general3A {dimension_numbers = #tpu.dot_dimension_numbers<[1], [0], [0], [1], [0, 0, 1, 1], [], []>, transpose_lhs_hint = false} : vector<16384x32xf32>, vector<32x128xf32>, vector<16384x128xf32> -> vector<16384x128xf32>
    %get3A_6 = arith.constant 0 : index
    %get3A_7 = arith.constant 0 : index
    %get3A_8 = vector.load %arg3[%get3A_6, %get3A_7] : memref<1x128xf32, #tpu.memory_space<vmem>>, vector<1x128xf32>
    %add3A = vector.broadcast %get3A_8 : vector<1x128xf32> to vector<16384x128xf32>
    %add3A_9 = arith.addf %dot_general3A_5, %add3A : vector<16384x128xf32>
    %max3A = arith.constant 0.000000e+00 : f32
    %max3A_10 = vector.broadcast %max3A : f32 to vector<16384x128xf32>
    %max3A_11 = arith.maximumf %add3A_9, %max3A_10 : vector<16384x128xf32>
    %get3A_12 = arith.constant 0 : index
    %get3A_13 = arith.constant 0 : index
    %get3A_14 = vector.load %arg4[%get3A_12, %get3A_13] : memref<1x128xf32, #tpu.memory_space<vmem>>, vector<1x128xf32>
    %get3A_15 = arith.constant 0 : index
    %get3A_16 = arith.constant 0 : index
    %get3A_17 = vector.load %arg5[%get3A_15, %get3A_16] : memref<1x128xf32, #tpu.memory_space<vmem>>, vector<1x128xf32>
    %reduce_sum3A = arith.constant dense<0.000000e+00> : vector<128xf32>
    %reduce_sum3A_18 = vector.multi_reduction <add>, %max3A_11, %reduce_sum3A [0] : vector<16384x128xf32> to vector<128xf32>
    %broadcast_in_dim3A = vector.shape_cast %reduce_sum3A_18 : vector<128xf32> to vector<1x128xf32>
    %div3A = arith.constant 1.638400e+04 : f32
    %div3A_19 = vector.broadcast %div3A : f32 to vector<1x128xf32>
    %div3A_20 = arith.divf %broadcast_in_dim3A, %div3A_19 : vector<1x128xf32>
    %sub3A = vector.broadcast %div3A_20 : vector<1x128xf32> to vector<16384x128xf32>
    %sub3A_21 = arith.subf %max3A_11, %sub3A : vector<16384x128xf32>
    %square3A = arith.mulf %sub3A_21, %sub3A_21 : vector<16384x128xf32>
    %reduce_sum3A_22 = arith.constant dense<0.000000e+00> : vector<128xf32>
    %reduce_sum3A_23 = vector.multi_reduction <add>, %square3A, %reduce_sum3A_22 [0] : vector<16384x128xf32> to vector<128xf32>
    %broadcast_in_dim3A_24 = vector.shape_cast %reduce_sum3A_23 : vector<128xf32> to vector<1x128xf32>
    %div3A_25 = arith.constant 1.638400e+04 : f32
    %div3A_26 = vector.broadcast %div3A_25 : f32 to vector<1x128xf32>
    %div3A_27 = arith.divf %broadcast_in_dim3A_24, %div3A_26 : vector<1x128xf32>
    %sub3A_28 = vector.broadcast %div3A_20 : vector<1x128xf32> to vector<16384x128xf32>
    %sub3A_29 = arith.subf %max3A_11, %sub3A_28 : vector<16384x128xf32>
    %mul3A = vector.broadcast %get3A_14 : vector<1x128xf32> to vector<16384x128xf32>
    %mul3A_30 = arith.mulf %mul3A, %sub3A_29 : vector<16384x128xf32>
    %add3A_31 = arith.constant 1.000000e-03 : f32
    %add3A_32 = vector.broadcast %add3A_31 : f32 to vector<1x128xf32>
    %add3A_33 = arith.addf %div3A_27, %add3A_32 : vector<1x128xf32>
    %rsqrt3A = math.rsqrt %add3A_33 : vector<1x128xf32>
    %mul3A_34 = vector.broadcast %rsqrt3A : vector<1x128xf32> to vector<16384x128xf32>
    %mul3A_35 = arith.mulf %mul3A_30, %mul3A_34 : vector<16384x128xf32>
    %add3A_36 = vector.broadcast %get3A_17 : vector<1x128xf32> to vector<16384x128xf32>
    %add3A_37 = arith.addf %mul3A_35, %add3A_36 : vector<16384x128xf32>
    %get3A_38 = arith.constant 0 : index
    %get3A_39 = arith.constant 0 : index
    %get3A_40 = vector.load %arg1[%get3A_38, %get3A_39] : memref<16384x32xf32, #tpu.memory_space<vmem>>, vector<16384x32xf32>
    %get3A_41 = arith.constant 0 : index
    %get3A_42 = arith.constant 0 : index
    %get3A_43 = vector.load %arg6[%get3A_41, %get3A_42] : memref<32x128xf32, #tpu.memory_space<vmem>>, vector<32x128xf32>
    %dot_general3A_44 = arith.constant dense<0.000000e+00> : vector<16384x128xf32>
    %dot_general3A_45 = tpu.matmul %get3A_40, %get3A_43, %dot_general3A_44 {dimension_numbers = #tpu.dot_dimension_numbers<[1], [0], [0], [1], [0, 0, 1, 1], [], []>, transpose_lhs_hint = false} : vector<16384x32xf32>, vector<32x128xf32>, vector<16384x128xf32> -> vector<16384x128xf32>
    %get3A_46 = arith.constant 0 : index
    %get3A_47 = arith.constant 0 : index
    %get3A_48 = vector.load %arg7[%get3A_46, %get3A_47] : memref<1x128xf32, #tpu.memory_space<vmem>>, vector<1x128xf32>
    %add3A_49 = vector.broadcast %get3A_48 : vector<1x128xf32> to vector<16384x128xf32>
    %add3A_50 = arith.addf %dot_general3A_45, %add3A_49 : vector<16384x128xf32>
    %max3A_51 = arith.constant 0.000000e+00 : f32
    %max3A_52 = vector.broadcast %max3A_51 : f32 to vector<16384x128xf32>
    %max3A_53 = arith.maximumf %add3A_50, %max3A_52 : vector<16384x128xf32>
    %get3A_54 = arith.constant 0 : index
    %get3A_55 = arith.constant 0 : index
    %get3A_56 = vector.load %arg8[%get3A_54, %get3A_55] : memref<1x128xf32, #tpu.memory_space<vmem>>, vector<1x128xf32>
    %get3A_57 = arith.constant 0 : index
    %get3A_58 = arith.constant 0 : index
    %get3A_59 = vector.load %arg9[%get3A_57, %get3A_58] : memref<1x128xf32, #tpu.memory_space<vmem>>, vector<1x128xf32>
    %reduce_sum3A_60 = arith.constant dense<0.000000e+00> : vector<128xf32>
    %reduce_sum3A_61 = vector.multi_reduction <add>, %max3A_53, %reduce_sum3A_60 [0] : vector<16384x128xf32> to vector<128xf32>
    %broadcast_in_dim3A_62 = vector.shape_cast %reduce_sum3A_61 : vector<128xf32> to vector<1x128xf32>
    %div3A_63 = arith.constant 1.638400e+04 : f32
    %div3A_64 = vector.broadcast %div3A_63 : f32 to vector<1x128xf32>
    %div3A_65 = arith.divf %broadcast_in_dim3A_62, %div3A_64 : vector<1x128xf32>
    %sub3A_66 = vector.broadcast %div3A_65 : vector<1x128xf32> to vector<16384x128xf32>
    %sub3A_67 = arith.subf %max3A_53, %sub3A_66 : vector<16384x128xf32>
    %square3A_68 = arith.mulf %sub3A_67, %sub3A_67 : vector<16384x128xf32>
    %reduce_sum3A_69 = arith.constant dense<0.000000e+00> : vector<128xf32>
    %reduce_sum3A_70 = vector.multi_reduction <add>, %square3A_68, %reduce_sum3A_69 [0] : vector<16384x128xf32> to vector<128xf32>
    %broadcast_in_dim3A_71 = vector.shape_cast %reduce_sum3A_70 : vector<128xf32> to vector<1x128xf32>
    %div3A_72 = arith.constant 1.638400e+04 : f32
    %div3A_73 = vector.broadcast %div3A_72 : f32 to vector<1x128xf32>
    %div3A_74 = arith.divf %broadcast_in_dim3A_71, %div3A_73 : vector<1x128xf32>
    %sub3A_75 = vector.broadcast %div3A_65 : vector<1x128xf32> to vector<16384x128xf32>
    %sub3A_76 = arith.subf %max3A_53, %sub3A_75 : vector<16384x128xf32>
    %mul3A_77 = vector.broadcast %get3A_56 : vector<1x128xf32> to vector<16384x128xf32>
    %mul3A_78 = arith.mulf %mul3A_77, %sub3A_76 : vector<16384x128xf32>
    %add3A_79 = arith.constant 1.000000e-03 : f32
    %add3A_80 = vector.broadcast %add3A_79 : f32 to vector<1x128xf32>
    %add3A_81 = arith.addf %div3A_74, %add3A_80 : vector<1x128xf32>
    %rsqrt3A_82 = math.rsqrt %add3A_81 : vector<1x128xf32>
    %mul3A_83 = vector.broadcast %rsqrt3A_82 : vector<1x128xf32> to vector<16384x128xf32>
    %mul3A_84 = arith.mulf %mul3A_78, %mul3A_83 : vector<16384x128xf32>
    %add3A_85 = vector.broadcast %get3A_59 : vector<1x128xf32> to vector<16384x128xf32>
    %add3A_86 = arith.addf %mul3A_84, %add3A_85 : vector<16384x128xf32>
    %get3A_87 = arith.constant 0 : index
    %get3A_88 = arith.constant 0 : index
    %get3A_89 = vector.load %arg10[%get3A_87, %get3A_88] : memref<128x256xf32, #tpu.memory_space<vmem>>, vector<128x256xf32>
    %dot_general3A_90 = arith.constant dense<0.000000e+00> : vector<16384x256xf32>
    %dot_general3A_91 = tpu.matmul %add3A_37, %get3A_89, %dot_general3A_90 {dimension_numbers = #tpu.dot_dimension_numbers<[1], [0], [0], [1], [0, 0, 1, 1], [], []>, transpose_lhs_hint = false} : vector<16384x128xf32>, vector<128x256xf32>, vector<16384x256xf32> -> vector<16384x256xf32>
    %get3A_92 = arith.constant 0 : index
    %get3A_93 = arith.constant 0 : index
    %get3A_94 = vector.load %arg11[%get3A_92, %get3A_93] : memref<128x256xf32, #tpu.memory_space<vmem>>, vector<128x256xf32>
    %dot_general3A_95 = arith.constant dense<0.000000e+00> : vector<16384x256xf32>
    %dot_general3A_96 = tpu.matmul %add3A_86, %get3A_94, %dot_general3A_95 {dimension_numbers = #tpu.dot_dimension_numbers<[1], [0], [0], [1], [0, 0, 1, 1], [], []>, transpose_lhs_hint = false} : vector<16384x128xf32>, vector<128x256xf32>, vector<16384x256xf32> -> vector<16384x256xf32>
    %add3A_97 = arith.addf %dot_general3A_91, %dot_general3A_96 : vector<16384x256xf32>
    %get3A_98 = arith.constant 0 : index
    %get3A_99 = arith.constant 0 : index
    %get3A_100 = vector.load %arg12[%get3A_98, %get3A_99] : memref<1x256xf32, #tpu.memory_space<vmem>>, vector<1x256xf32>
    %add3A_101 = vector.broadcast %get3A_100 : vector<1x256xf32> to vector<16384x256xf32>
    %add3A_102 = arith.addf %add3A_97, %add3A_101 : vector<16384x256xf32>
    %max3A_103 = arith.constant 0.000000e+00 : f32
    %max3A_104 = vector.broadcast %max3A_103 : f32 to vector<16384x256xf32>
    %max3A_105 = arith.maximumf %add3A_102, %max3A_104 : vector<16384x256xf32>
    %get3A_106 = arith.constant 0 : index
    %get3A_107 = arith.constant 0 : index
    %get3A_108 = vector.load %arg13[%get3A_106, %get3A_107] : memref<1x256xf32, #tpu.memory_space<vmem>>, vector<1x256xf32>
    %get3A_109 = arith.constant 0 : index
    %get3A_110 = arith.constant 0 : index
    %get3A_111 = vector.load %arg14[%get3A_109, %get3A_110] : memref<1x256xf32, #tpu.memory_space<vmem>>, vector<1x256xf32>
    %reduce_sum3A_112 = arith.constant dense<0.000000e+00> : vector<256xf32>
    %reduce_sum3A_113 = vector.multi_reduction <add>, %max3A_105, %reduce_sum3A_112 [0] : vector<16384x256xf32> to vector<256xf32>
    %broadcast_in_dim3A_114 = vector.shape_cast %reduce_sum3A_113 : vector<256xf32> to vector<1x256xf32>
    %div3A_115 = arith.constant 1.638400e+04 : f32
    %div3A_116 = vector.broadcast %div3A_115 : f32 to vector<1x256xf32>
    %div3A_117 = arith.divf %broadcast_in_dim3A_114, %div3A_116 : vector<1x256xf32>
    %sub3A_118 = vector.broadcast %div3A_117 : vector<1x256xf32> to vector<16384x256xf32>
    %sub3A_119 = arith.subf %max3A_105, %sub3A_118 : vector<16384x256xf32>
    %square3A_120 = arith.mulf %sub3A_119, %sub3A_119 : vector<16384x256xf32>
    %reduce_sum3A_121 = arith.constant dense<0.000000e+00> : vector<256xf32>
    %reduce_sum3A_122 = vector.multi_reduction <add>, %square3A_120, %reduce_sum3A_121 [0] : vector<16384x256xf32> to vector<256xf32>
    %broadcast_in_dim3A_123 = vector.shape_cast %reduce_sum3A_122 : vector<256xf32> to vector<1x256xf32>
    %div3A_124 = arith.constant 1.638400e+04 : f32
    %div3A_125 = vector.broadcast %div3A_124 : f32 to vector<1x256xf32>
    %div3A_126 = arith.divf %broadcast_in_dim3A_123, %div3A_125 : vector<1x256xf32>
    %sub3A_127 = vector.broadcast %div3A_117 : vector<1x256xf32> to vector<16384x256xf32>
    %sub3A_128 = arith.subf %max3A_105, %sub3A_127 : vector<16384x256xf32>
    %mul3A_129 = vector.broadcast %get3A_108 : vector<1x256xf32> to vector<16384x256xf32>
    %mul3A_130 = arith.mulf %mul3A_129, %sub3A_128 : vector<16384x256xf32>
    %add3A_131 = arith.constant 1.000000e-03 : f32
    %add3A_132 = vector.broadcast %add3A_131 : f32 to vector<1x256xf32>
    %add3A_133 = arith.addf %div3A_126, %add3A_132 : vector<1x256xf32>
    %rsqrt3A_134 = math.rsqrt %add3A_133 : vector<1x256xf32>
    %mul3A_135 = vector.broadcast %rsqrt3A_134 : vector<1x256xf32> to vector<16384x256xf32>
    %mul3A_136 = arith.mulf %mul3A_130, %mul3A_135 : vector<16384x256xf32>
    %add3A_137 = vector.broadcast %get3A_111 : vector<1x256xf32> to vector<16384x256xf32>
    %add3A_138 = arith.addf %mul3A_136, %add3A_137 : vector<16384x256xf32>
    %get3A_139 = arith.constant 0 : index
    %get3A_140 = arith.constant 0 : index
    %get3A_141 = vector.load %arg15[%get3A_139, %get3A_140] : memref<256x128xf32, #tpu.memory_space<vmem>>, vector<256x128xf32>
    %dot_general3A_142 = arith.constant dense<0.000000e+00> : vector<16384x128xf32>
    %dot_general3A_143 = tpu.matmul %add3A_138, %get3A_141, %dot_general3A_142 {dimension_numbers = #tpu.dot_dimension_numbers<[1], [0], [0], [1], [0, 0, 1, 1], [], []>, transpose_lhs_hint = false} : vector<16384x256xf32>, vector<256x128xf32>, vector<16384x128xf32> -> vector<16384x128xf32>
    %get3A_144 = arith.constant 0 : index
    %get3A_145 = arith.constant 0 : index
    %get3A_146 = vector.load %arg16[%get3A_144, %get3A_145] : memref<1x128xf32, #tpu.memory_space<vmem>>, vector<1x128xf32>
    %add3A_147 = vector.broadcast %get3A_146 : vector<1x128xf32> to vector<16384x128xf32>
    %add3A_148 = arith.addf %dot_general3A_143, %add3A_147 : vector<16384x128xf32>
    %max3A_149 = arith.constant 0.000000e+00 : f32
    %max3A_150 = vector.broadcast %max3A_149 : f32 to vector<16384x128xf32>
    %max3A_151 = arith.maximumf %add3A_148, %max3A_150 : vector<16384x128xf32>
    %get3A_152 = arith.constant 0 : index
    %get3A_153 = arith.constant 0 : index
    %get3A_154 = vector.load %arg17[%get3A_152, %get3A_153] : memref<1x128xf32, #tpu.memory_space<vmem>>, vector<1x128xf32>
    %get3A_155 = arith.constant 0 : index
    %get3A_156 = arith.constant 0 : index
    %get3A_157 = vector.load %arg18[%get3A_155, %get3A_156] : memref<1x128xf32, #tpu.memory_space<vmem>>, vector<1x128xf32>
    %reduce_sum3A_158 = arith.constant dense<0.000000e+00> : vector<128xf32>
    %reduce_sum3A_159 = vector.multi_reduction <add>, %max3A_151, %reduce_sum3A_158 [0] : vector<16384x128xf32> to vector<128xf32>
    %broadcast_in_dim3A_160 = vector.shape_cast %reduce_sum3A_159 : vector<128xf32> to vector<1x128xf32>
    %div3A_161 = arith.constant 1.638400e+04 : f32
    %div3A_162 = vector.broadcast %div3A_161 : f32 to vector<1x128xf32>
    %div3A_163 = arith.divf %broadcast_in_dim3A_160, %div3A_162 : vector<1x128xf32>
    %sub3A_164 = vector.broadcast %div3A_163 : vector<1x128xf32> to vector<16384x128xf32>
    %sub3A_165 = arith.subf %max3A_151, %sub3A_164 : vector<16384x128xf32>
    %square3A_166 = arith.mulf %sub3A_165, %sub3A_165 : vector<16384x128xf32>
    %reduce_sum3A_167 = arith.constant dense<0.000000e+00> : vector<128xf32>
    %reduce_sum3A_168 = vector.multi_reduction <add>, %square3A_166, %reduce_sum3A_167 [0] : vector<16384x128xf32> to vector<128xf32>
    %broadcast_in_dim3A_169 = vector.shape_cast %reduce_sum3A_168 : vector<128xf32> to vector<1x128xf32>
    %div3A_170 = arith.constant 1.638400e+04 : f32
    %div3A_171 = vector.broadcast %div3A_170 : f32 to vector<1x128xf32>
    %div3A_172 = arith.divf %broadcast_in_dim3A_169, %div3A_171 : vector<1x128xf32>
    %sub3A_173 = vector.broadcast %div3A_163 : vector<1x128xf32> to vector<16384x128xf32>
    %sub3A_174 = arith.subf %max3A_151, %sub3A_173 : vector<16384x128xf32>
    %mul3A_175 = vector.broadcast %get3A_154 : vector<1x128xf32> to vector<16384x128xf32>
    %mul3A_176 = arith.mulf %mul3A_175, %sub3A_174 : vector<16384x128xf32>
    %add3A_177 = arith.constant 1.000000e-03 : f32
    %add3A_178 = vector.broadcast %add3A_177 : f32 to vector<1x128xf32>
    %add3A_179 = arith.addf %div3A_172, %add3A_178 : vector<1x128xf32>
    %rsqrt3A_180 = math.rsqrt %add3A_179 : vector<1x128xf32>
    %mul3A_181 = vector.broadcast %rsqrt3A_180 : vector<1x128xf32> to vector<16384x128xf32>
    %mul3A_182 = arith.mulf %mul3A_176, %mul3A_181 : vector<16384x128xf32>
    %add3A_183 = vector.broadcast %get3A_157 : vector<1x128xf32> to vector<16384x128xf32>
    %add3A_184 = arith.addf %mul3A_182, %add3A_183 : vector<16384x128xf32>
    %get3A_185 = arith.constant 0 : index
    %get3A_186 = arith.constant 0 : index
    %get3A_187 = vector.load %arg19[%get3A_185, %get3A_186] : memref<128x64xf32, #tpu.memory_space<vmem>>, vector<128x64xf32>
    %dot_general3A_188 = arith.constant dense<0.000000e+00> : vector<16384x64xf32>
    %dot_general3A_189 = tpu.matmul %add3A_184, %get3A_187, %dot_general3A_188 {dimension_numbers = #tpu.dot_dimension_numbers<[1], [0], [0], [1], [0, 0, 1, 1], [], []>, transpose_lhs_hint = false} : vector<16384x128xf32>, vector<128x64xf32>, vector<16384x64xf32> -> vector<16384x64xf32>
    %get3A_190 = arith.constant 0 : index
    %get3A_191 = arith.constant 0 : index
    %get3A_192 = vector.load %arg20[%get3A_190, %get3A_191] : memref<1x64xf32, #tpu.memory_space<vmem>>, vector<1x64xf32>
    %add3A_193 = vector.broadcast %get3A_192 : vector<1x64xf32> to vector<16384x64xf32>
    %add3A_194 = arith.addf %dot_general3A_189, %add3A_193 : vector<16384x64xf32>
    %max3A_195 = arith.constant 0.000000e+00 : f32
    %max3A_196 = vector.broadcast %max3A_195 : f32 to vector<16384x64xf32>
    %max3A_197 = arith.maximumf %add3A_194, %max3A_196 : vector<16384x64xf32>
    %get3A_198 = arith.constant 0 : index
    %get3A_199 = arith.constant 0 : index
    %get3A_200 = vector.load %arg21[%get3A_198, %get3A_199] : memref<1x64xf32, #tpu.memory_space<vmem>>, vector<1x64xf32>
    %get3A_201 = arith.constant 0 : index
    %get3A_202 = arith.constant 0 : index
    %get3A_203 = vector.load %arg22[%get3A_201, %get3A_202] : memref<1x64xf32, #tpu.memory_space<vmem>>, vector<1x64xf32>
    %reduce_sum3A_204 = arith.constant dense<0.000000e+00> : vector<64xf32>
    %reduce_sum3A_205 = vector.multi_reduction <add>, %max3A_197, %reduce_sum3A_204 [0] : vector<16384x64xf32> to vector<64xf32>
    %broadcast_in_dim3A_206 = vector.shape_cast %reduce_sum3A_205 : vector<64xf32> to vector<1x64xf32>
    %div3A_207 = arith.constant 1.638400e+04 : f32
    %div3A_208 = vector.broadcast %div3A_207 : f32 to vector<1x64xf32>
    %div3A_209 = arith.divf %broadcast_in_dim3A_206, %div3A_208 : vector<1x64xf32>
    %sub3A_210 = vector.broadcast %div3A_209 : vector<1x64xf32> to vector<16384x64xf32>
    %sub3A_211 = arith.subf %max3A_197, %sub3A_210 : vector<16384x64xf32>
    %square3A_212 = arith.mulf %sub3A_211, %sub3A_211 : vector<16384x64xf32>
    %reduce_sum3A_213 = arith.constant dense<0.000000e+00> : vector<64xf32>
    %reduce_sum3A_214 = vector.multi_reduction <add>, %square3A_212, %reduce_sum3A_213 [0] : vector<16384x64xf32> to vector<64xf32>
    %broadcast_in_dim3A_215 = vector.shape_cast %reduce_sum3A_214 : vector<64xf32> to vector<1x64xf32>
    %div3A_216 = arith.constant 1.638400e+04 : f32
    %div3A_217 = vector.broadcast %div3A_216 : f32 to vector<1x64xf32>
    %div3A_218 = arith.divf %broadcast_in_dim3A_215, %div3A_217 : vector<1x64xf32>
    %sub3A_219 = vector.broadcast %div3A_209 : vector<1x64xf32> to vector<16384x64xf32>
    %sub3A_220 = arith.subf %max3A_197, %sub3A_219 : vector<16384x64xf32>
    %mul3A_221 = vector.broadcast %get3A_200 : vector<1x64xf32> to vector<16384x64xf32>
    %mul3A_222 = arith.mulf %mul3A_221, %sub3A_220 : vector<16384x64xf32>
    %add3A_223 = arith.constant 1.000000e-03 : f32
    %add3A_224 = vector.broadcast %add3A_223 : f32 to vector<1x64xf32>
    %add3A_225 = arith.addf %div3A_218, %add3A_224 : vector<1x64xf32>
    %rsqrt3A_226 = math.rsqrt %add3A_225 : vector<1x64xf32>
    %mul3A_227 = vector.broadcast %rsqrt3A_226 : vector<1x64xf32> to vector<16384x64xf32>
    %mul3A_228 = arith.mulf %mul3A_222, %mul3A_227 : vector<16384x64xf32>
    %add3A_229 = vector.broadcast %get3A_203 : vector<1x64xf32> to vector<16384x64xf32>
    %add3A_230 = arith.addf %mul3A_228, %add3A_229 : vector<16384x64xf32>
    %get3A_231 = arith.constant 0 : index
    %get3A_232 = arith.constant 0 : index
    %get3A_233 = vector.load %arg23[%get3A_231, %get3A_232] : memref<64x1xf32, #tpu.memory_space<vmem>>, vector<64x1xf32>
    %dot_general3A_234 = arith.constant dense<0.000000e+00> : vector<16384x1xf32>
    %dot_general3A_235 = tpu.matmul %add3A_230, %get3A_233, %dot_general3A_234 {dimension_numbers = #tpu.dot_dimension_numbers<[1], [0], [0], [1], [0, 0, 1, 1], [], []>, transpose_lhs_hint = false} : vector<16384x64xf32>, vector<64x1xf32>, vector<16384x1xf32> -> vector<16384x1xf32>
    %get3A_236 = arith.constant 0 : index
    %get3A_237 = arith.constant 0 : index
    %get3A_238 = vector.load %arg24[%get3A_236, %get3A_237] : memref<1x1xf32, #tpu.memory_space<vmem>>, vector<1x1xf32>
    %add3A_239 = vector.broadcast %get3A_238 : vector<1x1xf32> to vector<16384x1xf32>
    %add3A_240 = arith.addf %dot_general3A_235, %add3A_239 : vector<16384x1xf32>
    %logistic3A = arith.negf %add3A_240 : vector<16384x1xf32>
    %logistic3A_241 = math.exp %logistic3A : vector<16384x1xf32>
    %logistic3A_242 = arith.constant 1.000000e+00 : f32
    %logistic3A_243 = vector.broadcast %logistic3A_242 : f32 to vector<16384x1xf32>
    %logistic3A_244 = arith.addf %logistic3A_243, %logistic3A_241 : vector<16384x1xf32>
    %logistic3A_245 = arith.divf %logistic3A_243, %logistic3A_244 : vector<16384x1xf32>
    %swap3A = arith.constant 0 : index
    %swap3A_246 = arith.constant 0 : index
    %swap3A_247 = vector.load %arg25[%swap3A, %swap3A_246] : memref<16384x1xf32, #tpu.memory_space<vmem>>, vector<16384x1xf32>
    tpu.vector_store %arg25[%swap3A, %swap3A_246], %logistic3A_245 {strides = array<i32>} : memref<16384x1xf32, #tpu.memory_space<vmem>>, vector<16384x1xf32>,
    return
  }
}

</mosaic_0001>

<sc_bundles>
// kernel: kernel.4.cloned.1.call-start
scs
__scs_entry_jumppad:
0x0: {  	(pc) =	sbr.rel $0x88, $3  }
0x1: {  	(tag) =	ssettag $0x0;
	lr =	simm.s32 $0x1  }
0x2: {  	[smem:$0x3F88] =	sst lr;
	_ =	strace $0xD0000000  }
0x3: {  	_ = 	snop  }
0x4: {  	_ = 	snop  }
0x5: {  	_ = 	snop  }
0x6: {  	_ = 	snop  }
0x7: {  	_ = 	snop  }
__scs_overlays_trampoline_lowered:
0x8: {  	[smem:$0x3F97] =	sst s0  }
0x9: {  	[smem:$0x3F98] =	sst s1  }
0xa: {  	[smem:$0x3F99] =	sst s2  }
0xb: {  	[smem:$0x3F9A] =	sst s3  }
0xc: {  	[smem:$0x3F9B] =	sst s4  }
0xd: {  	[smem:$0x3F9C] =	sst s5  }
0xe: {  	[smem:$0x3F9D] =	sst s6  }
0xf: {  	[smem:$0x3F9E] =	sst s7  }
0x10: {  	[smem:$0x3F9F] =	sst s8  }
0x11: {  	[smem:$0x3FA0] =	sst s9;
	s0 =	simm.s32 @!p0 $0x0  }
0x12: {  	s1 =	sld [smem:$0x3F86];
	s0 =	simm.s32 @p0 $0x1  }
0x13: {  	[smem:$0x3FA1] =	sst s0;
	s0 =	simm.s32 @!p1 $0x0  }
0x14: {  	s2 =	sld [smem:$0x3F85];
	s0 =	simm.s32 @p1 $0x1  }
0x15: {  	[smem:$0x3FA2] =	sst s0;
	s0 =	simm.s32 @!p2 $0x0  }
0x16: {  	s3 =	sld [smem:$0x3FDB];
	s0 =	simm.s32 @p2 $0x1  }
0x17: {  	s4 =	simm.s32 $0x1BF5;
	[smem:$0x3FA4] =	sst s0  }
0x18: {  	s0 =	sld [smem:$0x3F87];
	_ =	swait.ge [sflag:s4], $0x0  }
0x19: {  	s7 =	sld [smem:$0x3F88]  }
0x1a: {  	s8 =	sadd.s32 $0xFFFFE003, lr  }
0x1b: {  	s9 =	sadd.s32 $0xFFFFFEF7, lr;
	s5 =	simm.s32 $0xFFFFFFFF;
	p2 =	slt.u32 s8, $0xFFFFF086  }
0x1c: {  	p1 =	slt.u32 s9, $0xF7A;
	s5 =	simm.s32 @!p2 $0x0  }
0x1d: {  	s5 =	simm.s32 @p1 $0x1;
	p0 =	seq.s32 s7, s2  }
0x1e: {  	s7 =	smul.u32 @!p0 $0xF7A, s2;
	p2 =	seq.s32 @!p0 s5, $0x0  }
0x1f: {  	s9 =	smul.u32 $0xF7A, s1;
	s8 =	simm.s32 @!p0 $0x1BF5;
	p2 =	por !p2, p0  }
0x20: {  	[sflag:s8] =	ssyncset.s32 @!p0 $0xFFFFF086;
	s6 =	sadd.s32 @!p0 s3, s7;
	s7 =	simm.s32 @!p0 $0x108  }
0x21: {  	s3 =	sadd.s32 s3, s9;
	s6 =	sadd.s32 @!p0 $0x88, s6;
	s7 =	simm.s32 @p2 $0x1082  }
0x22: {  	[simem:s7], [sflag:s8] =	dma.local @!p0 [hbm:s6], $0xF7A  }
0x23: {  	s9 =	sor.u32 $0xD0000000, s2;
	s6 =	simm.s32 $0x108;
	_ =	swait.ge @!p0 [sflag:s8], $0x0  }
0x24: {  	s3 =	sadd.s32 $0x88, s3;
	s6 =	simm.s32 @!p1 $0x1082;
	[sflag:s4] =	ssyncset.s32 $0xFFFFF086  }
0x25: {  	[simem:s6], [sflag:s4] =	dma.local [hbm:s3], $0xF7A  }
0x26: {  	[smem:$0x3F88] =	sst s1;
	(tag) =	ssettag s2;
	_ =	strace s9  }
0x27: {  	s1 =	sld [smem:$0x3F98]  }
0x28: {  	s2 =	sld [smem:$0x3F99]  }
0x29: {  	s4 =	sld [smem:$0x3F9B]  }
0x2a: {  	p0 =	seq.s32 s5, $0x0;
	s5 =	sld [smem:$0x3F9C]  }
0x2b: {  	s6 =	sld [smem:$0x3F9D]  }
0x2c: {  	s7 =	sld [smem:$0x3F9E]  }
0x2d: {  	s3 =	simm.s32 $0x108;
	s8 =	sld [smem:$0x3F9F]  }
0x2e: {  	s3 =	simm.s32 @!p0 $0x1082;
	s9 =	sld [smem:$0x3FA0]  }
0x2f: {  	lr =	sadd.s32 s0, s3;
	s0 =	sld [smem:$0x3F97]  }
0x30: {  	s3 =	sld [smem:$0x3F9A]  }
0x31: {  	[smem:$0x3FA3] =	sst s10  }
0x32: {  	s10 =	sld [smem:$0x3FA1];
	_ =	sdelay $0x3  }
0x33: {  	p0 =	seq.s32 s10, $0x1;
	s10 =	sld [smem:$0x3FA3];
	_ =	sdelay $0x3  }
0x34: {  	[smem:$0x3FA3] =	sst s10  }
0x35: {  	s10 =	sld [smem:$0x3FA2];
	_ =	sdelay $0x3  }
0x36: {  	p1 =	seq.s32 s10, $0x1;
	s10 =	sld [smem:$0x3FA3];
	_ =	sdelay $0x3  }
0x37: {  	[smem:$0x3FA3] =	sst s10  }
0x38: {  	s10 =	sld [smem:$0x3FA4]  }
0x39: {  	_ = 	snop;
	(pc) =	sbr.ind lr, $3  }
0x3a: {  	_ = 	snop  }
0x3b: {  	_ = 	snop  }
0x3c: {  	p2 =	seq.s32 s10, $0x1;
	s10 =	sld [smem:$0x3FA3]  }
0x3d: {  	_ =	shalt  }
0x3e: {  	_ =	shalt  }
0x3f: {  	_ =	shalt  }
0x40: {  	_ =	shalt  }
0x41: {  	_ =	shalt  }
0x42: {  	_ =	shalt  }
0x43: {  	_ =	shalt  }
0x44: {  	_ =	shalt  }
0x45: {  	_ =	shalt  }
0x46: {  	_ =	shalt  }
0x47: {  	_ =	shalt  }
0x48: {  	_ =	shalt  }
0x49: {  	_ =	shalt  }
0x4a: {  	_ =	shalt  }
0x4b: {  	_ =	shalt  }
0x4c: {  	_ =	shalt  }
0x4d: {  	_ =	shalt  }
0x4e: {  	_ =	shalt  }
0x4f: {  	_ =	shalt  }
0x50: {  	_ =	shalt  }
0x51: {  	_ =	shalt  }
0x52: {  	_ =	shalt  }
0x53: {  	_ =	shalt  }
0x54: {  	_ =	shalt  }
0x55: {  	_ =	shalt  }
0x56: {  	_ =	shalt  }
0x57: {  	_ =	shalt  }
0x58: {  	_ =	shalt  }
0x59: {  	_ =	shalt  }
0x5a: {  	_ =	shalt  }
0x5b: {  	_ =	shalt  }
0x5c: {  	_ =	shalt  }
0x5d: {  	_ =	shalt  }
0x5e: {  	_ =	shalt  }
0x5f: {  	_ =	shalt  }
0x60: {  	_ =	shalt  }
0x61: {  	_ =	shalt  }
0x62: {  	_ =	shalt  }
0x63: {  	_ =	shalt  }
0x64: {  	_ =	shalt  }
0x65: {  	_ =	shalt  }
0x66: {  	_ =	shalt  }
0x67: {  	_ =	shalt  }
0x68: {  	_ =	shalt  }
0x69: {  	_ =	shalt  }
0x6a: {  	_ =	shalt  }
0x6b: {  	_ =	shalt  }
0x6c: {  	_ =	shalt  }
0x6d: {  	_ =	shalt  }
0x6e: {  	_ =	shalt  }
0x6f: {  	_ =	shalt  }
0x70: {  	_ =	shalt  }
0x71: {  	_ =	shalt  }
0x72: {  	_ =	shalt  }
0x73: {  	_ =	shalt  }
0x74: {  	_ =	shalt  }
0x75: {  	_ =	shalt  }
0x76: {  	_ =	shalt  }
0x77: {  	_ =	shalt  }
0x78: {  	_ =	shalt  }
0x79: {  	_ =	shalt  }
0x7a: {  	_ =	shalt  }
0x7b: {  	_ =	shalt  }
0x7c: {  	_ =	shalt  }
0x7d: {  	_ =	shalt  }
0x7e: {  	_ =	shalt  }
0x7f: {  	_ =	shalt  }
0x80: {  	_ =	shalt  }
0x81: {  	_ =	shalt  }
0x82: {  	_ =	shalt  }
0x83: {  	_ =	shalt  }
0x84: {  	_ =	shalt  }
0x85: {  	_ =	shalt  }
0x86: {  	_ =	shalt  }
0x87: {  	_ =	shalt  }
.Lfunc_end0:
.L_simem_size_0:
called_computation_lowered:
.L_overlay_start_0:
0x88: {  	s2 =	sld [smem:$0x3FD9]  }
0x89: {  	s3 =	sld [smem:$0x3FFE];
	_ =	sdelay $0x1  }
0x8a: {  	s1 =	srdreg.scid  }
0x8b: {  	s0 =	sand.u32 $0x1, s1  }
0x8c: {  	s17 =	sshll.u32 s0, $0xA;
	s2 =	sadd.s32 s3, s2  }
0x8d: {  	s2 =	sadd.s32 s2, s17  }
0x8e: {  	[smem:$0x3FAF] =	sst s2  }
0x8f: {  	_ = 	snop  }
0x90: {  	s2 =	sld [smem:$0x3FC8]  }
0x91: {  	s18 =	sld [smem:$0x3FC7];
	(tm) =	ssettm $0x1  }
0x92: {  	s4 =	sld [smem:$0x3FFB];
	_ =	sdelay $0x3  }
0x93: {  	_ =	strace s4  }
0x94: {  	s4 =	sld [smem:$0x3FFC];
	_ =	sdelay $0x3  }
0x95: {  	_ =	strace s4  }
0x96: {  	s4 =	sld [smem:$0x3FFD];
	_ =	sdelay $0x3  }
0x97: {  	_ =	strace s4  }
0x98: {  	_ =	strace $0x8FFFFFFF  }
0x99: {  	s19 =	sld [smem:$0x3FDB];
	_ =	sdelay $0x1  }
0x9a: {  	s5 =	simm.s32 $_scs_section_size  }
0x9b: {  	s6 =	simm.s32 $_size__tile_overlayer_lowered;
	s7 =	simm.s32 $_tile_overlayer_lowered  }
0x9c: {  	s22 =	simm.s32 $0x1BFF;
	s21 =	sshll.u32 s7, $0x1;
	s4 =	sadd.s32 s5, s19  }
0x9d: {  	s8 =	simm.s32 $0x0;
	s20 =	sshll.u32 s6, $0x1;
	s6 =	sadd.s32 s21, s4  }
0x9e: {  	[timem:s8], [sflag:s22] =	dma.local [hbm:s6], s20  }
0x9f: {  	_ =	swait.ge [sflag:s22], s20  }
0xa0: {  	s5 =	ssub.s32 $0x0, s20;
	[sflag:s22] =	ssyncset.done $0x0  }
0xa1: {  	[sflag:s22] =	ssyncadd.s32 s5;
	_ =	sdelay $0x1  }
0xa2: {  	s23 =	simm.s32 $0x1B8B  }
0xa3: {  	_ =	swait.ge [sflag:s23], $0x1  }
0xa4: {  	[sflag:s23] =	ssyncset.done $0x0  }
0xa5: {  	s25 =	simm.s32 $0x1B8E;
	s24 =	sld [smem:$0x3FFE];
	[sflag:s23] =	ssyncadd.s32 $0xFFFFFFFF  }
0xa6: {  	s26 =	simm.s32 $execute0_lowered;
	[smem:$0x3FD2] =	sst s25  }
0xa7: {  	s6 =	sshll.u32 s26, $0x1;
	_ =	strace $0x80000046;
	[dreg:$0x1] =	wrdreg $0xFFFFFFFF  }
0xa8: {  	s28 =	simm.s32 $_size_execute0_lowered;
	s4 =	sadd.s32 s4, s6;
	[dreg:$0x0] =	wrdreg $0x0  }
0xa9: {  	s6 =	sshll.u32 s28, $0x1;
	[dreg:$0x2] =	wrdreg s4  }
0xaa: {  	[dreg:$0x3] =	wrdreg s6  }
0xab: {  	[dreg:$0x4] =	wrdreg $0xC0  }
0xac: {  	_ =	task [dreg:s8], $0x5FFFF  }
0xad: {  	[dreg:$0x1] =	wrdreg $0xFFFFFFFF  }
0xae: {  	[dreg:$0x0] =	wrdreg $0x60  }
0xaf: {  	[dreg:$0x2] =	wrdreg s2  }
0xb0: {  	[dreg:$0x3] =	wrdreg s18  }
0xb1: {  	[dreg:$0x4] =	wrdreg s24  }
0xb2: {  	[dreg:$0x5] =	wrdreg $0x9  }
0xb3: {  	_ =	task.clear_ibuf [dreg:s8], $0x6FFFF;
	_ =	strace $0x90000046  }
0xb4: {  	s29 =	simm.s32 $0x9;
	_ =	strace $0x80000048  }
0xb5: {  	_ =	swait.ge [sflag:s29], $0x1  }
0xb6: {  	[sflag:s29] =	ssyncadd.s32 $0xFFFFFFFF  }
0xb7: {  	_ =	strace $0x90000048  }
0xb8: {  	_ =	sfence  }
0xb9: {  	s30 =	sld [smem:$0x0];
	_ =	sdelay $0x2  }
0xba: {  	s31 =	sshll.u32 s1, $0xD;
	s1 =	sshrl.u32 s1, $0x2  }
0xbb: {  	s3 =	sand.u32 $0x4000, s31;
	s1 =	sadd.s32 s1, s30  }
0xbc: {  	s0 =	sor.u32 s3, s0;
	s1 =	sshll.u32 s1, $0x11  }
0xbd: {  	s0 =	sor.u32 s1, s0  }
0xbe: {  	s0 =	sadd.s32 $0x8F2B, s0  }
0xbf: {  	[sflag:s0] =	ssyncadd.remote.s32 $0x1  }
0xc0: {  	_ =	sfence.sel $0xFFFF  }
0xc1: {  	[dreg:$0x0] =	wrdreg $0xFFFFFFFF;
	(pc) =	sbr.abs _section_cstart, $3  }
0xc2: {  	[dreg:$0x1] =	wrdreg $0xFFFFFFFF  }
0xc3: {  	_ =	task.clear_ibuf [dreg:s8], $0x2FFFF;
	_ =	strace $0x9FFFFFFF  }
0xc4: {  	(tm) =	ssettm $0x7FFFFFFF  }
0xc5: {  	_ =	shalt  }
tec
execute0_lowered:
.L_overlay_start_1:
0x0: {  	(tag) =	ssettag $0x1  }
0x1: {  	s1 =	rddreg [dreg:$0x0]  }
0x2: {  	s2 =	rddreg [dreg:$0x1]  }
0x3: {  	s0 =	rddreg [dreg:$0x2];
	s3 =	simm.s32 $0x0;
	s4 =	srdreg.scid  }
0x4: {  	s6 =	stileid.u32;
	s15 =	simm.s32 $0x2000;
	s16 =	simm.s32 $0x7A1400  }
0x5: {  	s17 =	simm.s32 $0x5000;
	s18 =	simm.s32 $0x3;
	s19 =	simm.s32 $0x4000  }
0x6: {  	s20 =	simm.s32 $0x4800;
	s21 =	simm.s32 $0x1;
	s22 =	simm.s32 $0xD000  }
0x7: {  	s23 =	simm.s32 $0x15000;
	s24 =	simm.s32 $0x19000;
	[smem:$0x7FF] =	sst s3  }
0x8: {  	s5 =	sadd.s32 $0x3E00, s0;
	s4 =	sand.u32 $0x1, s4;
	s25 =	sadd.s32 $0x3600, s0  }
0x9: {  	s7 =	smul.u32 $0xF400, s6;
	_ =	strace $0x80000047;
	[dreg:$0x4] =	wrdreg s5  }
0xa: {  	s8 =	sadd.s32 $0x45200, s0;
	s9 =	sadd.s32 $0x4E00, s0;
	[dreg:$0x5] =	wrdreg s25  }
.Ltmp0:
0xb: {  	s26 =	ssub.s32 $0x2, s4;
	p0 =	seq.s32 s4, $0x1;
	(pc) =	sbr.rel .LBB2_1-.Ltmp0, $4  }
0xc: {  	s28 =	sshrl.u32 s26, $0x1;
	s29 =	sadd.s32 s1, s7;
	s30 =	sadd.s32 $0xF400, s7  }
0xd: {  	s6 =	sadd.s32 s2, s7;
	s31 =	sadd.s32 $0xF000, s7;
	[dreg:$0x6] =	wrdreg s29  }
0xe: {  	v3 =	vimm.s32 $0x0;
	v4 =	vlaneseq.u32;
	v5 =	vimm.s32 $0x4000;
	s0 =	ssub.s32 s26, s28;
	s11 =	sadd.s32 $0x800, s29;
	[dreg:$0x7] =	wrdreg s6  }
0xf: {  	v0 =	vmov s7;
	s13 =	sadd.s32 $0x800, s6;
	v1 =	vmov s30;
	v2 =	vmov s31;
	s26 =	simm.s32 $0x2;
	s14 =	smax.u32 s0, $0x1  }
.LBB2_41:
0x10: {  	p1 =	slt.s32 s28, $0x1  }
.Ltmp1:
0x11: {  	_ = 	snop;
	(pc) =	sbr.rel @p1 .LBB2_43-.Ltmp1, $2  }
0x12: {  	_ =	sdelay $0x2  }
0x13: {  	s0 =	smov.u32 s9  }
.LBB2_42:
0x14: {  	s4 =	simm.s32 $0x80  }
0x15: {  	[hbm4b:s0+s4] =	stream.indirect.scatter [tilespmem:s23], [sflag:$0x2], $0x80, s24, s4, $0xb8;
	[tilespmem:$0x19080] =	vst v63  }
0x16: {  	_ =	swait.ge [sflag:s26], $0x4000  }
0x17: {  	[sflag:s26] =	ssyncset.done $0x0  }
0x18: {  	[sflag:s26] =	ssyncadd.s32 $0xFFFFC000  }
0x19: {  	[tilespmem:$0x19000] =	vst v5  }
0x1a: {  	[tilespmem:$0x19010] =	vst v5  }
0x1b: {  	[tilespmem:$0x19020] =	vst v5  }
0x1c: {  	[tilespmem:$0x19030] =	vst v5  }
0x1d: {  	[tilespmem:$0x19040] =	vst v5  }
0x1e: {  	[tilespmem:$0x19050] =	vst v5  }
0x1f: {  	[tilespmem:$0x19060] =	vst v5  }
0x20: {  	[tilespmem:$0x19070] =	vst v5  }
.LBB2_43:
0x21: {  	s3 =	sadd.s32 $0x1, s3  }
0x22: {  	p1 =	sne.s32 s3, s14  }
.Ltmp2:
0x23: {  	_ = 	snop;
	(pc) =	sbr.rel @!p1 .LBB2_44-.Ltmp2, $1  }
0x24: {  	_ =	sdelay $0x3  }
.LBB2_1:
.Ltmp3:
0x25: {  	(pc) =	sbr.rel @!p0 .LBB2_2-.Ltmp3, $1  }
0x26: {  	_ =	sdelay $0x3  }
0x27: {  	s0 =	rddreg [dreg:$0x7]  }
0x28: {  	[tilespmem:s17], [sflag:$0x1] =	stream.strided.gather [hbm4b:s0+s15], $0x8000, s16, s15, $0x38;
	[tilespmem:$0x19080] =	vst v63  }
0x29: {  	s4 =	rddreg [dreg:$0x5];
	s0 =	simm.s32 $0x0  }
0x2a: {  	[tilespmem:s0], [sflag:$0x3] =	stream.linear.gather [hbm4b:s4+s0], $0x4000, $0x38;
	[tilespmem:$0x19080] =	vst v63  }
0x2b: {  	_ =	swait.ge [sflag:s18], $0x4000  }
0x2c: {  	[sflag:s18] =	ssyncset.done $0x0  }
0x2d: {  	[sflag:s18] =	ssyncadd.s32 $0xFFFFC000  }
0x2e: {  	v6 =	vld [tilespmem:s0+$0x0];
	_ =	sdelay $0x4  }
0x2f: {  	vm0 =	vge.s32 v6, v0;
	vm1 =	vlt.s32 v6, v1  }
0x30: {  	vm0 =	vmand vm0, vm1  }
0x31: {  	v7 =	vsel vm0, $0x1, v3  }
0x32: {  	(xrf0) =	vadd.scan.msk.s32 $0xffff, v7;
	_ =	sdelay $0x5  }
0x33: {  	v8, _, _ =	vpop (xrf0)  }
0x34: {  	v7 =	vsub.s32 v8, v7;
	(v2sf) =	vpush v8, $0xF  }
0x35: {  	v7 =	vadd.s32 s0, v7;
	_ =	sdelay $0x4  }
0x36: {  	[tilespmem:v7+s19+$0x0] =	vst.idx.msk vm0, v6;
	v6 =	vor.u32 s0, v4  }
0x37: {  	s4 =	simm.s32 $0x10;
	[tilespmem:v7+s20+$0x0] =	vst.idx.msk vm0, v6  }
0x38: {  	v6 =	vld [tilespmem:s4+$0x0];
	_ =	sdelay $0x4  }
0x39: {  	vm0 =	vge.s32 v6, v0;
	vm1 =	vlt.s32 v6, v1  }
0x3a: {  	vm0 =	vmand vm0, vm1  }
0x3b: {  	s5 =	simm.s32 $0x20;
	s6 =	simm.s32 $0x10;
	v7 =	vsel vm0, $0x1, v3;
	s25 =	spop (v2sf)  }
.LBB2_23:
0x3c: {  	p1 =	sne.s32 s5, $0x3FF0  }
0x3d: {  	(xrf0) =	vadd.scan.msk.s32 $0xffff, v7;
	s0 =	sadd.s32 s0, s25;
	s10 =	smov.u32 s5;
	s5 =	sadd.s32 $0x10, s5  }
0x3e: {  	_ =	sdelay $0x4  }
0x3f: {  	v8, _, _ =	vpop (xrf0)  }
0x40: {  	v7 =	vsub.s32 v8, v7;
	(v2sf) =	vpush v8, $0xF  }
0x41: {  	v7 =	vadd.s32 s0, v7;
	_ =	sdelay $0x4  }
0x42: {  	[tilespmem:v7+s19+$0x0] =	vst.idx.msk vm0, v6;
	v6 =	vor.u32 s4, v4;
	s4 =	smov.u32 s10  }
0x43: {  	s6 =	sadd.s32 $0x10, s6;
	[tilespmem:v7+s20+$0x0] =	vst.idx.msk vm0, v6  }
0x44: {  	v6 =	vld [tilespmem:s6+$0x0];
	_ =	sdelay $0x2  }
.Ltmp4:
0x45: {  	(pc) =	sbr.rel @p1 .LBB2_23-.Ltmp4, $4  }
0x46: {  	_ = 	snop  }
0x47: {  	vm0 =	vge.s32 v6, v0;
	vm1 =	vlt.s32 v6, v1  }
0x48: {  	vm0 =	vmand vm0, vm1  }
0x49: {  	v7 =	vsel vm0, $0x1, v3;
	s25 =	spop (v2sf)  }
0x4a: {  	(xrf0) =	vadd.scan.msk.s32 $0xffff, v7;
	_ =	sdelay $0x5  }
0x4b: {  	v8, _, _ =	vpop (xrf0)  }
0x4c: {  	(v2sf) =	vpush v8, $0xF;
	_ =	sdelay $0x8  }
0x4d: {  	s0 =	sadd.s32 s0, s25;
	v7 =	vsub.s32 v8, v7  }
0x4e: {  	v7 =	vadd.s32 s0, v7;
	_ =	sdelay $0x4  }
0x4f: {  	[tilespmem:v7+s19+$0x0] =	vst.idx.msk vm0, v6;
	v6 =	vor.u32 s4, v4;
	s12 =	spop (v2sf)  }
0x50: {  	[tilespmem:v7+s20+$0x0] =	vst.idx.msk vm0, v6;
	s0 =	sadd.s32 s0, s12  }
0x51: {  	[tilespmem:$0x19000] =	vst v5;
	s0 =	sadd.s32 $0xF, s0  }
0x52: {  	[tilespmem:$0x19010] =	vst v5;
	s25 =	sand.u32 $0xF, s0  }
0x53: {  	[tilespmem:$0x19020] =	vst v5;
	s5 =	sshra.s32 s0, $0x1F;
	p1 =	slt.s32 s0, $0x1;
	p2 =	sne.s32 s25, $0x0  }
.Ltmp5:
0x54: {  	[tilespmem:$0x19030] =	vst v5;
	s31 =	sshrl.u32 s5, $0x1C;
	p1 =	por !p1, !p2;
	(pc) =	sbr.rel .LBB2_25-.Ltmp5, $4  }
0x55: {  	s4 =	simm.s32 $0x1;
	[tilespmem:$0x19040] =	vst v5;
	s0 =	sadd.s32 s31, s0;
	p1 =	por !p1, !p1  }
0x56: {  	[tilespmem:$0x19050] =	vst v5;
	s0 =	sshra.s32 s0, $0x4;
	s4 =	simm.s32 @!p1 $0x0  }
0x57: {  	[tilespmem:$0x19060] =	vst v5;
	s29 =	ssub.s32 s0, s4  }
0x58: {  	s28 =	simm.s32 $0x0;
	s30 =	simm.s32 $0x0;
	[tilespmem:$0x19070] =	vst v5;
	p1 =	slt.s32 s29, $0x1  }
.LBB2_35:
0x59: {  	s30 =	sadd.s32 $0x1, s30  }
0x5a: {  	p2 =	sne.s32 s30, $0x1E  }
.Ltmp6:
0x5b: {  	_ = 	snop;
	(pc) =	sbr.rel @!p2 .LBB2_36-.Ltmp6, $1  }
0x5c: {  	_ =	sdelay $0x3  }
.LBB2_25:
.Ltmp7:
0x5d: {  	s0 =	sshll.u32 s30, $0xB;
	(pc) =	sbr.rel @p1 .LBB2_30-.Ltmp7, $4  }
0x5e: {  	_ =	swait.ge [sflag:s21], $0x8000;
	s4 =	sadd.s32 s0, s7  }
0x5f: {  	[sflag:s21] =	ssyncset.done $0x0;
	s31 =	sadd.s32 $0x400, s4  }
0x60: {  	[sflag:s21] =	ssyncadd.s32 $0xFFFF8000;
	s4 =	sadd.s32 s2, s31  }
0x61: {  	[tilespmem:s22], [sflag:$0x1] =	stream.strided.gather [hbm4b:s4+s15], $0x8000, s16, s15, $0x38;
	[tilespmem:$0x19080] =	vst v63  }
.Ltmp8:
0x62: {  	(pc) =	sbr.rel .LBB2_27-.Ltmp8, $3  }
0x63: {  	_ =	sdelay $0x1  }
0x64: {  	s4 =	sadd.s32 s7, s0  }
0x65: {  	s25 =	simm.s32 $0x4800;
	s5 =	smov.u32 s29;
	v6 =	vmov s4;
	s4 =	simm.s32 $0x4000  }
.LBB2_29:
0x66: {  	s28 =	sadd.s32 s28, s6  }
0x67: {  	p2 =	slt.s32 s28, $0x70  }
0x68: {  	s6 =	simm.s32 @!p2 $0x80;
	s10 =	simm.s32 @!p2 $0x19000;
	s12 =	simm.s32 @!p2 $0x15000  }
0x69: {  	[hbm4b:s9+s6] =	stream.indirect.scatter @!p2 [tilespmem:s12], [sflag:$0x2], $0x80, s10, s6, $0xb8;
	[tilespmem:$0x19080] =	vst v63  }
0x6a: {  	s6 =	simm.s32 @!p2 $0x2  }
0x6b: {  	_ =	swait.ge @!p2 [sflag:s6], $0x4000  }
0x6c: {  	[sflag:s6] =	ssyncset.done @!p2 $0x0  }
0x6d: {  	v7 =	vimm.s32 @!p2 $0x4000;
	[sflag:s6] =	ssyncadd.s32 @!p2 $0xFFFFC000  }
0x6e: {  	[tilespmem:$0x19000] =	vst @!p2 v7  }
0x6f: {  	s5 =	sadd.s32 $0xFFFFFFFF, s5;
	[tilespmem:$0x19010] =	vst @!p2 v7  }
0x70: {  	p3 =	sne.s32 s5, $0x0;
	[tilespmem:$0x19020] =	vst @!p2 v7  }
.Ltmp9:
0x71: {  	[tilespmem:$0x19030] =	vst @!p2 v7;
	(pc) =	sbr.rel @!p3 .LBB2_30-.Ltmp9, $4  }
0x72: {  	[tilespmem:$0x19040] =	vst @!p2 v7  }
0x73: {  	[tilespmem:$0x19050] =	vst @!p2 v7  }
0x74: {  	[tilespmem:$0x19060] =	vst @!p2 v7  }
0x75: {  	s4 =	sadd.s32 $0x10, s4;
	s25 =	sadd.s32 $0x10, s25;
	s28 =	simm.s32 @!p2 $0x0;
	[tilespmem:$0x19070] =	vst @!p2 v7  }
.LBB2_27:
0x76: {  	v7 =	vld [tilespmem:s4+$0x0];
	_ =	sdelay $0x4  }
0x77: {  	v8 =	vsub.s32 v7, v6  }
0x78: {  	vm0 =	vlt.u32 v8, $0x400  }
0x79: {  	v7 =	vsel vm0, $0x1, v3  }
0x7a: {  	(xrf0) =	vadd.scan.msk.s32 $0xffff, v7;
	_ =	sdelay $0x5  }
0x7b: {  	v7, _, _ =	vpop (xrf0)  }
0x7c: {  	(v2sf) =	vpush v7, $0xF;
	_ =	sdelay $0xe  }
0x7d: {  	s6 =	spop (v2sf)  }
0x7e: {  	p2 =	slt.s32 s6, $0x1  }
.Ltmp10:
0x7f: {  	_ = 	snop;
	(pc) =	sbr.rel @p2 .LBB2_29-.Ltmp10, $1  }
0x80: {  	_ =	sdelay $0x3  }
0x81: {  	v8 =	vnsel vm0, $0x0, v8  }
0x82: {  	v9 =	vshll.u32 v8, $0x3  }
0x83: {  	v8 =	vand.u32 $0x7F, v8;
	v9 =	vand.u32 $0xFFFFFC00, v9  }
0x84: {  	v8 =	vor.u32 v8, v9;
	_ =	sdelay $0x1  }
0x85: {  	v51 =	vsel vm0, $0xFFFFFFFF, v3  }
0x86: {  	v9 =	vadd.s32 s28, v51  }
0x87: {  	v7 =	vadd.s32 v7, v9  }
0x88: {  	v10 =	vshll.u32 v7, $0x7;
	v52 =	vld.idx.msk [tilespmem:v8+s17+$0x0], vm0  }
0x89: {  	v11 =	vor.u32 $0x80, v8;
	_ =	sdelay $0x3  }
0x8a: {  	v12 =	vld [tilespmem:s25+$0x0];
	[tilespmem:v10+s23+$0x0] =	vst.idx.msk vm0, v52  }
0x8b: {  	v53 =	vor.u32 $0x1, v10;
	v9 =	vld.idx.msk [tilespmem:v11+s17+$0x0], vm0  }
0x8c: {  	v13 =	vor.u32 $0x100, v8;
	_ =	sdelay $0x3  }
0x8d: {  	[tilespmem:v53+s23+$0x0] =	vst.idx.msk vm0, v9  }
0x8e: {  	v54 =	vor.u32 $0x2, v10;
	v9 =	vld.idx.msk [tilespmem:v13+s17+$0x0], vm0  }
0x8f: {  	v55 =	vor.u32 $0x180, v8;
	_ =	sdelay $0x3  }
0x90: {  	[tilespmem:v54+s23+$0x0] =	vst.idx.msk vm0, v9  }
0x91: {  	v56 =	vor.u32 $0x3, v10;
	v9 =	vld.idx.msk [tilespmem:v55+s17+$0x0], vm0  }
0x92: {  	v57 =	vor.u32 $0x200, v8;
	_ =	sdelay $0x3  }
0x93: {  	[tilespmem:v56+s23+$0x0] =	vst.idx.msk vm0, v9  }
0x94: {  	v58 =	vor.u32 $0x4, v10;
	v9 =	vld.idx.msk [tilespmem:v57+s17+$0x0], vm0  }
0x95: {  	v59 =	vor.u32 $0x280, v8;
	_ =	sdelay $0x3  }
0x96: {  	[tilespmem:v58+s23+$0x0] =	vst.idx.msk vm0, v9  }
0x97: {  	v60 =	vor.u32 $0x5, v10;
	v9 =	vld.idx.msk [tilespmem:v59+s17+$0x0], vm0  }
0x98: {  	v61 =	vor.u32 $0x300, v8;
	_ =	sdelay $0x3  }
0x99: {  	[tilespmem:v60+s23+$0x0] =	vst.idx.msk vm0, v9  }
0x9a: {  	v62 =	vor.u32 $0x6, v10;
	v9 =	vld.idx.msk [tilespmem:v61+s17+$0x0], vm0  }
0x9b: {  	v63 =	vor.u32 $0x380, v8;
	_ =	sdelay $0x3  }
0x9c: {  	[tilespmem:v62+s23+$0x0] =	vst.idx.msk vm0, v9  }
0x9d: {  	v16 =	vor.u32 $0x7, v10;
	v9 =	vld.idx.msk [tilespmem:v63+s17+$0x0], vm0  }
0x9e: {  	v17 =	vadd.s32 $0x2000, v8;
	_ =	sdelay $0x3  }
0x9f: {  	[tilespmem:v16+s23+$0x0] =	vst.idx.msk vm0, v9  }
0xa0: {  	v18 =	vor.u32 $0x8, v10;
	v9 =	vld.idx.msk [tilespmem:v17+s17+$0x0], vm0  }
0xa1: {  	v19 =	vadd.s32 $0x2080, v8;
	_ =	sdelay $0x3  }
0xa2: {  	[tilespmem:v18+s23+$0x0] =	vst.idx.msk vm0, v9  }
0xa3: {  	v20 =	vor.u32 $0x9, v10;
	v9 =	vld.idx.msk [tilespmem:v19+s17+$0x0], vm0  }
0xa4: {  	v21 =	vadd.s32 $0x2100, v8;
	_ =	sdelay $0x3  }
0xa5: {  	[tilespmem:v20+s23+$0x0] =	vst.idx.msk vm0, v9  }
0xa6: {  	v22 =	vor.u32 $0xA, v10;
	v9 =	vld.idx.msk [tilespmem:v21+s17+$0x0], vm0  }
0xa7: {  	v23 =	vadd.s32 $0x2180, v8;
	_ =	sdelay $0x3  }
0xa8: {  	[tilespmem:v22+s23+$0x0] =	vst.idx.msk vm0, v9  }
0xa9: {  	v24 =	vor.u32 $0xB, v10;
	v9 =	vld.idx.msk [tilespmem:v23+s17+$0x0], vm0  }
0xaa: {  	v25 =	vadd.s32 $0x2200, v8;
	_ =	sdelay $0x3  }
0xab: {  	[tilespmem:v24+s23+$0x0] =	vst.idx.msk vm0, v9  }
0xac: {  	v26 =	vor.u32 $0xC, v10;
	v9 =	vld.idx.msk [tilespmem:v25+s17+$0x0], vm0  }
0xad: {  	v27 =	vadd.s32 $0x2280, v8;
	_ =	sdelay $0x3  }
0xae: {  	[tilespmem:v26+s23+$0x0] =	vst.idx.msk vm0, v9  }
0xaf: {  	v28 =	vor.u32 $0xD, v10;
	v9 =	vld.idx.msk [tilespmem:v27+s17+$0x0], vm0  }
0xb0: {  	v29 =	vadd.s32 $0x2300, v8;
	_ =	sdelay $0x3  }
0xb1: {  	[tilespmem:v28+s23+$0x0] =	vst.idx.msk vm0, v9  }
0xb2: {  	v30 =	vor.u32 $0xE, v10;
	v9 =	vld.idx.msk [tilespmem:v29+s17+$0x0], vm0  }
0xb3: {  	v31 =	vadd.s32 $0x2380, v8;
	_ =	sdelay $0x3  }
0xb4: {  	[tilespmem:v30+s23+$0x0] =	vst.idx.msk vm0, v9  }
0xb5: {  	v32 =	vor.u32 $0xF, v10;
	v9 =	vld.idx.msk [tilespmem:v31+s17+$0x0], vm0  }
0xb6: {  	v33 =	vadd.s32 $0x4000, v8;
	_ =	sdelay $0x3  }
0xb7: {  	[tilespmem:v32+s23+$0x0] =	vst.idx.msk vm0, v9  }
0xb8: {  	v34 =	vor.u32 $0x10, v10;
	v9 =	vld.idx.msk [tilespmem:v33+s17+$0x0], vm0  }
0xb9: {  	v35 =	vadd.s32 $0x4080, v8;
	_ =	sdelay $0x3  }
0xba: {  	[tilespmem:v34+s23+$0x0] =	vst.idx.msk vm0, v9  }
0xbb: {  	v36 =	vor.u32 $0x11, v10;
	v9 =	vld.idx.msk [tilespmem:v35+s17+$0x0], vm0  }
0xbc: {  	v37 =	vadd.s32 $0x4100, v8;
	_ =	sdelay $0x3  }
0xbd: {  	[tilespmem:v36+s23+$0x0] =	vst.idx.msk vm0, v9  }
0xbe: {  	v38 =	vor.u32 $0x12, v10;
	v9 =	vld.idx.msk [tilespmem:v37+s17+$0x0], vm0  }
0xbf: {  	v39 =	vadd.s32 $0x4180, v8;
	_ =	sdelay $0x3  }
0xc0: {  	[tilespmem:v38+s23+$0x0] =	vst.idx.msk vm0, v9  }
0xc1: {  	v40 =	vor.u32 $0x13, v10;
	v9 =	vld.idx.msk [tilespmem:v39+s17+$0x0], vm0  }
0xc2: {  	v41 =	vadd.s32 $0x4200, v8;
	_ =	sdelay $0x3  }
0xc3: {  	[tilespmem:v40+s23+$0x0] =	vst.idx.msk vm0, v9  }
0xc4: {  	v42 =	vor.u32 $0x14, v10;
	v9 =	vld.idx.msk [tilespmem:v41+s17+$0x0], vm0  }
0xc5: {  	v43 =	vadd.s32 $0x4280, v8;
	_ =	sdelay $0x3  }
0xc6: {  	[tilespmem:v42+s23+$0x0] =	vst.idx.msk vm0, v9  }
0xc7: {  	v44 =	vor.u32 $0x15, v10;
	v9 =	vld.idx.msk [tilespmem:v43+s17+$0x0], vm0  }
0xc8: {  	v45 =	vadd.s32 $0x4300, v8;
	_ =	sdelay $0x3  }
0xc9: {  	[tilespmem:v44+s23+$0x0] =	vst.idx.msk vm0, v9  }
0xca: {  	v46 =	vor.u32 $0x16, v10;
	v9 =	vld.idx.msk [tilespmem:v45+s17+$0x0], vm0  }
0xcb: {  	v47 =	vadd.s32 $0x4380, v8;
	_ =	sdelay $0x3  }
0xcc: {  	[tilespmem:v46+s23+$0x0] =	vst.idx.msk vm0, v9  }
0xcd: {  	v48 =	vor.u32 $0x17, v10;
	v9 =	vld.idx.msk [tilespmem:v47+s17+$0x0], vm0  }
0xce: {  	v49 =	vadd.s32 $0x6000, v8;
	_ =	sdelay $0x3  }
0xcf: {  	[tilespmem:v48+s23+$0x0] =	vst.idx.msk vm0, v9  }
0xd0: {  	v50 =	vor.u32 $0x18, v10;
	v9 =	vld.idx.msk [tilespmem:v49+s17+$0x0], vm0  }
0xd1: {  	v51 =	vadd.s32 $0x6080, v8;
	_ =	sdelay $0x3  }
0xd2: {  	[tilespmem:v50+s23+$0x0] =	vst.idx.msk vm0, v9  }
0xd3: {  	v52 =	vor.u32 $0x19, v10;
	v9 =	vld.idx.msk [tilespmem:v51+s17+$0x0], vm0  }
0xd4: {  	v53 =	vadd.s32 $0x6100, v8;
	_ =	sdelay $0x3  }
0xd5: {  	[tilespmem:v52+s23+$0x0] =	vst.idx.msk vm0, v9  }
0xd6: {  	v54 =	vor.u32 $0x1A, v10;
	v9 =	vld.idx.msk [tilespmem:v53+s17+$0x0], vm0  }
0xd7: {  	v55 =	vadd.s32 $0x6180, v8;
	_ =	sdelay $0x3  }
0xd8: {  	[tilespmem:v54+s23+$0x0] =	vst.idx.msk vm0, v9  }
0xd9: {  	v56 =	vor.u32 $0x1B, v10;
	v9 =	vld.idx.msk [tilespmem:v55+s17+$0x0], vm0  }
0xda: {  	v57 =	vadd.s32 $0x6200, v8;
	_ =	sdelay $0x3  }
0xdb: {  	[tilespmem:v56+s23+$0x0] =	vst.idx.msk vm0, v9  }
0xdc: {  	v58 =	vor.u32 $0x1C, v10;
	v9 =	vld.idx.msk [tilespmem:v57+s17+$0x0], vm0  }
0xdd: {  	v59 =	vadd.s32 $0x6280, v8;
	_ =	sdelay $0x3  }
0xde: {  	[tilespmem:v58+s23+$0x0] =	vst.idx.msk vm0, v9  }
0xdf: {  	v60 =	vor.u32 $0x1D, v10;
	v9 =	vld.idx.msk [tilespmem:v59+s17+$0x0], vm0  }
0xe0: {  	v61 =	vadd.s32 $0x6300, v8;
	_ =	sdelay $0x3  }
0xe1: {  	[tilespmem:v60+s23+$0x0] =	vst.idx.msk vm0, v9  }
0xe2: {  	v62 =	vor.u32 $0x1E, v10;
	v9 =	vld.idx.msk [tilespmem:v61+s17+$0x0], vm0  }
0xe3: {  	v8 =	vadd.s32 $0x6380, v8;
	_ =	sdelay $0x3  }
0xe4: {  	[tilespmem:v62+s23+$0x0] =	vst.idx.msk vm0, v9  }
0xe5: {  	v63 =	vor.u32 $0x1F, v10;
	v8 =	vld.idx.msk [tilespmem:v8+s17+$0x0], vm0;
	_ =	sdelay $0x1  }
.Ltmp11:
0xe6: {  	_ = 	snop;
	(pc) =	sbr.rel .LBB2_29-.Ltmp11, $3  }
0xe7: {  	_ =	sdelay $0x1  }
0xe8: {  	[tilespmem:v63+s23+$0x0] =	vst.idx.msk vm0, v8  }
0xe9: {  	[tilespmem:v7+s24+$0x0] =	vst.idx.msk vm0, v12  }
.LBB2_30:
.Ltmp12:
0xea: {  	(pc) =	sbr.rel @p1 .LBB2_35-.Ltmp12, $4  }
0xeb: {  	_ =	swait.ge [sflag:s21], $0x8000  }
0xec: {  	[sflag:s21] =	ssyncset.done $0x0  }
0xed: {  	s0 =	sadd.s32 s0, s13;
	[sflag:s21] =	ssyncadd.s32 $0xFFFF8000  }
0xee: {  	[tilespmem:s17], [sflag:$0x1] =	stream.strided.gather [hbm4b:s0+s15], $0x8000, s16, s15, $0x38;
	[tilespmem:$0x19080] =	vst v63  }
.Ltmp13:
0xef: {  	(pc) =	sbr.rel .LBB2_32-.Ltmp13, $2  }
0xf0: {  	_ =	sdelay $0x2  }
0xf1: {  	v6 =	vmov s31;
	s0 =	simm.s32 $0x4000;
	s4 =	simm.s32 $0x4800;
	s5 =	smov.u32 s29  }
.LBB2_34:
0xf2: {  	s28 =	sadd.s32 s28, s6  }
0xf3: {  	p2 =	slt.s32 s28, $0x70  }
0xf4: {  	s6 =	simm.s32 @!p2 $0x80;
	s10 =	simm.s32 @!p2 $0x19000;
	s12 =	simm.s32 @!p2 $0x15000  }
0xf5: {  	[hbm4b:s9+s6] =	stream.indirect.scatter @!p2 [tilespmem:s12], [sflag:$0x2], $0x80, s10, s6, $0xb8;
	[tilespmem:$0x19080] =	vst v63  }
0xf6: {  	s6 =	simm.s32 @!p2 $0x2  }
0xf7: {  	_ =	swait.ge @!p2 [sflag:s6], $0x4000  }
0xf8: {  	[sflag:s6] =	ssyncset.done @!p2 $0x0  }
0xf9: {  	v7 =	vimm.s32 @!p2 $0x4000;
	[sflag:s6] =	ssyncadd.s32 @!p2 $0xFFFFC000  }
0xfa: {  	[tilespmem:$0x19000] =	vst @!p2 v7  }
0xfb: {  	s5 =	sadd.s32 $0xFFFFFFFF, s5;
	[tilespmem:$0x19010] =	vst @!p2 v7  }
0xfc: {  	p3 =	sne.s32 s5, $0x0;
	[tilespmem:$0x19020] =	vst @!p2 v7  }
.Ltmp14:
0xfd: {  	[tilespmem:$0x19030] =	vst @!p2 v7;
	(pc) =	sbr.rel @!p3 .LBB2_35-.Ltmp14, $4  }
0xfe: {  	[tilespmem:$0x19040] =	vst @!p2 v7  }
0xff: {  	[tilespmem:$0x19050] =	vst @!p2 v7  }
0x100: {  	[tilespmem:$0x19060] =	vst @!p2 v7  }
0x101: {  	s0 =	sadd.s32 $0x10, s0;
	s4 =	sadd.s32 $0x10, s4;
	s28 =	simm.s32 @!p2 $0x0;
	[tilespmem:$0x19070] =	vst @!p2 v7  }
.LBB2_32:
0x102: {  	v7 =	vld [tilespmem:s0+$0x0];
	_ =	sdelay $0x4  }
0x103: {  	v8 =	vsub.s32 v7, v6  }
0x104: {  	vm0 =	vlt.u32 v8, $0x400  }
0x105: {  	v7 =	vsel vm0, $0x1, v3  }
0x106: {  	(xrf0) =	vadd.scan.msk.s32 $0xffff, v7;
	_ =	sdelay $0x5  }
0x107: {  	v7, _, _ =	vpop (xrf0)  }
0x108: {  	(v2sf) =	vpush v7, $0xF;
	_ =	sdelay $0xe  }
0x109: {  	s6 =	spop (v2sf)  }
0x10a: {  	p2 =	slt.s32 s6, $0x1  }
.Ltmp15:
0x10b: {  	_ = 	snop;
	(pc) =	sbr.rel @p2 .LBB2_34-.Ltmp15, $1  }
0x10c: {  	_ =	sdelay $0x3  }
0x10d: {  	v8 =	vnsel vm0, $0x0, v8  }
0x10e: {  	v9 =	vshll.u32 v8, $0x3  }
0x10f: {  	v8 =	vand.u32 $0x7F, v8;
	v9 =	vand.u32 $0xFFFFFC00, v9  }
0x110: {  	v8 =	vor.u32 v8, v9;
	_ =	sdelay $0x1  }
0x111: {  	v51 =	vsel vm0, $0xFFFFFFFF, v3  }
0x112: {  	v9 =	vadd.s32 s28, v51  }
0x113: {  	v7 =	vadd.s32 v7, v9  }
0x114: {  	v10 =	vshll.u32 v7, $0x7;
	v52 =	vld.idx.msk [tilespmem:v8+s22+$0x0], vm0  }
0x115: {  	v11 =	vor.u32 $0x80, v8;
	_ =	sdelay $0x3  }
0x116: {  	v12 =	vld [tilespmem:s4+$0x0];
	[tilespmem:v10+s23+$0x0] =	vst.idx.msk vm0, v52  }
0x117: {  	v53 =	vor.u32 $0x1, v10;
	v9 =	vld.idx.msk [tilespmem:v11+s22+$0x0], vm0  }
0x118: {  	v13 =	vor.u32 $0x100, v8;
	_ =	sdelay $0x3  }
0x119: {  	[tilespmem:v53+s23+$0x0] =	vst.idx.msk vm0, v9  }
0x11a: {  	v54 =	vor.u32 $0x2, v10;
	v9 =	vld.idx.msk [tilespmem:v13+s22+$0x0], vm0  }
0x11b: {  	v55 =	vor.u32 $0x180, v8;
	_ =	sdelay $0x3  }
0x11c: {  	[tilespmem:v54+s23+$0x0] =	vst.idx.msk vm0, v9  }
0x11d: {  	v56 =	vor.u32 $0x3, v10;
	v9 =	vld.idx.msk [tilespmem:v55+s22+$0x0], vm0  }
0x11e: {  	v57 =	vor.u32 $0x200, v8;
	_ =	sdelay $0x3  }
0x11f: {  	[tilespmem:v56+s23+$0x0] =	vst.idx.msk vm0, v9  }
0x120: {  	v58 =	vor.u32 $0x4, v10;
	v9 =	vld.idx.msk [tilespmem:v57+s22+$0x0], vm0  }
0x121: {  	v59 =	vor.u32 $0x280, v8;
	_ =	sdelay $0x3  }
0x122: {  	[tilespmem:v58+s23+$0x0] =	vst.idx.msk vm0, v9  }
0x123: {  	v60 =	vor.u32 $0x5, v10;
	v9 =	vld.idx.msk [tilespmem:v59+s22+$0x0], vm0  }
0x124: {  	v61 =	vor.u32 $0x300, v8;
	_ =	sdelay $0x3  }
0x125: {  	[tilespmem:v60+s23+$0x0] =	vst.idx.msk vm0, v9  }
0x126: {  	v62 =	vor.u32 $0x6, v10;
	v9 =	vld.idx.msk [tilespmem:v61+s22+$0x0], vm0  }
0x127: {  	v63 =	vor.u32 $0x380, v8;
	_ =	sdelay $0x3  }
0x128: {  	[tilespmem:v62+s23+$0x0] =	vst.idx.msk vm0, v9  }
0x129: {  	v16 =	vor.u32 $0x7, v10;
	v9 =	vld.idx.msk [tilespmem:v63+s22+$0x0], vm0  }
0x12a: {  	v17 =	vadd.s32 $0x2000, v8;
	_ =	sdelay $0x3  }
0x12b: {  	[tilespmem:v16+s23+$0x0] =	vst.idx.msk vm0, v9  }
0x12c: {  	v18 =	vor.u32 $0x8, v10;
	v9 =	vld.idx.msk [tilespmem:v17+s22+$0x0], vm0  }
0x12d: {  	v19 =	vadd.s32 $0x2080, v8;
	_ =	sdelay $0x3  }
0x12e: {  	[tilespmem:v18+s23+$0x0] =	vst.idx.msk vm0, v9  }
0x12f: {  	v20 =	vor.u32 $0x9, v10;
	v9 =	vld.idx.msk [tilespmem:v19+s22+$0x0], vm0  }
0x130: {  	v21 =	vadd.s32 $0x2100, v8;
	_ =	sdelay $0x3  }
0x131: {  	[tilespmem:v20+s23+$0x0] =	vst.idx.msk vm0, v9  }
0x132: {  	v22 =	vor.u32 $0xA, v10;
	v9 =	vld.idx.msk [tilespmem:v21+s22+$0x0], vm0  }
0x133: {  	v23 =	vadd.s32 $0x2180, v8;
	_ =	sdelay $0x3  }
0x134: {  	[tilespmem:v22+s23+$0x0] =	vst.idx.msk vm0, v9  }
0x135: {  	v24 =	vor.u32 $0xB, v10;
	v9 =	vld.idx.msk [tilespmem:v23+s22+$0x0], vm0  }
0x136: {  	v25 =	vadd.s32 $0x2200, v8;
	_ =	sdelay $0x3  }
0x137: {  	[tilespmem:v24+s23+$0x0] =	vst.idx.msk vm0, v9  }
0x138: {  	v26 =	vor.u32 $0xC, v10;
	v9 =	vld.idx.msk [tilespmem:v25+s22+$0x0], vm0  }
0x139: {  	v27 =	vadd.s32 $0x2280, v8;
	_ =	sdelay $0x3  }
0x13a: {  	[tilespmem:v26+s23+$0x0] =	vst.idx.msk vm0, v9  }
0x13b: {  	v28 =	vor.u32 $0xD, v10;
	v9 =	vld.idx.msk [tilespmem:v27+s22+$0x0], vm0  }
0x13c: {  	v29 =	vadd.s32 $0x2300, v8;
	_ =	sdelay $0x3  }
0x13d: {  	[tilespmem:v28+s23+$0x0] =	vst.idx.msk vm0, v9  }
0x13e: {  	v30 =	vor.u32 $0xE, v10;
	v9 =	vld.idx.msk [tilespmem:v29+s22+$0x0], vm0  }
0x13f: {  	v31 =	vadd.s32 $0x2380, v8;
	_ =	sdelay $0x3  }
0x140: {  	[tilespmem:v30+s23+$0x0] =	vst.idx.msk vm0, v9  }
0x141: {  	v32 =	vor.u32 $0xF, v10;
	v9 =	vld.idx.msk [tilespmem:v31+s22+$0x0], vm0  }
0x142: {  	v33 =	vadd.s32 $0x4000, v8;
	_ =	sdelay $0x3  }
0x143: {  	[tilespmem:v32+s23+$0x0] =	vst.idx.msk vm0, v9  }
0x144: {  	v34 =	vor.u32 $0x10, v10;
	v9 =	vld.idx.msk [tilespmem:v33+s22+$0x0], vm0  }
0x145: {  	v35 =	vadd.s32 $0x4080, v8;
	_ =	sdelay $0x3  }
0x146: {  	[tilespmem:v34+s23+$0x0] =	vst.idx.msk vm0, v9  }
0x147: {  	v36 =	vor.u32 $0x11, v10;
	v9 =	vld.idx.msk [tilespmem:v35+s22+$0x0], vm0  }
0x148: {  	v37 =	vadd.s32 $0x4100, v8;
	_ =	sdelay $0x3  }
0x149: {  	[tilespmem:v36+s23+$0x0] =	vst.idx.msk vm0, v9  }
0x14a: {  	v38 =	vor.u32 $0x12, v10;
	v9 =	vld.idx.msk [tilespmem:v37+s22+$0x0], vm0  }
0x14b: {  	v39 =	vadd.s32 $0x4180, v8;
	_ =	sdelay $0x3  }
0x14c: {  	[tilespmem:v38+s23+$0x0] =	vst.idx.msk vm0, v9  }
0x14d: {  	v40 =	vor.u32 $0x13, v10;
	v9 =	vld.idx.msk [tilespmem:v39+s22+$0x0], vm0  }
0x14e: {  	v41 =	vadd.s32 $0x4200, v8;
	_ =	sdelay $0x3  }
0x14f: {  	[tilespmem:v40+s23+$0x0] =	vst.idx.msk vm0, v9  }
0x150: {  	v42 =	vor.u32 $0x14, v10;
	v9 =	vld.idx.msk [tilespmem:v41+s22+$0x0], vm0  }
0x151: {  	v43 =	vadd.s32 $0x4280, v8;
	_ =	sdelay $0x3  }
0x152: {  	[tilespmem:v42+s23+$0x0] =	vst.idx.msk vm0, v9  }
0x153: {  	v44 =	vor.u32 $0x15, v10;
	v9 =	vld.idx.msk [tilespmem:v43+s22+$0x0], vm0  }
0x154: {  	v45 =	vadd.s32 $0x4300, v8;
	_ =	sdelay $0x3  }
0x155: {  	[tilespmem:v44+s23+$0x0] =	vst.idx.msk vm0, v9  }
0x156: {  	v46 =	vor.u32 $0x16, v10;
	v9 =	vld.idx.msk [tilespmem:v45+s22+$0x0], vm0  }
0x157: {  	v47 =	vadd.s32 $0x4380, v8;
	_ =	sdelay $0x3  }
0x158: {  	[tilespmem:v46+s23+$0x0] =	vst.idx.msk vm0, v9  }
0x159: {  	v48 =	vor.u32 $0x17, v10;
	v9 =	vld.idx.msk [tilespmem:v47+s22+$0x0], vm0  }
0x15a: {  	v49 =	vadd.s32 $0x6000, v8;
	_ =	sdelay $0x3  }
0x15b: {  	[tilespmem:v48+s23+$0x0] =	vst.idx.msk vm0, v9  }
0x15c: {  	v50 =	vor.u32 $0x18, v10;
	v9 =	vld.idx.msk [tilespmem:v49+s22+$0x0], vm0  }
0x15d: {  	v51 =	vadd.s32 $0x6080, v8;
	_ =	sdelay $0x3  }
0x15e: {  	[tilespmem:v50+s23+$0x0] =	vst.idx.msk vm0, v9  }
0x15f: {  	v52 =	vor.u32 $0x19, v10;
	v9 =	vld.idx.msk [tilespmem:v51+s22+$0x0], vm0  }
0x160: {  	v53 =	vadd.s32 $0x6100, v8;
	_ =	sdelay $0x3  }
0x161: {  	[tilespmem:v52+s23+$0x0] =	vst.idx.msk vm0, v9  }
0x162: {  	v54 =	vor.u32 $0x1A, v10;
	v9 =	vld.idx.msk [tilespmem:v53+s22+$0x0], vm0  }
0x163: {  	v55 =	vadd.s32 $0x6180, v8;
	_ =	sdelay $0x3  }
0x164: {  	[tilespmem:v54+s23+$0x0] =	vst.idx.msk vm0, v9  }
0x165: {  	v56 =	vor.u32 $0x1B, v10;
	v9 =	vld.idx.msk [tilespmem:v55+s22+$0x0], vm0  }
0x166: {  	v57 =	vadd.s32 $0x6200, v8;
	_ =	sdelay $0x3  }
0x167: {  	[tilespmem:v56+s23+$0x0] =	vst.idx.msk vm0, v9  }
0x168: {  	v58 =	vor.u32 $0x1C, v10;
	v9 =	vld.idx.msk [tilespmem:v57+s22+$0x0], vm0  }
0x169: {  	v59 =	vadd.s32 $0x6280, v8;
	_ =	sdelay $0x3  }
0x16a: {  	[tilespmem:v58+s23+$0x0] =	vst.idx.msk vm0, v9  }
0x16b: {  	v60 =	vor.u32 $0x1D, v10;
	v9 =	vld.idx.msk [tilespmem:v59+s22+$0x0], vm0  }
0x16c: {  	v61 =	vadd.s32 $0x6300, v8;
	_ =	sdelay $0x3  }
0x16d: {  	[tilespmem:v60+s23+$0x0] =	vst.idx.msk vm0, v9  }
0x16e: {  	v62 =	vor.u32 $0x1E, v10;
	v9 =	vld.idx.msk [tilespmem:v61+s22+$0x0], vm0  }
0x16f: {  	v8 =	vadd.s32 $0x6380, v8;
	_ =	sdelay $0x3  }
0x170: {  	[tilespmem:v62+s23+$0x0] =	vst.idx.msk vm0, v9  }
0x171: {  	v63 =	vor.u32 $0x1F, v10;
	v8 =	vld.idx.msk [tilespmem:v8+s22+$0x0], vm0;
	_ =	sdelay $0x1  }
.Ltmp16:
0x172: {  	_ = 	snop;
	(pc) =	sbr.rel .LBB2_34-.Ltmp16, $3  }
0x173: {  	_ =	sdelay $0x1  }
0x174: {  	[tilespmem:v63+s23+$0x0] =	vst.idx.msk vm0, v8  }
0x175: {  	[tilespmem:v7+s24+$0x0] =	vst.idx.msk vm0, v12  }
.LBB2_2:
0x176: {  	s0 =	rddreg [dreg:$0x6]  }
0x177: {  	[tilespmem:s17], [sflag:$0x1] =	stream.strided.gather [hbm4b:s0+s15], $0x8000, s16, s15, $0x38;
	[tilespmem:$0x19080] =	vst v63  }
0x178: {  	s4 =	rddreg [dreg:$0x4];
	s0 =	simm.s32 $0x0  }
0x179: {  	[tilespmem:s0], [sflag:$0x3] =	stream.linear.gather [hbm4b:s4+s0], $0x4000, $0x38;
	[tilespmem:$0x19080] =	vst v63  }
0x17a: {  	_ =	swait.ge [sflag:s18], $0x4000  }
0x17b: {  	[sflag:s18] =	ssyncset.done $0x0  }
0x17c: {  	[sflag:s18] =	ssyncadd.s32 $0xFFFFC000  }
0x17d: {  	v6 =	vld [tilespmem:s0+$0x0];
	_ =	sdelay $0x4  }
0x17e: {  	vm0 =	vge.s32 v6, v0;
	vm1 =	vlt.s32 v6, v1  }
0x17f: {  	vm0 =	vmand vm0, vm1  }
0x180: {  	v7 =	vsel vm0, $0x1, v3  }
0x181: {  	(xrf0) =	vadd.scan.msk.s32 $0xffff, v7;
	_ =	sdelay $0x5  }
0x182: {  	v8, _, _ =	vpop (xrf0)  }
0x183: {  	v7 =	vsub.s32 v8, v7;
	(v2sf) =	vpush v8, $0xF  }
0x184: {  	v7 =	vadd.s32 s0, v7;
	_ =	sdelay $0x4  }
0x185: {  	[tilespmem:v7+s19+$0x0] =	vst.idx.msk vm0, v6;
	v6 =	vor.u32 s0, v4  }
0x186: {  	s4 =	simm.s32 $0x10;
	[tilespmem:v7+s20+$0x0] =	vst.idx.msk vm0, v6  }
0x187: {  	v6 =	vld [tilespmem:s4+$0x0];
	_ =	sdelay $0x4  }
0x188: {  	vm0 =	vge.s32 v6, v0;
	vm1 =	vlt.s32 v6, v1  }
0x189: {  	vm0 =	vmand vm0, vm1  }
0x18a: {  	s5 =	simm.s32 $0x20;
	s6 =	simm.s32 $0x10;
	v7 =	vsel vm0, $0x1, v3;
	s25 =	spop (v2sf)  }
.LBB2_3:
0x18b: {  	p1 =	sne.s32 s5, $0x3FF0  }
0x18c: {  	(xrf0) =	vadd.scan.msk.s32 $0xffff, v7;
	s0 =	sadd.s32 s0, s25;
	s25 =	smov.u32 s5;
	s5 =	sadd.s32 $0x10, s5  }
0x18d: {  	_ =	sdelay $0x4  }
0x18e: {  	v8, _, _ =	vpop (xrf0)  }
0x18f: {  	v7 =	vsub.s32 v8, v7;
	(v2sf) =	vpush v8, $0xF  }
0x190: {  	v7 =	vadd.s32 s0, v7;
	_ =	sdelay $0x4  }
0x191: {  	[tilespmem:v7+s19+$0x0] =	vst.idx.msk vm0, v6;
	v6 =	vor.u32 s4, v4;
	s4 =	smov.u32 s25  }
0x192: {  	s6 =	sadd.s32 $0x10, s6;
	[tilespmem:v7+s20+$0x0] =	vst.idx.msk vm0, v6  }
0x193: {  	v6 =	vld [tilespmem:s6+$0x0];
	_ =	sdelay $0x2  }
.Ltmp17:
0x194: {  	(pc) =	sbr.rel @p1 .LBB2_3-.Ltmp17, $4  }
0x195: {  	_ = 	snop  }
0x196: {  	vm0 =	vge.s32 v6, v0;
	vm1 =	vlt.s32 v6, v1  }
0x197: {  	vm0 =	vmand vm0, vm1  }
0x198: {  	v7 =	vsel vm0, $0x1, v3;
	s25 =	spop (v2sf)  }
0x199: {  	(xrf0) =	vadd.scan.msk.s32 $0xffff, v7;
	_ =	sdelay $0x5  }
0x19a: {  	v8, _, _ =	vpop (xrf0)  }
0x19b: {  	(v2sf) =	vpush v8, $0xF;
	_ =	sdelay $0x8  }
0x19c: {  	s0 =	sadd.s32 s0, s25;
	v7 =	vsub.s32 v8, v7  }
0x19d: {  	v7 =	vadd.s32 s0, v7;
	_ =	sdelay $0x4  }
0x19e: {  	[tilespmem:v7+s19+$0x0] =	vst.idx.msk vm0, v6;
	v6 =	vor.u32 s4, v4;
	s25 =	spop (v2sf)  }
0x19f: {  	[tilespmem:v7+s20+$0x0] =	vst.idx.msk vm0, v6;
	s0 =	sadd.s32 s0, s25  }
0x1a0: {  	[tilespmem:$0x19000] =	vst v5;
	s0 =	sadd.s32 $0xF, s0  }
0x1a1: {  	[tilespmem:$0x19010] =	vst v5;
	s29 =	sand.u32 $0xF, s0  }
0x1a2: {  	[tilespmem:$0x19020] =	vst v5;
	s5 =	sshra.s32 s0, $0x1F;
	p1 =	slt.s32 s0, $0x1;
	p2 =	sne.s32 s29, $0x0  }
.Ltmp18:
0x1a3: {  	[tilespmem:$0x19030] =	vst v5;
	s31 =	sshrl.u32 s5, $0x1C;
	p1 =	por !p1, !p2;
	(pc) =	sbr.rel .LBB2_5-.Ltmp18, $4  }
0x1a4: {  	s4 =	simm.s32 $0x1;
	[tilespmem:$0x19040] =	vst v5;
	s0 =	sadd.s32 s31, s0;
	p1 =	por !p1, !p1  }
0x1a5: {  	[tilespmem:$0x19050] =	vst v5;
	s0 =	sshra.s32 s0, $0x4;
	s4 =	simm.s32 @!p1 $0x0  }
0x1a6: {  	[tilespmem:$0x19060] =	vst v5;
	s5 =	ssub.s32 s0, s4  }
0x1a7: {  	s28 =	simm.s32 $0x0;
	s30 =	simm.s32 $0x0;
	[tilespmem:$0x19070] =	vst v5;
	p1 =	slt.s32 s5, $0x1  }
.LBB2_15:
0x1a8: {  	s30 =	sadd.s32 $0x1, s30  }
0x1a9: {  	p2 =	sne.s32 s30, $0x1E  }
.Ltmp19:
0x1aa: {  	_ = 	snop;
	(pc) =	sbr.rel @!p2 .LBB2_16-.Ltmp19, $1  }
0x1ab: {  	_ =	sdelay $0x3  }
.LBB2_5:
.Ltmp20:
0x1ac: {  	s31 =	sshll.u32 s30, $0xB;
	(pc) =	sbr.rel @p1 .LBB2_10-.Ltmp20, $4  }
0x1ad: {  	_ =	swait.ge [sflag:s21], $0x8000;
	s0 =	sadd.s32 s31, s7  }
0x1ae: {  	[sflag:s21] =	ssyncset.done $0x0;
	s0 =	sadd.s32 $0x400, s0  }
0x1af: {  	[sflag:s21] =	ssyncadd.s32 $0xFFFF8000;
	s4 =	sadd.s32 s1, s0  }
0x1b0: {  	[tilespmem:s22], [sflag:$0x1] =	stream.strided.gather [hbm4b:s4+s15], $0x8000, s16, s15, $0x38;
	[tilespmem:$0x19080] =	vst v63  }
.Ltmp21:
0x1b1: {  	(pc) =	sbr.rel .LBB2_7-.Ltmp21, $3  }
0x1b2: {  	_ =	sdelay $0x1  }
0x1b3: {  	s4 =	sadd.s32 s7, s31  }
0x1b4: {  	s25 =	simm.s32 $0x4800;
	s29 =	smov.u32 s5;
	v6 =	vmov s4;
	s4 =	simm.s32 $0x4000  }
.LBB2_9:
0x1b5: {  	s28 =	sadd.s32 s28, s6  }
0x1b6: {  	p2 =	slt.s32 s28, $0x70  }
0x1b7: {  	s6 =	simm.s32 @!p2 $0x80;
	s10 =	simm.s32 @!p2 $0x19000;
	s12 =	simm.s32 @!p2 $0x15000  }
0x1b8: {  	[hbm4b:s8+s6] =	stream.indirect.scatter @!p2 [tilespmem:s12], [sflag:$0x2], $0x80, s10, s6, $0xb8;
	[tilespmem:$0x19080] =	vst v63  }
0x1b9: {  	s6 =	simm.s32 @!p2 $0x2  }
0x1ba: {  	_ =	swait.ge @!p2 [sflag:s6], $0x4000  }
0x1bb: {  	[sflag:s6] =	ssyncset.done @!p2 $0x0  }
0x1bc: {  	v7 =	vimm.s32 @!p2 $0x4000;
	[sflag:s6] =	ssyncadd.s32 @!p2 $0xFFFFC000  }
0x1bd: {  	[tilespmem:$0x19000] =	vst @!p2 v7  }
0x1be: {  	s29 =	sadd.s32 $0xFFFFFFFF, s29;
	[tilespmem:$0x19010] =	vst @!p2 v7  }
0x1bf: {  	p3 =	sne.s32 s29, $0x0;
	[tilespmem:$0x19020] =	vst @!p2 v7  }
.Ltmp22:
0x1c0: {  	[tilespmem:$0x19030] =	vst @!p2 v7;
	(pc) =	sbr.rel @!p3 .LBB2_10-.Ltmp22, $4  }
0x1c1: {  	[tilespmem:$0x19040] =	vst @!p2 v7  }
0x1c2: {  	[tilespmem:$0x19050] =	vst @!p2 v7  }
0x1c3: {  	[tilespmem:$0x19060] =	vst @!p2 v7  }
0x1c4: {  	s4 =	sadd.s32 $0x10, s4;
	s25 =	sadd.s32 $0x10, s25;
	s28 =	simm.s32 @!p2 $0x0;
	[tilespmem:$0x19070] =	vst @!p2 v7  }
.LBB2_7:
0x1c5: {  	v7 =	vld [tilespmem:s4+$0x0];
	_ =	sdelay $0x4  }
0x1c6: {  	v8 =	vsub.s32 v7, v6  }
0x1c7: {  	vm0 =	vlt.u32 v8, $0x400  }
0x1c8: {  	v7 =	vsel vm0, $0x1, v3  }
0x1c9: {  	(xrf0) =	vadd.scan.msk.s32 $0xffff, v7;
	_ =	sdelay $0x5  }
0x1ca: {  	v7, _, _ =	vpop (xrf0)  }
0x1cb: {  	(v2sf) =	vpush v7, $0xF;
	_ =	sdelay $0xe  }
0x1cc: {  	s6 =	spop (v2sf)  }
0x1cd: {  	p2 =	slt.s32 s6, $0x1  }
.Ltmp23:
0x1ce: {  	_ = 	snop;
	(pc) =	sbr.rel @p2 .LBB2_9-.Ltmp23, $1  }
0x1cf: {  	_ =	sdelay $0x3  }
0x1d0: {  	v8 =	vnsel vm0, $0x0, v8  }
0x1d1: {  	v9 =	vshll.u32 v8, $0x3  }
0x1d2: {  	v8 =	vand.u32 $0x7F, v8;
	v9 =	vand.u32 $0xFFFFFC00, v9  }
0x1d3: {  	v8 =	vor.u32 v8, v9;
	_ =	sdelay $0x1  }
0x1d4: {  	v51 =	vsel vm0, $0xFFFFFFFF, v3  }
0x1d5: {  	v9 =	vadd.s32 s28, v51  }
0x1d6: {  	v7 =	vadd.s32 v7, v9  }
0x1d7: {  	v10 =	vshll.u32 v7, $0x7;
	v52 =	vld.idx.msk [tilespmem:v8+s17+$0x0], vm0  }
0x1d8: {  	v11 =	vor.u32 $0x80, v8;
	_ =	sdelay $0x3  }
0x1d9: {  	v12 =	vld [tilespmem:s25+$0x0];
	[tilespmem:v10+s23+$0x0] =	vst.idx.msk vm0, v52  }
0x1da: {  	v53 =	vor.u32 $0x1, v10;
	v9 =	vld.idx.msk [tilespmem:v11+s17+$0x0], vm0  }
0x1db: {  	v13 =	vor.u32 $0x100, v8;
	_ =	sdelay $0x3  }
0x1dc: {  	[tilespmem:v53+s23+$0x0] =	vst.idx.msk vm0, v9  }
0x1dd: {  	v54 =	vor.u32 $0x2, v10;
	v9 =	vld.idx.msk [tilespmem:v13+s17+$0x0], vm0  }
0x1de: {  	v55 =	vor.u32 $0x180, v8;
	_ =	sdelay $0x3  }
0x1df: {  	[tilespmem:v54+s23+$0x0] =	vst.idx.msk vm0, v9  }
0x1e0: {  	v56 =	vor.u32 $0x3, v10;
	v9 =	vld.idx.msk [tilespmem:v55+s17+$0x0], vm0  }
0x1e1: {  	v57 =	vor.u32 $0x200, v8;
	_ =	sdelay $0x3  }
0x1e2: {  	[tilespmem:v56+s23+$0x0] =	vst.idx.msk vm0, v9  }
0x1e3: {  	v58 =	vor.u32 $0x4, v10;
	v9 =	vld.idx.msk [tilespmem:v57+s17+$0x0], vm0  }
0x1e4: {  	v59 =	vor.u32 $0x280, v8;
	_ =	sdelay $0x3  }
0x1e5: {  	[tilespmem:v58+s23+$0x0] =	vst.idx.msk vm0, v9  }
0x1e6: {  	v60 =	vor.u32 $0x5, v10;
	v9 =	vld.idx.msk [tilespmem:v59+s17+$0x0], vm0  }
0x1e7: {  	v61 =	vor.u32 $0x300, v8;
	_ =	sdelay $0x3  }
0x1e8: {  	[tilespmem:v60+s23+$0x0] =	vst.idx.msk vm0, v9  }
0x1e9: {  	v62 =	vor.u32 $0x6, v10;
	v9 =	vld.idx.msk [tilespmem:v61+s17+$0x0], vm0  }
0x1ea: {  	v63 =	vor.u32 $0x380, v8;
	_ =	sdelay $0x3  }
0x1eb: {  	[tilespmem:v62+s23+$0x0] =	vst.idx.msk vm0, v9  }
0x1ec: {  	v16 =	vor.u32 $0x7, v10;
	v9 =	vld.idx.msk [tilespmem:v63+s17+$0x0], vm0  }
0x1ed: {  	v17 =	vadd.s32 $0x2000, v8;
	_ =	sdelay $0x3  }
0x1ee: {  	[tilespmem:v16+s23+$0x0] =	vst.idx.msk vm0, v9  }
0x1ef: {  	v18 =	vor.u32 $0x8, v10;
	v9 =	vld.idx.msk [tilespmem:v17+s17+$0x0], vm0  }
0x1f0: {  	v19 =	vadd.s32 $0x2080, v8;
	_ =	sdelay $0x3  }
0x1f1: {  	[tilespmem:v18+s23+$0x0] =	vst.idx.msk vm0, v9  }
0x1f2: {  	v20 =	vor.u32 $0x9, v10;
	v9 =	vld.idx.msk [tilespmem:v19+s17+$0x0], vm0  }
0x1f3: {  	v21 =	vadd.s32 $0x2100, v8;
	_ =	sdelay $0x3  }
0x1f4: {  	[tilespmem:v20+s23+$0x0] =	vst.idx.msk vm0, v9  }
0x1f5: {  	v22 =	vor.u32 $0xA, v10;
	v9 =	vld.idx.msk [tilespmem:v21+s17+$0x0], vm0  }
0x1f6: {  	v23 =	vadd.s32 $0x2180, v8;
	_ =	sdelay $0x3  }
0x1f7: {  	[tilespmem:v22+s23+$0x0] =	vst.idx.msk vm0, v9  }
0x1f8: {  	v24 =	vor.u32 $0xB, v10;
	v9 =	vld.idx.msk [tilespmem:v23+s17+$0x0], vm0  }
0x1f9: {  	v25 =	vadd.s32 $0x2200, v8;
	_ =	sdelay $0x3  }
0x1fa: {  	[tilespmem:v24+s23+$0x0] =	vst.idx.msk vm0, v9  }
0x1fb: {  	v26 =	vor.u32 $0xC, v10;
	v9 =	vld.idx.msk [tilespmem:v25+s17+$0x0], vm0  }
0x1fc: {  	v27 =	vadd.s32 $0x2280, v8;
	_ =	sdelay $0x3  }
0x1fd: {  	[tilespmem:v26+s23+$0x0] =	vst.idx.msk vm0, v9  }
0x1fe: {  	v28 =	vor.u32 $0xD, v10;
	v9 =	vld.idx.msk [tilespmem:v27+s17+$0x0], vm0  }
0x1ff: {  	v29 =	vadd.s32 $0x2300, v8;
	_ =	sdelay $0x3  }
0x200: {  	[tilespmem:v28+s23+$0x0] =	vst.idx.msk vm0, v9  }
0x201: {  	v30 =	vor.u32 $0xE, v10;
	v9 =	vld.idx.msk [tilespmem:v29+s17+$0x0], vm0  }
0x202: {  	v31 =	vadd.s32 $0x2380, v8;
	_ =	sdelay $0x3  }
0x203: {  	[tilespmem:v30+s23+$0x0] =	vst.idx.msk vm0, v9  }
0x204: {  	v32 =	vor.u32 $0xF, v10;
	v9 =	vld.idx.msk [tilespmem:v31+s17+$0x0], vm0  }
0x205: {  	v33 =	vadd.s32 $0x4000, v8;
	_ =	sdelay $0x3  }
0x206: {  	[tilespmem:v32+s23+$0x0] =	vst.idx.msk vm0, v9  }
0x207: {  	v34 =	vor.u32 $0x10, v10;
	v9 =	vld.idx.msk [tilespmem:v33+s17+$0x0], vm0  }
0x208: {  	v35 =	vadd.s32 $0x4080, v8;
	_ =	sdelay $0x3  }
0x209: {  	[tilespmem:v34+s23+$0x0] =	vst.idx.msk vm0, v9  }
0x20a: {  	v36 =	vor.u32 $0x11, v10;
	v9 =	vld.idx.msk [tilespmem:v35+s17+$0x0], vm0  }
0x20b: {  	v37 =	vadd.s32 $0x4100, v8;
	_ =	sdelay $0x3  }
0x20c: {  	[tilespmem:v36+s23+$0x0] =	vst.idx.msk vm0, v9  }
0x20d: {  	v38 =	vor.u32 $0x12, v10;
	v9 =	vld.idx.msk [tilespmem:v37+s17+$0x0], vm0  }
0x20e: {  	v39 =	vadd.s32 $0x4180, v8;
	_ =	sdelay $0x3  }
0x20f: {  	[tilespmem:v38+s23+$0x0] =	vst.idx.msk vm0, v9  }
0x210: {  	v40 =	vor.u32 $0x13, v10;
	v9 =	vld.idx.msk [tilespmem:v39+s17+$0x0], vm0  }
0x211: {  	v41 =	vadd.s32 $0x4200, v8;
	_ =	sdelay $0x3  }
0x212: {  	[tilespmem:v40+s23+$0x0] =	vst.idx.msk vm0, v9  }
0x213: {  	v42 =	vor.u32 $0x14, v10;
	v9 =	vld.idx.msk [tilespmem:v41+s17+$0x0], vm0  }
0x214: {  	v43 =	vadd.s32 $0x4280, v8;
	_ =	sdelay $0x3  }
0x215: {  	[tilespmem:v42+s23+$0x0] =	vst.idx.msk vm0, v9  }
0x216: {  	v44 =	vor.u32 $0x15, v10;
	v9 =	vld.idx.msk [tilespmem:v43+s17+$0x0], vm0  }
0x217: {  	v45 =	vadd.s32 $0x4300, v8;
	_ =	sdelay $0x3  }
0x218: {  	[tilespmem:v44+s23+$0x0] =	vst.idx.msk vm0, v9  }
0x219: {  	v46 =	vor.u32 $0x16, v10;
	v9 =	vld.idx.msk [tilespmem:v45+s17+$0x0], vm0  }
0x21a: {  	v47 =	vadd.s32 $0x4380, v8;
	_ =	sdelay $0x3  }
0x21b: {  	[tilespmem:v46+s23+$0x0] =	vst.idx.msk vm0, v9  }
0x21c: {  	v48 =	vor.u32 $0x17, v10;
	v9 =	vld.idx.msk [tilespmem:v47+s17+$0x0], vm0  }
0x21d: {  	v49 =	vadd.s32 $0x6000, v8;
	_ =	sdelay $0x3  }
0x21e: {  	[tilespmem:v48+s23+$0x0] =	vst.idx.msk vm0, v9  }
0x21f: {  	v50 =	vor.u32 $0x18, v10;
	v9 =	vld.idx.msk [tilespmem:v49+s17+$0x0], vm0  }
0x220: {  	v51 =	vadd.s32 $0x6080, v8;
	_ =	sdelay $0x3  }
0x221: {  	[tilespmem:v50+s23+$0x0] =	vst.idx.msk vm0, v9  }
0x222: {  	v52 =	vor.u32 $0x19, v10;
	v9 =	vld.idx.msk [tilespmem:v51+s17+$0x0], vm0  }
0x223: {  	v53 =	vadd.s32 $0x6100, v8;
	_ =	sdelay $0x3  }
0x224: {  	[tilespmem:v52+s23+$0x0] =	vst.idx.msk vm0, v9  }
0x225: {  	v54 =	vor.u32 $0x1A, v10;
	v9 =	vld.idx.msk [tilespmem:v53+s17+$0x0], vm0  }
0x226: {  	v55 =	vadd.s32 $0x6180, v8;
	_ =	sdelay $0x3  }
0x227: {  	[tilespmem:v54+s23+$0x0] =	vst.idx.msk vm0, v9  }
0x228: {  	v56 =	vor.u32 $0x1B, v10;
	v9 =	vld.idx.msk [tilespmem:v55+s17+$0x0], vm0  }
0x229: {  	v57 =	vadd.s32 $0x6200, v8;
	_ =	sdelay $0x3  }
0x22a: {  	[tilespmem:v56+s23+$0x0] =	vst.idx.msk vm0, v9  }
0x22b: {  	v58 =	vor.u32 $0x1C, v10;
	v9 =	vld.idx.msk [tilespmem:v57+s17+$0x0], vm0  }
0x22c: {  	v59 =	vadd.s32 $0x6280, v8;
	_ =	sdelay $0x3  }
0x22d: {  	[tilespmem:v58+s23+$0x0] =	vst.idx.msk vm0, v9  }
0x22e: {  	v60 =	vor.u32 $0x1D, v10;
	v9 =	vld.idx.msk [tilespmem:v59+s17+$0x0], vm0  }
0x22f: {  	v61 =	vadd.s32 $0x6300, v8;
	_ =	sdelay $0x3  }
0x230: {  	[tilespmem:v60+s23+$0x0] =	vst.idx.msk vm0, v9  }
0x231: {  	v62 =	vor.u32 $0x1E, v10;
	v9 =	vld.idx.msk [tilespmem:v61+s17+$0x0], vm0  }
0x232: {  	v8 =	vadd.s32 $0x6380, v8;
	_ =	sdelay $0x3  }
0x233: {  	[tilespmem:v62+s23+$0x0] =	vst.idx.msk vm0, v9  }
0x234: {  	v63 =	vor.u32 $0x1F, v10;
	v8 =	vld.idx.msk [tilespmem:v8+s17+$0x0], vm0;
	_ =	sdelay $0x1  }
.Ltmp24:
0x235: {  	_ = 	snop;
	(pc) =	sbr.rel .LBB2_9-.Ltmp24, $3  }
0x236: {  	_ =	sdelay $0x1  }
0x237: {  	[tilespmem:v63+s23+$0x0] =	vst.idx.msk vm0, v8  }
0x238: {  	[tilespmem:v7+s24+$0x0] =	vst.idx.msk vm0, v12  }
.LBB2_10:
.Ltmp25:
0x239: {  	(pc) =	sbr.rel @p1 .LBB2_15-.Ltmp25, $4  }
0x23a: {  	_ =	swait.ge [sflag:s21], $0x8000  }
0x23b: {  	[sflag:s21] =	ssyncset.done $0x0  }
0x23c: {  	s4 =	sadd.s32 s31, s11;
	[sflag:s21] =	ssyncadd.s32 $0xFFFF8000  }
0x23d: {  	[tilespmem:s17], [sflag:$0x1] =	stream.strided.gather [hbm4b:s4+s15], $0x8000, s16, s15, $0x38;
	[tilespmem:$0x19080] =	vst v63  }
.Ltmp26:
0x23e: {  	(pc) =	sbr.rel .LBB2_12-.Ltmp26, $2  }
0x23f: {  	_ =	sdelay $0x2  }
0x240: {  	v6 =	vmov s0;
	s0 =	simm.s32 $0x4000;
	s4 =	simm.s32 $0x4800;
	s25 =	smov.u32 s5  }
.LBB2_14:
0x241: {  	s28 =	sadd.s32 s28, s6  }
0x242: {  	p2 =	slt.s32 s28, $0x70  }
0x243: {  	s6 =	simm.s32 @!p2 $0x80;
	s10 =	simm.s32 @!p2 $0x19000;
	s12 =	simm.s32 @!p2 $0x15000  }
0x244: {  	[hbm4b:s8+s6] =	stream.indirect.scatter @!p2 [tilespmem:s12], [sflag:$0x2], $0x80, s10, s6, $0xb8;
	[tilespmem:$0x19080] =	vst v63  }
0x245: {  	s6 =	simm.s32 @!p2 $0x2  }
0x246: {  	_ =	swait.ge @!p2 [sflag:s6], $0x4000  }
0x247: {  	[sflag:s6] =	ssyncset.done @!p2 $0x0  }
0x248: {  	v7 =	vimm.s32 @!p2 $0x4000;
	[sflag:s6] =	ssyncadd.s32 @!p2 $0xFFFFC000  }
0x249: {  	[tilespmem:$0x19000] =	vst @!p2 v7  }
0x24a: {  	s25 =	sadd.s32 $0xFFFFFFFF, s25;
	[tilespmem:$0x19010] =	vst @!p2 v7  }
0x24b: {  	p3 =	sne.s32 s25, $0x0;
	[tilespmem:$0x19020] =	vst @!p2 v7  }
.Ltmp27:
0x24c: {  	[tilespmem:$0x19030] =	vst @!p2 v7;
	(pc) =	sbr.rel @!p3 .LBB2_15-.Ltmp27, $4  }
0x24d: {  	[tilespmem:$0x19040] =	vst @!p2 v7  }
0x24e: {  	[tilespmem:$0x19050] =	vst @!p2 v7  }
0x24f: {  	[tilespmem:$0x19060] =	vst @!p2 v7  }
0x250: {  	s0 =	sadd.s32 $0x10, s0;
	s4 =	sadd.s32 $0x10, s4;
	s28 =	simm.s32 @!p2 $0x0;
	[tilespmem:$0x19070] =	vst @!p2 v7  }
.LBB2_12:
0x251: {  	v7 =	vld [tilespmem:s0+$0x0];
	_ =	sdelay $0x4  }
0x252: {  	v8 =	vsub.s32 v7, v6  }
0x253: {  	vm0 =	vlt.u32 v8, $0x400  }
0x254: {  	v7 =	vsel vm0, $0x1, v3  }
0x255: {  	(xrf0) =	vadd.scan.msk.s32 $0xffff, v7;
	_ =	sdelay $0x5  }
0x256: {  	v7, _, _ =	vpop (xrf0)  }
0x257: {  	(v2sf) =	vpush v7, $0xF;
	_ =	sdelay $0xe  }
0x258: {  	s6 =	spop (v2sf)  }
0x259: {  	p2 =	slt.s32 s6, $0x1  }
.Ltmp28:
0x25a: {  	_ = 	snop;
	(pc) =	sbr.rel @p2 .LBB2_14-.Ltmp28, $1  }
0x25b: {  	_ =	sdelay $0x3  }
0x25c: {  	v8 =	vnsel vm0, $0x0, v8  }
0x25d: {  	v9 =	vshll.u32 v8, $0x3  }
0x25e: {  	v8 =	vand.u32 $0x7F, v8;
	v9 =	vand.u32 $0xFFFFFC00, v9  }
0x25f: {  	v8 =	vor.u32 v8, v9;
	_ =	sdelay $0x1  }
0x260: {  	v51 =	vsel vm0, $0xFFFFFFFF, v3  }
0x261: {  	v9 =	vadd.s32 s28, v51  }
0x262: {  	v7 =	vadd.s32 v7, v9  }
0x263: {  	v10 =	vshll.u32 v7, $0x7;
	v52 =	vld.idx.msk [tilespmem:v8+s22+$0x0], vm0  }
0x264: {  	v11 =	vor.u32 $0x80, v8;
	_ =	sdelay $0x3  }
0x265: {  	v12 =	vld [tilespmem:s4+$0x0];
	[tilespmem:v10+s23+$0x0] =	vst.idx.msk vm0, v52  }
0x266: {  	v53 =	vor.u32 $0x1, v10;
	v9 =	vld.idx.msk [tilespmem:v11+s22+$0x0], vm0  }
0x267: {  	v13 =	vor.u32 $0x100, v8;
	_ =	sdelay $0x3  }
0x268: {  	[tilespmem:v53+s23+$0x0] =	vst.idx.msk vm0, v9  }
0x269: {  	v54 =	vor.u32 $0x2, v10;
	v9 =	vld.idx.msk [tilespmem:v13+s22+$0x0], vm0  }
0x26a: {  	v55 =	vor.u32 $0x180, v8;
	_ =	sdelay $0x3  }
0x26b: {  	[tilespmem:v54+s23+$0x0] =	vst.idx.msk vm0, v9  }
0x26c: {  	v56 =	vor.u32 $0x3, v10;
	v9 =	vld.idx.msk [tilespmem:v55+s22+$0x0], vm0  }
0x26d: {  	v57 =	vor.u32 $0x200, v8;
	_ =	sdelay $0x3  }
0x26e: {  	[tilespmem:v56+s23+$0x0] =	vst.idx.msk vm0, v9  }
0x26f: {  	v58 =	vor.u32 $0x4, v10;
	v9 =	vld.idx.msk [tilespmem:v57+s22+$0x0], vm0  }
0x270: {  	v59 =	vor.u32 $0x280, v8;
	_ =	sdelay $0x3  }
0x271: {  	[tilespmem:v58+s23+$0x0] =	vst.idx.msk vm0, v9  }
0x272: {  	v60 =	vor.u32 $0x5, v10;
	v9 =	vld.idx.msk [tilespmem:v59+s22+$0x0], vm0  }
0x273: {  	v61 =	vor.u32 $0x300, v8;
	_ =	sdelay $0x3  }
0x274: {  	[tilespmem:v60+s23+$0x0] =	vst.idx.msk vm0, v9  }
0x275: {  	v62 =	vor.u32 $0x6, v10;
	v9 =	vld.idx.msk [tilespmem:v61+s22+$0x0], vm0  }
0x276: {  	v63 =	vor.u32 $0x380, v8;
	_ =	sdelay $0x3  }
0x277: {  	[tilespmem:v62+s23+$0x0] =	vst.idx.msk vm0, v9  }
0x278: {  	v16 =	vor.u32 $0x7, v10;
	v9 =	vld.idx.msk [tilespmem:v63+s22+$0x0], vm0  }
0x279: {  	v17 =	vadd.s32 $0x2000, v8;
	_ =	sdelay $0x3  }
0x27a: {  	[tilespmem:v16+s23+$0x0] =	vst.idx.msk vm0, v9  }
0x27b: {  	v18 =	vor.u32 $0x8, v10;
	v9 =	vld.idx.msk [tilespmem:v17+s22+$0x0], vm0  }
0x27c: {  	v19 =	vadd.s32 $0x2080, v8;
	_ =	sdelay $0x3  }
0x27d: {  	[tilespmem:v18+s23+$0x0] =	vst.idx.msk vm0, v9  }
0x27e: {  	v20 =	vor.u32 $0x9, v10;
	v9 =	vld.idx.msk [tilespmem:v19+s22+$0x0], vm0  }
0x27f: {  	v21 =	vadd.s32 $0x2100, v8;
	_ =	sdelay $0x3  }
0x280: {  	[tilespmem:v20+s23+$0x0] =	vst.idx.msk vm0, v9  }
0x281: {  	v22 =	vor.u32 $0xA, v10;
	v9 =	vld.idx.msk [tilespmem:v21+s22+$0x0], vm0  }
0x282: {  	v23 =	vadd.s32 $0x2180, v8;
	_ =	sdelay $0x3  }
0x283: {  	[tilespmem:v22+s23+$0x0] =	vst.idx.msk vm0, v9  }
0x284: {  	v24 =	vor.u32 $0xB, v10;
	v9 =	vld.idx.msk [tilespmem:v23+s22+$0x0], vm0  }
0x285: {  	v25 =	vadd.s32 $0x2200, v8;
	_ =	sdelay $0x3  }
0x286: {  	[tilespmem:v24+s23+$0x0] =	vst.idx.msk vm0, v9  }
0x287: {  	v26 =	vor.u32 $0xC, v10;
	v9 =	vld.idx.msk [tilespmem:v25+s22+$0x0], vm0  }
0x288: {  	v27 =	vadd.s32 $0x2280, v8;
	_ =	sdelay $0x3  }
0x289: {  	[tilespmem:v26+s23+$0x0] =	vst.idx.msk vm0, v9  }
0x28a: {  	v28 =	vor.u32 $0xD, v10;
	v9 =	vld.idx.msk [tilespmem:v27+s22+$0x0], vm0  }
0x28b: {  	v29 =	vadd.s32 $0x2300, v8;
	_ =	sdelay $0x3  }
0x28c: {  	[tilespmem:v28+s23+$0x0] =	vst.idx.msk vm0, v9  }
0x28d: {  	v30 =	vor.u32 $0xE, v10;
	v9 =	vld.idx.msk [tilespmem:v29+s22+$0x0], vm0  }
0x28e: {  	v31 =	vadd.s32 $0x2380, v8;
	_ =	sdelay $0x3  }
0x28f: {  	[tilespmem:v30+s23+$0x0] =	vst.idx.msk vm0, v9  }
0x290: {  	v32 =	vor.u32 $0xF, v10;
	v9 =	vld.idx.msk [tilespmem:v31+s22+$0x0], vm0  }
0x291: {  	v33 =	vadd.s32 $0x4000, v8;
	_ =	sdelay $0x3  }
0x292: {  	[tilespmem:v32+s23+$0x0] =	vst.idx.msk vm0, v9  }
0x293: {  	v34 =	vor.u32 $0x10, v10;
	v9 =	vld.idx.msk [tilespmem:v33+s22+$0x0], vm0  }
0x294: {  	v35 =	vadd.s32 $0x4080, v8;
	_ =	sdelay $0x3  }
0x295: {  	[tilespmem:v34+s23+$0x0] =	vst.idx.msk vm0, v9  }
0x296: {  	v36 =	vor.u32 $0x11, v10;
	v9 =	vld.idx.msk [tilespmem:v35+s22+$0x0], vm0  }
0x297: {  	v37 =	vadd.s32 $0x4100, v8;
	_ =	sdelay $0x3  }
0x298: {  	[tilespmem:v36+s23+$0x0] =	vst.idx.msk vm0, v9  }
0x299: {  	v38 =	vor.u32 $0x12, v10;
	v9 =	vld.idx.msk [tilespmem:v37+s22+$0x0], vm0  }
0x29a: {  	v39 =	vadd.s32 $0x4180, v8;
	_ =	sdelay $0x3  }
0x29b: {  	[tilespmem:v38+s23+$0x0] =	vst.idx.msk vm0, v9  }
0x29c: {  	v40 =	vor.u32 $0x13, v10;
	v9 =	vld.idx.msk [tilespmem:v39+s22+$0x0], vm0  }
0x29d: {  	v41 =	vadd.s32 $0x4200, v8;
	_ =	sdelay $0x3  }
0x29e: {  	[tilespmem:v40+s23+$0x0] =	vst.idx.msk vm0, v9  }
0x29f: {  	v42 =	vor.u32 $0x14, v10;
	v9 =	vld.idx.msk [tilespmem:v41+s22+$0x0], vm0  }
0x2a0: {  	v43 =	vadd.s32 $0x4280, v8;
	_ =	sdelay $0x3  }
0x2a1: {  	[tilespmem:v42+s23+$0x0] =	vst.idx.msk vm0, v9  }
0x2a2: {  	v44 =	vor.u32 $0x15, v10;
	v9 =	vld.idx.msk [tilespmem:v43+s22+$0x0], vm0  }
0x2a3: {  	v45 =	vadd.s32 $0x4300, v8;
	_ =	sdelay $0x3  }
0x2a4: {  	[tilespmem:v44+s23+$0x0] =	vst.idx.msk vm0, v9  }
0x2a5: {  	v46 =	vor.u32 $0x16, v10;
	v9 =	vld.idx.msk [tilespmem:v45+s22+$0x0], vm0  }
0x2a6: {  	v47 =	vadd.s32 $0x4380, v8;
	_ =	sdelay $0x3  }
0x2a7: {  	[tilespmem:v46+s23+$0x0] =	vst.idx.msk vm0, v9  }
0x2a8: {  	v48 =	vor.u32 $0x17, v10;
	v9 =	vld.idx.msk [tilespmem:v47+s22+$0x0], vm0  }
0x2a9: {  	v49 =	vadd.s32 $0x6000, v8;
	_ =	sdelay $0x3  }
0x2aa: {  	[tilespmem:v48+s23+$0x0] =	vst.idx.msk vm0, v9  }
0x2ab: {  	v50 =	vor.u32 $0x18, v10;
	v9 =	vld.idx.msk [tilespmem:v49+s22+$0x0], vm0  }
0x2ac: {  	v51 =	vadd.s32 $0x6080, v8;
	_ =	sdelay $0x3  }
0x2ad: {  	[tilespmem:v50+s23+$0x0] =	vst.idx.msk vm0, v9  }
0x2ae: {  	v52 =	vor.u32 $0x19, v10;
	v9 =	vld.idx.msk [tilespmem:v51+s22+$0x0], vm0  }
0x2af: {  	v53 =	vadd.s32 $0x6100, v8;
	_ =	sdelay $0x3  }
0x2b0: {  	[tilespmem:v52+s23+$0x0] =	vst.idx.msk vm0, v9  }
0x2b1: {  	v54 =	vor.u32 $0x1A, v10;
	v9 =	vld.idx.msk [tilespmem:v53+s22+$0x0], vm0  }
0x2b2: {  	v55 =	vadd.s32 $0x6180, v8;
	_ =	sdelay $0x3  }
0x2b3: {  	[tilespmem:v54+s23+$0x0] =	vst.idx.msk vm0, v9  }
0x2b4: {  	v56 =	vor.u32 $0x1B, v10;
	v9 =	vld.idx.msk [tilespmem:v55+s22+$0x0], vm0  }
0x2b5: {  	v57 =	vadd.s32 $0x6200, v8;
	_ =	sdelay $0x3  }
0x2b6: {  	[tilespmem:v56+s23+$0x0] =	vst.idx.msk vm0, v9  }
0x2b7: {  	v58 =	vor.u32 $0x1C, v10;
	v9 =	vld.idx.msk [tilespmem:v57+s22+$0x0], vm0  }
0x2b8: {  	v59 =	vadd.s32 $0x6280, v8;
	_ =	sdelay $0x3  }
0x2b9: {  	[tilespmem:v58+s23+$0x0] =	vst.idx.msk vm0, v9  }
0x2ba: {  	v60 =	vor.u32 $0x1D, v10;
	v9 =	vld.idx.msk [tilespmem:v59+s22+$0x0], vm0  }
0x2bb: {  	v61 =	vadd.s32 $0x6300, v8;
	_ =	sdelay $0x3  }
0x2bc: {  	[tilespmem:v60+s23+$0x0] =	vst.idx.msk vm0, v9  }
0x2bd: {  	v62 =	vor.u32 $0x1E, v10;
	v9 =	vld.idx.msk [tilespmem:v61+s22+$0x0], vm0  }
0x2be: {  	v8 =	vadd.s32 $0x6380, v8;
	_ =	sdelay $0x3  }
0x2bf: {  	[tilespmem:v62+s23+$0x0] =	vst.idx.msk vm0, v9  }
0x2c0: {  	v63 =	vor.u32 $0x1F, v10;
	v8 =	vld.idx.msk [tilespmem:v8+s22+$0x0], vm0;
	_ =	sdelay $0x1  }
.Ltmp29:
0x2c1: {  	_ = 	snop;
	(pc) =	sbr.rel .LBB2_14-.Ltmp29, $3  }
0x2c2: {  	_ =	sdelay $0x1  }
0x2c3: {  	[tilespmem:v63+s23+$0x0] =	vst.idx.msk vm0, v8  }
0x2c4: {  	[tilespmem:v7+s24+$0x0] =	vst.idx.msk vm0, v12  }
.LBB2_36:
.Ltmp30:
0x2c5: {  	(pc) =	sbr.rel @p1 .LBB2_41-.Ltmp30, $4  }
0x2c6: {  	_ = 	snop  }
0x2c7: {  	_ =	swait.ge [sflag:s21], $0x8000  }
0x2c8: {  	[sflag:s21] =	ssyncset.done $0x0  }
0x2c9: {  	[sflag:s21] =	ssyncadd.s32 $0xFFFF8000  }
.Ltmp31:
0x2ca: {  	(pc) =	sbr.rel .LBB2_38-.Ltmp31, $2  }
0x2cb: {  	_ =	sdelay $0x2  }
0x2cc: {  	s0 =	simm.s32 $0x4000;
	s4 =	simm.s32 $0x4800  }
.LBB2_40:
0x2cd: {  	s28 =	sadd.s32 s28, s5  }
0x2ce: {  	p1 =	slt.s32 s28, $0x70  }
0x2cf: {  	s5 =	simm.s32 @!p1 $0x80;
	s6 =	simm.s32 @!p1 $0x19000;
	s10 =	simm.s32 @!p1 $0x15000  }
0x2d0: {  	[hbm4b:s9+s5] =	stream.indirect.scatter @!p1 [tilespmem:s10], [sflag:$0x2], $0x80, s6, s5, $0xb8;
	[tilespmem:$0x19080] =	vst v63  }
0x2d1: {  	s5 =	simm.s32 @!p1 $0x2  }
0x2d2: {  	_ =	swait.ge @!p1 [sflag:s5], $0x4000  }
0x2d3: {  	[sflag:s5] =	ssyncset.done @!p1 $0x0  }
0x2d4: {  	v6 =	vimm.s32 @!p1 $0x4000;
	[sflag:s5] =	ssyncadd.s32 @!p1 $0xFFFFC000  }
0x2d5: {  	[tilespmem:$0x19000] =	vst @!p1 v6  }
0x2d6: {  	s29 =	sadd.s32 $0xFFFFFFFF, s29;
	[tilespmem:$0x19010] =	vst @!p1 v6  }
0x2d7: {  	p2 =	sne.s32 s29, $0x0;
	[tilespmem:$0x19020] =	vst @!p1 v6  }
.Ltmp32:
0x2d8: {  	[tilespmem:$0x19030] =	vst @!p1 v6;
	(pc) =	sbr.rel @!p2 .LBB2_41-.Ltmp32, $4  }
0x2d9: {  	[tilespmem:$0x19040] =	vst @!p1 v6  }
0x2da: {  	[tilespmem:$0x19050] =	vst @!p1 v6  }
0x2db: {  	[tilespmem:$0x19060] =	vst @!p1 v6  }
0x2dc: {  	s0 =	sadd.s32 $0x10, s0;
	s4 =	sadd.s32 $0x10, s4;
	s28 =	simm.s32 @!p1 $0x0;
	[tilespmem:$0x19070] =	vst @!p1 v6  }
.LBB2_38:
0x2dd: {  	v6 =	vld [tilespmem:s0+$0x0];
	_ =	sdelay $0x4  }
0x2de: {  	v7 =	vsub.s32 v6, v2  }
0x2df: {  	vm0 =	vlt.u32 v7, $0x400  }
0x2e0: {  	v6 =	vsel vm0, $0x1, v3  }
0x2e1: {  	(xrf0) =	vadd.scan.msk.s32 $0xffff, v6;
	_ =	sdelay $0x5  }
0x2e2: {  	v6, _, _ =	vpop (xrf0)  }
0x2e3: {  	(v2sf) =	vpush v6, $0xF;
	_ =	sdelay $0xe  }
0x2e4: {  	s5 =	spop (v2sf)  }
0x2e5: {  	p1 =	slt.s32 s5, $0x1  }
.Ltmp33:
0x2e6: {  	_ = 	snop;
	(pc) =	sbr.rel @p1 .LBB2_40-.Ltmp33, $1  }
0x2e7: {  	_ =	sdelay $0x3  }
0x2e8: {  	v7 =	vnsel vm0, $0x0, v7  }
0x2e9: {  	v8 =	vshll.u32 v7, $0x3  }
0x2ea: {  	v7 =	vand.u32 $0x7F, v7;
	v8 =	vand.u32 $0xFFFFFC00, v8  }
0x2eb: {  	v7 =	vor.u32 v7, v8;
	_ =	sdelay $0x1  }
0x2ec: {  	v51 =	vsel vm0, $0xFFFFFFFF, v3  }
0x2ed: {  	v8 =	vadd.s32 s28, v51  }
0x2ee: {  	v6 =	vadd.s32 v6, v8  }
0x2ef: {  	v9 =	vshll.u32 v6, $0x7;
	v52 =	vld.idx.msk [tilespmem:v7+s17+$0x0], vm0  }
0x2f0: {  	v10 =	vor.u32 $0x80, v7;
	_ =	sdelay $0x3  }
0x2f1: {  	v11 =	vld [tilespmem:s4+$0x0];
	[tilespmem:v9+s23+$0x0] =	vst.idx.msk vm0, v52  }
0x2f2: {  	v53 =	vor.u32 $0x1, v9;
	v8 =	vld.idx.msk [tilespmem:v10+s17+$0x0], vm0  }
0x2f3: {  	v12 =	vor.u32 $0x100, v7;
	_ =	sdelay $0x3  }
0x2f4: {  	[tilespmem:v53+s23+$0x0] =	vst.idx.msk vm0, v8  }
0x2f5: {  	v54 =	vor.u32 $0x2, v9;
	v8 =	vld.idx.msk [tilespmem:v12+s17+$0x0], vm0  }
0x2f6: {  	v55 =	vor.u32 $0x180, v7;
	_ =	sdelay $0x3  }
0x2f7: {  	[tilespmem:v54+s23+$0x0] =	vst.idx.msk vm0, v8  }
0x2f8: {  	v56 =	vor.u32 $0x3, v9;
	v8 =	vld.idx.msk [tilespmem:v55+s17+$0x0], vm0  }
0x2f9: {  	v57 =	vor.u32 $0x200, v7;
	_ =	sdelay $0x3  }
0x2fa: {  	[tilespmem:v56+s23+$0x0] =	vst.idx.msk vm0, v8  }
0x2fb: {  	v58 =	vor.u32 $0x4, v9;
	v8 =	vld.idx.msk [tilespmem:v57+s17+$0x0], vm0  }
0x2fc: {  	v59 =	vor.u32 $0x280, v7;
	_ =	sdelay $0x3  }
0x2fd: {  	[tilespmem:v58+s23+$0x0] =	vst.idx.msk vm0, v8  }
0x2fe: {  	v60 =	vor.u32 $0x5, v9;
	v8 =	vld.idx.msk [tilespmem:v59+s17+$0x0], vm0  }
0x2ff: {  	v61 =	vor.u32 $0x300, v7;
	_ =	sdelay $0x3  }
0x300: {  	[tilespmem:v60+s23+$0x0] =	vst.idx.msk vm0, v8  }
0x301: {  	v62 =	vor.u32 $0x6, v9;
	v8 =	vld.idx.msk [tilespmem:v61+s17+$0x0], vm0  }
0x302: {  	v63 =	vor.u32 $0x380, v7;
	_ =	sdelay $0x3  }
0x303: {  	[tilespmem:v62+s23+$0x0] =	vst.idx.msk vm0, v8  }
0x304: {  	v16 =	vor.u32 $0x7, v9;
	v8 =	vld.idx.msk [tilespmem:v63+s17+$0x0], vm0  }
0x305: {  	v17 =	vadd.s32 $0x2000, v7;
	_ =	sdelay $0x3  }
0x306: {  	[tilespmem:v16+s23+$0x0] =	vst.idx.msk vm0, v8  }
0x307: {  	v18 =	vor.u32 $0x8, v9;
	v8 =	vld.idx.msk [tilespmem:v17+s17+$0x0], vm0  }
0x308: {  	v19 =	vadd.s32 $0x2080, v7;
	_ =	sdelay $0x3  }
0x309: {  	[tilespmem:v18+s23+$0x0] =	vst.idx.msk vm0, v8  }
0x30a: {  	v20 =	vor.u32 $0x9, v9;
	v8 =	vld.idx.msk [tilespmem:v19+s17+$0x0], vm0  }
0x30b: {  	v21 =	vadd.s32 $0x2100, v7;
	_ =	sdelay $0x3  }
0x30c: {  	[tilespmem:v20+s23+$0x0] =	vst.idx.msk vm0, v8  }
0x30d: {  	v22 =	vor.u32 $0xA, v9;
	v8 =	vld.idx.msk [tilespmem:v21+s17+$0x0], vm0  }
0x30e: {  	v23 =	vadd.s32 $0x2180, v7;
	_ =	sdelay $0x3  }
0x30f: {  	[tilespmem:v22+s23+$0x0] =	vst.idx.msk vm0, v8  }
0x310: {  	v24 =	vor.u32 $0xB, v9;
	v8 =	vld.idx.msk [tilespmem:v23+s17+$0x0], vm0  }
0x311: {  	v25 =	vadd.s32 $0x2200, v7;
	_ =	sdelay $0x3  }
0x312: {  	[tilespmem:v24+s23+$0x0] =	vst.idx.msk vm0, v8  }
0x313: {  	v26 =	vor.u32 $0xC, v9;
	v8 =	vld.idx.msk [tilespmem:v25+s17+$0x0], vm0  }
0x314: {  	v27 =	vadd.s32 $0x2280, v7;
	_ =	sdelay $0x3  }
0x315: {  	[tilespmem:v26+s23+$0x0] =	vst.idx.msk vm0, v8  }
0x316: {  	v28 =	vor.u32 $0xD, v9;
	v8 =	vld.idx.msk [tilespmem:v27+s17+$0x0], vm0  }
0x317: {  	v29 =	vadd.s32 $0x2300, v7;
	_ =	sdelay $0x3  }
0x318: {  	[tilespmem:v28+s23+$0x0] =	vst.idx.msk vm0, v8  }
0x319: {  	v30 =	vor.u32 $0xE, v9;
	v8 =	vld.idx.msk [tilespmem:v29+s17+$0x0], vm0  }
0x31a: {  	v31 =	vadd.s32 $0x2380, v7;
	_ =	sdelay $0x3  }
0x31b: {  	[tilespmem:v30+s23+$0x0] =	vst.idx.msk vm0, v8  }
0x31c: {  	v32 =	vor.u32 $0xF, v9;
	v8 =	vld.idx.msk [tilespmem:v31+s17+$0x0], vm0  }
0x31d: {  	v33 =	vadd.s32 $0x4000, v7;
	_ =	sdelay $0x3  }
0x31e: {  	[tilespmem:v32+s23+$0x0] =	vst.idx.msk vm0, v8  }
0x31f: {  	v34 =	vor.u32 $0x10, v9;
	v8 =	vld.idx.msk [tilespmem:v33+s17+$0x0], vm0  }
0x320: {  	v35 =	vadd.s32 $0x4080, v7;
	_ =	sdelay $0x3  }
0x321: {  	[tilespmem:v34+s23+$0x0] =	vst.idx.msk vm0, v8  }
0x322: {  	v36 =	vor.u32 $0x11, v9;
	v8 =	vld.idx.msk [tilespmem:v35+s17+$0x0], vm0  }
0x323: {  	v37 =	vadd.s32 $0x4100, v7;
	_ =	sdelay $0x3  }
0x324: {  	[tilespmem:v36+s23+$0x0] =	vst.idx.msk vm0, v8  }
0x325: {  	v38 =	vor.u32 $0x12, v9;
	v8 =	vld.idx.msk [tilespmem:v37+s17+$0x0], vm0  }
0x326: {  	v39 =	vadd.s32 $0x4180, v7;
	_ =	sdelay $0x3  }
0x327: {  	[tilespmem:v38+s23+$0x0] =	vst.idx.msk vm0, v8  }
0x328: {  	v40 =	vor.u32 $0x13, v9;
	v8 =	vld.idx.msk [tilespmem:v39+s17+$0x0], vm0  }
0x329: {  	v41 =	vadd.s32 $0x4200, v7;
	_ =	sdelay $0x3  }
0x32a: {  	[tilespmem:v40+s23+$0x0] =	vst.idx.msk vm0, v8  }
0x32b: {  	v42 =	vor.u32 $0x14, v9;
	v8 =	vld.idx.msk [tilespmem:v41+s17+$0x0], vm0  }
0x32c: {  	v43 =	vadd.s32 $0x4280, v7;
	_ =	sdelay $0x3  }
0x32d: {  	[tilespmem:v42+s23+$0x0] =	vst.idx.msk vm0, v8  }
0x32e: {  	v44 =	vor.u32 $0x15, v9;
	v8 =	vld.idx.msk [tilespmem:v43+s17+$0x0], vm0  }
0x32f: {  	v45 =	vadd.s32 $0x4300, v7;
	_ =	sdelay $0x3  }
0x330: {  	[tilespmem:v44+s23+$0x0] =	vst.idx.msk vm0, v8  }
0x331: {  	v46 =	vor.u32 $0x16, v9;
	v8 =	vld.idx.msk [tilespmem:v45+s17+$0x0], vm0  }
0x332: {  	v47 =	vadd.s32 $0x4380, v7;
	_ =	sdelay $0x3  }
0x333: {  	[tilespmem:v46+s23+$0x0] =	vst.idx.msk vm0, v8  }
0x334: {  	v48 =	vor.u32 $0x17, v9;
	v8 =	vld.idx.msk [tilespmem:v47+s17+$0x0], vm0  }
0x335: {  	v49 =	vadd.s32 $0x6000, v7;
	_ =	sdelay $0x3  }
0x336: {  	[tilespmem:v48+s23+$0x0] =	vst.idx.msk vm0, v8  }
0x337: {  	v50 =	vor.u32 $0x18, v9;
	v8 =	vld.idx.msk [tilespmem:v49+s17+$0x0], vm0  }
0x338: {  	v51 =	vadd.s32 $0x6080, v7;
	_ =	sdelay $0x3  }
0x339: {  	[tilespmem:v50+s23+$0x0] =	vst.idx.msk vm0, v8  }
0x33a: {  	v52 =	vor.u32 $0x19, v9;
	v8 =	vld.idx.msk [tilespmem:v51+s17+$0x0], vm0  }
0x33b: {  	v53 =	vadd.s32 $0x6100, v7;
	_ =	sdelay $0x3  }
0x33c: {  	[tilespmem:v52+s23+$0x0] =	vst.idx.msk vm0, v8  }
0x33d: {  	v54 =	vor.u32 $0x1A, v9;
	v8 =	vld.idx.msk [tilespmem:v53+s17+$0x0], vm0  }
0x33e: {  	v55 =	vadd.s32 $0x6180, v7;
	_ =	sdelay $0x3  }
0x33f: {  	[tilespmem:v54+s23+$0x0] =	vst.idx.msk vm0, v8  }
0x340: {  	v56 =	vor.u32 $0x1B, v9;
	v8 =	vld.idx.msk [tilespmem:v55+s17+$0x0], vm0  }
0x341: {  	v57 =	vadd.s32 $0x6200, v7;
	_ =	sdelay $0x3  }
0x342: {  	[tilespmem:v56+s23+$0x0] =	vst.idx.msk vm0, v8  }
0x343: {  	v58 =	vor.u32 $0x1C, v9;
	v8 =	vld.idx.msk [tilespmem:v57+s17+$0x0], vm0  }
0x344: {  	v59 =	vadd.s32 $0x6280, v7;
	_ =	sdelay $0x3  }
0x345: {  	[tilespmem:v58+s23+$0x0] =	vst.idx.msk vm0, v8  }
0x346: {  	v60 =	vor.u32 $0x1D, v9;
	v8 =	vld.idx.msk [tilespmem:v59+s17+$0x0], vm0  }
0x347: {  	v61 =	vadd.s32 $0x6300, v7;
	_ =	sdelay $0x3  }
0x348: {  	[tilespmem:v60+s23+$0x0] =	vst.idx.msk vm0, v8  }
0x349: {  	v62 =	vor.u32 $0x1E, v9;
	v8 =	vld.idx.msk [tilespmem:v61+s17+$0x0], vm0  }
0x34a: {  	v7 =	vadd.s32 $0x6380, v7;
	_ =	sdelay $0x3  }
0x34b: {  	[tilespmem:v62+s23+$0x0] =	vst.idx.msk vm0, v8  }
0x34c: {  	v63 =	vor.u32 $0x1F, v9;
	v7 =	vld.idx.msk [tilespmem:v7+s17+$0x0], vm0;
	_ =	sdelay $0x1  }
.Ltmp34:
0x34d: {  	_ = 	snop;
	(pc) =	sbr.rel .LBB2_40-.Ltmp34, $3  }
0x34e: {  	_ =	sdelay $0x1  }
0x34f: {  	[tilespmem:v63+s23+$0x0] =	vst.idx.msk vm0, v7  }
0x350: {  	[tilespmem:v6+s24+$0x0] =	vst.idx.msk vm0, v11  }
.LBB2_16:
.Ltmp35:
0x351: {  	(pc) =	sbr.rel @p1 .LBB2_21-.Ltmp35, $4  }
0x352: {  	_ = 	snop  }
0x353: {  	_ =	swait.ge [sflag:s21], $0x8000  }
0x354: {  	[sflag:s21] =	ssyncset.done $0x0  }
0x355: {  	[sflag:s21] =	ssyncadd.s32 $0xFFFF8000  }
.Ltmp36:
0x356: {  	(pc) =	sbr.rel .LBB2_18-.Ltmp36, $2  }
0x357: {  	_ =	sdelay $0x2  }
0x358: {  	s0 =	simm.s32 $0x4000;
	s4 =	simm.s32 $0x4800  }
.LBB2_20:
0x359: {  	s28 =	sadd.s32 s28, s6  }
0x35a: {  	p1 =	slt.s32 s28, $0x70  }
0x35b: {  	s6 =	simm.s32 @!p1 $0x80;
	s10 =	simm.s32 @!p1 $0x19000;
	s12 =	simm.s32 @!p1 $0x15000  }
0x35c: {  	[hbm4b:s8+s6] =	stream.indirect.scatter @!p1 [tilespmem:s12], [sflag:$0x2], $0x80, s10, s6, $0xb8;
	[tilespmem:$0x19080] =	vst v63  }
0x35d: {  	s6 =	simm.s32 @!p1 $0x2  }
0x35e: {  	_ =	swait.ge @!p1 [sflag:s6], $0x4000  }
0x35f: {  	[sflag:s6] =	ssyncset.done @!p1 $0x0  }
0x360: {  	v6 =	vimm.s32 @!p1 $0x4000;
	[sflag:s6] =	ssyncadd.s32 @!p1 $0xFFFFC000  }
0x361: {  	[tilespmem:$0x19000] =	vst @!p1 v6  }
0x362: {  	s5 =	sadd.s32 $0xFFFFFFFF, s5;
	[tilespmem:$0x19010] =	vst @!p1 v6  }
0x363: {  	p2 =	sne.s32 s5, $0x0;
	[tilespmem:$0x19020] =	vst @!p1 v6  }
.Ltmp37:
0x364: {  	[tilespmem:$0x19030] =	vst @!p1 v6;
	(pc) =	sbr.rel @!p2 .LBB2_21-.Ltmp37, $4  }
0x365: {  	[tilespmem:$0x19040] =	vst @!p1 v6  }
0x366: {  	[tilespmem:$0x19050] =	vst @!p1 v6  }
0x367: {  	[tilespmem:$0x19060] =	vst @!p1 v6  }
0x368: {  	s0 =	sadd.s32 $0x10, s0;
	s4 =	sadd.s32 $0x10, s4;
	s28 =	simm.s32 @!p1 $0x0;
	[tilespmem:$0x19070] =	vst @!p1 v6  }
.LBB2_18:
0x369: {  	v6 =	vld [tilespmem:s0+$0x0];
	_ =	sdelay $0x4  }
0x36a: {  	v7 =	vsub.s32 v6, v2  }
0x36b: {  	vm0 =	vlt.u32 v7, $0x400  }
0x36c: {  	v6 =	vsel vm0, $0x1, v3  }
0x36d: {  	(xrf0) =	vadd.scan.msk.s32 $0xffff, v6;
	_ =	sdelay $0x5  }
0x36e: {  	v6, _, _ =	vpop (xrf0)  }
0x36f: {  	(v2sf) =	vpush v6, $0xF;
	_ =	sdelay $0xe  }
0x370: {  	s6 =	spop (v2sf)  }
0x371: {  	p1 =	slt.s32 s6, $0x1  }
.Ltmp38:
0x372: {  	_ = 	snop;
	(pc) =	sbr.rel @p1 .LBB2_20-.Ltmp38, $1  }
0x373: {  	_ =	sdelay $0x3  }
0x374: {  	v7 =	vnsel vm0, $0x0, v7  }
0x375: {  	v8 =	vshll.u32 v7, $0x3  }
0x376: {  	v7 =	vand.u32 $0x7F, v7;
	v8 =	vand.u32 $0xFFFFFC00, v8  }
0x377: {  	v7 =	vor.u32 v7, v8;
	_ =	sdelay $0x1  }
0x378: {  	v51 =	vsel vm0, $0xFFFFFFFF, v3  }
0x379: {  	v8 =	vadd.s32 s28, v51  }
0x37a: {  	v6 =	vadd.s32 v6, v8  }
0x37b: {  	v9 =	vshll.u32 v6, $0x7;
	v52 =	vld.idx.msk [tilespmem:v7+s17+$0x0], vm0  }
0x37c: {  	v10 =	vor.u32 $0x80, v7;
	_ =	sdelay $0x3  }
0x37d: {  	v11 =	vld [tilespmem:s4+$0x0];
	[tilespmem:v9+s23+$0x0] =	vst.idx.msk vm0, v52  }
0x37e: {  	v53 =	vor.u32 $0x1, v9;
	v8 =	vld.idx.msk [tilespmem:v10+s17+$0x0], vm0  }
0x37f: {  	v12 =	vor.u32 $0x100, v7;
	_ =	sdelay $0x3  }
0x380: {  	[tilespmem:v53+s23+$0x0] =	vst.idx.msk vm0, v8  }
0x381: {  	v54 =	vor.u32 $0x2, v9;
	v8 =	vld.idx.msk [tilespmem:v12+s17+$0x0], vm0  }
0x382: {  	v55 =	vor.u32 $0x180, v7;
	_ =	sdelay $0x3  }
0x383: {  	[tilespmem:v54+s23+$0x0] =	vst.idx.msk vm0, v8  }
0x384: {  	v56 =	vor.u32 $0x3, v9;
	v8 =	vld.idx.msk [tilespmem:v55+s17+$0x0], vm0  }
0x385: {  	v57 =	vor.u32 $0x200, v7;
	_ =	sdelay $0x3  }
0x386: {  	[tilespmem:v56+s23+$0x0] =	vst.idx.msk vm0, v8  }
0x387: {  	v58 =	vor.u32 $0x4, v9;
	v8 =	vld.idx.msk [tilespmem:v57+s17+$0x0], vm0  }
0x388: {  	v59 =	vor.u32 $0x280, v7;
	_ =	sdelay $0x3  }
0x389: {  	[tilespmem:v58+s23+$0x0] =	vst.idx.msk vm0, v8  }
0x38a: {  	v60 =	vor.u32 $0x5, v9;
	v8 =	vld.idx.msk [tilespmem:v59+s17+$0x0], vm0  }
0x38b: {  	v61 =	vor.u32 $0x300, v7;
	_ =	sdelay $0x3  }
0x38c: {  	[tilespmem:v60+s23+$0x0] =	vst.idx.msk vm0, v8  }
0x38d: {  	v62 =	vor.u32 $0x6, v9;
	v8 =	vld.idx.msk [tilespmem:v61+s17+$0x0], vm0  }
0x38e: {  	v63 =	vor.u32 $0x380, v7;
	_ =	sdelay $0x3  }
0x38f: {  	[tilespmem:v62+s23+$0x0] =	vst.idx.msk vm0, v8  }
0x390: {  	v16 =	vor.u32 $0x7, v9;
	v8 =	vld.idx.msk [tilespmem:v63+s17+$0x0], vm0  }
0x391: {  	v17 =	vadd.s32 $0x2000, v7;
	_ =	sdelay $0x3  }
0x392: {  	[tilespmem:v16+s23+$0x0] =	vst.idx.msk vm0, v8  }
0x393: {  	v18 =	vor.u32 $0x8, v9;
	v8 =	vld.idx.msk [tilespmem:v17+s17+$0x0], vm0  }
0x394: {  	v19 =	vadd.s32 $0x2080, v7;
	_ =	sdelay $0x3  }
0x395: {  	[tilespmem:v18+s23+$0x0] =	vst.idx.msk vm0, v8  }
0x396: {  	v20 =	vor.u32 $0x9, v9;
	v8 =	vld.idx.msk [tilespmem:v19+s17+$0x0], vm0  }
0x397: {  	v21 =	vadd.s32 $0x2100, v7;
	_ =	sdelay $0x3  }
0x398: {  	[tilespmem:v20+s23+$0x0] =	vst.idx.msk vm0, v8  }
0x399: {  	v22 =	vor.u32 $0xA, v9;
	v8 =	vld.idx.msk [tilespmem:v21+s17+$0x0], vm0  }
0x39a: {  	v23 =	vadd.s32 $0x2180, v7;
	_ =	sdelay $0x3  }
0x39b: {  	[tilespmem:v22+s23+$0x0] =	vst.idx.msk vm0, v8  }
0x39c: {  	v24 =	vor.u32 $0xB, v9;
	v8 =	vld.idx.msk [tilespmem:v23+s17+$0x0], vm0  }
0x39d: {  	v25 =	vadd.s32 $0x2200, v7;
	_ =	sdelay $0x3  }
0x39e: {  	[tilespmem:v24+s23+$0x0] =	vst.idx.msk vm0, v8  }
0x39f: {  	v26 =	vor.u32 $0xC, v9;
	v8 =	vld.idx.msk [tilespmem:v25+s17+$0x0], vm0  }
0x3a0: {  	v27 =	vadd.s32 $0x2280, v7;
	_ =	sdelay $0x3  }
0x3a1: {  	[tilespmem:v26+s23+$0x0] =	vst.idx.msk vm0, v8  }
0x3a2: {  	v28 =	vor.u32 $0xD, v9;
	v8 =	vld.idx.msk [tilespmem:v27+s17+$0x0], vm0  }
0x3a3: {  	v29 =	vadd.s32 $0x2300, v7;
	_ =	sdelay $0x3  }
0x3a4: {  	[tilespmem:v28+s23+$0x0] =	vst.idx.msk vm0, v8  }
0x3a5: {  	v30 =	vor.u32 $0xE, v9;
	v8 =	vld.idx.msk [tilespmem:v29+s17+$0x0], vm0  }
0x3a6: {  	v31 =	vadd.s32 $0x2380, v7;
	_ =	sdelay $0x3  }
0x3a7: {  	[tilespmem:v30+s23+$0x0] =	vst.idx.msk vm0, v8  }
0x3a8: {  	v32 =	vor.u32 $0xF, v9;
	v8 =	vld.idx.msk [tilespmem:v31+s17+$0x0], vm0  }
0x3a9: {  	v33 =	vadd.s32 $0x4000, v7;
	_ =	sdelay $0x3  }
0x3aa: {  	[tilespmem:v32+s23+$0x0] =	vst.idx.msk vm0, v8  }
0x3ab: {  	v34 =	vor.u32 $0x10, v9;
	v8 =	vld.idx.msk [tilespmem:v33+s17+$0x0], vm0  }
0x3ac: {  	v35 =	vadd.s32 $0x4080, v7;
	_ =	sdelay $0x3  }
0x3ad: {  	[tilespmem:v34+s23+$0x0] =	vst.idx.msk vm0, v8  }
0x3ae: {  	v36 =	vor.u32 $0x11, v9;
	v8 =	vld.idx.msk [tilespmem:v35+s17+$0x0], vm0  }
0x3af: {  	v37 =	vadd.s32 $0x4100, v7;
	_ =	sdelay $0x3  }
0x3b0: {  	[tilespmem:v36+s23+$0x0] =	vst.idx.msk vm0, v8  }
0x3b1: {  	v38 =	vor.u32 $0x12, v9;
	v8 =	vld.idx.msk [tilespmem:v37+s17+$0x0], vm0  }
0x3b2: {  	v39 =	vadd.s32 $0x4180, v7;
	_ =	sdelay $0x3  }
0x3b3: {  	[tilespmem:v38+s23+$0x0] =	vst.idx.msk vm0, v8  }
0x3b4: {  	v40 =	vor.u32 $0x13, v9;
	v8 =	vld.idx.msk [tilespmem:v39+s17+$0x0], vm0  }
0x3b5: {  	v41 =	vadd.s32 $0x4200, v7;
	_ =	sdelay $0x3  }
0x3b6: {  	[tilespmem:v40+s23+$0x0] =	vst.idx.msk vm0, v8  }
0x3b7: {  	v42 =	vor.u32 $0x14, v9;
	v8 =	vld.idx.msk [tilespmem:v41+s17+$0x0], vm0  }
0x3b8: {  	v43 =	vadd.s32 $0x4280, v7;
	_ =	sdelay $0x3  }
0x3b9: {  	[tilespmem:v42+s23+$0x0] =	vst.idx.msk vm0, v8  }
0x3ba: {  	v44 =	vor.u32 $0x15, v9;
	v8 =	vld.idx.msk [tilespmem:v43+s17+$0x0], vm0  }
0x3bb: {  	v45 =	vadd.s32 $0x4300, v7;
	_ =	sdelay $0x3  }
0x3bc: {  	[tilespmem:v44+s23+$0x0] =	vst.idx.msk vm0, v8  }
0x3bd: {  	v46 =	vor.u32 $0x16, v9;
	v8 =	vld.idx.msk [tilespmem:v45+s17+$0x0], vm0  }
0x3be: {  	v47 =	vadd.s32 $0x4380, v7;
	_ =	sdelay $0x3  }
0x3bf: {  	[tilespmem:v46+s23+$0x0] =	vst.idx.msk vm0, v8  }
0x3c0: {  	v48 =	vor.u32 $0x17, v9;
	v8 =	vld.idx.msk [tilespmem:v47+s17+$0x0], vm0  }
0x3c1: {  	v49 =	vadd.s32 $0x6000, v7;
	_ =	sdelay $0x3  }
0x3c2: {  	[tilespmem:v48+s23+$0x0] =	vst.idx.msk vm0, v8  }
0x3c3: {  	v50 =	vor.u32 $0x18, v9;
	v8 =	vld.idx.msk [tilespmem:v49+s17+$0x0], vm0  }
0x3c4: {  	v51 =	vadd.s32 $0x6080, v7;
	_ =	sdelay $0x3  }
0x3c5: {  	[tilespmem:v50+s23+$0x0] =	vst.idx.msk vm0, v8  }
0x3c6: {  	v52 =	vor.u32 $0x19, v9;
	v8 =	vld.idx.msk [tilespmem:v51+s17+$0x0], vm0  }
0x3c7: {  	v53 =	vadd.s32 $0x6100, v7;
	_ =	sdelay $0x3  }
0x3c8: {  	[tilespmem:v52+s23+$0x0] =	vst.idx.msk vm0, v8  }
0x3c9: {  	v54 =	vor.u32 $0x1A, v9;
	v8 =	vld.idx.msk [tilespmem:v53+s17+$0x0], vm0  }
0x3ca: {  	v55 =	vadd.s32 $0x6180, v7;
	_ =	sdelay $0x3  }
0x3cb: {  	[tilespmem:v54+s23+$0x0] =	vst.idx.msk vm0, v8  }
0x3cc: {  	v56 =	vor.u32 $0x1B, v9;
	v8 =	vld.idx.msk [tilespmem:v55+s17+$0x0], vm0  }
0x3cd: {  	v57 =	vadd.s32 $0x6200, v7;
	_ =	sdelay $0x3  }
0x3ce: {  	[tilespmem:v56+s23+$0x0] =	vst.idx.msk vm0, v8  }
0x3cf: {  	v58 =	vor.u32 $0x1C, v9;
	v8 =	vld.idx.msk [tilespmem:v57+s17+$0x0], vm0  }
0x3d0: {  	v59 =	vadd.s32 $0x6280, v7;
	_ =	sdelay $0x3  }
0x3d1: {  	[tilespmem:v58+s23+$0x0] =	vst.idx.msk vm0, v8  }
0x3d2: {  	v60 =	vor.u32 $0x1D, v9;
	v8 =	vld.idx.msk [tilespmem:v59+s17+$0x0], vm0  }
0x3d3: {  	v61 =	vadd.s32 $0x6300, v7;
	_ =	sdelay $0x3  }
0x3d4: {  	[tilespmem:v60+s23+$0x0] =	vst.idx.msk vm0, v8  }
0x3d5: {  	v62 =	vor.u32 $0x1E, v9;
	v8 =	vld.idx.msk [tilespmem:v61+s17+$0x0], vm0  }
0x3d6: {  	v7 =	vadd.s32 $0x6380, v7;
	_ =	sdelay $0x3  }
0x3d7: {  	[tilespmem:v62+s23+$0x0] =	vst.idx.msk vm0, v8  }
0x3d8: {  	v63 =	vor.u32 $0x1F, v9;
	v7 =	vld.idx.msk [tilespmem:v7+s17+$0x0], vm0;
	_ =	sdelay $0x1  }
.Ltmp39:
0x3d9: {  	_ = 	snop;
	(pc) =	sbr.rel .LBB2_20-.Ltmp39, $3  }
0x3da: {  	_ =	sdelay $0x1  }
0x3db: {  	[tilespmem:v63+s23+$0x0] =	vst.idx.msk vm0, v7  }
0x3dc: {  	[tilespmem:v6+s24+$0x0] =	vst.idx.msk vm0, v11  }
.LBB2_21:
0x3dd: {  	p1 =	sgt.s32 s28, $0x0  }
.Ltmp40:
0x3de: {  	_ = 	snop;
	(pc) =	sbr.rel @p1 .LBB2_42-.Ltmp40, $4  }
.Ltmp41:
0x3df: {  	_ = 	snop;
	(pc) =	sbr.rel @!p1 .LBB2_43-.Ltmp41, $4  }
0x3e0: {  	_ = 	snop  }
0x3e1: {  	_ = 	snop  }
0x3e2: {  	s0 =	smov.u32 s8  }
0x3e3: {  	_ = 	snop  }
.LBB2_44:
0x3e4: {  	_ =	sfence.sel $0x180000  }
0x3e5: {  	[bflag:$0x0] =	sbarrier.arrive $0xFFFF  }
0x3e6: {  	_ =	strace $0x90000047  }
0x3e7: {  	s0 =	stileid.u32;
	[bflag:$0x2] =	sbarrier.arrive $0xFFFF  }
0x3e8: {  	p0 =	sne.s32 s0, $0x0;
	s0 =	rddreg [dreg:$0x3]  }
0x3e9: {  	s0 =	sadd.s32 @!p0 $0x100000, s0  }
0x3ea: {  	[sflag:s0] =	ssyncadd.tile.s32 @!p0 $0x1;
	_ =	shalt  }
.Lfunc_end2:
_tile_overlayer_lowered:
.L_overlay_start_2:
0x3eb: {  	(tag) =	ssettag $0x2  }
0x3ec: {  	s0 =	rddreg [dreg:$0x0];
	s2 =	stileid.u32  }
0x3ed: {  	s1 =	rddreg [dreg:$0x1];
	p0 =	sne.s32 s2, $0x0  }
0x3ee: {  	s3 =	rddreg [dreg:$0x2];
	[bflag:$0x3] =	sbarrier.arrive $0xFFFF;
	s2 =	simm.s32 @!p0 $0x1C03  }
0x3ef: {  	[timem:s3], [sflag:s2] =	dma.local @!p0 [hbm:s0], s1  }
0x3f0: {  	s0 =	simm.s32 @!p0 $0x3  }
0x3f1: {  	_ =	swait.ge @!p0 [sflag:s0], s1  }
0x3f2: {  	s1 =	ssub.s32 @!p0 $0x0, s1;
	[sflag:s0] =	ssyncset.done @!p0 $0x0  }
0x3f3: {  	[sflag:s0] =	ssyncadd.s32 @!p0 s1  }
0x3f4: {  	[bflag:$0x3] =	sbarrier.arrive $0xFFFF  }
0x3f5: {  	_ =	shalt  }

</sc_bundles>
